<compile_context>
chip_gen: v7x
topology: tpu7x:2x2x1
jax: 0.10.2.dev20260603
libtpu: 0.0.44.dev20260713+nightly
codegen_flags: <defaults>
</compile_context>

<pallas_src>
import functools

import jax
import jax.numpy as jnp
import numpy as np
from jax import lax
from jax.experimental import pallas as pl
from jax.experimental.pallas import tpu as pltpu
from jax.experimental.pallas import tpu_sc as plsc

N_NODES = 50000
E_TOT = 800000
DIM = 64
H = 4
DH = 16
W = 128

NC = 2
NS = 16
NW = NC * NS
CH = 128

E_PAD = 196 * NW * CH
EW_G = E_PAD // NW
NCH_G = EW_G // CH
EW_S = E_PAD // NS

QN = N_NODES // 4
QR = 12544
ROWS_PT = QR // NS
DUMMY = QN
NR2 = 4 * QR
WS = 128
CHS = 64
NCHS = EW_S // CHS

EB = 1024
NBLK = 1000
_f32 = jnp.float32



def _tc_call(body, grid, in_specs, out_shapes, out_specs):
    return pl.pallas_call(
        body, grid=grid, in_specs=in_specs,
        out_shape=out_shapes, out_specs=out_specs)


def _full(shape):
    return pl.BlockSpec(shape, lambda i: (0, 0))


def _rows(shape):
    return pl.BlockSpec(shape, lambda i: (i, 0))


def _k_prologue(ipe_ref, qry_ref, w1, b1, w2, b2,
                wq, bq, wk, bk, wv, bv, kv_o, qq_o):
    h = jnp.maximum(jnp.dot(ipe_ref[...], w1[...],
                            preferred_element_type=_f32) + b1[...], 0.0)
    npos = jnp.dot(h, w2[...], preferred_element_type=_f32) + b2[...]
    x = qry_ref[...] + npos
    q = jnp.dot(x, wq[...], preferred_element_type=_f32) + bq[...]
    k = jnp.dot(x, wk[...], preferred_element_type=_f32) + bk[...]
    v = jnp.dot(x, wv[...], preferred_element_type=_f32) + bv[...]
    kv_o[...] = jnp.concatenate([k, v], axis=1)
    qq_o[...] = jnp.concatenate([q, jnp.zeros_like(q)], axis=1)


def _signed_sqrt(s):
    sp = jnp.maximum(jnp.maximum(s, 0.0), 1e-8)
    sn = jnp.maximum(jnp.maximum(-s, 0.0), 1e-8)
    return jnp.sqrt(sp) - jnp.sqrt(sn)


def _edge_core(kvs_ref, qdp_ref, ew, eb, awf, selrep, selpad):
    kvs = kvs_ref[...]
    qdp = qdp_ref[...]
    ks = kvs[:, :DIM]
    vs = kvs[:, DIM:]
    qd = qdp[:, :DIM]
    score = _signed_sqrt((ks + qd) * ew) + eb
    score = jnp.maximum(score, 0.0)
    att = jnp.dot(score, awf[...], preferred_element_type=_f32)
    att = jnp.exp(jnp.clip(att, -5.0, 5.0))
    msg = vs * jnp.dot(att, selrep[...], preferred_element_type=_f32)
    attpad = jnp.dot(att, selpad[...], preferred_element_type=_f32)
    return score, jnp.concatenate([msg, attpad], axis=1)


def _k_edge_compute_e(ipe_ref, kvs_ref, qdp_ref, w1, b1, w2, b2,
                      wew, bew, web, beb, awf, selrep, selpad,
                      eo_o, ma_o):
    h = jnp.maximum(jnp.dot(ipe_ref[...], w1[...],
                            preferred_element_type=_f32) + b1[...], 0.0)
    e = jnp.dot(h, w2[...], preferred_element_type=_f32) + b2[...]
    ew = jnp.dot(e, wew[...], preferred_element_type=_f32) + bew[...]
    eb = jnp.dot(e, web[...], preferred_element_type=_f32) + beb[...]
    score, ma = _edge_core(kvs_ref, qdp_ref, ew, eb, awf, selrep, selpad)
    eo_o[...] = score
    ma_o[...] = ma


def _k_edge_compute_noe(e_ref, kvs_ref, qdp_ref, wew, bew, web, beb,
                        awf, selrep, selpad, ma_o):
    e = e_ref[...]
    ew = jnp.dot(e, wew[...], preferred_element_type=_f32) + bew[...]
    eb = jnp.dot(e, web[...], preferred_element_type=_f32) + beb[...]
    _, ma = _edge_core(kvs_ref, qdp_ref, ew, eb, awf, selrep, selpad)
    ma_o[...] = ma


def _k_qkv_from_acc(acc_ref, selz, wq, bq, wk, bk, wv_w, bv, kv_o, qq_o):
    a = acc_ref[...]
    x = a[:, :DIM] / (jnp.dot(a, selz[...],
                              preferred_element_type=_f32) + 1e-6)
    q = jnp.dot(x, wq[...], preferred_element_type=_f32) + bq[...]
    k = jnp.dot(x, wk[...], preferred_element_type=_f32) + bk[...]
    v = jnp.dot(x, wv_w[...], preferred_element_type=_f32) + bv[...]
    kv_o[...] = jnp.concatenate([k, v], axis=1)
    qq_o[...] = jnp.concatenate([q, jnp.zeros_like(q)], axis=1)


def _k_norm_all(acc_ref, selz, x_o):
    a = acc_ref[...]
    x = a[:, :DIM] / (jnp.dot(a, selz[...],
                              preferred_element_type=_f32) + 1e-6)
    x_o[...] = jnp.concatenate([x, jnp.zeros_like(x)], axis=1)



@functools.cache
def _sc_gather():
    mesh = plsc.VectorSubcoreMesh(core_axis_name="c", subcore_axis_name="s")

    @functools.partial(
        pl.kernel, mesh=mesh,
        out_type=(jax.ShapeDtypeStruct((E_PAD, W), _f32),) * 2,
        scratch_types=[
            pltpu.VMEM((2, CH), jnp.int32), pltpu.VMEM((2, CH), jnp.int32),
            pltpu.VMEM((2, CH, W), _f32), pltpu.VMEM((2, CH, W), _f32),
            pltpu.SemaphoreType.DMA, pltpu.SemaphoreType.DMA,
        ],
    )
    def k(src_h, dst_h, kv_h, qq_h, kvs_h, qdp_h,
          idxs, idxd, kb, qb, s1, s2):
        wid = lax.axis_index("s") * NC + lax.axis_index("c")
        base = wid * EW_G

        def body(i, carry):
            t0 = 2 * i
            off0 = base + t0 * CH
            off1 = off0 + CH
            pltpu.sync_copy(src_h.at[pl.ds(off0, CH)], idxs.at[0])
            pltpu.sync_copy(dst_h.at[pl.ds(off0, CH)], idxd.at[0])
            c0k = pltpu.async_copy(kv_h.at[idxs.at[0]], kb.at[0], s1)
            c0q = pltpu.async_copy(qq_h.at[idxd.at[0]], qb.at[0], s2)
            pltpu.sync_copy(src_h.at[pl.ds(off1, CH)], idxs.at[1])
            pltpu.sync_copy(dst_h.at[pl.ds(off1, CH)], idxd.at[1])
            c1k = pltpu.async_copy(kv_h.at[idxs.at[1]], kb.at[1], s1)
            c1q = pltpu.async_copy(qq_h.at[idxd.at[1]], qb.at[1], s2)
            c0k.wait()
            c0q.wait()
            pltpu.sync_copy(kb.at[0], kvs_h.at[pl.ds(off0, CH)])
            pltpu.sync_copy(qb.at[0], qdp_h.at[pl.ds(off0, CH)])
            c1k.wait()
            c1q.wait()
            pltpu.sync_copy(kb.at[1], kvs_h.at[pl.ds(off1, CH)])
            pltpu.sync_copy(qb.at[1], qdp_h.at[pl.ds(off1, CH)])
            return carry

        lax.fori_loop(0, NCH_G // 2, body, 0)

    return k


@functools.cache
def _sc_segsum(pass_idx):
    mesh = plsc.VectorSubcoreMesh(core_axis_name="c", subcore_axis_name="s")

    @functools.partial(
        pl.kernel, mesh=mesh,
        out_type=jax.ShapeDtypeStruct((2 * QR, WS), _f32),
        scratch_types=[
            pltpu.VMEM((2, CHS), jnp.int32), pltpu.VMEM((2, CHS), jnp.int32),
            pltpu.VMEM((2, CHS, WS), _f32),
            pltpu.VMEM_SHARED((QR, WS), _f32),
            pltpu.SemaphoreType.DMA, pltpu.SemaphoreType.DMA,
        ],
    )
    def k(dst_h, ma_h, zz_h, out_h, idxd, idxl, mb, acc, se0, se1):
        c = lax.axis_index("c")
        s = lax.axis_index("s")
        lo = (2 * pass_idx + c) * QN
        hi = lo + QN
        rbase = s * ROWS_PT

        pltpu.sync_copy(zz_h, acc.at[pl.ds(rbase, ROWS_PT)])
        plsc.subcore_barrier()

        ebase = s * EW_S
        sems = (se0, se1)

        def scat(b):
            for g in range(CHS // 16):
                v = idxd[b, pl.ds(g * 16, 16)]
                inr = jnp.logical_and(v >= lo, v < hi)
                idxl[b, pl.ds(g * 16, 16)] = jnp.where(inr, v - lo, DUMMY)
            pltpu.sync_copy(mb.at[b], acc.at[idxl.at[b]], add=True)

        def body(i, carry):
            t0 = 2 * i
            off0 = ebase + t0 * CHS
            off1 = off0 + CHS
            d0i = pltpu.async_copy(dst_h.at[pl.ds(off0, CHS)], idxd.at[0],
                                   sems[0])
            d0m = pltpu.async_copy(ma_h.at[pl.ds(off0, CHS)], mb.at[0],
                                   sems[0])
            d1i = pltpu.async_copy(dst_h.at[pl.ds(off1, CHS)], idxd.at[1],
                                   sems[1])
            d1m = pltpu.async_copy(ma_h.at[pl.ds(off1, CHS)], mb.at[1],
                                   sems[1])
            d0i.wait()
            d0m.wait()
            scat(0)
            d1i.wait()
            d1m.wait()
            scat(1)
            return carry

        lax.fori_loop(0, NCHS // 2, body, 0)
        plsc.subcore_barrier()

        pltpu.sync_copy(acc.at[pl.ds(rbase, ROWS_PT)],
                        out_h.at[pl.ds(c * QR + rbase, ROWS_PT)])

    return k


@functools.cache
def _sc_map_gather():
    mesh = plsc.VectorSubcoreMesh(core_axis_name="c", subcore_axis_name="s")

    @functools.partial(
        pl.kernel, mesh=mesh,
        out_type=jax.ShapeDtypeStruct((512, W), _f32),
        scratch_types=[
            pltpu.VMEM((16,), jnp.int32),
            pltpu.VMEM((16, W), _f32),
            pltpu.SemaphoreType.DMA,
        ],
    )
    def k(map_h, acc_h, out_h, idx, mb, s1):
        wid = lax.axis_index("s") * NC + lax.axis_index("c")
        off = wid * 16
        pltpu.sync_copy(map_h.at[pl.ds(off, 16)], idx)
        pltpu.async_copy(acc_h.at[idx], mb, s1).wait()
        pltpu.sync_copy(mb, out_h.at[pl.ds(off, 16)])

    return k



def _selectors():
    selrep = np.zeros((8, DIM), np.float32)
    selpad = np.zeros((8, WS - DIM), np.float32)
    selz = np.zeros((WS, DIM), np.float32)
    for h in range(H):
        selrep[h, h * DH:(h + 1) * DH] = 1.0
        selpad[h, h] = 1.0
        selz[DIM + h, h * DH:(h + 1) * DH] = 1.0
    return jnp.asarray(selrep), jnp.asarray(selpad), jnp.asarray(selz)


def _awfull(aw):
    m = aw.T[:, :, None] * jnp.eye(H, dtype=_f32)[:, None, :]
    m = m.reshape(DIM, H)
    return jnp.concatenate([m, jnp.zeros((DIM, 4), _f32)], axis=1)


def _we_split(we, be):
    pw = np.concatenate([np.arange(h * 2 * DH, h * 2 * DH + DH)
                         for h in range(H)])
    pb = pw + DH
    return we[:, pw], be[pw][None, :], we[:, pb], be[pb][None, :]



def kernel(query, edge_index, mapping, input_node_pair_embed, batch, params):
    del batch
    p = params
    src = edge_index[0]
    dst = edge_index[1]
    npad = E_PAD - E_TOT

    def tx(i):
        return (i // QN) * QR + i % QN

    zpad = jnp.zeros((npad,), jnp.int32)
    src_g1 = jnp.concatenate([src, zpad])
    dst_g1 = jnp.concatenate([dst, zpad])
    src_g2 = jnp.concatenate([tx(src), zpad])
    dst_g2 = jnp.concatenate([tx(dst), zpad])
    dst_s = jnp.concatenate([dst, jnp.full((npad,), N_NODES, jnp.int32)])
    map2 = tx(mapping)

    ipe = input_node_pair_embed
    ipe_p = jnp.concatenate([ipe, jnp.zeros((npad, ipe.shape[1]), _f32)])
    ipe_n = ipe[:N_NODES]
    qry = query.reshape(N_NODES, DIM)

    selrep, selpad, selz = _selectors()
    l1, l2 = p['layers']
    aw1 = _awfull(l1['Aw'])
    aw2 = _awfull(l2['Aw'])
    we1w, be1w, we1b, be1b = _we_split(l1['We'], l1['be'])
    we2w, be2w, we2b, be2b = _we_split(l2['We'], l2['be'])

    def b2(v):
        return v[None, :]

    zz = jnp.zeros((ROWS_PT, WS), _f32)

    nspec = _rows((NBLK, W))
    kv1, qq1 = _tc_call(
        _k_prologue, (N_NODES // NBLK,),
        [_rows((NBLK, 8)), _rows((NBLK, DIM)),
         _full((8, DIM)), _full((1, DIM)), _full((DIM, DIM)), _full((1, DIM)),
         _full((DIM, DIM)), _full((1, DIM)), _full((DIM, DIM)),
         _full((1, DIM)), _full((DIM, DIM)), _full((1, DIM))],
        (jax.ShapeDtypeStruct((N_NODES, W), _f32),) * 2,
        (nspec, nspec),
    )(ipe_n, qry, p['wn_w1'], b2(p['wn_b1']), p['wn_w2'], b2(p['wn_b2']),
      l1['Wq'], b2(l1['bq']), l1['Wk'], b2(l1['bk']),
      l1['Wv'], b2(l1['bv']))

    espec = _rows((EB, W))
    e64spec = _rows((EB, DIM))
    kvs1, qdp1 = _sc_gather()(src_g1, dst_g1, kv1, qq1)

    maspec = _rows((EB, WS))
    eo1, ma1 = _tc_call(
        _k_edge_compute_e, (E_PAD // EB,),
        [_rows((EB, 8)), espec, espec,
         _full((8, DIM)), _full((1, DIM)), _full((DIM, DIM)), _full((1, DIM)),
         _full((DIM, DIM)), _full((1, DIM)), _full((DIM, DIM)),
         _full((1, DIM)),
         _full((DIM, 8)), _full((8, DIM)), _full((8, WS - DIM))],
        (jax.ShapeDtypeStruct((E_PAD, DIM), _f32),
         jax.ShapeDtypeStruct((E_PAD, WS), _f32)),
        (e64spec, maspec),
    )(ipe_p, kvs1, qdp1,
      p['wp_w1'], b2(p['wp_b1']), p['wp_w2'], b2(p['wp_b2']),
      we1w, be1w, we1b, be1b, aw1, selrep, selpad)

    acc1 = jnp.concatenate([_sc_segsum(0)(dst_s, ma1, zz),
                            _sc_segsum(1)(dst_s, ma1, zz)])

    kv2, qq2 = _tc_call(
        _k_qkv_from_acc, (NR2 // EB,),
        [maspec, _full((WS, DIM)),
         _full((DIM, DIM)), _full((1, DIM)), _full((DIM, DIM)),
         _full((1, DIM)), _full((DIM, DIM)), _full((1, DIM))],
        (jax.ShapeDtypeStruct((NR2, W), _f32),) * 2,
        (espec, espec),
    )(acc1, selz, l2['Wq'], b2(l2['bq']), l2['Wk'], b2(l2['bk']),
      l2['Wv'], b2(l2['bv']))

    kvs2, qdp2 = _sc_gather()(src_g2, dst_g2, kv2, qq2)

    ma2 = _tc_call(
        _k_edge_compute_noe, (E_PAD // EB,),
        [e64spec, espec, espec,
         _full((DIM, DIM)), _full((1, DIM)), _full((DIM, DIM)),
         _full((1, DIM)),
         _full((DIM, 8)), _full((8, DIM)), _full((8, WS - DIM))],
        jax.ShapeDtypeStruct((E_PAD, WS), _f32),
        maspec,
    )(eo1, kvs2, qdp2, we2w, be2w, we2b, be2b, aw2, selrep, selpad)

    acc2 = jnp.concatenate([_sc_segsum(0)(dst_s, ma2, zz),
                            _sc_segsum(1)(dst_s, ma2, zz)])

    xnorm = _tc_call(
        _k_norm_all, (NR2 // EB,),
        [maspec, _full((WS, DIM))],
        jax.ShapeDtypeStruct((NR2, W), _f32),
        espec,
    )(acc2, selz)

    mg = _sc_map_gather()(map2, xnorm)

    return mg[:, :DIM].reshape(512, 1, DIM)

# --- scband reference (transcript-rebuilt; emitter-appended) ---
"""Pipeline reference for scband-grit-adapter-layer-4114578669939 (READ-ONLY COPY).

The authoritative reference and input builder live on the scoring server;
editing this copy changes nothing except your own understanding.
"""

import jax, jax.numpy as jnp
import numpy as np

N = 50000
E_RAND = 750000
E_TOT = N + E_RAND
DIM = 64
H = 4
DH = DIM // H
RRWP = 8
S = 1
N_LAYERS = 2
N_MAP = 512


def _lin(k, din, dout):
    k1, k2 = jax.random.split(k)
    w = jax.random.normal(k1, (din, dout), jnp.float32) * 0.02
    b = jax.random.normal(k2, (dout,), jnp.float32) * 0.02
    return w, b


def setup_inputs(seed: int = 0) -> dict:
    key = jax.random.key(seed)
    ks = jax.random.split(key, 16)
    query = jax.random.normal(ks[0], (N, S, DIM), jnp.float32)
    # edge_index: exactly one self-loop per node placed first (in node order),
    # followed by random non-self edges (src != dst guaranteed via offset trick).
    src_r = jax.random.randint(ks[1], (E_RAND,), 0, N, jnp.int32)
    off = jax.random.randint(ks[2], (E_RAND,), 1, N, jnp.int32)
    dst_r = (src_r + off) % N
    loops = jnp.arange(N, dtype=jnp.int32)
    edge_index = jnp.stack([jnp.concatenate([loops, src_r]),
                            jnp.concatenate([loops, dst_r])], axis=0)
    mapping = jax.random.randint(ks[3], (N_MAP,), 0, N, jnp.int32)
    input_node_pair_embed = jax.random.normal(ks[4], (E_TOT, RRWP), jnp.float32)
    batch = jnp.sort(jax.random.randint(ks[5], (N,), 0, 512, jnp.int32))
    params = {}
    params['wn_w1'], params['wn_b1'] = _lin(ks[6], RRWP, DIM)
    params['wn_w2'], params['wn_b2'] = _lin(ks[7], DIM, DIM)
    params['wp_w1'], params['wp_b1'] = _lin(ks[8], RRWP, DIM)
    params['wp_w2'], params['wp_b2'] = _lin(ks[9], DIM, DIM)
    layers = []
    for l in range(N_LAYERS):
        kk = jax.random.split(ks[10 + l], 5)
        lw = {}
        lw['Wq'], lw['bq'] = _lin(kk[0], DIM, DIM)
        lw['Wk'], lw['bk'] = _lin(kk[1], DIM, DIM)
        lw['Wv'], lw['bv'] = _lin(kk[2], DIM, DIM)
        lw['We'], lw['be'] = _lin(kk[3], DIM, 2 * DIM)
        lw['Aw'] = jax.random.normal(kk[4], (DH, H), jnp.float32) * 0.02
        layers.append(lw)
    params['layers'] = layers
    return {'query': query, 'edge_index': edge_index, 'mapping': mapping,
            'input_node_pair_embed': input_node_pair_embed, 'batch': batch,
            'params': params}


def _mlp2(x, w1, b1, w2, b2):
    return jax.nn.relu(x @ w1 + b1) @ w2 + b2


def _grit_layer(x, e, src, dst, lw, n_nodes):
    # GRIT sparse multi-head attention (MultiHeadAttentionLayerGritSparse)
    Qh = (x @ lw['Wq'] + lw['bq']).reshape(n_nodes, H, DH)
    Kh = (x @ lw['Wk'] + lw['bk']).reshape(n_nodes, H, DH)
    Vh = (x @ lw['Wv'] + lw['bv']).reshape(n_nodes, H, DH)
    Eh = (e @ lw['We'] + lw['be']).reshape(-1, H, 2 * DH)
    Ew, Eb = Eh[..., :DH], Eh[..., DH:]
    score = Kh[src] + Qh[dst]            # gather over edges
    score = score * Ew
    score = jnp.sqrt(jnp.clip(jax.nn.relu(score), 1e-8, None)) - \
            jnp.sqrt(jnp.clip(jax.nn.relu(-score), 1e-8, None))
    score = score + Eb
    score = jax.nn.relu(score)
    e_out = score.reshape(-1, DIM)
    att = jnp.einsum('ehd,dh->eh', score, lw['Aw'])
    att = jnp.exp(jnp.clip(att, -5.0, 5.0))[..., None]
    msg = Vh[src] * att
    wV = jax.ops.segment_sum(msg, dst, num_segments=n_nodes)
    Z = jax.ops.segment_sum(att, dst, num_segments=n_nodes)
    x_out = (wV / (Z + 1e-6)).reshape(n_nodes, DIM)
    return x_out, e_out


def reference(query, edge_index, mapping, input_node_pair_embed, batch, params):
    src, dst = edge_index[0], edge_index[1]
    loop_idx = jnp.where(src == dst, size=N)[0]
    node_pos = input_node_pair_embed[loop_idx]                  # [N, RRWP]
    node_pos = jnp.repeat(node_pos[:, None, :], S, axis=1)      # [N, S, RRWP]
    node_pos = _mlp2(node_pos, params['wn_w1'], params['wn_b1'],
                     params['wn_w2'], params['wn_b2'])
    q = query + node_pos
    outs = []
    for qi in range(S):
        x = q[:, qi, :]
        e = _mlp2(input_node_pair_embed, params['wp_w1'], params['wp_b1'],
                  params['wp_w2'], params['wp_b2'])
        for lw in params['layers']:
            x, e = _grit_layer(x, e, src, dst, lw, N)
        outs.append(x)
    out = jnp.stack(outs, axis=1)   # [N, S, DIM]
    return out[mapping]             # node task level: select root nodes

if __name__ == "__main__":
    import jax
    _d = setup_inputs()
    print(jax.jit(kernel)(*tuple(_d.values())))

</pallas_src>

<mosaic_0001>
#map = affine_map<(d0, d1) -> (0)>
#map1 = affine_map<(d0, d1) -> (0, 0)>
module attributes {stable_mosaic.version = 14 : i64} {
  func.func @k(%arg0: i32, %arg1: i32, %arg2: memref<802816xi32, #tpu.memory_space<hbm>>, %arg3: memref<802816x128xf32, #tpu.memory_space<hbm>>, %arg4: memref<784x128xf32, #tpu.memory_space<hbm>>, %arg5: memref<25088x128xf32, #tpu.memory_space<hbm>>, %arg6: memref<2x64xi32, #tpu.memory_space<vmem>>, %arg7: memref<2x64xi32, #tpu.memory_space<vmem>>, %arg8: memref<2x64x128xf32, #tpu.memory_space<vmem>>, %arg9: memref<12544x128xf32, #tpu.memory_space<vmem_shared>>, %arg10: memref<!tpu.dma_semaphore, #tpu.memory_space<semaphore_mem>>, %arg11: memref<!tpu.dma_semaphore, #tpu.memory_space<semaphore_mem>>) attributes {dimension_semantics = [#tpu.dimension_semantics<core_parallel>, #tpu.dimension_semantics<subcore_parallel>], iteration_bounds = array<i64: 2, 16>, scalar_prefetch = 0 : i64, scratch_operands = 6 : i64, tpu.core_type = #tpu.core_type<sc_vector_subcore>, window_params = [{transform_indices = #map}, {transform_indices = #map1}, {transform_indices = #map1}, {transform_indices = #map1}]} {
    %add3A = arith.constant 2 : i32
    %add3A_0 = arith.addi %add3A, %arg0 : i32
    %mul3A = arith.constant 12500 : i32
    %mul3A_1 = arith.muli %add3A_0, %mul3A : i32
    %add3A_2 = arith.constant 12500 : i32
    %add3A_3 = arith.addi %mul3A_1, %add3A_2 : i32
    %mul3A_4 = arith.constant 784 : i32
    %mul3A_5 = arith.muli %arg1, %mul3A_4 : i32
    "tpu.region"() ({
      %run_scoped3A = tpu.sem_alloc : memref<!tpu.dma_semaphore, #tpu.memory_space<semaphore_mem>>
      %dma_start3A = arith.constant 0 : i32
      %dma_start3A_17 = tpu.memref_slice %arg9[%mul3A_5, %dma_start3A] : memref<12544x128xf32, #tpu.memory_space<vmem_shared>> -> memref<784x128xf32, #tpu.memory_space<vmem_shared>>
      tpu.enqueue_dma source(%arg4 : memref<784x128xf32, #tpu.memory_space<hbm>>) target(%dma_start3A_17 : memref<784x128xf32, #tpu.memory_space<vmem_shared>>) target_semaphore(%run_scoped3A : memref<!tpu.dma_semaphore, #tpu.memory_space<semaphore_mem>>)
      %dma_wait3A = arith.constant 0 : i32
      %dma_wait3A_18 = tpu.memref_slice %arg9[%mul3A_5, %dma_wait3A] : memref<12544x128xf32, #tpu.memory_space<vmem_shared>> -> memref<784x128xf32, #tpu.memory_space<vmem_shared>>
      tpu.wait_dma2 semaphore(%run_scoped3A : memref<!tpu.dma_semaphore, #tpu.memory_space<semaphore_mem>>) src(%arg4 : memref<784x128xf32, #tpu.memory_space<hbm>>) dst(%dma_wait3A_18 : memref<784x128xf32, #tpu.memory_space<vmem_shared>>)
      tpu.yield
    }) : () -> ()
    %barrier3A = arith.constant 0 : index
    tpu.barrier barrier_id(%barrier3A)
    %mul3A_6 = arith.constant 50176 : i32
    %mul3A_7 = arith.muli %arg1, %mul3A_6 : i32
    %scan3A = arith.constant 0 : i32
    %scan3A_8 = arith.constant 0 : i32
    %scan3A_9 = arith.constant 392 : i32
    %scan3A_10 = arith.addi %scan3A_8, %scan3A_9 : i32
    %scan3A_11 = arith.constant 1 : i32
    scf.for %scan3A_17 = %scan3A_8 to %scan3A_10 step %scan3A_11  : i32 {
      %mul3A_18 = arith.constant 2 : i32
      %mul3A_19 = arith.muli %mul3A_18, %scan3A_17 : i32
      %mul3A_20 = arith.constant 64 : i32
      %mul3A_21 = arith.muli %mul3A_19, %mul3A_20 : i32
      %add3A_22 = arith.addi %mul3A_7, %mul3A_21 : i32
      %add3A_23 = arith.constant 64 : i32
      %add3A_24 = arith.addi %add3A_22, %add3A_23 : i32
      %dma_start3A = arith.constant 0 : i32
      %dma_start3A_25 = arith.constant 0 : i32
      %dma_start3A_26 = tpu.memref_slice %arg6[%dma_start3A, %dma_start3A_25] : memref<2x64xi32, #tpu.memory_space<vmem>> -> memref<1x64xi32, #tpu.memory_space<vmem>>
      %dma_start3A_27 = tpu.memref_squeeze %dma_start3A_26 : memref<1x64xi32, #tpu.memory_space<vmem>> -> memref<64xi32, #tpu.memory_space<vmem>>
      %dma_start3A_28 = tpu.memref_slice %arg2[%add3A_22] : memref<802816xi32, #tpu.memory_space<hbm>> -> memref<64xi32, #tpu.memory_space<hbm>>
      %dma_start3A_29 = arith.constant 0 : i32
      %dma_start3A_30 = tpu.memref_slice %arg6[%dma_start3A, %dma_start3A_29] : memref<2x64xi32, #tpu.memory_space<vmem>> -> memref<1x64xi32, #tpu.memory_space<vmem>>
      %dma_start3A_31 = tpu.memref_squeeze %dma_start3A_30 : memref<1x64xi32, #tpu.memory_space<vmem>> -> memref<64xi32, #tpu.memory_space<vmem>>
      %dma_start3A_32 = tpu.memref_slice %arg2[%add3A_22] : memref<802816xi32, #tpu.memory_space<hbm>> -> memref<64xi32, #tpu.memory_space<hbm>>
      tpu.enqueue_dma source(%dma_start3A_32 : memref<64xi32, #tpu.memory_space<hbm>>) target(%dma_start3A_31 : memref<64xi32, #tpu.memory_space<vmem>>) target_semaphore(%arg10 : memref<!tpu.dma_semaphore, #tpu.memory_space<semaphore_mem>>)
      %dma_start3A_33 = arith.constant 0 : i32
      %dma_start3A_34 = arith.constant 0 : i32
      %dma_start3A_35 = arith.constant 0 : i32
      %dma_start3A_36 = tpu.memref_slice %arg8[%dma_start3A_33, %dma_start3A_34, %dma_start3A_35] : memref<2x64x128xf32, #tpu.memory_space<vmem>> -> memref<1x64x128xf32, #tpu.memory_space<vmem>>
      %dma_start3A_37 = tpu.memref_squeeze %dma_start3A_36 : memref<1x64x128xf32, #tpu.memory_space<vmem>> -> memref<64x128xf32, #tpu.memory_space<vmem>>
      %dma_start3A_38 = arith.constant 0 : i32
      %dma_start3A_39 = tpu.memref_slice %arg3[%add3A_22, %dma_start3A_38] : memref<802816x128xf32, #tpu.memory_space<hbm>> -> memref<64x128xf32, #tpu.memory_space<hbm>>
      %dma_start3A_40 = arith.constant 0 : i32
      %dma_start3A_41 = arith.constant 0 : i32
      %dma_start3A_42 = tpu.memref_slice %arg8[%dma_start3A_33, %dma_start3A_40, %dma_start3A_41] : memref<2x64x128xf32, #tpu.memory_space<vmem>> -> memref<1x64x128xf32, #tpu.memory_space<vmem>>
      %dma_start3A_43 = tpu.memref_squeeze %dma_start3A_42 : memref<1x64x128xf32, #tpu.memory_space<vmem>> -> memref<64x128xf32, #tpu.memory_space<vmem>>
      %dma_start3A_44 = arith.constant 0 : i32
      %dma_start3A_45 = tpu.memref_slice %arg3[%add3A_22, %dma_start3A_44] : memref<802816x128xf32, #tpu.memory_space<hbm>> -> memref<64x128xf32, #tpu.memory_space<hbm>>
      tpu.enqueue_dma source(%dma_start3A_45 : memref<64x128xf32, #tpu.memory_space<hbm>>) target(%dma_start3A_43 : memref<64x128xf32, #tpu.memory_space<vmem>>) target_semaphore(%arg10 : memref<!tpu.dma_semaphore, #tpu.memory_space<semaphore_mem>>)
      %dma_start3A_46 = arith.constant 1 : i32
      %dma_start3A_47 = arith.constant 0 : i32
      %dma_start3A_48 = tpu.memref_slice %arg6[%dma_start3A_46, %dma_start3A_47] : memref<2x64xi32, #tpu.memory_space<vmem>> -> memref<1x64xi32, #tpu.memory_space<vmem>>
      %dma_start3A_49 = tpu.memref_squeeze %dma_start3A_48 : memref<1x64xi32, #tpu.memory_space<vmem>> -> memref<64xi32, #tpu.memory_space<vmem>>
      %dma_start3A_50 = tpu.memref_slice %arg2[%add3A_24] : memref<802816xi32, #tpu.memory_space<hbm>> -> memref<64xi32, #tpu.memory_space<hbm>>
      %dma_start3A_51 = arith.constant 0 : i32
      %dma_start3A_52 = tpu.memref_slice %arg6[%dma_start3A_46, %dma_start3A_51] : memref<2x64xi32, #tpu.memory_space<vmem>> -> memref<1x64xi32, #tpu.memory_space<vmem>>
      %dma_start3A_53 = tpu.memref_squeeze %dma_start3A_52 : memref<1x64xi32, #tpu.memory_space<vmem>> -> memref<64xi32, #tpu.memory_space<vmem>>
      %dma_start3A_54 = tpu.memref_slice %arg2[%add3A_24] : memref<802816xi32, #tpu.memory_space<hbm>> -> memref<64xi32, #tpu.memory_space<hbm>>
      tpu.enqueue_dma source(%dma_start3A_54 : memref<64xi32, #tpu.memory_space<hbm>>) target(%dma_start3A_53 : memref<64xi32, #tpu.memory_space<vmem>>) target_semaphore(%arg11 : memref<!tpu.dma_semaphore, #tpu.memory_space<semaphore_mem>>)
      %dma_start3A_55 = arith.constant 1 : i32
      %dma_start3A_56 = arith.constant 0 : i32
      %dma_start3A_57 = arith.constant 0 : i32
      %dma_start3A_58 = tpu.memref_slice %arg8[%dma_start3A_55, %dma_start3A_56, %dma_start3A_57] : memref<2x64x128xf32, #tpu.memory_space<vmem>> -> memref<1x64x128xf32, #tpu.memory_space<vmem>>
      %dma_start3A_59 = tpu.memref_squeeze %dma_start3A_58 : memref<1x64x128xf32, #tpu.memory_space<vmem>> -> memref<64x128xf32, #tpu.memory_space<vmem>>
      %dma_start3A_60 = arith.constant 0 : i32
      %dma_start3A_61 = tpu.memref_slice %arg3[%add3A_24, %dma_start3A_60] : memref<802816x128xf32, #tpu.memory_space<hbm>> -> memref<64x128xf32, #tpu.memory_space<hbm>>
      %dma_start3A_62 = arith.constant 0 : i32
      %dma_start3A_63 = arith.constant 0 : i32
      %dma_start3A_64 = tpu.memref_slice %arg8[%dma_start3A_55, %dma_start3A_62, %dma_start3A_63] : memref<2x64x128xf32, #tpu.memory_space<vmem>> -> memref<1x64x128xf32, #tpu.memory_space<vmem>>
      %dma_start3A_65 = tpu.memref_squeeze %dma_start3A_64 : memref<1x64x128xf32, #tpu.memory_space<vmem>> -> memref<64x128xf32, #tpu.memory_space<vmem>>
      %dma_start3A_66 = arith.constant 0 : i32
      %dma_start3A_67 = tpu.memref_slice %arg3[%add3A_24, %dma_start3A_66] : memref<802816x128xf32, #tpu.memory_space<hbm>> -> memref<64x128xf32, #tpu.memory_space<hbm>>
      tpu.enqueue_dma source(%dma_start3A_67 : memref<64x128xf32, #tpu.memory_space<hbm>>) target(%dma_start3A_65 : memref<64x128xf32, #tpu.memory_space<vmem>>) target_semaphore(%arg11 : memref<!tpu.dma_semaphore, #tpu.memory_space<semaphore_mem>>)
      %dma_wait3A = arith.constant 0 : i32
      %dma_wait3A_68 = arith.constant 0 : i32
      %dma_wait3A_69 = tpu.memref_slice %arg6[%dma_wait3A, %dma_wait3A_68] : memref<2x64xi32, #tpu.memory_space<vmem>> -> memref<1x64xi32, #tpu.memory_space<vmem>>
      %dma_wait3A_70 = tpu.memref_squeeze %dma_wait3A_69 : memref<1x64xi32, #tpu.memory_space<vmem>> -> memref<64xi32, #tpu.memory_space<vmem>>
      %dma_wait3A_71 = tpu.memref_slice %arg2[%add3A_22] : memref<802816xi32, #tpu.memory_space<hbm>> -> memref<64xi32, #tpu.memory_space<hbm>>
      %dma_wait3A_72 = arith.constant 0 : i32
      %dma_wait3A_73 = tpu.memref_slice %arg6[%dma_wait3A, %dma_wait3A_72] : memref<2x64xi32, #tpu.memory_space<vmem>> -> memref<1x64xi32, #tpu.memory_space<vmem>>
      %dma_wait3A_74 = tpu.memref_squeeze %dma_wait3A_73 : memref<1x64xi32, #tpu.memory_space<vmem>> -> memref<64xi32, #tpu.memory_space<vmem>>
      %dma_wait3A_75 = tpu.memref_slice %arg2[%add3A_22] : memref<802816xi32, #tpu.memory_space<hbm>> -> memref<64xi32, #tpu.memory_space<hbm>>
      tpu.wait_dma2 semaphore(%arg10 : memref<!tpu.dma_semaphore, #tpu.memory_space<semaphore_mem>>) src(%dma_wait3A_75 : memref<64xi32, #tpu.memory_space<hbm>>) dst(%dma_wait3A_74 : memref<64xi32, #tpu.memory_space<vmem>>)
      %dma_wait3A_76 = arith.constant 0 : i32
      %dma_wait3A_77 = arith.constant 0 : i32
      %dma_wait3A_78 = arith.constant 0 : i32
      %dma_wait3A_79 = tpu.memref_slice %arg8[%dma_wait3A_76, %dma_wait3A_77, %dma_wait3A_78] : memref<2x64x128xf32, #tpu.memory_space<vmem>> -> memref<1x64x128xf32, #tpu.memory_space<vmem>>
      %dma_wait3A_80 = tpu.memref_squeeze %dma_wait3A_79 : memref<1x64x128xf32, #tpu.memory_space<vmem>> -> memref<64x128xf32, #tpu.memory_space<vmem>>
      %dma_wait3A_81 = arith.constant 0 : i32
      %dma_wait3A_82 = tpu.memref_slice %arg3[%add3A_22, %dma_wait3A_81] : memref<802816x128xf32, #tpu.memory_space<hbm>> -> memref<64x128xf32, #tpu.memory_space<hbm>>
      %dma_wait3A_83 = arith.constant 0 : i32
      %dma_wait3A_84 = arith.constant 0 : i32
      %dma_wait3A_85 = tpu.memref_slice %arg8[%dma_wait3A_76, %dma_wait3A_83, %dma_wait3A_84] : memref<2x64x128xf32, #tpu.memory_space<vmem>> -> memref<1x64x128xf32, #tpu.memory_space<vmem>>
      %dma_wait3A_86 = tpu.memref_squeeze %dma_wait3A_85 : memref<1x64x128xf32, #tpu.memory_space<vmem>> -> memref<64x128xf32, #tpu.memory_space<vmem>>
      %dma_wait3A_87 = arith.constant 0 : i32
      %dma_wait3A_88 = tpu.memref_slice %arg3[%add3A_22, %dma_wait3A_87] : memref<802816x128xf32, #tpu.memory_space<hbm>> -> memref<64x128xf32, #tpu.memory_space<hbm>>
      tpu.wait_dma2 semaphore(%arg10 : memref<!tpu.dma_semaphore, #tpu.memory_space<semaphore_mem>>) src(%dma_wait3A_88 : memref<64x128xf32, #tpu.memory_space<hbm>>) dst(%dma_wait3A_86 : memref<64x128xf32, #tpu.memory_space<vmem>>)
      %get3A = arith.constant 0 : i32
      %get3A_89 = arith.index_cast %get3A : i32 to index
      %get3A_90 = arith.constant 0 : index
      %get3A_91 = tpu.vector_load %arg6[%get3A_89, %get3A_90] {strides = array<i32>} : memref<2x64xi32, #tpu.memory_space<vmem>>, vector<1x16xi32>,
      %get3A_92 = vector.shape_cast %get3A_91 : vector<1x16xi32> to vector<16xi32>
      %ge3A = vector.broadcast %mul3A_1 : i32 to vector<16xi32>
      %ge3A_93 = arith.cmpi sge, %get3A_92, %ge3A : vector<16xi32>
      %lt3A = vector.broadcast %add3A_3 : i32 to vector<16xi32>
      %lt3A_94 = arith.cmpi slt, %get3A_92, %lt3A : vector<16xi32>
      %and3A = arith.andi %ge3A_93, %lt3A_94 : vector<16xi1>
      %sub3A = vector.broadcast %mul3A_1 : i32 to vector<16xi32>
      %sub3A_95 = arith.subi %get3A_92, %sub3A : vector<16xi32>
      %jit3A = arith.constant 12500 : i32
      %broadcast_in_dim3A = vector.broadcast %jit3A : i32 to vector<16xi32>
      %select_n3A = arith.select %and3A, %sub3A_95, %broadcast_in_dim3A : vector<16xi1>, vector<16xi32>
      %swap3A = arith.constant 0 : i32
      %swap3A_96 = arith.index_cast %swap3A : i32 to index
      %swap3A_97 = arith.constant 0 : index
      %swap3A_98 = tpu.vector_load %arg7[%swap3A_96, %swap3A_97] {strides = array<i32>} : memref<2x64xi32, #tpu.memory_space<vmem>>, vector<1x16xi32>,
      %swap3A_99 = vector.shape_cast %swap3A_98 : vector<1x16xi32> to vector<16xi32>
      %swap3A_100 = vector.shape_cast %select_n3A : vector<16xi32> to vector<1x16xi32>
      tpu.vector_store %arg7[%swap3A_96, %swap3A_97], %swap3A_100 {strides = array<i32>} : memref<2x64xi32, #tpu.memory_space<vmem>>, vector<1x16xi32>,
      %get3A_101 = arith.constant 0 : i32
      %get3A_102 = arith.index_cast %get3A_101 : i32 to index
      %get3A_103 = arith.constant 16 : index
      %get3A_104 = tpu.vector_load %arg6[%get3A_102, %get3A_103] {strides = array<i32>} : memref<2x64xi32, #tpu.memory_space<vmem>>, vector<1x16xi32>,
      %get3A_105 = vector.shape_cast %get3A_104 : vector<1x16xi32> to vector<16xi32>
      %ge3A_106 = vector.broadcast %mul3A_1 : i32 to vector<16xi32>
      %ge3A_107 = arith.cmpi sge, %get3A_105, %ge3A_106 : vector<16xi32>
      %lt3A_108 = vector.broadcast %add3A_3 : i32 to vector<16xi32>
      %lt3A_109 = arith.cmpi slt, %get3A_105, %lt3A_108 : vector<16xi32>
      %and3A_110 = arith.andi %ge3A_107, %lt3A_109 : vector<16xi1>
      %sub3A_111 = vector.broadcast %mul3A_1 : i32 to vector<16xi32>
      %sub3A_112 = arith.subi %get3A_105, %sub3A_111 : vector<16xi32>
      %jit3A_113 = arith.constant 12500 : i32
      %broadcast_in_dim3A_114 = vector.broadcast %jit3A_113 : i32 to vector<16xi32>
      %select_n3A_115 = arith.select %and3A_110, %sub3A_112, %broadcast_in_dim3A_114 : vector<16xi1>, vector<16xi32>
      %swap3A_116 = arith.constant 0 : i32
      %swap3A_117 = arith.index_cast %swap3A_116 : i32 to index
      %swap3A_118 = arith.constant 16 : index
      %swap3A_119 = tpu.vector_load %arg7[%swap3A_117, %swap3A_118] {strides = array<i32>} : memref<2x64xi32, #tpu.memory_space<vmem>>, vector<1x16xi32>,
      %swap3A_120 = vector.shape_cast %swap3A_119 : vector<1x16xi32> to vector<16xi32>
      %swap3A_121 = vector.shape_cast %select_n3A_115 : vector<16xi32> to vector<1x16xi32>
      tpu.vector_store %arg7[%swap3A_117, %swap3A_118], %swap3A_121 {strides = array<i32>} : memref<2x64xi32, #tpu.memory_space<vmem>>, vector<1x16xi32>,
      %get3A_122 = arith.constant 0 : i32
      %get3A_123 = arith.index_cast %get3A_122 : i32 to index
      %get3A_124 = arith.constant 32 : index
      %get3A_125 = tpu.vector_load %arg6[%get3A_123, %get3A_124] {strides = array<i32>} : memref<2x64xi32, #tpu.memory_space<vmem>>, vector<1x16xi32>,
      %get3A_126 = vector.shape_cast %get3A_125 : vector<1x16xi32> to vector<16xi32>
      %ge3A_127 = vector.broadcast %mul3A_1 : i32 to vector<16xi32>
      %ge3A_128 = arith.cmpi sge, %get3A_126, %ge3A_127 : vector<16xi32>
      %lt3A_129 = vector.broadcast %add3A_3 : i32 to vector<16xi32>
      %lt3A_130 = arith.cmpi slt, %get3A_126, %lt3A_129 : vector<16xi32>
      %and3A_131 = arith.andi %ge3A_128, %lt3A_130 : vector<16xi1>
      %sub3A_132 = vector.broadcast %mul3A_1 : i32 to vector<16xi32>
      %sub3A_133 = arith.subi %get3A_126, %sub3A_132 : vector<16xi32>
      %jit3A_134 = arith.constant 12500 : i32
      %broadcast_in_dim3A_135 = vector.broadcast %jit3A_134 : i32 to vector<16xi32>
      %select_n3A_136 = arith.select %and3A_131, %sub3A_133, %broadcast_in_dim3A_135 : vector<16xi1>, vector<16xi32>
      %swap3A_137 = arith.constant 0 : i32
      %swap3A_138 = arith.index_cast %swap3A_137 : i32 to index
      %swap3A_139 = arith.constant 32 : index
      %swap3A_140 = tpu.vector_load %arg7[%swap3A_138, %swap3A_139] {strides = array<i32>} : memref<2x64xi32, #tpu.memory_space<vmem>>, vector<1x16xi32>,
      %swap3A_141 = vector.shape_cast %swap3A_140 : vector<1x16xi32> to vector<16xi32>
      %swap3A_142 = vector.shape_cast %select_n3A_136 : vector<16xi32> to vector<1x16xi32>
      tpu.vector_store %arg7[%swap3A_138, %swap3A_139], %swap3A_142 {strides = array<i32>} : memref<2x64xi32, #tpu.memory_space<vmem>>, vector<1x16xi32>,
      %get3A_143 = arith.constant 0 : i32
      %get3A_144 = arith.index_cast %get3A_143 : i32 to index
      %get3A_145 = arith.constant 48 : index
      %get3A_146 = tpu.vector_load %arg6[%get3A_144, %get3A_145] {strides = array<i32>} : memref<2x64xi32, #tpu.memory_space<vmem>>, vector<1x16xi32>,
      %get3A_147 = vector.shape_cast %get3A_146 : vector<1x16xi32> to vector<16xi32>
      %ge3A_148 = vector.broadcast %mul3A_1 : i32 to vector<16xi32>
      %ge3A_149 = arith.cmpi sge, %get3A_147, %ge3A_148 : vector<16xi32>
      %lt3A_150 = vector.broadcast %add3A_3 : i32 to vector<16xi32>
      %lt3A_151 = arith.cmpi slt, %get3A_147, %lt3A_150 : vector<16xi32>
      %and3A_152 = arith.andi %ge3A_149, %lt3A_151 : vector<16xi1>
      %sub3A_153 = vector.broadcast %mul3A_1 : i32 to vector<16xi32>
      %sub3A_154 = arith.subi %get3A_147, %sub3A_153 : vector<16xi32>
      %jit3A_155 = arith.constant 12500 : i32
      %broadcast_in_dim3A_156 = vector.broadcast %jit3A_155 : i32 to vector<16xi32>
      %select_n3A_157 = arith.select %and3A_152, %sub3A_154, %broadcast_in_dim3A_156 : vector<16xi1>, vector<16xi32>
      %swap3A_158 = arith.constant 0 : i32
      %swap3A_159 = arith.index_cast %swap3A_158 : i32 to index
      %swap3A_160 = arith.constant 48 : index
      %swap3A_161 = tpu.vector_load %arg7[%swap3A_159, %swap3A_160] {strides = array<i32>} : memref<2x64xi32, #tpu.memory_space<vmem>>, vector<1x16xi32>,
      %swap3A_162 = vector.shape_cast %swap3A_161 : vector<1x16xi32> to vector<16xi32>
      %swap3A_163 = vector.shape_cast %select_n3A_157 : vector<16xi32> to vector<1x16xi32>
      tpu.vector_store %arg7[%swap3A_159, %swap3A_160], %swap3A_163 {strides = array<i32>} : memref<2x64xi32, #tpu.memory_space<vmem>>, vector<1x16xi32>,
      %run_scoped3A = arith.constant 0 : i32
      %run_scoped3A_164 = arith.constant 0 : i32
      "tpu.region"() ({
        %run_scoped3A_273 = tpu.sem_alloc : memref<!tpu.dma_semaphore, #tpu.memory_space<semaphore_mem>>
        %dma_start3A_274 = arith.constant 0 : i32
        %dma_start3A_275 = arith.constant 0 : i32
        %dma_start3A_276 = tpu.memref_slice %arg8[%run_scoped3A, %dma_start3A_274, %dma_start3A_275] : memref<2x64x128xf32, #tpu.memory_space<vmem>> -> memref<1x64x128xf32, #tpu.memory_space<vmem>>
        %dma_start3A_277 = tpu.memref_squeeze %dma_start3A_276 : memref<1x64x128xf32, #tpu.memory_space<vmem>> -> memref<64x128xf32, #tpu.memory_space<vmem>>
        %dma_start3A_278 = arith.constant 0 : i32
        %dma_start3A_279 = tpu.memref_slice %arg7[%run_scoped3A_164, %dma_start3A_278] : memref<2x64xi32, #tpu.memory_space<vmem>> -> memref<1x64xi32, #tpu.memory_space<vmem>>
        %dma_start3A_280 = tpu.memref_squeeze %dma_start3A_279 : memref<1x64xi32, #tpu.memory_space<vmem>> -> memref<64xi32, #tpu.memory_space<vmem>>
        %dma_start3A_281 = arith.constant 0 : i32
        %dma_start3A_282 = arith.constant 0 : i32
        %dma_start3A_283 = tpu.memref_slice %arg9[%dma_start3A_281, %dma_start3A_282] : memref<12544x128xf32, #tpu.memory_space<vmem_shared>> -> memref<12544x128xf32, #tpu.memory_space<vmem_shared>>
        tpu.enqueue_indirect_dma source(%dma_start3A_277 : memref<64x128xf32, #tpu.memory_space<vmem>>) target(%dma_start3A_283 : memref<12544x128xf32, #tpu.memory_space<vmem_shared>>) offsets(%dma_start3A_280 : memref<64xi32, #tpu.memory_space<vmem>>) semaphore(%run_scoped3A_273 : memref<!tpu.dma_semaphore, #tpu.memory_space<semaphore_mem>>) {add = true}
        %dma_wait3A_284 = arith.constant 0 : i32
        %dma_wait3A_285 = arith.constant 0 : i32
        %dma_wait3A_286 = tpu.memref_slice %arg8[%run_scoped3A, %dma_wait3A_284, %dma_wait3A_285] : memref<2x64x128xf32, #tpu.memory_space<vmem>> -> memref<1x64x128xf32, #tpu.memory_space<vmem>>
        %dma_wait3A_287 = tpu.memref_squeeze %dma_wait3A_286 : memref<1x64x128xf32, #tpu.memory_space<vmem>> -> memref<64x128xf32, #tpu.memory_space<vmem>>
        %dma_wait3A_288 = arith.constant 0 : i32
        %dma_wait3A_289 = tpu.memref_slice %arg7[%run_scoped3A_164, %dma_wait3A_288] : memref<2x64xi32, #tpu.memory_space<vmem>> -> memref<1x64xi32, #tpu.memory_space<vmem>>
        %dma_wait3A_290 = tpu.memref_squeeze %dma_wait3A_289 : memref<1x64xi32, #tpu.memory_space<vmem>> -> memref<64xi32, #tpu.memory_space<vmem>>
        %dma_wait3A_291 = arith.constant 0 : i32
        %dma_wait3A_292 = arith.constant 0 : i32
        %dma_wait3A_293 = tpu.memref_slice %arg9[%dma_wait3A_291, %dma_wait3A_292] : memref<12544x128xf32, #tpu.memory_space<vmem_shared>> -> memref<12544x128xf32, #tpu.memory_space<vmem_shared>>
        tpu.wait_indirect_dma semaphore(%run_scoped3A_273 : memref<!tpu.dma_semaphore, #tpu.memory_space<semaphore_mem>>) src(%dma_wait3A_287 : memref<64x128xf32, #tpu.memory_space<vmem>>) dst(%dma_wait3A_293 : memref<12544x128xf32, #tpu.memory_space<vmem_shared>>)
        tpu.yield
      }) : () -> ()
      %dma_wait3A_165 = arith.constant 1 : i32
      %dma_wait3A_166 = arith.constant 0 : i32
      %dma_wait3A_167 = tpu.memref_slice %arg6[%dma_wait3A_165, %dma_wait3A_166] : memref<2x64xi32, #tpu.memory_space<vmem>> -> memref<1x64xi32, #tpu.memory_space<vmem>>
      %dma_wait3A_168 = tpu.memref_squeeze %dma_wait3A_167 : memref<1x64xi32, #tpu.memory_space<vmem>> -> memref<64xi32, #tpu.memory_space<vmem>>
      %dma_wait3A_169 = tpu.memref_slice %arg2[%add3A_24] : memref<802816xi32, #tpu.memory_space<hbm>> -> memref<64xi32, #tpu.memory_space<hbm>>
      %dma_wait3A_170 = arith.constant 0 : i32
      %dma_wait3A_171 = tpu.memref_slice %arg6[%dma_wait3A_165, %dma_wait3A_170] : memref<2x64xi32, #tpu.memory_space<vmem>> -> memref<1x64xi32, #tpu.memory_space<vmem>>
      %dma_wait3A_172 = tpu.memref_squeeze %dma_wait3A_171 : memref<1x64xi32, #tpu.memory_space<vmem>> -> memref<64xi32, #tpu.memory_space<vmem>>
      %dma_wait3A_173 = tpu.memref_slice %arg2[%add3A_24] : memref<802816xi32, #tpu.memory_space<hbm>> -> memref<64xi32, #tpu.memory_space<hbm>>
      tpu.wait_dma2 semaphore(%arg11 : memref<!tpu.dma_semaphore, #tpu.memory_space<semaphore_mem>>) src(%dma_wait3A_173 : memref<64xi32, #tpu.memory_space<hbm>>) dst(%dma_wait3A_172 : memref<64xi32, #tpu.memory_space<vmem>>)
      %dma_wait3A_174 = arith.constant 1 : i32
      %dma_wait3A_175 = arith.constant 0 : i32
      %dma_wait3A_176 = arith.constant 0 : i32
      %dma_wait3A_177 = tpu.memref_slice %arg8[%dma_wait3A_174, %dma_wait3A_175, %dma_wait3A_176] : memref<2x64x128xf32, #tpu.memory_space<vmem>> -> memref<1x64x128xf32, #tpu.memory_space<vmem>>
      %dma_wait3A_178 = tpu.memref_squeeze %dma_wait3A_177 : memref<1x64x128xf32, #tpu.memory_space<vmem>> -> memref<64x128xf32, #tpu.memory_space<vmem>>
      %dma_wait3A_179 = arith.constant 0 : i32
      %dma_wait3A_180 = tpu.memref_slice %arg3[%add3A_24, %dma_wait3A_179] : memref<802816x128xf32, #tpu.memory_space<hbm>> -> memref<64x128xf32, #tpu.memory_space<hbm>>
      %dma_wait3A_181 = arith.constant 0 : i32
      %dma_wait3A_182 = arith.constant 0 : i32
      %dma_wait3A_183 = tpu.memref_slice %arg8[%dma_wait3A_174, %dma_wait3A_181, %dma_wait3A_182] : memref<2x64x128xf32, #tpu.memory_space<vmem>> -> memref<1x64x128xf32, #tpu.memory_space<vmem>>
      %dma_wait3A_184 = tpu.memref_squeeze %dma_wait3A_183 : memref<1x64x128xf32, #tpu.memory_space<vmem>> -> memref<64x128xf32, #tpu.memory_space<vmem>>
      %dma_wait3A_185 = arith.constant 0 : i32
      %dma_wait3A_186 = tpu.memref_slice %arg3[%add3A_24, %dma_wait3A_185] : memref<802816x128xf32, #tpu.memory_space<hbm>> -> memref<64x128xf32, #tpu.memory_space<hbm>>
      tpu.wait_dma2 semaphore(%arg11 : memref<!tpu.dma_semaphore, #tpu.memory_space<semaphore_mem>>) src(%dma_wait3A_186 : memref<64x128xf32, #tpu.memory_space<hbm>>) dst(%dma_wait3A_184 : memref<64x128xf32, #tpu.memory_space<vmem>>)
      %get3A_187 = arith.constant 1 : i32
      %get3A_188 = arith.index_cast %get3A_187 : i32 to index
      %get3A_189 = arith.constant 0 : index
      %get3A_190 = tpu.vector_load %arg6[%get3A_188, %get3A_189] {strides = array<i32>} : memref<2x64xi32, #tpu.memory_space<vmem>>, vector<1x16xi32>,
      %get3A_191 = vector.shape_cast %get3A_190 : vector<1x16xi32> to vector<16xi32>
      %ge3A_192 = vector.broadcast %mul3A_1 : i32 to vector<16xi32>
      %ge3A_193 = arith.cmpi sge, %get3A_191, %ge3A_192 : vector<16xi32>
      %lt3A_194 = vector.broadcast %add3A_3 : i32 to vector<16xi32>
      %lt3A_195 = arith.cmpi slt, %get3A_191, %lt3A_194 : vector<16xi32>
      %and3A_196 = arith.andi %ge3A_193, %lt3A_195 : vector<16xi1>
      %sub3A_197 = vector.broadcast %mul3A_1 : i32 to vector<16xi32>
      %sub3A_198 = arith.subi %get3A_191, %sub3A_197 : vector<16xi32>
      %jit3A_199 = arith.constant 12500 : i32
      %broadcast_in_dim3A_200 = vector.broadcast %jit3A_199 : i32 to vector<16xi32>
      %select_n3A_201 = arith.select %and3A_196, %sub3A_198, %broadcast_in_dim3A_200 : vector<16xi1>, vector<16xi32>
      %swap3A_202 = arith.constant 1 : i32
      %swap3A_203 = arith.index_cast %swap3A_202 : i32 to index
      %swap3A_204 = arith.constant 0 : index
      %swap3A_205 = tpu.vector_load %arg7[%swap3A_203, %swap3A_204] {strides = array<i32>} : memref<2x64xi32, #tpu.memory_space<vmem>>, vector<1x16xi32>,
      %swap3A_206 = vector.shape_cast %swap3A_205 : vector<1x16xi32> to vector<16xi32>
      %swap3A_207 = vector.shape_cast %select_n3A_201 : vector<16xi32> to vector<1x16xi32>
      tpu.vector_store %arg7[%swap3A_203, %swap3A_204], %swap3A_207 {strides = array<i32>} : memref<2x64xi32, #tpu.memory_space<vmem>>, vector<1x16xi32>,
      %get3A_208 = arith.constant 1 : i32
      %get3A_209 = arith.index_cast %get3A_208 : i32 to index
      %get3A_210 = arith.constant 16 : index
      %get3A_211 = tpu.vector_load %arg6[%get3A_209, %get3A_210] {strides = array<i32>} : memref<2x64xi32, #tpu.memory_space<vmem>>, vector<1x16xi32>,
      %get3A_212 = vector.shape_cast %get3A_211 : vector<1x16xi32> to vector<16xi32>
      %ge3A_213 = vector.broadcast %mul3A_1 : i32 to vector<16xi32>
      %ge3A_214 = arith.cmpi sge, %get3A_212, %ge3A_213 : vector<16xi32>
      %lt3A_215 = vector.broadcast %add3A_3 : i32 to vector<16xi32>
      %lt3A_216 = arith.cmpi slt, %get3A_212, %lt3A_215 : vector<16xi32>
      %and3A_217 = arith.andi %ge3A_214, %lt3A_216 : vector<16xi1>
      %sub3A_218 = vector.broadcast %mul3A_1 : i32 to vector<16xi32>
      %sub3A_219 = arith.subi %get3A_212, %sub3A_218 : vector<16xi32>
      %jit3A_220 = arith.constant 12500 : i32
      %broadcast_in_dim3A_221 = vector.broadcast %jit3A_220 : i32 to vector<16xi32>
      %select_n3A_222 = arith.select %and3A_217, %sub3A_219, %broadcast_in_dim3A_221 : vector<16xi1>, vector<16xi32>
      %swap3A_223 = arith.constant 1 : i32
      %swap3A_224 = arith.index_cast %swap3A_223 : i32 to index
      %swap3A_225 = arith.constant 16 : index
      %swap3A_226 = tpu.vector_load %arg7[%swap3A_224, %swap3A_225] {strides = array<i32>} : memref<2x64xi32, #tpu.memory_space<vmem>>, vector<1x16xi32>,
      %swap3A_227 = vector.shape_cast %swap3A_226 : vector<1x16xi32> to vector<16xi32>
      %swap3A_228 = vector.shape_cast %select_n3A_222 : vector<16xi32> to vector<1x16xi32>
      tpu.vector_store %arg7[%swap3A_224, %swap3A_225], %swap3A_228 {strides = array<i32>} : memref<2x64xi32, #tpu.memory_space<vmem>>, vector<1x16xi32>,
      %get3A_229 = arith.constant 1 : i32
      %get3A_230 = arith.index_cast %get3A_229 : i32 to index
      %get3A_231 = arith.constant 32 : index
      %get3A_232 = tpu.vector_load %arg6[%get3A_230, %get3A_231] {strides = array<i32>} : memref<2x64xi32, #tpu.memory_space<vmem>>, vector<1x16xi32>,
      %get3A_233 = vector.shape_cast %get3A_232 : vector<1x16xi32> to vector<16xi32>
      %ge3A_234 = vector.broadcast %mul3A_1 : i32 to vector<16xi32>
      %ge3A_235 = arith.cmpi sge, %get3A_233, %ge3A_234 : vector<16xi32>
      %lt3A_236 = vector.broadcast %add3A_3 : i32 to vector<16xi32>
      %lt3A_237 = arith.cmpi slt, %get3A_233, %lt3A_236 : vector<16xi32>
      %and3A_238 = arith.andi %ge3A_235, %lt3A_237 : vector<16xi1>
      %sub3A_239 = vector.broadcast %mul3A_1 : i32 to vector<16xi32>
      %sub3A_240 = arith.subi %get3A_233, %sub3A_239 : vector<16xi32>
      %jit3A_241 = arith.constant 12500 : i32
      %broadcast_in_dim3A_242 = vector.broadcast %jit3A_241 : i32 to vector<16xi32>
      %select_n3A_243 = arith.select %and3A_238, %sub3A_240, %broadcast_in_dim3A_242 : vector<16xi1>, vector<16xi32>
      %swap3A_244 = arith.constant 1 : i32
      %swap3A_245 = arith.index_cast %swap3A_244 : i32 to index
      %swap3A_246 = arith.constant 32 : index
      %swap3A_247 = tpu.vector_load %arg7[%swap3A_245, %swap3A_246] {strides = array<i32>} : memref<2x64xi32, #tpu.memory_space<vmem>>, vector<1x16xi32>,
      %swap3A_248 = vector.shape_cast %swap3A_247 : vector<1x16xi32> to vector<16xi32>
      %swap3A_249 = vector.shape_cast %select_n3A_243 : vector<16xi32> to vector<1x16xi32>
      tpu.vector_store %arg7[%swap3A_245, %swap3A_246], %swap3A_249 {strides = array<i32>} : memref<2x64xi32, #tpu.memory_space<vmem>>, vector<1x16xi32>,
      %get3A_250 = arith.constant 1 : i32
      %get3A_251 = arith.index_cast %get3A_250 : i32 to index
      %get3A_252 = arith.constant 48 : index
      %get3A_253 = tpu.vector_load %arg6[%get3A_251, %get3A_252] {strides = array<i32>} : memref<2x64xi32, #tpu.memory_space<vmem>>, vector<1x16xi32>,
      %get3A_254 = vector.shape_cast %get3A_253 : vector<1x16xi32> to vector<16xi32>
      %ge3A_255 = vector.broadcast %mul3A_1 : i32 to vector<16xi32>
      %ge3A_256 = arith.cmpi sge, %get3A_254, %ge3A_255 : vector<16xi32>
      %lt3A_257 = vector.broadcast %add3A_3 : i32 to vector<16xi32>
      %lt3A_258 = arith.cmpi slt, %get3A_254, %lt3A_257 : vector<16xi32>
      %and3A_259 = arith.andi %ge3A_256, %lt3A_258 : vector<16xi1>
      %sub3A_260 = vector.broadcast %mul3A_1 : i32 to vector<16xi32>
      %sub3A_261 = arith.subi %get3A_254, %sub3A_260 : vector<16xi32>
      %jit3A_262 = arith.constant 12500 : i32
      %broadcast_in_dim3A_263 = vector.broadcast %jit3A_262 : i32 to vector<16xi32>
      %select_n3A_264 = arith.select %and3A_259, %sub3A_261, %broadcast_in_dim3A_263 : vector<16xi1>, vector<16xi32>
      %swap3A_265 = arith.constant 1 : i32
      %swap3A_266 = arith.index_cast %swap3A_265 : i32 to index
      %swap3A_267 = arith.constant 48 : index
      %swap3A_268 = tpu.vector_load %arg7[%swap3A_266, %swap3A_267] {strides = array<i32>} : memref<2x64xi32, #tpu.memory_space<vmem>>, vector<1x16xi32>,
      %swap3A_269 = vector.shape_cast %swap3A_268 : vector<1x16xi32> to vector<16xi32>
      %swap3A_270 = vector.shape_cast %select_n3A_264 : vector<16xi32> to vector<1x16xi32>
      tpu.vector_store %arg7[%swap3A_266, %swap3A_267], %swap3A_270 {strides = array<i32>} : memref<2x64xi32, #tpu.memory_space<vmem>>, vector<1x16xi32>,
      %run_scoped3A_271 = arith.constant 1 : i32
      %run_scoped3A_272 = arith.constant 1 : i32
      "tpu.region"() ({
        %run_scoped3A_273 = tpu.sem_alloc : memref<!tpu.dma_semaphore, #tpu.memory_space<semaphore_mem>>
        %dma_start3A_274 = arith.constant 0 : i32
        %dma_start3A_275 = arith.constant 0 : i32
        %dma_start3A_276 = tpu.memref_slice %arg8[%run_scoped3A_271, %dma_start3A_274, %dma_start3A_275] : memref<2x64x128xf32, #tpu.memory_space<vmem>> -> memref<1x64x128xf32, #tpu.memory_space<vmem>>
        %dma_start3A_277 = tpu.memref_squeeze %dma_start3A_276 : memref<1x64x128xf32, #tpu.memory_space<vmem>> -> memref<64x128xf32, #tpu.memory_space<vmem>>
        %dma_start3A_278 = arith.constant 0 : i32
        %dma_start3A_279 = tpu.memref_slice %arg7[%run_scoped3A_272, %dma_start3A_278] : memref<2x64xi32, #tpu.memory_space<vmem>> -> memref<1x64xi32, #tpu.memory_space<vmem>>
        %dma_start3A_280 = tpu.memref_squeeze %dma_start3A_279 : memref<1x64xi32, #tpu.memory_space<vmem>> -> memref<64xi32, #tpu.memory_space<vmem>>
        %dma_start3A_281 = arith.constant 0 : i32
        %dma_start3A_282 = arith.constant 0 : i32
        %dma_start3A_283 = tpu.memref_slice %arg9[%dma_start3A_281, %dma_start3A_282] : memref<12544x128xf32, #tpu.memory_space<vmem_shared>> -> memref<12544x128xf32, #tpu.memory_space<vmem_shared>>
        tpu.enqueue_indirect_dma source(%dma_start3A_277 : memref<64x128xf32, #tpu.memory_space<vmem>>) target(%dma_start3A_283 : memref<12544x128xf32, #tpu.memory_space<vmem_shared>>) offsets(%dma_start3A_280 : memref<64xi32, #tpu.memory_space<vmem>>) semaphore(%run_scoped3A_273 : memref<!tpu.dma_semaphore, #tpu.memory_space<semaphore_mem>>) {add = true}
        %dma_wait3A_284 = arith.constant 0 : i32
        %dma_wait3A_285 = arith.constant 0 : i32
        %dma_wait3A_286 = tpu.memref_slice %arg8[%run_scoped3A_271, %dma_wait3A_284, %dma_wait3A_285] : memref<2x64x128xf32, #tpu.memory_space<vmem>> -> memref<1x64x128xf32, #tpu.memory_space<vmem>>
        %dma_wait3A_287 = tpu.memref_squeeze %dma_wait3A_286 : memref<1x64x128xf32, #tpu.memory_space<vmem>> -> memref<64x128xf32, #tpu.memory_space<vmem>>
        %dma_wait3A_288 = arith.constant 0 : i32
        %dma_wait3A_289 = tpu.memref_slice %arg7[%run_scoped3A_272, %dma_wait3A_288] : memref<2x64xi32, #tpu.memory_space<vmem>> -> memref<1x64xi32, #tpu.memory_space<vmem>>
        %dma_wait3A_290 = tpu.memref_squeeze %dma_wait3A_289 : memref<1x64xi32, #tpu.memory_space<vmem>> -> memref<64xi32, #tpu.memory_space<vmem>>
        %dma_wait3A_291 = arith.constant 0 : i32
        %dma_wait3A_292 = arith.constant 0 : i32
        %dma_wait3A_293 = tpu.memref_slice %arg9[%dma_wait3A_291, %dma_wait3A_292] : memref<12544x128xf32, #tpu.memory_space<vmem_shared>> -> memref<12544x128xf32, #tpu.memory_space<vmem_shared>>
        tpu.wait_indirect_dma semaphore(%run_scoped3A_273 : memref<!tpu.dma_semaphore, #tpu.memory_space<semaphore_mem>>) src(%dma_wait3A_287 : memref<64x128xf32, #tpu.memory_space<vmem>>) dst(%dma_wait3A_293 : memref<12544x128xf32, #tpu.memory_space<vmem_shared>>)
        tpu.yield
      }) : () -> ()
    }
    %scan3A_12 = arith.constant 392 : i32
    %barrier3A_13 = arith.constant 0 : index
    tpu.barrier barrier_id(%barrier3A_13)
    %mul3A_14 = arith.constant 12544 : i32
    %mul3A_15 = arith.muli %arg0, %mul3A_14 : i32
    %add3A_16 = arith.addi %mul3A_15, %mul3A_5 : i32
    "tpu.region"() ({
      %run_scoped3A = tpu.sem_alloc : memref<!tpu.dma_semaphore, #tpu.memory_space<semaphore_mem>>
      %dma_start3A = arith.constant 0 : i32
      %dma_start3A_17 = tpu.memref_slice %arg5[%add3A_16, %dma_start3A] : memref<25088x128xf32, #tpu.memory_space<hbm>> -> memref<784x128xf32, #tpu.memory_space<hbm>>
      %dma_start3A_18 = arith.constant 0 : i32
      %dma_start3A_19 = tpu.memref_slice %arg9[%mul3A_5, %dma_start3A_18] : memref<12544x128xf32, #tpu.memory_space<vmem_shared>> -> memref<784x128xf32, #tpu.memory_space<vmem_shared>>
      tpu.enqueue_dma source(%dma_start3A_19 : memref<784x128xf32, #tpu.memory_space<vmem_shared>>) target(%dma_start3A_17 : memref<784x128xf32, #tpu.memory_space<hbm>>) target_semaphore(%run_scoped3A : memref<!tpu.dma_semaphore, #tpu.memory_space<semaphore_mem>>)
      %dma_wait3A = arith.constant 0 : i32
      %dma_wait3A_20 = tpu.memref_slice %arg5[%add3A_16, %dma_wait3A] : memref<25088x128xf32, #tpu.memory_space<hbm>> -> memref<784x128xf32, #tpu.memory_space<hbm>>
      %dma_wait3A_21 = arith.constant 0 : i32
      %dma_wait3A_22 = tpu.memref_slice %arg9[%mul3A_5, %dma_wait3A_21] : memref<12544x128xf32, #tpu.memory_space<vmem_shared>> -> memref<784x128xf32, #tpu.memory_space<vmem_shared>>
      tpu.wait_dma2 semaphore(%run_scoped3A : memref<!tpu.dma_semaphore, #tpu.memory_space<semaphore_mem>>) src(%dma_wait3A_22 : memref<784x128xf32, #tpu.memory_space<vmem_shared>>) dst(%dma_wait3A_20 : memref<784x128xf32, #tpu.memory_space<hbm>>)
      tpu.yield
    }) : () -> ()
    return
  }
}

#map = affine_map<(d0, d1) -> (0)>
#map1 = affine_map<(d0, d1) -> (0, 0)>
module attributes {stable_mosaic.version = 14 : i64} {
  func.func @k(%arg0: i32, %arg1: i32, %arg2: memref<802816xi32, #tpu.memory_space<hbm>>, %arg3: memref<802816x128xf32, #tpu.memory_space<hbm>>, %arg4: memref<784x128xf32, #tpu.memory_space<hbm>>, %arg5: memref<25088x128xf32, #tpu.memory_space<hbm>>, %arg6: memref<2x64xi32, #tpu.memory_space<vmem>>, %arg7: memref<2x64xi32, #tpu.memory_space<vmem>>, %arg8: memref<2x64x128xf32, #tpu.memory_space<vmem>>, %arg9: memref<12544x128xf32, #tpu.memory_space<vmem_shared>>, %arg10: memref<!tpu.dma_semaphore, #tpu.memory_space<semaphore_mem>>, %arg11: memref<!tpu.dma_semaphore, #tpu.memory_space<semaphore_mem>>) attributes {dimension_semantics = [#tpu.dimension_semantics<core_parallel>, #tpu.dimension_semantics<subcore_parallel>], iteration_bounds = array<i64: 2, 16>, scalar_prefetch = 0 : i64, scratch_operands = 6 : i64, tpu.core_type = #tpu.core_type<sc_vector_subcore>, window_params = [{transform_indices = #map}, {transform_indices = #map1}, {transform_indices = #map1}, {transform_indices = #map1}]} {
    %add3A = arith.constant 0 : i32
    %add3A_0 = arith.addi %add3A, %arg0 : i32
    %mul3A = arith.constant 12500 : i32
    %mul3A_1 = arith.muli %add3A_0, %mul3A : i32
    %add3A_2 = arith.constant 12500 : i32
    %add3A_3 = arith.addi %mul3A_1, %add3A_2 : i32
    %mul3A_4 = arith.constant 784 : i32
    %mul3A_5 = arith.muli %arg1, %mul3A_4 : i32
    "tpu.region"() ({
      %run_scoped3A = tpu.sem_alloc : memref<!tpu.dma_semaphore, #tpu.memory_space<semaphore_mem>>
      %dma_start3A = arith.constant 0 : i32
      %dma_start3A_17 = tpu.memref_slice %arg9[%mul3A_5, %dma_start3A] : memref<12544x128xf32, #tpu.memory_space<vmem_shared>> -> memref<784x128xf32, #tpu.memory_space<vmem_shared>>
      tpu.enqueue_dma source(%arg4 : memref<784x128xf32, #tpu.memory_space<hbm>>) target(%dma_start3A_17 : memref<784x128xf32, #tpu.memory_space<vmem_shared>>) target_semaphore(%run_scoped3A : memref<!tpu.dma_semaphore, #tpu.memory_space<semaphore_mem>>)
      %dma_wait3A = arith.constant 0 : i32
      %dma_wait3A_18 = tpu.memref_slice %arg9[%mul3A_5, %dma_wait3A] : memref<12544x128xf32, #tpu.memory_space<vmem_shared>> -> memref<784x128xf32, #tpu.memory_space<vmem_shared>>
      tpu.wait_dma2 semaphore(%run_scoped3A : memref<!tpu.dma_semaphore, #tpu.memory_space<semaphore_mem>>) src(%arg4 : memref<784x128xf32, #tpu.memory_space<hbm>>) dst(%dma_wait3A_18 : memref<784x128xf32, #tpu.memory_space<vmem_shared>>)
      tpu.yield
    }) : () -> ()
    %barrier3A = arith.constant 0 : index
    tpu.barrier barrier_id(%barrier3A)
    %mul3A_6 = arith.constant 50176 : i32
    %mul3A_7 = arith.muli %arg1, %mul3A_6 : i32
    %scan3A = arith.constant 0 : i32
    %scan3A_8 = arith.constant 0 : i32
    %scan3A_9 = arith.constant 392 : i32
    %scan3A_10 = arith.addi %scan3A_8, %scan3A_9 : i32
    %scan3A_11 = arith.constant 1 : i32
    scf.for %scan3A_17 = %scan3A_8 to %scan3A_10 step %scan3A_11  : i32 {
      %mul3A_18 = arith.constant 2 : i32
      %mul3A_19 = arith.muli %mul3A_18, %scan3A_17 : i32
      %mul3A_20 = arith.constant 64 : i32
      %mul3A_21 = arith.muli %mul3A_19, %mul3A_20 : i32
      %add3A_22 = arith.addi %mul3A_7, %mul3A_21 : i32
      %add3A_23 = arith.constant 64 : i32
      %add3A_24 = arith.addi %add3A_22, %add3A_23 : i32
      %dma_start3A = arith.constant 0 : i32
      %dma_start3A_25 = arith.constant 0 : i32
      %dma_start3A_26 = tpu.memref_slice %arg6[%dma_start3A, %dma_start3A_25] : memref<2x64xi32, #tpu.memory_space<vmem>> -> memref<1x64xi32, #tpu.memory_space<vmem>>
      %dma_start3A_27 = tpu.memref_squeeze %dma_start3A_26 : memref<1x64xi32, #tpu.memory_space<vmem>> -> memref<64xi32, #tpu.memory_space<vmem>>
      %dma_start3A_28 = tpu.memref_slice %arg2[%add3A_22] : memref<802816xi32, #tpu.memory_space<hbm>> -> memref<64xi32, #tpu.memory_space<hbm>>
      %dma_start3A_29 = arith.constant 0 : i32
      %dma_start3A_30 = tpu.memref_slice %arg6[%dma_start3A, %dma_start3A_29] : memref<2x64xi32, #tpu.memory_space<vmem>> -> memref<1x64xi32, #tpu.memory_space<vmem>>
      %dma_start3A_31 = tpu.memref_squeeze %dma_start3A_30 : memref<1x64xi32, #tpu.memory_space<vmem>> -> memref<64xi32, #tpu.memory_space<vmem>>
      %dma_start3A_32 = tpu.memref_slice %arg2[%add3A_22] : memref<802816xi32, #tpu.memory_space<hbm>> -> memref<64xi32, #tpu.memory_space<hbm>>
      tpu.enqueue_dma source(%dma_start3A_32 : memref<64xi32, #tpu.memory_space<hbm>>) target(%dma_start3A_31 : memref<64xi32, #tpu.memory_space<vmem>>) target_semaphore(%arg10 : memref<!tpu.dma_semaphore, #tpu.memory_space<semaphore_mem>>)
      %dma_start3A_33 = arith.constant 0 : i32
      %dma_start3A_34 = arith.constant 0 : i32
      %dma_start3A_35 = arith.constant 0 : i32
      %dma_start3A_36 = tpu.memref_slice %arg8[%dma_start3A_33, %dma_start3A_34, %dma_start3A_35] : memref<2x64x128xf32, #tpu.memory_space<vmem>> -> memref<1x64x128xf32, #tpu.memory_space<vmem>>
      %dma_start3A_37 = tpu.memref_squeeze %dma_start3A_36 : memref<1x64x128xf32, #tpu.memory_space<vmem>> -> memref<64x128xf32, #tpu.memory_space<vmem>>
      %dma_start3A_38 = arith.constant 0 : i32
      %dma_start3A_39 = tpu.memref_slice %arg3[%add3A_22, %dma_start3A_38] : memref<802816x128xf32, #tpu.memory_space<hbm>> -> memref<64x128xf32, #tpu.memory_space<hbm>>
      %dma_start3A_40 = arith.constant 0 : i32
      %dma_start3A_41 = arith.constant 0 : i32
      %dma_start3A_42 = tpu.memref_slice %arg8[%dma_start3A_33, %dma_start3A_40, %dma_start3A_41] : memref<2x64x128xf32, #tpu.memory_space<vmem>> -> memref<1x64x128xf32, #tpu.memory_space<vmem>>
      %dma_start3A_43 = tpu.memref_squeeze %dma_start3A_42 : memref<1x64x128xf32, #tpu.memory_space<vmem>> -> memref<64x128xf32, #tpu.memory_space<vmem>>
      %dma_start3A_44 = arith.constant 0 : i32
      %dma_start3A_45 = tpu.memref_slice %arg3[%add3A_22, %dma_start3A_44] : memref<802816x128xf32, #tpu.memory_space<hbm>> -> memref<64x128xf32, #tpu.memory_space<hbm>>
      tpu.enqueue_dma source(%dma_start3A_45 : memref<64x128xf32, #tpu.memory_space<hbm>>) target(%dma_start3A_43 : memref<64x128xf32, #tpu.memory_space<vmem>>) target_semaphore(%arg10 : memref<!tpu.dma_semaphore, #tpu.memory_space<semaphore_mem>>)
      %dma_start3A_46 = arith.constant 1 : i32
      %dma_start3A_47 = arith.constant 0 : i32
      %dma_start3A_48 = tpu.memref_slice %arg6[%dma_start3A_46, %dma_start3A_47] : memref<2x64xi32, #tpu.memory_space<vmem>> -> memref<1x64xi32, #tpu.memory_space<vmem>>
      %dma_start3A_49 = tpu.memref_squeeze %dma_start3A_48 : memref<1x64xi32, #tpu.memory_space<vmem>> -> memref<64xi32, #tpu.memory_space<vmem>>
      %dma_start3A_50 = tpu.memref_slice %arg2[%add3A_24] : memref<802816xi32, #tpu.memory_space<hbm>> -> memref<64xi32, #tpu.memory_space<hbm>>
      %dma_start3A_51 = arith.constant 0 : i32
      %dma_start3A_52 = tpu.memref_slice %arg6[%dma_start3A_46, %dma_start3A_51] : memref<2x64xi32, #tpu.memory_space<vmem>> -> memref<1x64xi32, #tpu.memory_space<vmem>>
      %dma_start3A_53 = tpu.memref_squeeze %dma_start3A_52 : memref<1x64xi32, #tpu.memory_space<vmem>> -> memref<64xi32, #tpu.memory_space<vmem>>
      %dma_start3A_54 = tpu.memref_slice %arg2[%add3A_24] : memref<802816xi32, #tpu.memory_space<hbm>> -> memref<64xi32, #tpu.memory_space<hbm>>
      tpu.enqueue_dma source(%dma_start3A_54 : memref<64xi32, #tpu.memory_space<hbm>>) target(%dma_start3A_53 : memref<64xi32, #tpu.memory_space<vmem>>) target_semaphore(%arg11 : memref<!tpu.dma_semaphore, #tpu.memory_space<semaphore_mem>>)
      %dma_start3A_55 = arith.constant 1 : i32
      %dma_start3A_56 = arith.constant 0 : i32
      %dma_start3A_57 = arith.constant 0 : i32
      %dma_start3A_58 = tpu.memref_slice %arg8[%dma_start3A_55, %dma_start3A_56, %dma_start3A_57] : memref<2x64x128xf32, #tpu.memory_space<vmem>> -> memref<1x64x128xf32, #tpu.memory_space<vmem>>
      %dma_start3A_59 = tpu.memref_squeeze %dma_start3A_58 : memref<1x64x128xf32, #tpu.memory_space<vmem>> -> memref<64x128xf32, #tpu.memory_space<vmem>>
      %dma_start3A_60 = arith.constant 0 : i32
      %dma_start3A_61 = tpu.memref_slice %arg3[%add3A_24, %dma_start3A_60] : memref<802816x128xf32, #tpu.memory_space<hbm>> -> memref<64x128xf32, #tpu.memory_space<hbm>>
      %dma_start3A_62 = arith.constant 0 : i32
      %dma_start3A_63 = arith.constant 0 : i32
      %dma_start3A_64 = tpu.memref_slice %arg8[%dma_start3A_55, %dma_start3A_62, %dma_start3A_63] : memref<2x64x128xf32, #tpu.memory_space<vmem>> -> memref<1x64x128xf32, #tpu.memory_space<vmem>>
      %dma_start3A_65 = tpu.memref_squeeze %dma_start3A_64 : memref<1x64x128xf32, #tpu.memory_space<vmem>> -> memref<64x128xf32, #tpu.memory_space<vmem>>
      %dma_start3A_66 = arith.constant 0 : i32
      %dma_start3A_67 = tpu.memref_slice %arg3[%add3A_24, %dma_start3A_66] : memref<802816x128xf32, #tpu.memory_space<hbm>> -> memref<64x128xf32, #tpu.memory_space<hbm>>
      tpu.enqueue_dma source(%dma_start3A_67 : memref<64x128xf32, #tpu.memory_space<hbm>>) target(%dma_start3A_65 : memref<64x128xf32, #tpu.memory_space<vmem>>) target_semaphore(%arg11 : memref<!tpu.dma_semaphore, #tpu.memory_space<semaphore_mem>>)
      %dma_wait3A = arith.constant 0 : i32
      %dma_wait3A_68 = arith.constant 0 : i32
      %dma_wait3A_69 = tpu.memref_slice %arg6[%dma_wait3A, %dma_wait3A_68] : memref<2x64xi32, #tpu.memory_space<vmem>> -> memref<1x64xi32, #tpu.memory_space<vmem>>
      %dma_wait3A_70 = tpu.memref_squeeze %dma_wait3A_69 : memref<1x64xi32, #tpu.memory_space<vmem>> -> memref<64xi32, #tpu.memory_space<vmem>>
      %dma_wait3A_71 = tpu.memref_slice %arg2[%add3A_22] : memref<802816xi32, #tpu.memory_space<hbm>> -> memref<64xi32, #tpu.memory_space<hbm>>
      %dma_wait3A_72 = arith.constant 0 : i32
      %dma_wait3A_73 = tpu.memref_slice %arg6[%dma_wait3A, %dma_wait3A_72] : memref<2x64xi32, #tpu.memory_space<vmem>> -> memref<1x64xi32, #tpu.memory_space<vmem>>
      %dma_wait3A_74 = tpu.memref_squeeze %dma_wait3A_73 : memref<1x64xi32, #tpu.memory_space<vmem>> -> memref<64xi32, #tpu.memory_space<vmem>>
      %dma_wait3A_75 = tpu.memref_slice %arg2[%add3A_22] : memref<802816xi32, #tpu.memory_space<hbm>> -> memref<64xi32, #tpu.memory_space<hbm>>
      tpu.wait_dma2 semaphore(%arg10 : memref<!tpu.dma_semaphore, #tpu.memory_space<semaphore_mem>>) src(%dma_wait3A_75 : memref<64xi32, #tpu.memory_space<hbm>>) dst(%dma_wait3A_74 : memref<64xi32, #tpu.memory_space<vmem>>)
      %dma_wait3A_76 = arith.constant 0 : i32
      %dma_wait3A_77 = arith.constant 0 : i32
      %dma_wait3A_78 = arith.constant 0 : i32
      %dma_wait3A_79 = tpu.memref_slice %arg8[%dma_wait3A_76, %dma_wait3A_77, %dma_wait3A_78] : memref<2x64x128xf32, #tpu.memory_space<vmem>> -> memref<1x64x128xf32, #tpu.memory_space<vmem>>
      %dma_wait3A_80 = tpu.memref_squeeze %dma_wait3A_79 : memref<1x64x128xf32, #tpu.memory_space<vmem>> -> memref<64x128xf32, #tpu.memory_space<vmem>>
      %dma_wait3A_81 = arith.constant 0 : i32
      %dma_wait3A_82 = tpu.memref_slice %arg3[%add3A_22, %dma_wait3A_81] : memref<802816x128xf32, #tpu.memory_space<hbm>> -> memref<64x128xf32, #tpu.memory_space<hbm>>
      %dma_wait3A_83 = arith.constant 0 : i32
      %dma_wait3A_84 = arith.constant 0 : i32
      %dma_wait3A_85 = tpu.memref_slice %arg8[%dma_wait3A_76, %dma_wait3A_83, %dma_wait3A_84] : memref<2x64x128xf32, #tpu.memory_space<vmem>> -> memref<1x64x128xf32, #tpu.memory_space<vmem>>
      %dma_wait3A_86 = tpu.memref_squeeze %dma_wait3A_85 : memref<1x64x128xf32, #tpu.memory_space<vmem>> -> memref<64x128xf32, #tpu.memory_space<vmem>>
      %dma_wait3A_87 = arith.constant 0 : i32
      %dma_wait3A_88 = tpu.memref_slice %arg3[%add3A_22, %dma_wait3A_87] : memref<802816x128xf32, #tpu.memory_space<hbm>> -> memref<64x128xf32, #tpu.memory_space<hbm>>
      tpu.wait_dma2 semaphore(%arg10 : memref<!tpu.dma_semaphore, #tpu.memory_space<semaphore_mem>>) src(%dma_wait3A_88 : memref<64x128xf32, #tpu.memory_space<hbm>>) dst(%dma_wait3A_86 : memref<64x128xf32, #tpu.memory_space<vmem>>)
      %get3A = arith.constant 0 : i32
      %get3A_89 = arith.index_cast %get3A : i32 to index
      %get3A_90 = arith.constant 0 : index
      %get3A_91 = tpu.vector_load %arg6[%get3A_89, %get3A_90] {strides = array<i32>} : memref<2x64xi32, #tpu.memory_space<vmem>>, vector<1x16xi32>,
      %get3A_92 = vector.shape_cast %get3A_91 : vector<1x16xi32> to vector<16xi32>
      %ge3A = vector.broadcast %mul3A_1 : i32 to vector<16xi32>
      %ge3A_93 = arith.cmpi sge, %get3A_92, %ge3A : vector<16xi32>
      %lt3A = vector.broadcast %add3A_3 : i32 to vector<16xi32>
      %lt3A_94 = arith.cmpi slt, %get3A_92, %lt3A : vector<16xi32>
      %and3A = arith.andi %ge3A_93, %lt3A_94 : vector<16xi1>
      %sub3A = vector.broadcast %mul3A_1 : i32 to vector<16xi32>
      %sub3A_95 = arith.subi %get3A_92, %sub3A : vector<16xi32>
      %jit3A = arith.constant 12500 : i32
      %broadcast_in_dim3A = vector.broadcast %jit3A : i32 to vector<16xi32>
      %select_n3A = arith.select %and3A, %sub3A_95, %broadcast_in_dim3A : vector<16xi1>, vector<16xi32>
      %swap3A = arith.constant 0 : i32
      %swap3A_96 = arith.index_cast %swap3A : i32 to index
      %swap3A_97 = arith.constant 0 : index
      %swap3A_98 = tpu.vector_load %arg7[%swap3A_96, %swap3A_97] {strides = array<i32>} : memref<2x64xi32, #tpu.memory_space<vmem>>, vector<1x16xi32>,
      %swap3A_99 = vector.shape_cast %swap3A_98 : vector<1x16xi32> to vector<16xi32>
      %swap3A_100 = vector.shape_cast %select_n3A : vector<16xi32> to vector<1x16xi32>
      tpu.vector_store %arg7[%swap3A_96, %swap3A_97], %swap3A_100 {strides = array<i32>} : memref<2x64xi32, #tpu.memory_space<vmem>>, vector<1x16xi32>,
      %get3A_101 = arith.constant 0 : i32
      %get3A_102 = arith.index_cast %get3A_101 : i32 to index
      %get3A_103 = arith.constant 16 : index
      %get3A_104 = tpu.vector_load %arg6[%get3A_102, %get3A_103] {strides = array<i32>} : memref<2x64xi32, #tpu.memory_space<vmem>>, vector<1x16xi32>,
      %get3A_105 = vector.shape_cast %get3A_104 : vector<1x16xi32> to vector<16xi32>
      %ge3A_106 = vector.broadcast %mul3A_1 : i32 to vector<16xi32>
      %ge3A_107 = arith.cmpi sge, %get3A_105, %ge3A_106 : vector<16xi32>
      %lt3A_108 = vector.broadcast %add3A_3 : i32 to vector<16xi32>
      %lt3A_109 = arith.cmpi slt, %get3A_105, %lt3A_108 : vector<16xi32>
      %and3A_110 = arith.andi %ge3A_107, %lt3A_109 : vector<16xi1>
      %sub3A_111 = vector.broadcast %mul3A_1 : i32 to vector<16xi32>
      %sub3A_112 = arith.subi %get3A_105, %sub3A_111 : vector<16xi32>
      %jit3A_113 = arith.constant 12500 : i32
      %broadcast_in_dim3A_114 = vector.broadcast %jit3A_113 : i32 to vector<16xi32>
      %select_n3A_115 = arith.select %and3A_110, %sub3A_112, %broadcast_in_dim3A_114 : vector<16xi1>, vector<16xi32>
      %swap3A_116 = arith.constant 0 : i32
      %swap3A_117 = arith.index_cast %swap3A_116 : i32 to index
      %swap3A_118 = arith.constant 16 : index
      %swap3A_119 = tpu.vector_load %arg7[%swap3A_117, %swap3A_118] {strides = array<i32>} : memref<2x64xi32, #tpu.memory_space<vmem>>, vector<1x16xi32>,
      %swap3A_120 = vector.shape_cast %swap3A_119 : vector<1x16xi32> to vector<16xi32>
      %swap3A_121 = vector.shape_cast %select_n3A_115 : vector<16xi32> to vector<1x16xi32>
      tpu.vector_store %arg7[%swap3A_117, %swap3A_118], %swap3A_121 {strides = array<i32>} : memref<2x64xi32, #tpu.memory_space<vmem>>, vector<1x16xi32>,
      %get3A_122 = arith.constant 0 : i32
      %get3A_123 = arith.index_cast %get3A_122 : i32 to index
      %get3A_124 = arith.constant 32 : index
      %get3A_125 = tpu.vector_load %arg6[%get3A_123, %get3A_124] {strides = array<i32>} : memref<2x64xi32, #tpu.memory_space<vmem>>, vector<1x16xi32>,
      %get3A_126 = vector.shape_cast %get3A_125 : vector<1x16xi32> to vector<16xi32>
      %ge3A_127 = vector.broadcast %mul3A_1 : i32 to vector<16xi32>
      %ge3A_128 = arith.cmpi sge, %get3A_126, %ge3A_127 : vector<16xi32>
      %lt3A_129 = vector.broadcast %add3A_3 : i32 to vector<16xi32>
      %lt3A_130 = arith.cmpi slt, %get3A_126, %lt3A_129 : vector<16xi32>
      %and3A_131 = arith.andi %ge3A_128, %lt3A_130 : vector<16xi1>
      %sub3A_132 = vector.broadcast %mul3A_1 : i32 to vector<16xi32>
      %sub3A_133 = arith.subi %get3A_126, %sub3A_132 : vector<16xi32>
      %jit3A_134 = arith.constant 12500 : i32
      %broadcast_in_dim3A_135 = vector.broadcast %jit3A_134 : i32 to vector<16xi32>
      %select_n3A_136 = arith.select %and3A_131, %sub3A_133, %broadcast_in_dim3A_135 : vector<16xi1>, vector<16xi32>
      %swap3A_137 = arith.constant 0 : i32
      %swap3A_138 = arith.index_cast %swap3A_137 : i32 to index
      %swap3A_139 = arith.constant 32 : index
      %swap3A_140 = tpu.vector_load %arg7[%swap3A_138, %swap3A_139] {strides = array<i32>} : memref<2x64xi32, #tpu.memory_space<vmem>>, vector<1x16xi32>,
      %swap3A_141 = vector.shape_cast %swap3A_140 : vector<1x16xi32> to vector<16xi32>
      %swap3A_142 = vector.shape_cast %select_n3A_136 : vector<16xi32> to vector<1x16xi32>
      tpu.vector_store %arg7[%swap3A_138, %swap3A_139], %swap3A_142 {strides = array<i32>} : memref<2x64xi32, #tpu.memory_space<vmem>>, vector<1x16xi32>,
      %get3A_143 = arith.constant 0 : i32
      %get3A_144 = arith.index_cast %get3A_143 : i32 to index
      %get3A_145 = arith.constant 48 : index
      %get3A_146 = tpu.vector_load %arg6[%get3A_144, %get3A_145] {strides = array<i32>} : memref<2x64xi32, #tpu.memory_space<vmem>>, vector<1x16xi32>,
      %get3A_147 = vector.shape_cast %get3A_146 : vector<1x16xi32> to vector<16xi32>
      %ge3A_148 = vector.broadcast %mul3A_1 : i32 to vector<16xi32>
      %ge3A_149 = arith.cmpi sge, %get3A_147, %ge3A_148 : vector<16xi32>
      %lt3A_150 = vector.broadcast %add3A_3 : i32 to vector<16xi32>
      %lt3A_151 = arith.cmpi slt, %get3A_147, %lt3A_150 : vector<16xi32>
      %and3A_152 = arith.andi %ge3A_149, %lt3A_151 : vector<16xi1>
      %sub3A_153 = vector.broadcast %mul3A_1 : i32 to vector<16xi32>
      %sub3A_154 = arith.subi %get3A_147, %sub3A_153 : vector<16xi32>
      %jit3A_155 = arith.constant 12500 : i32
      %broadcast_in_dim3A_156 = vector.broadcast %jit3A_155 : i32 to vector<16xi32>
      %select_n3A_157 = arith.select %and3A_152, %sub3A_154, %broadcast_in_dim3A_156 : vector<16xi1>, vector<16xi32>
      %swap3A_158 = arith.constant 0 : i32
      %swap3A_159 = arith.index_cast %swap3A_158 : i32 to index
      %swap3A_160 = arith.constant 48 : index
      %swap3A_161 = tpu.vector_load %arg7[%swap3A_159, %swap3A_160] {strides = array<i32>} : memref<2x64xi32, #tpu.memory_space<vmem>>, vector<1x16xi32>,
      %swap3A_162 = vector.shape_cast %swap3A_161 : vector<1x16xi32> to vector<16xi32>
      %swap3A_163 = vector.shape_cast %select_n3A_157 : vector<16xi32> to vector<1x16xi32>
      tpu.vector_store %arg7[%swap3A_159, %swap3A_160], %swap3A_163 {strides = array<i32>} : memref<2x64xi32, #tpu.memory_space<vmem>>, vector<1x16xi32>,
      %run_scoped3A = arith.constant 0 : i32
      %run_scoped3A_164 = arith.constant 0 : i32
      "tpu.region"() ({
        %run_scoped3A_273 = tpu.sem_alloc : memref<!tpu.dma_semaphore, #tpu.memory_space<semaphore_mem>>
        %dma_start3A_274 = arith.constant 0 : i32
        %dma_start3A_275 = arith.constant 0 : i32
        %dma_start3A_276 = tpu.memref_slice %arg8[%run_scoped3A, %dma_start3A_274, %dma_start3A_275] : memref<2x64x128xf32, #tpu.memory_space<vmem>> -> memref<1x64x128xf32, #tpu.memory_space<vmem>>
        %dma_start3A_277 = tpu.memref_squeeze %dma_start3A_276 : memref<1x64x128xf32, #tpu.memory_space<vmem>> -> memref<64x128xf32, #tpu.memory_space<vmem>>
        %dma_start3A_278 = arith.constant 0 : i32
        %dma_start3A_279 = tpu.memref_slice %arg7[%run_scoped3A_164, %dma_start3A_278] : memref<2x64xi32, #tpu.memory_space<vmem>> -> memref<1x64xi32, #tpu.memory_space<vmem>>
        %dma_start3A_280 = tpu.memref_squeeze %dma_start3A_279 : memref<1x64xi32, #tpu.memory_space<vmem>> -> memref<64xi32, #tpu.memory_space<vmem>>
        %dma_start3A_281 = arith.constant 0 : i32
        %dma_start3A_282 = arith.constant 0 : i32
        %dma_start3A_283 = tpu.memref_slice %arg9[%dma_start3A_281, %dma_start3A_282] : memref<12544x128xf32, #tpu.memory_space<vmem_shared>> -> memref<12544x128xf32, #tpu.memory_space<vmem_shared>>
        tpu.enqueue_indirect_dma source(%dma_start3A_277 : memref<64x128xf32, #tpu.memory_space<vmem>>) target(%dma_start3A_283 : memref<12544x128xf32, #tpu.memory_space<vmem_shared>>) offsets(%dma_start3A_280 : memref<64xi32, #tpu.memory_space<vmem>>) semaphore(%run_scoped3A_273 : memref<!tpu.dma_semaphore, #tpu.memory_space<semaphore_mem>>) {add = true}
        %dma_wait3A_284 = arith.constant 0 : i32
        %dma_wait3A_285 = arith.constant 0 : i32
        %dma_wait3A_286 = tpu.memref_slice %arg8[%run_scoped3A, %dma_wait3A_284, %dma_wait3A_285] : memref<2x64x128xf32, #tpu.memory_space<vmem>> -> memref<1x64x128xf32, #tpu.memory_space<vmem>>
        %dma_wait3A_287 = tpu.memref_squeeze %dma_wait3A_286 : memref<1x64x128xf32, #tpu.memory_space<vmem>> -> memref<64x128xf32, #tpu.memory_space<vmem>>
        %dma_wait3A_288 = arith.constant 0 : i32
        %dma_wait3A_289 = tpu.memref_slice %arg7[%run_scoped3A_164, %dma_wait3A_288] : memref<2x64xi32, #tpu.memory_space<vmem>> -> memref<1x64xi32, #tpu.memory_space<vmem>>
        %dma_wait3A_290 = tpu.memref_squeeze %dma_wait3A_289 : memref<1x64xi32, #tpu.memory_space<vmem>> -> memref<64xi32, #tpu.memory_space<vmem>>
        %dma_wait3A_291 = arith.constant 0 : i32
        %dma_wait3A_292 = arith.constant 0 : i32
        %dma_wait3A_293 = tpu.memref_slice %arg9[%dma_wait3A_291, %dma_wait3A_292] : memref<12544x128xf32, #tpu.memory_space<vmem_shared>> -> memref<12544x128xf32, #tpu.memory_space<vmem_shared>>
        tpu.wait_indirect_dma semaphore(%run_scoped3A_273 : memref<!tpu.dma_semaphore, #tpu.memory_space<semaphore_mem>>) src(%dma_wait3A_287 : memref<64x128xf32, #tpu.memory_space<vmem>>) dst(%dma_wait3A_293 : memref<12544x128xf32, #tpu.memory_space<vmem_shared>>)
        tpu.yield
      }) : () -> ()
      %dma_wait3A_165 = arith.constant 1 : i32
      %dma_wait3A_166 = arith.constant 0 : i32
      %dma_wait3A_167 = tpu.memref_slice %arg6[%dma_wait3A_165, %dma_wait3A_166] : memref<2x64xi32, #tpu.memory_space<vmem>> -> memref<1x64xi32, #tpu.memory_space<vmem>>
      %dma_wait3A_168 = tpu.memref_squeeze %dma_wait3A_167 : memref<1x64xi32, #tpu.memory_space<vmem>> -> memref<64xi32, #tpu.memory_space<vmem>>
      %dma_wait3A_169 = tpu.memref_slice %arg2[%add3A_24] : memref<802816xi32, #tpu.memory_space<hbm>> -> memref<64xi32, #tpu.memory_space<hbm>>
      %dma_wait3A_170 = arith.constant 0 : i32
      %dma_wait3A_171 = tpu.memref_slice %arg6[%dma_wait3A_165, %dma_wait3A_170] : memref<2x64xi32, #tpu.memory_space<vmem>> -> memref<1x64xi32, #tpu.memory_space<vmem>>
      %dma_wait3A_172 = tpu.memref_squeeze %dma_wait3A_171 : memref<1x64xi32, #tpu.memory_space<vmem>> -> memref<64xi32, #tpu.memory_space<vmem>>
      %dma_wait3A_173 = tpu.memref_slice %arg2[%add3A_24] : memref<802816xi32, #tpu.memory_space<hbm>> -> memref<64xi32, #tpu.memory_space<hbm>>
      tpu.wait_dma2 semaphore(%arg11 : memref<!tpu.dma_semaphore, #tpu.memory_space<semaphore_mem>>) src(%dma_wait3A_173 : memref<64xi32, #tpu.memory_space<hbm>>) dst(%dma_wait3A_172 : memref<64xi32, #tpu.memory_space<vmem>>)
      %dma_wait3A_174 = arith.constant 1 : i32
      %dma_wait3A_175 = arith.constant 0 : i32
      %dma_wait3A_176 = arith.constant 0 : i32
      %dma_wait3A_177 = tpu.memref_slice %arg8[%dma_wait3A_174, %dma_wait3A_175, %dma_wait3A_176] : memref<2x64x128xf32, #tpu.memory_space<vmem>> -> memref<1x64x128xf32, #tpu.memory_space<vmem>>
      %dma_wait3A_178 = tpu.memref_squeeze %dma_wait3A_177 : memref<1x64x128xf32, #tpu.memory_space<vmem>> -> memref<64x128xf32, #tpu.memory_space<vmem>>
      %dma_wait3A_179 = arith.constant 0 : i32
      %dma_wait3A_180 = tpu.memref_slice %arg3[%add3A_24, %dma_wait3A_179] : memref<802816x128xf32, #tpu.memory_space<hbm>> -> memref<64x128xf32, #tpu.memory_space<hbm>>
      %dma_wait3A_181 = arith.constant 0 : i32
      %dma_wait3A_182 = arith.constant 0 : i32
      %dma_wait3A_183 = tpu.memref_slice %arg8[%dma_wait3A_174, %dma_wait3A_181, %dma_wait3A_182] : memref<2x64x128xf32, #tpu.memory_space<vmem>> -> memref<1x64x128xf32, #tpu.memory_space<vmem>>
      %dma_wait3A_184 = tpu.memref_squeeze %dma_wait3A_183 : memref<1x64x128xf32, #tpu.memory_space<vmem>> -> memref<64x128xf32, #tpu.memory_space<vmem>>
      %dma_wait3A_185 = arith.constant 0 : i32
      %dma_wait3A_186 = tpu.memref_slice %arg3[%add3A_24, %dma_wait3A_185] : memref<802816x128xf32, #tpu.memory_space<hbm>> -> memref<64x128xf32, #tpu.memory_space<hbm>>
      tpu.wait_dma2 semaphore(%arg11 : memref<!tpu.dma_semaphore, #tpu.memory_space<semaphore_mem>>) src(%dma_wait3A_186 : memref<64x128xf32, #tpu.memory_space<hbm>>) dst(%dma_wait3A_184 : memref<64x128xf32, #tpu.memory_space<vmem>>)
      %get3A_187 = arith.constant 1 : i32
      %get3A_188 = arith.index_cast %get3A_187 : i32 to index
      %get3A_189 = arith.constant 0 : index
      %get3A_190 = tpu.vector_load %arg6[%get3A_188, %get3A_189] {strides = array<i32>} : memref<2x64xi32, #tpu.memory_space<vmem>>, vector<1x16xi32>,
      %get3A_191 = vector.shape_cast %get3A_190 : vector<1x16xi32> to vector<16xi32>
      %ge3A_192 = vector.broadcast %mul3A_1 : i32 to vector<16xi32>
      %ge3A_193 = arith.cmpi sge, %get3A_191, %ge3A_192 : vector<16xi32>
      %lt3A_194 = vector.broadcast %add3A_3 : i32 to vector<16xi32>
      %lt3A_195 = arith.cmpi slt, %get3A_191, %lt3A_194 : vector<16xi32>
      %and3A_196 = arith.andi %ge3A_193, %lt3A_195 : vector<16xi1>
      %sub3A_197 = vector.broadcast %mul3A_1 : i32 to vector<16xi32>
      %sub3A_198 = arith.subi %get3A_191, %sub3A_197 : vector<16xi32>
      %jit3A_199 = arith.constant 12500 : i32
      %broadcast_in_dim3A_200 = vector.broadcast %jit3A_199 : i32 to vector<16xi32>
      %select_n3A_201 = arith.select %and3A_196, %sub3A_198, %broadcast_in_dim3A_200 : vector<16xi1>, vector<16xi32>
      %swap3A_202 = arith.constant 1 : i32
      %swap3A_203 = arith.index_cast %swap3A_202 : i32 to index
      %swap3A_204 = arith.constant 0 : index
      %swap3A_205 = tpu.vector_load %arg7[%swap3A_203, %swap3A_204] {strides = array<i32>} : memref<2x64xi32, #tpu.memory_space<vmem>>, vector<1x16xi32>,
      %swap3A_206 = vector.shape_cast %swap3A_205 : vector<1x16xi32> to vector<16xi32>
      %swap3A_207 = vector.shape_cast %select_n3A_201 : vector<16xi32> to vector<1x16xi32>
      tpu.vector_store %arg7[%swap3A_203, %swap3A_204], %swap3A_207 {strides = array<i32>} : memref<2x64xi32, #tpu.memory_space<vmem>>, vector<1x16xi32>,
      %get3A_208 = arith.constant 1 : i32
      %get3A_209 = arith.index_cast %get3A_208 : i32 to index
      %get3A_210 = arith.constant 16 : index
      %get3A_211 = tpu.vector_load %arg6[%get3A_209, %get3A_210] {strides = array<i32>} : memref<2x64xi32, #tpu.memory_space<vmem>>, vector<1x16xi32>,
      %get3A_212 = vector.shape_cast %get3A_211 : vector<1x16xi32> to vector<16xi32>
      %ge3A_213 = vector.broadcast %mul3A_1 : i32 to vector<16xi32>
      %ge3A_214 = arith.cmpi sge, %get3A_212, %ge3A_213 : vector<16xi32>
      %lt3A_215 = vector.broadcast %add3A_3 : i32 to vector<16xi32>
      %lt3A_216 = arith.cmpi slt, %get3A_212, %lt3A_215 : vector<16xi32>
      %and3A_217 = arith.andi %ge3A_214, %lt3A_216 : vector<16xi1>
      %sub3A_218 = vector.broadcast %mul3A_1 : i32 to vector<16xi32>
      %sub3A_219 = arith.subi %get3A_212, %sub3A_218 : vector<16xi32>
      %jit3A_220 = arith.constant 12500 : i32
      %broadcast_in_dim3A_221 = vector.broadcast %jit3A_220 : i32 to vector<16xi32>
      %select_n3A_222 = arith.select %and3A_217, %sub3A_219, %broadcast_in_dim3A_221 : vector<16xi1>, vector<16xi32>
      %swap3A_223 = arith.constant 1 : i32
      %swap3A_224 = arith.index_cast %swap3A_223 : i32 to index
      %swap3A_225 = arith.constant 16 : index
      %swap3A_226 = tpu.vector_load %arg7[%swap3A_224, %swap3A_225] {strides = array<i32>} : memref<2x64xi32, #tpu.memory_space<vmem>>, vector<1x16xi32>,
      %swap3A_227 = vector.shape_cast %swap3A_226 : vector<1x16xi32> to vector<16xi32>
      %swap3A_228 = vector.shape_cast %select_n3A_222 : vector<16xi32> to vector<1x16xi32>
      tpu.vector_store %arg7[%swap3A_224, %swap3A_225], %swap3A_228 {strides = array<i32>} : memref<2x64xi32, #tpu.memory_space<vmem>>, vector<1x16xi32>,
      %get3A_229 = arith.constant 1 : i32
      %get3A_230 = arith.index_cast %get3A_229 : i32 to index
      %get3A_231 = arith.constant 32 : index
      %get3A_232 = tpu.vector_load %arg6[%get3A_230, %get3A_231] {strides = array<i32>} : memref<2x64xi32, #tpu.memory_space<vmem>>, vector<1x16xi32>,
      %get3A_233 = vector.shape_cast %get3A_232 : vector<1x16xi32> to vector<16xi32>
      %ge3A_234 = vector.broadcast %mul3A_1 : i32 to vector<16xi32>
      %ge3A_235 = arith.cmpi sge, %get3A_233, %ge3A_234 : vector<16xi32>
      %lt3A_236 = vector.broadcast %add3A_3 : i32 to vector<16xi32>
      %lt3A_237 = arith.cmpi slt, %get3A_233, %lt3A_236 : vector<16xi32>
      %and3A_238 = arith.andi %ge3A_235, %lt3A_237 : vector<16xi1>
      %sub3A_239 = vector.broadcast %mul3A_1 : i32 to vector<16xi32>
      %sub3A_240 = arith.subi %get3A_233, %sub3A_239 : vector<16xi32>
      %jit3A_241 = arith.constant 12500 : i32
      %broadcast_in_dim3A_242 = vector.broadcast %jit3A_241 : i32 to vector<16xi32>
      %select_n3A_243 = arith.select %and3A_238, %sub3A_240, %broadcast_in_dim3A_242 : vector<16xi1>, vector<16xi32>
      %swap3A_244 = arith.constant 1 : i32
      %swap3A_245 = arith.index_cast %swap3A_244 : i32 to index
      %swap3A_246 = arith.constant 32 : index
      %swap3A_247 = tpu.vector_load %arg7[%swap3A_245, %swap3A_246] {strides = array<i32>} : memref<2x64xi32, #tpu.memory_space<vmem>>, vector<1x16xi32>,
      %swap3A_248 = vector.shape_cast %swap3A_247 : vector<1x16xi32> to vector<16xi32>
      %swap3A_249 = vector.shape_cast %select_n3A_243 : vector<16xi32> to vector<1x16xi32>
      tpu.vector_store %arg7[%swap3A_245, %swap3A_246], %swap3A_249 {strides = array<i32>} : memref<2x64xi32, #tpu.memory_space<vmem>>, vector<1x16xi32>,
      %get3A_250 = arith.constant 1 : i32
      %get3A_251 = arith.index_cast %get3A_250 : i32 to index
      %get3A_252 = arith.constant 48 : index
      %get3A_253 = tpu.vector_load %arg6[%get3A_251, %get3A_252] {strides = array<i32>} : memref<2x64xi32, #tpu.memory_space<vmem>>, vector<1x16xi32>,
      %get3A_254 = vector.shape_cast %get3A_253 : vector<1x16xi32> to vector<16xi32>
      %ge3A_255 = vector.broadcast %mul3A_1 : i32 to vector<16xi32>
      %ge3A_256 = arith.cmpi sge, %get3A_254, %ge3A_255 : vector<16xi32>
      %lt3A_257 = vector.broadcast %add3A_3 : i32 to vector<16xi32>
      %lt3A_258 = arith.cmpi slt, %get3A_254, %lt3A_257 : vector<16xi32>
      %and3A_259 = arith.andi %ge3A_256, %lt3A_258 : vector<16xi1>
      %sub3A_260 = vector.broadcast %mul3A_1 : i32 to vector<16xi32>
      %sub3A_261 = arith.subi %get3A_254, %sub3A_260 : vector<16xi32>
      %jit3A_262 = arith.constant 12500 : i32
      %broadcast_in_dim3A_263 = vector.broadcast %jit3A_262 : i32 to vector<16xi32>
      %select_n3A_264 = arith.select %and3A_259, %sub3A_261, %broadcast_in_dim3A_263 : vector<16xi1>, vector<16xi32>
      %swap3A_265 = arith.constant 1 : i32
      %swap3A_266 = arith.index_cast %swap3A_265 : i32 to index
      %swap3A_267 = arith.constant 48 : index
      %swap3A_268 = tpu.vector_load %arg7[%swap3A_266, %swap3A_267] {strides = array<i32>} : memref<2x64xi32, #tpu.memory_space<vmem>>, vector<1x16xi32>,
      %swap3A_269 = vector.shape_cast %swap3A_268 : vector<1x16xi32> to vector<16xi32>
      %swap3A_270 = vector.shape_cast %select_n3A_264 : vector<16xi32> to vector<1x16xi32>
      tpu.vector_store %arg7[%swap3A_266, %swap3A_267], %swap3A_270 {strides = array<i32>} : memref<2x64xi32, #tpu.memory_space<vmem>>, vector<1x16xi32>,
      %run_scoped3A_271 = arith.constant 1 : i32
      %run_scoped3A_272 = arith.constant 1 : i32
      "tpu.region"() ({
        %run_scoped3A_273 = tpu.sem_alloc : memref<!tpu.dma_semaphore, #tpu.memory_space<semaphore_mem>>
        %dma_start3A_274 = arith.constant 0 : i32
        %dma_start3A_275 = arith.constant 0 : i32
        %dma_start3A_276 = tpu.memref_slice %arg8[%run_scoped3A_271, %dma_start3A_274, %dma_start3A_275] : memref<2x64x128xf32, #tpu.memory_space<vmem>> -> memref<1x64x128xf32, #tpu.memory_space<vmem>>
        %dma_start3A_277 = tpu.memref_squeeze %dma_start3A_276 : memref<1x64x128xf32, #tpu.memory_space<vmem>> -> memref<64x128xf32, #tpu.memory_space<vmem>>
        %dma_start3A_278 = arith.constant 0 : i32
        %dma_start3A_279 = tpu.memref_slice %arg7[%run_scoped3A_272, %dma_start3A_278] : memref<2x64xi32, #tpu.memory_space<vmem>> -> memref<1x64xi32, #tpu.memory_space<vmem>>
        %dma_start3A_280 = tpu.memref_squeeze %dma_start3A_279 : memref<1x64xi32, #tpu.memory_space<vmem>> -> memref<64xi32, #tpu.memory_space<vmem>>
        %dma_start3A_281 = arith.constant 0 : i32
        %dma_start3A_282 = arith.constant 0 : i32
        %dma_start3A_283 = tpu.memref_slice %arg9[%dma_start3A_281, %dma_start3A_282] : memref<12544x128xf32, #tpu.memory_space<vmem_shared>> -> memref<12544x128xf32, #tpu.memory_space<vmem_shared>>
        tpu.enqueue_indirect_dma source(%dma_start3A_277 : memref<64x128xf32, #tpu.memory_space<vmem>>) target(%dma_start3A_283 : memref<12544x128xf32, #tpu.memory_space<vmem_shared>>) offsets(%dma_start3A_280 : memref<64xi32, #tpu.memory_space<vmem>>) semaphore(%run_scoped3A_273 : memref<!tpu.dma_semaphore, #tpu.memory_space<semaphore_mem>>) {add = true}
        %dma_wait3A_284 = arith.constant 0 : i32
        %dma_wait3A_285 = arith.constant 0 : i32
        %dma_wait3A_286 = tpu.memref_slice %arg8[%run_scoped3A_271, %dma_wait3A_284, %dma_wait3A_285] : memref<2x64x128xf32, #tpu.memory_space<vmem>> -> memref<1x64x128xf32, #tpu.memory_space<vmem>>
        %dma_wait3A_287 = tpu.memref_squeeze %dma_wait3A_286 : memref<1x64x128xf32, #tpu.memory_space<vmem>> -> memref<64x128xf32, #tpu.memory_space<vmem>>
        %dma_wait3A_288 = arith.constant 0 : i32
        %dma_wait3A_289 = tpu.memref_slice %arg7[%run_scoped3A_272, %dma_wait3A_288] : memref<2x64xi32, #tpu.memory_space<vmem>> -> memref<1x64xi32, #tpu.memory_space<vmem>>
        %dma_wait3A_290 = tpu.memref_squeeze %dma_wait3A_289 : memref<1x64xi32, #tpu.memory_space<vmem>> -> memref<64xi32, #tpu.memory_space<vmem>>
        %dma_wait3A_291 = arith.constant 0 : i32
        %dma_wait3A_292 = arith.constant 0 : i32
        %dma_wait3A_293 = tpu.memref_slice %arg9[%dma_wait3A_291, %dma_wait3A_292] : memref<12544x128xf32, #tpu.memory_space<vmem_shared>> -> memref<12544x128xf32, #tpu.memory_space<vmem_shared>>
        tpu.wait_indirect_dma semaphore(%run_scoped3A_273 : memref<!tpu.dma_semaphore, #tpu.memory_space<semaphore_mem>>) src(%dma_wait3A_287 : memref<64x128xf32, #tpu.memory_space<vmem>>) dst(%dma_wait3A_293 : memref<12544x128xf32, #tpu.memory_space<vmem_shared>>)
        tpu.yield
      }) : () -> ()
    }
    %scan3A_12 = arith.constant 392 : i32
    %barrier3A_13 = arith.constant 0 : index
    tpu.barrier barrier_id(%barrier3A_13)
    %mul3A_14 = arith.constant 12544 : i32
    %mul3A_15 = arith.muli %arg0, %mul3A_14 : i32
    %add3A_16 = arith.addi %mul3A_15, %mul3A_5 : i32
    "tpu.region"() ({
      %run_scoped3A = tpu.sem_alloc : memref<!tpu.dma_semaphore, #tpu.memory_space<semaphore_mem>>
      %dma_start3A = arith.constant 0 : i32
      %dma_start3A_17 = tpu.memref_slice %arg5[%add3A_16, %dma_start3A] : memref<25088x128xf32, #tpu.memory_space<hbm>> -> memref<784x128xf32, #tpu.memory_space<hbm>>
      %dma_start3A_18 = arith.constant 0 : i32
      %dma_start3A_19 = tpu.memref_slice %arg9[%mul3A_5, %dma_start3A_18] : memref<12544x128xf32, #tpu.memory_space<vmem_shared>> -> memref<784x128xf32, #tpu.memory_space<vmem_shared>>
      tpu.enqueue_dma source(%dma_start3A_19 : memref<784x128xf32, #tpu.memory_space<vmem_shared>>) target(%dma_start3A_17 : memref<784x128xf32, #tpu.memory_space<hbm>>) target_semaphore(%run_scoped3A : memref<!tpu.dma_semaphore, #tpu.memory_space<semaphore_mem>>)
      %dma_wait3A = arith.constant 0 : i32
      %dma_wait3A_20 = tpu.memref_slice %arg5[%add3A_16, %dma_wait3A] : memref<25088x128xf32, #tpu.memory_space<hbm>> -> memref<784x128xf32, #tpu.memory_space<hbm>>
      %dma_wait3A_21 = arith.constant 0 : i32
      %dma_wait3A_22 = tpu.memref_slice %arg9[%mul3A_5, %dma_wait3A_21] : memref<12544x128xf32, #tpu.memory_space<vmem_shared>> -> memref<784x128xf32, #tpu.memory_space<vmem_shared>>
      tpu.wait_dma2 semaphore(%run_scoped3A : memref<!tpu.dma_semaphore, #tpu.memory_space<semaphore_mem>>) src(%dma_wait3A_22 : memref<784x128xf32, #tpu.memory_space<vmem_shared>>) dst(%dma_wait3A_20 : memref<784x128xf32, #tpu.memory_space<hbm>>)
      tpu.yield
    }) : () -> ()
    return
  }
}

#map = affine_map<(d0, d1) -> (0)>
#map1 = affine_map<(d0, d1) -> (0, 0)>
module attributes {stable_mosaic.version = 14 : i64} {
  func.func @k(%arg0: i32, %arg1: i32, %arg2: memref<802816xi32, #tpu.memory_space<hbm>>, %arg3: memref<802816xi32, #tpu.memory_space<hbm>>, %arg4: memref<50000x128xf32, #tpu.memory_space<hbm>>, %arg5: memref<50000x128xf32, #tpu.memory_space<hbm>>, %arg6: memref<802816x128xf32, #tpu.memory_space<hbm>>, %arg7: memref<802816x128xf32, #tpu.memory_space<hbm>>, %arg8: memref<2x128xi32, #tpu.memory_space<vmem>>, %arg9: memref<2x128xi32, #tpu.memory_space<vmem>>, %arg10: memref<2x128x128xf32, #tpu.memory_space<vmem>>, %arg11: memref<2x128x128xf32, #tpu.memory_space<vmem>>, %arg12: memref<!tpu.dma_semaphore, #tpu.memory_space<semaphore_mem>>, %arg13: memref<!tpu.dma_semaphore, #tpu.memory_space<semaphore_mem>>) attributes {dimension_semantics = [#tpu.dimension_semantics<core_parallel>, #tpu.dimension_semantics<subcore_parallel>], iteration_bounds = array<i64: 2, 16>, scalar_prefetch = 0 : i64, scratch_operands = 6 : i64, tpu.core_type = #tpu.core_type<sc_vector_subcore>, window_params = [{transform_indices = #map}, {transform_indices = #map}, {transform_indices = #map1}, {transform_indices = #map1}, {transform_indices = #map1}, {transform_indices = #map1}]} {
    %mul3A = arith.constant 2 : i32
    %mul3A_0 = arith.muli %arg1, %mul3A : i32
    %add3A = arith.addi %mul3A_0, %arg0 : i32
    %mul3A_1 = arith.constant 25088 : i32
    %mul3A_2 = arith.muli %add3A, %mul3A_1 : i32
    %scan3A = arith.constant 0 : i32
    %scan3A_3 = arith.constant 0 : i32
    %scan3A_4 = arith.constant 98 : i32
    %scan3A_5 = arith.addi %scan3A_3, %scan3A_4 : i32
    %scan3A_6 = arith.constant 1 : i32
    scf.for %scan3A_8 = %scan3A_3 to %scan3A_5 step %scan3A_6  : i32 {
      %mul3A_9 = arith.constant 2 : i32
      %mul3A_10 = arith.muli %mul3A_9, %scan3A_8 : i32
      %mul3A_11 = arith.constant 128 : i32
      %mul3A_12 = arith.muli %mul3A_10, %mul3A_11 : i32
      %add3A_13 = arith.addi %mul3A_2, %mul3A_12 : i32
      %add3A_14 = arith.constant 128 : i32
      %add3A_15 = arith.addi %add3A_13, %add3A_14 : i32
      %run_scoped3A = arith.constant 0 : i32
      "tpu.region"() ({
        %run_scoped3A_117 = tpu.sem_alloc : memref<!tpu.dma_semaphore, #tpu.memory_space<semaphore_mem>>
        %dma_start3A_118 = arith.constant 0 : i32
        %dma_start3A_119 = tpu.memref_slice %arg8[%run_scoped3A, %dma_start3A_118] : memref<2x128xi32, #tpu.memory_space<vmem>> -> memref<1x128xi32, #tpu.memory_space<vmem>>
        %dma_start3A_120 = tpu.memref_squeeze %dma_start3A_119 : memref<1x128xi32, #tpu.memory_space<vmem>> -> memref<128xi32, #tpu.memory_space<vmem>>
        %dma_start3A_121 = tpu.memref_slice %arg2[%add3A_13] : memref<802816xi32, #tpu.memory_space<hbm>> -> memref<128xi32, #tpu.memory_space<hbm>>
        %dma_start3A_122 = arith.constant 0 : i32
        %dma_start3A_123 = tpu.memref_slice %arg8[%run_scoped3A, %dma_start3A_122] : memref<2x128xi32, #tpu.memory_space<vmem>> -> memref<1x128xi32, #tpu.memory_space<vmem>>
        %dma_start3A_124 = tpu.memref_squeeze %dma_start3A_123 : memref<1x128xi32, #tpu.memory_space<vmem>> -> memref<128xi32, #tpu.memory_space<vmem>>
        %dma_start3A_125 = tpu.memref_slice %arg2[%add3A_13] : memref<802816xi32, #tpu.memory_space<hbm>> -> memref<128xi32, #tpu.memory_space<hbm>>
        tpu.enqueue_dma source(%dma_start3A_125 : memref<128xi32, #tpu.memory_space<hbm>>) target(%dma_start3A_124 : memref<128xi32, #tpu.memory_space<vmem>>) target_semaphore(%run_scoped3A_117 : memref<!tpu.dma_semaphore, #tpu.memory_space<semaphore_mem>>)
        %dma_wait3A_126 = arith.constant 0 : i32
        %dma_wait3A_127 = tpu.memref_slice %arg8[%run_scoped3A, %dma_wait3A_126] : memref<2x128xi32, #tpu.memory_space<vmem>> -> memref<1x128xi32, #tpu.memory_space<vmem>>
        %dma_wait3A_128 = tpu.memref_squeeze %dma_wait3A_127 : memref<1x128xi32, #tpu.memory_space<vmem>> -> memref<128xi32, #tpu.memory_space<vmem>>
        %dma_wait3A_129 = tpu.memref_slice %arg2[%add3A_13] : memref<802816xi32, #tpu.memory_space<hbm>> -> memref<128xi32, #tpu.memory_space<hbm>>
        %dma_wait3A_130 = arith.constant 0 : i32
        %dma_wait3A_131 = tpu.memref_slice %arg8[%run_scoped3A, %dma_wait3A_130] : memref<2x128xi32, #tpu.memory_space<vmem>> -> memref<1x128xi32, #tpu.memory_space<vmem>>
        %dma_wait3A_132 = tpu.memref_squeeze %dma_wait3A_131 : memref<1x128xi32, #tpu.memory_space<vmem>> -> memref<128xi32, #tpu.memory_space<vmem>>
        %dma_wait3A_133 = tpu.memref_slice %arg2[%add3A_13] : memref<802816xi32, #tpu.memory_space<hbm>> -> memref<128xi32, #tpu.memory_space<hbm>>
        tpu.wait_dma2 semaphore(%run_scoped3A_117 : memref<!tpu.dma_semaphore, #tpu.memory_space<semaphore_mem>>) src(%dma_wait3A_133 : memref<128xi32, #tpu.memory_space<hbm>>) dst(%dma_wait3A_132 : memref<128xi32, #tpu.memory_space<vmem>>)
        tpu.yield
      }) : () -> ()
      %run_scoped3A_16 = arith.constant 0 : i32
      "tpu.region"() ({
        %run_scoped3A_117 = tpu.sem_alloc : memref<!tpu.dma_semaphore, #tpu.memory_space<semaphore_mem>>
        %dma_start3A_118 = arith.constant 0 : i32
        %dma_start3A_119 = tpu.memref_slice %arg9[%run_scoped3A_16, %dma_start3A_118] : memref<2x128xi32, #tpu.memory_space<vmem>> -> memref<1x128xi32, #tpu.memory_space<vmem>>
        %dma_start3A_120 = tpu.memref_squeeze %dma_start3A_119 : memref<1x128xi32, #tpu.memory_space<vmem>> -> memref<128xi32, #tpu.memory_space<vmem>>
        %dma_start3A_121 = tpu.memref_slice %arg3[%add3A_13] : memref<802816xi32, #tpu.memory_space<hbm>> -> memref<128xi32, #tpu.memory_space<hbm>>
        %dma_start3A_122 = arith.constant 0 : i32
        %dma_start3A_123 = tpu.memref_slice %arg9[%run_scoped3A_16, %dma_start3A_122] : memref<2x128xi32, #tpu.memory_space<vmem>> -> memref<1x128xi32, #tpu.memory_space<vmem>>
        %dma_start3A_124 = tpu.memref_squeeze %dma_start3A_123 : memref<1x128xi32, #tpu.memory_space<vmem>> -> memref<128xi32, #tpu.memory_space<vmem>>
        %dma_start3A_125 = tpu.memref_slice %arg3[%add3A_13] : memref<802816xi32, #tpu.memory_space<hbm>> -> memref<128xi32, #tpu.memory_space<hbm>>
        tpu.enqueue_dma source(%dma_start3A_125 : memref<128xi32, #tpu.memory_space<hbm>>) target(%dma_start3A_124 : memref<128xi32, #tpu.memory_space<vmem>>) target_semaphore(%run_scoped3A_117 : memref<!tpu.dma_semaphore, #tpu.memory_space<semaphore_mem>>)
        %dma_wait3A_126 = arith.constant 0 : i32
        %dma_wait3A_127 = tpu.memref_slice %arg9[%run_scoped3A_16, %dma_wait3A_126] : memref<2x128xi32, #tpu.memory_space<vmem>> -> memref<1x128xi32, #tpu.memory_space<vmem>>
        %dma_wait3A_128 = tpu.memref_squeeze %dma_wait3A_127 : memref<1x128xi32, #tpu.memory_space<vmem>> -> memref<128xi32, #tpu.memory_space<vmem>>
        %dma_wait3A_129 = tpu.memref_slice %arg3[%add3A_13] : memref<802816xi32, #tpu.memory_space<hbm>> -> memref<128xi32, #tpu.memory_space<hbm>>
        %dma_wait3A_130 = arith.constant 0 : i32
        %dma_wait3A_131 = tpu.memref_slice %arg9[%run_scoped3A_16, %dma_wait3A_130] : memref<2x128xi32, #tpu.memory_space<vmem>> -> memref<1x128xi32, #tpu.memory_space<vmem>>
        %dma_wait3A_132 = tpu.memref_squeeze %dma_wait3A_131 : memref<1x128xi32, #tpu.memory_space<vmem>> -> memref<128xi32, #tpu.memory_space<vmem>>
        %dma_wait3A_133 = tpu.memref_slice %arg3[%add3A_13] : memref<802816xi32, #tpu.memory_space<hbm>> -> memref<128xi32, #tpu.memory_space<hbm>>
        tpu.wait_dma2 semaphore(%run_scoped3A_117 : memref<!tpu.dma_semaphore, #tpu.memory_space<semaphore_mem>>) src(%dma_wait3A_133 : memref<128xi32, #tpu.memory_space<hbm>>) dst(%dma_wait3A_132 : memref<128xi32, #tpu.memory_space<vmem>>)
        tpu.yield
      }) : () -> ()
      %dma_start3A = arith.constant 0 : i32
      %dma_start3A_17 = arith.constant 0 : i32
      %dma_start3A_18 = arith.constant 0 : i32
      %dma_start3A_19 = arith.constant 0 : i32
      %dma_start3A_20 = tpu.memref_slice %arg10[%dma_start3A_17, %dma_start3A_18, %dma_start3A_19] : memref<2x128x128xf32, #tpu.memory_space<vmem>> -> memref<1x128x128xf32, #tpu.memory_space<vmem>>
      %dma_start3A_21 = tpu.memref_squeeze %dma_start3A_20 : memref<1x128x128xf32, #tpu.memory_space<vmem>> -> memref<128x128xf32, #tpu.memory_space<vmem>>
      %dma_start3A_22 = arith.constant 0 : i32
      %dma_start3A_23 = tpu.memref_slice %arg8[%dma_start3A, %dma_start3A_22] : memref<2x128xi32, #tpu.memory_space<vmem>> -> memref<1x128xi32, #tpu.memory_space<vmem>>
      %dma_start3A_24 = tpu.memref_squeeze %dma_start3A_23 : memref<1x128xi32, #tpu.memory_space<vmem>> -> memref<128xi32, #tpu.memory_space<vmem>>
      %dma_start3A_25 = arith.constant 0 : i32
      %dma_start3A_26 = arith.constant 0 : i32
      %dma_start3A_27 = tpu.memref_slice %arg4[%dma_start3A_25, %dma_start3A_26] : memref<50000x128xf32, #tpu.memory_space<hbm>> -> memref<50000x128xf32, #tpu.memory_space<hbm>>
      tpu.enqueue_indirect_dma source(%dma_start3A_27 : memref<50000x128xf32, #tpu.memory_space<hbm>>) target(%dma_start3A_21 : memref<128x128xf32, #tpu.memory_space<vmem>>) offsets(%dma_start3A_24 : memref<128xi32, #tpu.memory_space<vmem>>) semaphore(%arg12 : memref<!tpu.dma_semaphore, #tpu.memory_space<semaphore_mem>>)
      %dma_start3A_28 = arith.constant 0 : i32
      %dma_start3A_29 = arith.constant 0 : i32
      %dma_start3A_30 = arith.constant 0 : i32
      %dma_start3A_31 = arith.constant 0 : i32
      %dma_start3A_32 = tpu.memref_slice %arg11[%dma_start3A_29, %dma_start3A_30, %dma_start3A_31] : memref<2x128x128xf32, #tpu.memory_space<vmem>> -> memref<1x128x128xf32, #tpu.memory_space<vmem>>
      %dma_start3A_33 = tpu.memref_squeeze %dma_start3A_32 : memref<1x128x128xf32, #tpu.memory_space<vmem>> -> memref<128x128xf32, #tpu.memory_space<vmem>>
      %dma_start3A_34 = arith.constant 0 : i32
      %dma_start3A_35 = tpu.memref_slice %arg9[%dma_start3A_28, %dma_start3A_34] : memref<2x128xi32, #tpu.memory_space<vmem>> -> memref<1x128xi32, #tpu.memory_space<vmem>>
      %dma_start3A_36 = tpu.memref_squeeze %dma_start3A_35 : memref<1x128xi32, #tpu.memory_space<vmem>> -> memref<128xi32, #tpu.memory_space<vmem>>
      %dma_start3A_37 = arith.constant 0 : i32
      %dma_start3A_38 = arith.constant 0 : i32
      %dma_start3A_39 = tpu.memref_slice %arg5[%dma_start3A_37, %dma_start3A_38] : memref<50000x128xf32, #tpu.memory_space<hbm>> -> memref<50000x128xf32, #tpu.memory_space<hbm>>
      tpu.enqueue_indirect_dma source(%dma_start3A_39 : memref<50000x128xf32, #tpu.memory_space<hbm>>) target(%dma_start3A_33 : memref<128x128xf32, #tpu.memory_space<vmem>>) offsets(%dma_start3A_36 : memref<128xi32, #tpu.memory_space<vmem>>) semaphore(%arg13 : memref<!tpu.dma_semaphore, #tpu.memory_space<semaphore_mem>>)
      %run_scoped3A_40 = arith.constant 1 : i32
      "tpu.region"() ({
        %run_scoped3A_117 = tpu.sem_alloc : memref<!tpu.dma_semaphore, #tpu.memory_space<semaphore_mem>>
        %dma_start3A_118 = arith.constant 0 : i32
        %dma_start3A_119 = tpu.memref_slice %arg8[%run_scoped3A_40, %dma_start3A_118] : memref<2x128xi32, #tpu.memory_space<vmem>> -> memref<1x128xi32, #tpu.memory_space<vmem>>
        %dma_start3A_120 = tpu.memref_squeeze %dma_start3A_119 : memref<1x128xi32, #tpu.memory_space<vmem>> -> memref<128xi32, #tpu.memory_space<vmem>>
        %dma_start3A_121 = tpu.memref_slice %arg2[%add3A_15] : memref<802816xi32, #tpu.memory_space<hbm>> -> memref<128xi32, #tpu.memory_space<hbm>>
        %dma_start3A_122 = arith.constant 0 : i32
        %dma_start3A_123 = tpu.memref_slice %arg8[%run_scoped3A_40, %dma_start3A_122] : memref<2x128xi32, #tpu.memory_space<vmem>> -> memref<1x128xi32, #tpu.memory_space<vmem>>
        %dma_start3A_124 = tpu.memref_squeeze %dma_start3A_123 : memref<1x128xi32, #tpu.memory_space<vmem>> -> memref<128xi32, #tpu.memory_space<vmem>>
        %dma_start3A_125 = tpu.memref_slice %arg2[%add3A_15] : memref<802816xi32, #tpu.memory_space<hbm>> -> memref<128xi32, #tpu.memory_space<hbm>>
        tpu.enqueue_dma source(%dma_start3A_125 : memref<128xi32, #tpu.memory_space<hbm>>) target(%dma_start3A_124 : memref<128xi32, #tpu.memory_space<vmem>>) target_semaphore(%run_scoped3A_117 : memref<!tpu.dma_semaphore, #tpu.memory_space<semaphore_mem>>)
        %dma_wait3A_126 = arith.constant 0 : i32
        %dma_wait3A_127 = tpu.memref_slice %arg8[%run_scoped3A_40, %dma_wait3A_126] : memref<2x128xi32, #tpu.memory_space<vmem>> -> memref<1x128xi32, #tpu.memory_space<vmem>>
        %dma_wait3A_128 = tpu.memref_squeeze %dma_wait3A_127 : memref<1x128xi32, #tpu.memory_space<vmem>> -> memref<128xi32, #tpu.memory_space<vmem>>
        %dma_wait3A_129 = tpu.memref_slice %arg2[%add3A_15] : memref<802816xi32, #tpu.memory_space<hbm>> -> memref<128xi32, #tpu.memory_space<hbm>>
        %dma_wait3A_130 = arith.constant 0 : i32
        %dma_wait3A_131 = tpu.memref_slice %arg8[%run_scoped3A_40, %dma_wait3A_130] : memref<2x128xi32, #tpu.memory_space<vmem>> -> memref<1x128xi32, #tpu.memory_space<vmem>>
        %dma_wait3A_132 = tpu.memref_squeeze %dma_wait3A_131 : memref<1x128xi32, #tpu.memory_space<vmem>> -> memref<128xi32, #tpu.memory_space<vmem>>
        %dma_wait3A_133 = tpu.memref_slice %arg2[%add3A_15] : memref<802816xi32, #tpu.memory_space<hbm>> -> memref<128xi32, #tpu.memory_space<hbm>>
        tpu.wait_dma2 semaphore(%run_scoped3A_117 : memref<!tpu.dma_semaphore, #tpu.memory_space<semaphore_mem>>) src(%dma_wait3A_133 : memref<128xi32, #tpu.memory_space<hbm>>) dst(%dma_wait3A_132 : memref<128xi32, #tpu.memory_space<vmem>>)
        tpu.yield
      }) : () -> ()
      %run_scoped3A_41 = arith.constant 1 : i32
      "tpu.region"() ({
        %run_scoped3A_117 = tpu.sem_alloc : memref<!tpu.dma_semaphore, #tpu.memory_space<semaphore_mem>>
        %dma_start3A_118 = arith.constant 0 : i32
        %dma_start3A_119 = tpu.memref_slice %arg9[%run_scoped3A_41, %dma_start3A_118] : memref<2x128xi32, #tpu.memory_space<vmem>> -> memref<1x128xi32, #tpu.memory_space<vmem>>
        %dma_start3A_120 = tpu.memref_squeeze %dma_start3A_119 : memref<1x128xi32, #tpu.memory_space<vmem>> -> memref<128xi32, #tpu.memory_space<vmem>>
        %dma_start3A_121 = tpu.memref_slice %arg3[%add3A_15] : memref<802816xi32, #tpu.memory_space<hbm>> -> memref<128xi32, #tpu.memory_space<hbm>>
        %dma_start3A_122 = arith.constant 0 : i32
        %dma_start3A_123 = tpu.memref_slice %arg9[%run_scoped3A_41, %dma_start3A_122] : memref<2x128xi32, #tpu.memory_space<vmem>> -> memref<1x128xi32, #tpu.memory_space<vmem>>
        %dma_start3A_124 = tpu.memref_squeeze %dma_start3A_123 : memref<1x128xi32, #tpu.memory_space<vmem>> -> memref<128xi32, #tpu.memory_space<vmem>>
        %dma_start3A_125 = tpu.memref_slice %arg3[%add3A_15] : memref<802816xi32, #tpu.memory_space<hbm>> -> memref<128xi32, #tpu.memory_space<hbm>>
        tpu.enqueue_dma source(%dma_start3A_125 : memref<128xi32, #tpu.memory_space<hbm>>) target(%dma_start3A_124 : memref<128xi32, #tpu.memory_space<vmem>>) target_semaphore(%run_scoped3A_117 : memref<!tpu.dma_semaphore, #tpu.memory_space<semaphore_mem>>)
        %dma_wait3A_126 = arith.constant 0 : i32
        %dma_wait3A_127 = tpu.memref_slice %arg9[%run_scoped3A_41, %dma_wait3A_126] : memref<2x128xi32, #tpu.memory_space<vmem>> -> memref<1x128xi32, #tpu.memory_space<vmem>>
        %dma_wait3A_128 = tpu.memref_squeeze %dma_wait3A_127 : memref<1x128xi32, #tpu.memory_space<vmem>> -> memref<128xi32, #tpu.memory_space<vmem>>
        %dma_wait3A_129 = tpu.memref_slice %arg3[%add3A_15] : memref<802816xi32, #tpu.memory_space<hbm>> -> memref<128xi32, #tpu.memory_space<hbm>>
        %dma_wait3A_130 = arith.constant 0 : i32
        %dma_wait3A_131 = tpu.memref_slice %arg9[%run_scoped3A_41, %dma_wait3A_130] : memref<2x128xi32, #tpu.memory_space<vmem>> -> memref<1x128xi32, #tpu.memory_space<vmem>>
        %dma_wait3A_132 = tpu.memref_squeeze %dma_wait3A_131 : memref<1x128xi32, #tpu.memory_space<vmem>> -> memref<128xi32, #tpu.memory_space<vmem>>
        %dma_wait3A_133 = tpu.memref_slice %arg3[%add3A_15] : memref<802816xi32, #tpu.memory_space<hbm>> -> memref<128xi32, #tpu.memory_space<hbm>>
        tpu.wait_dma2 semaphore(%run_scoped3A_117 : memref<!tpu.dma_semaphore, #tpu.memory_space<semaphore_mem>>) src(%dma_wait3A_133 : memref<128xi32, #tpu.memory_space<hbm>>) dst(%dma_wait3A_132 : memref<128xi32, #tpu.memory_space<vmem>>)
        tpu.yield
      }) : () -> ()
      %dma_start3A_42 = arith.constant 1 : i32
      %dma_start3A_43 = arith.constant 1 : i32
      %dma_start3A_44 = arith.constant 0 : i32
      %dma_start3A_45 = arith.constant 0 : i32
      %dma_start3A_46 = tpu.memref_slice %arg10[%dma_start3A_43, %dma_start3A_44, %dma_start3A_45] : memref<2x128x128xf32, #tpu.memory_space<vmem>> -> memref<1x128x128xf32, #tpu.memory_space<vmem>>
      %dma_start3A_47 = tpu.memref_squeeze %dma_start3A_46 : memref<1x128x128xf32, #tpu.memory_space<vmem>> -> memref<128x128xf32, #tpu.memory_space<vmem>>
      %dma_start3A_48 = arith.constant 0 : i32
      %dma_start3A_49 = tpu.memref_slice %arg8[%dma_start3A_42, %dma_start3A_48] : memref<2x128xi32, #tpu.memory_space<vmem>> -> memref<1x128xi32, #tpu.memory_space<vmem>>
      %dma_start3A_50 = tpu.memref_squeeze %dma_start3A_49 : memref<1x128xi32, #tpu.memory_space<vmem>> -> memref<128xi32, #tpu.memory_space<vmem>>
      %dma_start3A_51 = arith.constant 0 : i32
      %dma_start3A_52 = arith.constant 0 : i32
      %dma_start3A_53 = tpu.memref_slice %arg4[%dma_start3A_51, %dma_start3A_52] : memref<50000x128xf32, #tpu.memory_space<hbm>> -> memref<50000x128xf32, #tpu.memory_space<hbm>>
      tpu.enqueue_indirect_dma source(%dma_start3A_53 : memref<50000x128xf32, #tpu.memory_space<hbm>>) target(%dma_start3A_47 : memref<128x128xf32, #tpu.memory_space<vmem>>) offsets(%dma_start3A_50 : memref<128xi32, #tpu.memory_space<vmem>>) semaphore(%arg12 : memref<!tpu.dma_semaphore, #tpu.memory_space<semaphore_mem>>)
      %dma_start3A_54 = arith.constant 1 : i32
      %dma_start3A_55 = arith.constant 1 : i32
      %dma_start3A_56 = arith.constant 0 : i32
      %dma_start3A_57 = arith.constant 0 : i32
      %dma_start3A_58 = tpu.memref_slice %arg11[%dma_start3A_55, %dma_start3A_56, %dma_start3A_57] : memref<2x128x128xf32, #tpu.memory_space<vmem>> -> memref<1x128x128xf32, #tpu.memory_space<vmem>>
      %dma_start3A_59 = tpu.memref_squeeze %dma_start3A_58 : memref<1x128x128xf32, #tpu.memory_space<vmem>> -> memref<128x128xf32, #tpu.memory_space<vmem>>
      %dma_start3A_60 = arith.constant 0 : i32
      %dma_start3A_61 = tpu.memref_slice %arg9[%dma_start3A_54, %dma_start3A_60] : memref<2x128xi32, #tpu.memory_space<vmem>> -> memref<1x128xi32, #tpu.memory_space<vmem>>
      %dma_start3A_62 = tpu.memref_squeeze %dma_start3A_61 : memref<1x128xi32, #tpu.memory_space<vmem>> -> memref<128xi32, #tpu.memory_space<vmem>>
      %dma_start3A_63 = arith.constant 0 : i32
      %dma_start3A_64 = arith.constant 0 : i32
      %dma_start3A_65 = tpu.memref_slice %arg5[%dma_start3A_63, %dma_start3A_64] : memref<50000x128xf32, #tpu.memory_space<hbm>> -> memref<50000x128xf32, #tpu.memory_space<hbm>>
      tpu.enqueue_indirect_dma source(%dma_start3A_65 : memref<50000x128xf32, #tpu.memory_space<hbm>>) target(%dma_start3A_59 : memref<128x128xf32, #tpu.memory_space<vmem>>) offsets(%dma_start3A_62 : memref<128xi32, #tpu.memory_space<vmem>>) semaphore(%arg13 : memref<!tpu.dma_semaphore, #tpu.memory_space<semaphore_mem>>)
      %dma_wait3A = arith.constant 0 : i32
      %dma_wait3A_66 = arith.constant 0 : i32
      %dma_wait3A_67 = arith.constant 0 : i32
      %dma_wait3A_68 = arith.constant 0 : i32
      %dma_wait3A_69 = tpu.memref_slice %arg10[%dma_wait3A_66, %dma_wait3A_67, %dma_wait3A_68] : memref<2x128x128xf32, #tpu.memory_space<vmem>> -> memref<1x128x128xf32, #tpu.memory_space<vmem>>
      %dma_wait3A_70 = tpu.memref_squeeze %dma_wait3A_69 : memref<1x128x128xf32, #tpu.memory_space<vmem>> -> memref<128x128xf32, #tpu.memory_space<vmem>>
      %dma_wait3A_71 = arith.constant 0 : i32
      %dma_wait3A_72 = tpu.memref_slice %arg8[%dma_wait3A, %dma_wait3A_71] : memref<2x128xi32, #tpu.memory_space<vmem>> -> memref<1x128xi32, #tpu.memory_space<vmem>>
      %dma_wait3A_73 = tpu.memref_squeeze %dma_wait3A_72 : memref<1x128xi32, #tpu.memory_space<vmem>> -> memref<128xi32, #tpu.memory_space<vmem>>
      %dma_wait3A_74 = arith.constant 0 : i32
      %dma_wait3A_75 = arith.constant 0 : i32
      %dma_wait3A_76 = tpu.memref_slice %arg4[%dma_wait3A_74, %dma_wait3A_75] : memref<50000x128xf32, #tpu.memory_space<hbm>> -> memref<50000x128xf32, #tpu.memory_space<hbm>>
      tpu.wait_indirect_dma semaphore(%arg12 : memref<!tpu.dma_semaphore, #tpu.memory_space<semaphore_mem>>) src(%dma_wait3A_76 : memref<50000x128xf32, #tpu.memory_space<hbm>>) dst(%dma_wait3A_70 : memref<128x128xf32, #tpu.memory_space<vmem>>)
      %dma_wait3A_77 = arith.constant 0 : i32
      %dma_wait3A_78 = arith.constant 0 : i32
      %dma_wait3A_79 = arith.constant 0 : i32
      %dma_wait3A_80 = arith.constant 0 : i32
      %dma_wait3A_81 = tpu.memref_slice %arg11[%dma_wait3A_78, %dma_wait3A_79, %dma_wait3A_80] : memref<2x128x128xf32, #tpu.memory_space<vmem>> -> memref<1x128x128xf32, #tpu.memory_space<vmem>>
      %dma_wait3A_82 = tpu.memref_squeeze %dma_wait3A_81 : memref<1x128x128xf32, #tpu.memory_space<vmem>> -> memref<128x128xf32, #tpu.memory_space<vmem>>
      %dma_wait3A_83 = arith.constant 0 : i32
      %dma_wait3A_84 = tpu.memref_slice %arg9[%dma_wait3A_77, %dma_wait3A_83] : memref<2x128xi32, #tpu.memory_space<vmem>> -> memref<1x128xi32, #tpu.memory_space<vmem>>
      %dma_wait3A_85 = tpu.memref_squeeze %dma_wait3A_84 : memref<1x128xi32, #tpu.memory_space<vmem>> -> memref<128xi32, #tpu.memory_space<vmem>>
      %dma_wait3A_86 = arith.constant 0 : i32
      %dma_wait3A_87 = arith.constant 0 : i32
      %dma_wait3A_88 = tpu.memref_slice %arg5[%dma_wait3A_86, %dma_wait3A_87] : memref<50000x128xf32, #tpu.memory_space<hbm>> -> memref<50000x128xf32, #tpu.memory_space<hbm>>
      tpu.wait_indirect_dma semaphore(%arg13 : memref<!tpu.dma_semaphore, #tpu.memory_space<semaphore_mem>>) src(%dma_wait3A_88 : memref<50000x128xf32, #tpu.memory_space<hbm>>) dst(%dma_wait3A_82 : memref<128x128xf32, #tpu.memory_space<vmem>>)
      %run_scoped3A_89 = arith.constant 0 : i32
      "tpu.region"() ({
        %run_scoped3A_117 = tpu.sem_alloc : memref<!tpu.dma_semaphore, #tpu.memory_space<semaphore_mem>>
        %dma_start3A_118 = arith.constant 0 : i32
        %dma_start3A_119 = arith.constant 0 : i32
        %dma_start3A_120 = tpu.memref_slice %arg10[%run_scoped3A_89, %dma_start3A_118, %dma_start3A_119] : memref<2x128x128xf32, #tpu.memory_space<vmem>> -> memref<1x128x128xf32, #tpu.memory_space<vmem>>
        %dma_start3A_121 = tpu.memref_squeeze %dma_start3A_120 : memref<1x128x128xf32, #tpu.memory_space<vmem>> -> memref<128x128xf32, #tpu.memory_space<vmem>>
        %dma_start3A_122 = arith.constant 0 : i32
        %dma_start3A_123 = tpu.memref_slice %arg6[%add3A_13, %dma_start3A_122] : memref<802816x128xf32, #tpu.memory_space<hbm>> -> memref<128x128xf32, #tpu.memory_space<hbm>>
        %dma_start3A_124 = arith.constant 0 : i32
        %dma_start3A_125 = tpu.memref_slice %arg6[%add3A_13, %dma_start3A_124] : memref<802816x128xf32, #tpu.memory_space<hbm>> -> memref<128x128xf32, #tpu.memory_space<hbm>>
        %dma_start3A_126 = arith.constant 0 : i32
        %dma_start3A_127 = arith.constant 0 : i32
        %dma_start3A_128 = tpu.memref_slice %arg10[%run_scoped3A_89, %dma_start3A_126, %dma_start3A_127] : memref<2x128x128xf32, #tpu.memory_space<vmem>> -> memref<1x128x128xf32, #tpu.memory_space<vmem>>
        %dma_start3A_129 = tpu.memref_squeeze %dma_start3A_128 : memref<1x128x128xf32, #tpu.memory_space<vmem>> -> memref<128x128xf32, #tpu.memory_space<vmem>>
        tpu.enqueue_dma source(%dma_start3A_129 : memref<128x128xf32, #tpu.memory_space<vmem>>) target(%dma_start3A_125 : memref<128x128xf32, #tpu.memory_space<hbm>>) target_semaphore(%run_scoped3A_117 : memref<!tpu.dma_semaphore, #tpu.memory_space<semaphore_mem>>)
        %dma_wait3A_130 = arith.constant 0 : i32
        %dma_wait3A_131 = arith.constant 0 : i32
        %dma_wait3A_132 = tpu.memref_slice %arg10[%run_scoped3A_89, %dma_wait3A_130, %dma_wait3A_131] : memref<2x128x128xf32, #tpu.memory_space<vmem>> -> memref<1x128x128xf32, #tpu.memory_space<vmem>>
        %dma_wait3A_133 = tpu.memref_squeeze %dma_wait3A_132 : memref<1x128x128xf32, #tpu.memory_space<vmem>> -> memref<128x128xf32, #tpu.memory_space<vmem>>
        %dma_wait3A_134 = arith.constant 0 : i32
        %dma_wait3A_135 = tpu.memref_slice %arg6[%add3A_13, %dma_wait3A_134] : memref<802816x128xf32, #tpu.memory_space<hbm>> -> memref<128x128xf32, #tpu.memory_space<hbm>>
        %dma_wait3A_136 = arith.constant 0 : i32
        %dma_wait3A_137 = tpu.memref_slice %arg6[%add3A_13, %dma_wait3A_136] : memref<802816x128xf32, #tpu.memory_space<hbm>> -> memref<128x128xf32, #tpu.memory_space<hbm>>
        %dma_wait3A_138 = arith.constant 0 : i32
        %dma_wait3A_139 = arith.constant 0 : i32
        %dma_wait3A_140 = tpu.memref_slice %arg10[%run_scoped3A_89, %dma_wait3A_138, %dma_wait3A_139] : memref<2x128x128xf32, #tpu.memory_space<vmem>> -> memref<1x128x128xf32, #tpu.memory_space<vmem>>
        %dma_wait3A_141 = tpu.memref_squeeze %dma_wait3A_140 : memref<1x128x128xf32, #tpu.memory_space<vmem>> -> memref<128x128xf32, #tpu.memory_space<vmem>>
        tpu.wait_dma2 semaphore(%run_scoped3A_117 : memref<!tpu.dma_semaphore, #tpu.memory_space<semaphore_mem>>) src(%dma_wait3A_141 : memref<128x128xf32, #tpu.memory_space<vmem>>) dst(%dma_wait3A_137 : memref<128x128xf32, #tpu.memory_space<hbm>>)
        tpu.yield
      }) : () -> ()
      %run_scoped3A_90 = arith.constant 0 : i32
      "tpu.region"() ({
        %run_scoped3A_117 = tpu.sem_alloc : memref<!tpu.dma_semaphore, #tpu.memory_space<semaphore_mem>>
        %dma_start3A_118 = arith.constant 0 : i32
        %dma_start3A_119 = arith.constant 0 : i32
        %dma_start3A_120 = tpu.memref_slice %arg11[%run_scoped3A_90, %dma_start3A_118, %dma_start3A_119] : memref<2x128x128xf32, #tpu.memory_space<vmem>> -> memref<1x128x128xf32, #tpu.memory_space<vmem>>
        %dma_start3A_121 = tpu.memref_squeeze %dma_start3A_120 : memref<1x128x128xf32, #tpu.memory_space<vmem>> -> memref<128x128xf32, #tpu.memory_space<vmem>>
        %dma_start3A_122 = arith.constant 0 : i32
        %dma_start3A_123 = tpu.memref_slice %arg7[%add3A_13, %dma_start3A_122] : memref<802816x128xf32, #tpu.memory_space<hbm>> -> memref<128x128xf32, #tpu.memory_space<hbm>>
        %dma_start3A_124 = arith.constant 0 : i32
        %dma_start3A_125 = tpu.memref_slice %arg7[%add3A_13, %dma_start3A_124] : memref<802816x128xf32, #tpu.memory_space<hbm>> -> memref<128x128xf32, #tpu.memory_space<hbm>>
        %dma_start3A_126 = arith.constant 0 : i32
        %dma_start3A_127 = arith.constant 0 : i32
        %dma_start3A_128 = tpu.memref_slice %arg11[%run_scoped3A_90, %dma_start3A_126, %dma_start3A_127] : memref<2x128x128xf32, #tpu.memory_space<vmem>> -> memref<1x128x128xf32, #tpu.memory_space<vmem>>
        %dma_start3A_129 = tpu.memref_squeeze %dma_start3A_128 : memref<1x128x128xf32, #tpu.memory_space<vmem>> -> memref<128x128xf32, #tpu.memory_space<vmem>>
        tpu.enqueue_dma source(%dma_start3A_129 : memref<128x128xf32, #tpu.memory_space<vmem>>) target(%dma_start3A_125 : memref<128x128xf32, #tpu.memory_space<hbm>>) target_semaphore(%run_scoped3A_117 : memref<!tpu.dma_semaphore, #tpu.memory_space<semaphore_mem>>)
        %dma_wait3A_130 = arith.constant 0 : i32
        %dma_wait3A_131 = arith.constant 0 : i32
        %dma_wait3A_132 = tpu.memref_slice %arg11[%run_scoped3A_90, %dma_wait3A_130, %dma_wait3A_131] : memref<2x128x128xf32, #tpu.memory_space<vmem>> -> memref<1x128x128xf32, #tpu.memory_space<vmem>>
        %dma_wait3A_133 = tpu.memref_squeeze %dma_wait3A_132 : memref<1x128x128xf32, #tpu.memory_space<vmem>> -> memref<128x128xf32, #tpu.memory_space<vmem>>
        %dma_wait3A_134 = arith.constant 0 : i32
        %dma_wait3A_135 = tpu.memref_slice %arg7[%add3A_13, %dma_wait3A_134] : memref<802816x128xf32, #tpu.memory_space<hbm>> -> memref<128x128xf32, #tpu.memory_space<hbm>>
        %dma_wait3A_136 = arith.constant 0 : i32
        %dma_wait3A_137 = tpu.memref_slice %arg7[%add3A_13, %dma_wait3A_136] : memref<802816x128xf32, #tpu.memory_space<hbm>> -> memref<128x128xf32, #tpu.memory_space<hbm>>
        %dma_wait3A_138 = arith.constant 0 : i32
        %dma_wait3A_139 = arith.constant 0 : i32
        %dma_wait3A_140 = tpu.memref_slice %arg11[%run_scoped3A_90, %dma_wait3A_138, %dma_wait3A_139] : memref<2x128x128xf32, #tpu.memory_space<vmem>> -> memref<1x128x128xf32, #tpu.memory_space<vmem>>
        %dma_wait3A_141 = tpu.memref_squeeze %dma_wait3A_140 : memref<1x128x128xf32, #tpu.memory_space<vmem>> -> memref<128x128xf32, #tpu.memory_space<vmem>>
        tpu.wait_dma2 semaphore(%run_scoped3A_117 : memref<!tpu.dma_semaphore, #tpu.memory_space<semaphore_mem>>) src(%dma_wait3A_141 : memref<128x128xf32, #tpu.memory_space<vmem>>) dst(%dma_wait3A_137 : memref<128x128xf32, #tpu.memory_space<hbm>>)
        tpu.yield
      }) : () -> ()
      %dma_wait3A_91 = arith.constant 1 : i32
      %dma_wait3A_92 = arith.constant 1 : i32
      %dma_wait3A_93 = arith.constant 0 : i32
      %dma_wait3A_94 = arith.constant 0 : i32
      %dma_wait3A_95 = tpu.memref_slice %arg10[%dma_wait3A_92, %dma_wait3A_93, %dma_wait3A_94] : memref<2x128x128xf32, #tpu.memory_space<vmem>> -> memref<1x128x128xf32, #tpu.memory_space<vmem>>
      %dma_wait3A_96 = tpu.memref_squeeze %dma_wait3A_95 : memref<1x128x128xf32, #tpu.memory_space<vmem>> -> memref<128x128xf32, #tpu.memory_space<vmem>>
      %dma_wait3A_97 = arith.constant 0 : i32
      %dma_wait3A_98 = tpu.memref_slice %arg8[%dma_wait3A_91, %dma_wait3A_97] : memref<2x128xi32, #tpu.memory_space<vmem>> -> memref<1x128xi32, #tpu.memory_space<vmem>>
      %dma_wait3A_99 = tpu.memref_squeeze %dma_wait3A_98 : memref<1x128xi32, #tpu.memory_space<vmem>> -> memref<128xi32, #tpu.memory_space<vmem>>
      %dma_wait3A_100 = arith.constant 0 : i32
      %dma_wait3A_101 = arith.constant 0 : i32
      %dma_wait3A_102 = tpu.memref_slice %arg4[%dma_wait3A_100, %dma_wait3A_101] : memref<50000x128xf32, #tpu.memory_space<hbm>> -> memref<50000x128xf32, #tpu.memory_space<hbm>>
      tpu.wait_indirect_dma semaphore(%arg12 : memref<!tpu.dma_semaphore, #tpu.memory_space<semaphore_mem>>) src(%dma_wait3A_102 : memref<50000x128xf32, #tpu.memory_space<hbm>>) dst(%dma_wait3A_96 : memref<128x128xf32, #tpu.memory_space<vmem>>)
      %dma_wait3A_103 = arith.constant 1 : i32
      %dma_wait3A_104 = arith.constant 1 : i32
      %dma_wait3A_105 = arith.constant 0 : i32
      %dma_wait3A_106 = arith.constant 0 : i32
      %dma_wait3A_107 = tpu.memref_slice %arg11[%dma_wait3A_104, %dma_wait3A_105, %dma_wait3A_106] : memref<2x128x128xf32, #tpu.memory_space<vmem>> -> memref<1x128x128xf32, #tpu.memory_space<vmem>>
      %dma_wait3A_108 = tpu.memref_squeeze %dma_wait3A_107 : memref<1x128x128xf32, #tpu.memory_space<vmem>> -> memref<128x128xf32, #tpu.memory_space<vmem>>
      %dma_wait3A_109 = arith.constant 0 : i32
      %dma_wait3A_110 = tpu.memref_slice %arg9[%dma_wait3A_103, %dma_wait3A_109] : memref<2x128xi32, #tpu.memory_space<vmem>> -> memref<1x128xi32, #tpu.memory_space<vmem>>
      %dma_wait3A_111 = tpu.memref_squeeze %dma_wait3A_110 : memref<1x128xi32, #tpu.memory_space<vmem>> -> memref<128xi32, #tpu.memory_space<vmem>>
      %dma_wait3A_112 = arith.constant 0 : i32
      %dma_wait3A_113 = arith.constant 0 : i32
      %dma_wait3A_114 = tpu.memref_slice %arg5[%dma_wait3A_112, %dma_wait3A_113] : memref<50000x128xf32, #tpu.memory_space<hbm>> -> memref<50000x128xf32, #tpu.memory_space<hbm>>
      tpu.wait_indirect_dma semaphore(%arg13 : memref<!tpu.dma_semaphore, #tpu.memory_space<semaphore_mem>>) src(%dma_wait3A_114 : memref<50000x128xf32, #tpu.memory_space<hbm>>) dst(%dma_wait3A_108 : memref<128x128xf32, #tpu.memory_space<vmem>>)
      %run_scoped3A_115 = arith.constant 1 : i32
      "tpu.region"() ({
        %run_scoped3A_117 = tpu.sem_alloc : memref<!tpu.dma_semaphore, #tpu.memory_space<semaphore_mem>>
        %dma_start3A_118 = arith.constant 0 : i32
        %dma_start3A_119 = arith.constant 0 : i32
        %dma_start3A_120 = tpu.memref_slice %arg10[%run_scoped3A_115, %dma_start3A_118, %dma_start3A_119] : memref<2x128x128xf32, #tpu.memory_space<vmem>> -> memref<1x128x128xf32, #tpu.memory_space<vmem>>
        %dma_start3A_121 = tpu.memref_squeeze %dma_start3A_120 : memref<1x128x128xf32, #tpu.memory_space<vmem>> -> memref<128x128xf32, #tpu.memory_space<vmem>>
        %dma_start3A_122 = arith.constant 0 : i32
        %dma_start3A_123 = tpu.memref_slice %arg6[%add3A_15, %dma_start3A_122] : memref<802816x128xf32, #tpu.memory_space<hbm>> -> memref<128x128xf32, #tpu.memory_space<hbm>>
        %dma_start3A_124 = arith.constant 0 : i32
        %dma_start3A_125 = tpu.memref_slice %arg6[%add3A_15, %dma_start3A_124] : memref<802816x128xf32, #tpu.memory_space<hbm>> -> memref<128x128xf32, #tpu.memory_space<hbm>>
        %dma_start3A_126 = arith.constant 0 : i32
        %dma_start3A_127 = arith.constant 0 : i32
        %dma_start3A_128 = tpu.memref_slice %arg10[%run_scoped3A_115, %dma_start3A_126, %dma_start3A_127] : memref<2x128x128xf32, #tpu.memory_space<vmem>> -> memref<1x128x128xf32, #tpu.memory_space<vmem>>
        %dma_start3A_129 = tpu.memref_squeeze %dma_start3A_128 : memref<1x128x128xf32, #tpu.memory_space<vmem>> -> memref<128x128xf32, #tpu.memory_space<vmem>>
        tpu.enqueue_dma source(%dma_start3A_129 : memref<128x128xf32, #tpu.memory_space<vmem>>) target(%dma_start3A_125 : memref<128x128xf32, #tpu.memory_space<hbm>>) target_semaphore(%run_scoped3A_117 : memref<!tpu.dma_semaphore, #tpu.memory_space<semaphore_mem>>)
        %dma_wait3A_130 = arith.constant 0 : i32
        %dma_wait3A_131 = arith.constant 0 : i32
        %dma_wait3A_132 = tpu.memref_slice %arg10[%run_scoped3A_115, %dma_wait3A_130, %dma_wait3A_131] : memref<2x128x128xf32, #tpu.memory_space<vmem>> -> memref<1x128x128xf32, #tpu.memory_space<vmem>>
        %dma_wait3A_133 = tpu.memref_squeeze %dma_wait3A_132 : memref<1x128x128xf32, #tpu.memory_space<vmem>> -> memref<128x128xf32, #tpu.memory_space<vmem>>
        %dma_wait3A_134 = arith.constant 0 : i32
        %dma_wait3A_135 = tpu.memref_slice %arg6[%add3A_15, %dma_wait3A_134] : memref<802816x128xf32, #tpu.memory_space<hbm>> -> memref<128x128xf32, #tpu.memory_space<hbm>>
        %dma_wait3A_136 = arith.constant 0 : i32
        %dma_wait3A_137 = tpu.memref_slice %arg6[%add3A_15, %dma_wait3A_136] : memref<802816x128xf32, #tpu.memory_space<hbm>> -> memref<128x128xf32, #tpu.memory_space<hbm>>
        %dma_wait3A_138 = arith.constant 0 : i32
        %dma_wait3A_139 = arith.constant 0 : i32
        %dma_wait3A_140 = tpu.memref_slice %arg10[%run_scoped3A_115, %dma_wait3A_138, %dma_wait3A_139] : memref<2x128x128xf32, #tpu.memory_space<vmem>> -> memref<1x128x128xf32, #tpu.memory_space<vmem>>
        %dma_wait3A_141 = tpu.memref_squeeze %dma_wait3A_140 : memref<1x128x128xf32, #tpu.memory_space<vmem>> -> memref<128x128xf32, #tpu.memory_space<vmem>>
        tpu.wait_dma2 semaphore(%run_scoped3A_117 : memref<!tpu.dma_semaphore, #tpu.memory_space<semaphore_mem>>) src(%dma_wait3A_141 : memref<128x128xf32, #tpu.memory_space<vmem>>) dst(%dma_wait3A_137 : memref<128x128xf32, #tpu.memory_space<hbm>>)
        tpu.yield
      }) : () -> ()
      %run_scoped3A_116 = arith.constant 1 : i32
      "tpu.region"() ({
        %run_scoped3A_117 = tpu.sem_alloc : memref<!tpu.dma_semaphore, #tpu.memory_space<semaphore_mem>>
        %dma_start3A_118 = arith.constant 0 : i32
        %dma_start3A_119 = arith.constant 0 : i32
        %dma_start3A_120 = tpu.memref_slice %arg11[%run_scoped3A_116, %dma_start3A_118, %dma_start3A_119] : memref<2x128x128xf32, #tpu.memory_space<vmem>> -> memref<1x128x128xf32, #tpu.memory_space<vmem>>
        %dma_start3A_121 = tpu.memref_squeeze %dma_start3A_120 : memref<1x128x128xf32, #tpu.memory_space<vmem>> -> memref<128x128xf32, #tpu.memory_space<vmem>>
        %dma_start3A_122 = arith.constant 0 : i32
        %dma_start3A_123 = tpu.memref_slice %arg7[%add3A_15, %dma_start3A_122] : memref<802816x128xf32, #tpu.memory_space<hbm>> -> memref<128x128xf32, #tpu.memory_space<hbm>>
        %dma_start3A_124 = arith.constant 0 : i32
        %dma_start3A_125 = tpu.memref_slice %arg7[%add3A_15, %dma_start3A_124] : memref<802816x128xf32, #tpu.memory_space<hbm>> -> memref<128x128xf32, #tpu.memory_space<hbm>>
        %dma_start3A_126 = arith.constant 0 : i32
        %dma_start3A_127 = arith.constant 0 : i32
        %dma_start3A_128 = tpu.memref_slice %arg11[%run_scoped3A_116, %dma_start3A_126, %dma_start3A_127] : memref<2x128x128xf32, #tpu.memory_space<vmem>> -> memref<1x128x128xf32, #tpu.memory_space<vmem>>
        %dma_start3A_129 = tpu.memref_squeeze %dma_start3A_128 : memref<1x128x128xf32, #tpu.memory_space<vmem>> -> memref<128x128xf32, #tpu.memory_space<vmem>>
        tpu.enqueue_dma source(%dma_start3A_129 : memref<128x128xf32, #tpu.memory_space<vmem>>) target(%dma_start3A_125 : memref<128x128xf32, #tpu.memory_space<hbm>>) target_semaphore(%run_scoped3A_117 : memref<!tpu.dma_semaphore, #tpu.memory_space<semaphore_mem>>)
        %dma_wait3A_130 = arith.constant 0 : i32
        %dma_wait3A_131 = arith.constant 0 : i32
        %dma_wait3A_132 = tpu.memref_slice %arg11[%run_scoped3A_116, %dma_wait3A_130, %dma_wait3A_131] : memref<2x128x128xf32, #tpu.memory_space<vmem>> -> memref<1x128x128xf32, #tpu.memory_space<vmem>>
        %dma_wait3A_133 = tpu.memref_squeeze %dma_wait3A_132 : memref<1x128x128xf32, #tpu.memory_space<vmem>> -> memref<128x128xf32, #tpu.memory_space<vmem>>
        %dma_wait3A_134 = arith.constant 0 : i32
        %dma_wait3A_135 = tpu.memref_slice %arg7[%add3A_15, %dma_wait3A_134] : memref<802816x128xf32, #tpu.memory_space<hbm>> -> memref<128x128xf32, #tpu.memory_space<hbm>>
        %dma_wait3A_136 = arith.constant 0 : i32
        %dma_wait3A_137 = tpu.memref_slice %arg7[%add3A_15, %dma_wait3A_136] : memref<802816x128xf32, #tpu.memory_space<hbm>> -> memref<128x128xf32, #tpu.memory_space<hbm>>
        %dma_wait3A_138 = arith.constant 0 : i32
        %dma_wait3A_139 = arith.constant 0 : i32
        %dma_wait3A_140 = tpu.memref_slice %arg11[%run_scoped3A_116, %dma_wait3A_138, %dma_wait3A_139] : memref<2x128x128xf32, #tpu.memory_space<vmem>> -> memref<1x128x128xf32, #tpu.memory_space<vmem>>
        %dma_wait3A_141 = tpu.memref_squeeze %dma_wait3A_140 : memref<1x128x128xf32, #tpu.memory_space<vmem>> -> memref<128x128xf32, #tpu.memory_space<vmem>>
        tpu.wait_dma2 semaphore(%run_scoped3A_117 : memref<!tpu.dma_semaphore, #tpu.memory_space<semaphore_mem>>) src(%dma_wait3A_141 : memref<128x128xf32, #tpu.memory_space<vmem>>) dst(%dma_wait3A_137 : memref<128x128xf32, #tpu.memory_space<hbm>>)
        tpu.yield
      }) : () -> ()
    }
    %scan3A_7 = arith.constant 98 : i32
    return
  }
}

#map = affine_map<(d0, d1) -> (0)>
#map1 = affine_map<(d0, d1) -> (0, 0)>
module attributes {stable_mosaic.version = 14 : i64} {
  func.func @k(%arg0: i32, %arg1: i32, %arg2: memref<802816xi32, #tpu.memory_space<hbm>>, %arg3: memref<802816xi32, #tpu.memory_space<hbm>>, %arg4: memref<50176x128xf32, #tpu.memory_space<hbm>>, %arg5: memref<50176x128xf32, #tpu.memory_space<hbm>>, %arg6: memref<802816x128xf32, #tpu.memory_space<hbm>>, %arg7: memref<802816x128xf32, #tpu.memory_space<hbm>>, %arg8: memref<2x128xi32, #tpu.memory_space<vmem>>, %arg9: memref<2x128xi32, #tpu.memory_space<vmem>>, %arg10: memref<2x128x128xf32, #tpu.memory_space<vmem>>, %arg11: memref<2x128x128xf32, #tpu.memory_space<vmem>>, %arg12: memref<!tpu.dma_semaphore, #tpu.memory_space<semaphore_mem>>, %arg13: memref<!tpu.dma_semaphore, #tpu.memory_space<semaphore_mem>>) attributes {dimension_semantics = [#tpu.dimension_semantics<core_parallel>, #tpu.dimension_semantics<subcore_parallel>], iteration_bounds = array<i64: 2, 16>, scalar_prefetch = 0 : i64, scratch_operands = 6 : i64, tpu.core_type = #tpu.core_type<sc_vector_subcore>, window_params = [{transform_indices = #map}, {transform_indices = #map}, {transform_indices = #map1}, {transform_indices = #map1}, {transform_indices = #map1}, {transform_indices = #map1}]} {
    %mul3A = arith.constant 2 : i32
    %mul3A_0 = arith.muli %arg1, %mul3A : i32
    %add3A = arith.addi %mul3A_0, %arg0 : i32
    %mul3A_1 = arith.constant 25088 : i32
    %mul3A_2 = arith.muli %add3A, %mul3A_1 : i32
    %scan3A = arith.constant 0 : i32
    %scan3A_3 = arith.constant 0 : i32
    %scan3A_4 = arith.constant 98 : i32
    %scan3A_5 = arith.addi %scan3A_3, %scan3A_4 : i32
    %scan3A_6 = arith.constant 1 : i32
    scf.for %scan3A_8 = %scan3A_3 to %scan3A_5 step %scan3A_6  : i32 {
      %mul3A_9 = arith.constant 2 : i32
      %mul3A_10 = arith.muli %mul3A_9, %scan3A_8 : i32
      %mul3A_11 = arith.constant 128 : i32
      %mul3A_12 = arith.muli %mul3A_10, %mul3A_11 : i32
      %add3A_13 = arith.addi %mul3A_2, %mul3A_12 : i32
      %add3A_14 = arith.constant 128 : i32
      %add3A_15 = arith.addi %add3A_13, %add3A_14 : i32
      %run_scoped3A = arith.constant 0 : i32
      "tpu.region"() ({
        %run_scoped3A_117 = tpu.sem_alloc : memref<!tpu.dma_semaphore, #tpu.memory_space<semaphore_mem>>
        %dma_start3A_118 = arith.constant 0 : i32
        %dma_start3A_119 = tpu.memref_slice %arg8[%run_scoped3A, %dma_start3A_118] : memref<2x128xi32, #tpu.memory_space<vmem>> -> memref<1x128xi32, #tpu.memory_space<vmem>>
        %dma_start3A_120 = tpu.memref_squeeze %dma_start3A_119 : memref<1x128xi32, #tpu.memory_space<vmem>> -> memref<128xi32, #tpu.memory_space<vmem>>
        %dma_start3A_121 = tpu.memref_slice %arg2[%add3A_13] : memref<802816xi32, #tpu.memory_space<hbm>> -> memref<128xi32, #tpu.memory_space<hbm>>
        %dma_start3A_122 = arith.constant 0 : i32
        %dma_start3A_123 = tpu.memref_slice %arg8[%run_scoped3A, %dma_start3A_122] : memref<2x128xi32, #tpu.memory_space<vmem>> -> memref<1x128xi32, #tpu.memory_space<vmem>>
        %dma_start3A_124 = tpu.memref_squeeze %dma_start3A_123 : memref<1x128xi32, #tpu.memory_space<vmem>> -> memref<128xi32, #tpu.memory_space<vmem>>
        %dma_start3A_125 = tpu.memref_slice %arg2[%add3A_13] : memref<802816xi32, #tpu.memory_space<hbm>> -> memref<128xi32, #tpu.memory_space<hbm>>
        tpu.enqueue_dma source(%dma_start3A_125 : memref<128xi32, #tpu.memory_space<hbm>>) target(%dma_start3A_124 : memref<128xi32, #tpu.memory_space<vmem>>) target_semaphore(%run_scoped3A_117 : memref<!tpu.dma_semaphore, #tpu.memory_space<semaphore_mem>>)
        %dma_wait3A_126 = arith.constant 0 : i32
        %dma_wait3A_127 = tpu.memref_slice %arg8[%run_scoped3A, %dma_wait3A_126] : memref<2x128xi32, #tpu.memory_space<vmem>> -> memref<1x128xi32, #tpu.memory_space<vmem>>
        %dma_wait3A_128 = tpu.memref_squeeze %dma_wait3A_127 : memref<1x128xi32, #tpu.memory_space<vmem>> -> memref<128xi32, #tpu.memory_space<vmem>>
        %dma_wait3A_129 = tpu.memref_slice %arg2[%add3A_13] : memref<802816xi32, #tpu.memory_space<hbm>> -> memref<128xi32, #tpu.memory_space<hbm>>
        %dma_wait3A_130 = arith.constant 0 : i32
        %dma_wait3A_131 = tpu.memref_slice %arg8[%run_scoped3A, %dma_wait3A_130] : memref<2x128xi32, #tpu.memory_space<vmem>> -> memref<1x128xi32, #tpu.memory_space<vmem>>
        %dma_wait3A_132 = tpu.memref_squeeze %dma_wait3A_131 : memref<1x128xi32, #tpu.memory_space<vmem>> -> memref<128xi32, #tpu.memory_space<vmem>>
        %dma_wait3A_133 = tpu.memref_slice %arg2[%add3A_13] : memref<802816xi32, #tpu.memory_space<hbm>> -> memref<128xi32, #tpu.memory_space<hbm>>
        tpu.wait_dma2 semaphore(%run_scoped3A_117 : memref<!tpu.dma_semaphore, #tpu.memory_space<semaphore_mem>>) src(%dma_wait3A_133 : memref<128xi32, #tpu.memory_space<hbm>>) dst(%dma_wait3A_132 : memref<128xi32, #tpu.memory_space<vmem>>)
        tpu.yield
      }) : () -> ()
      %run_scoped3A_16 = arith.constant 0 : i32
      "tpu.region"() ({
        %run_scoped3A_117 = tpu.sem_alloc : memref<!tpu.dma_semaphore, #tpu.memory_space<semaphore_mem>>
        %dma_start3A_118 = arith.constant 0 : i32
        %dma_start3A_119 = tpu.memref_slice %arg9[%run_scoped3A_16, %dma_start3A_118] : memref<2x128xi32, #tpu.memory_space<vmem>> -> memref<1x128xi32, #tpu.memory_space<vmem>>
        %dma_start3A_120 = tpu.memref_squeeze %dma_start3A_119 : memref<1x128xi32, #tpu.memory_space<vmem>> -> memref<128xi32, #tpu.memory_space<vmem>>
        %dma_start3A_121 = tpu.memref_slice %arg3[%add3A_13] : memref<802816xi32, #tpu.memory_space<hbm>> -> memref<128xi32, #tpu.memory_space<hbm>>
        %dma_start3A_122 = arith.constant 0 : i32
        %dma_start3A_123 = tpu.memref_slice %arg9[%run_scoped3A_16, %dma_start3A_122] : memref<2x128xi32, #tpu.memory_space<vmem>> -> memref<1x128xi32, #tpu.memory_space<vmem>>
        %dma_start3A_124 = tpu.memref_squeeze %dma_start3A_123 : memref<1x128xi32, #tpu.memory_space<vmem>> -> memref<128xi32, #tpu.memory_space<vmem>>
        %dma_start3A_125 = tpu.memref_slice %arg3[%add3A_13] : memref<802816xi32, #tpu.memory_space<hbm>> -> memref<128xi32, #tpu.memory_space<hbm>>
        tpu.enqueue_dma source(%dma_start3A_125 : memref<128xi32, #tpu.memory_space<hbm>>) target(%dma_start3A_124 : memref<128xi32, #tpu.memory_space<vmem>>) target_semaphore(%run_scoped3A_117 : memref<!tpu.dma_semaphore, #tpu.memory_space<semaphore_mem>>)
        %dma_wait3A_126 = arith.constant 0 : i32
        %dma_wait3A_127 = tpu.memref_slice %arg9[%run_scoped3A_16, %dma_wait3A_126] : memref<2x128xi32, #tpu.memory_space<vmem>> -> memref<1x128xi32, #tpu.memory_space<vmem>>
        %dma_wait3A_128 = tpu.memref_squeeze %dma_wait3A_127 : memref<1x128xi32, #tpu.memory_space<vmem>> -> memref<128xi32, #tpu.memory_space<vmem>>
        %dma_wait3A_129 = tpu.memref_slice %arg3[%add3A_13] : memref<802816xi32, #tpu.memory_space<hbm>> -> memref<128xi32, #tpu.memory_space<hbm>>
        %dma_wait3A_130 = arith.constant 0 : i32
        %dma_wait3A_131 = tpu.memref_slice %arg9[%run_scoped3A_16, %dma_wait3A_130] : memref<2x128xi32, #tpu.memory_space<vmem>> -> memref<1x128xi32, #tpu.memory_space<vmem>>
        %dma_wait3A_132 = tpu.memref_squeeze %dma_wait3A_131 : memref<1x128xi32, #tpu.memory_space<vmem>> -> memref<128xi32, #tpu.memory_space<vmem>>
        %dma_wait3A_133 = tpu.memref_slice %arg3[%add3A_13] : memref<802816xi32, #tpu.memory_space<hbm>> -> memref<128xi32, #tpu.memory_space<hbm>>
        tpu.wait_dma2 semaphore(%run_scoped3A_117 : memref<!tpu.dma_semaphore, #tpu.memory_space<semaphore_mem>>) src(%dma_wait3A_133 : memref<128xi32, #tpu.memory_space<hbm>>) dst(%dma_wait3A_132 : memref<128xi32, #tpu.memory_space<vmem>>)
        tpu.yield
      }) : () -> ()
      %dma_start3A = arith.constant 0 : i32
      %dma_start3A_17 = arith.constant 0 : i32
      %dma_start3A_18 = arith.constant 0 : i32
      %dma_start3A_19 = arith.constant 0 : i32
      %dma_start3A_20 = tpu.memref_slice %arg10[%dma_start3A_17, %dma_start3A_18, %dma_start3A_19] : memref<2x128x128xf32, #tpu.memory_space<vmem>> -> memref<1x128x128xf32, #tpu.memory_space<vmem>>
      %dma_start3A_21 = tpu.memref_squeeze %dma_start3A_20 : memref<1x128x128xf32, #tpu.memory_space<vmem>> -> memref<128x128xf32, #tpu.memory_space<vmem>>
      %dma_start3A_22 = arith.constant 0 : i32
      %dma_start3A_23 = tpu.memref_slice %arg8[%dma_start3A, %dma_start3A_22] : memref<2x128xi32, #tpu.memory_space<vmem>> -> memref<1x128xi32, #tpu.memory_space<vmem>>
      %dma_start3A_24 = tpu.memref_squeeze %dma_start3A_23 : memref<1x128xi32, #tpu.memory_space<vmem>> -> memref<128xi32, #tpu.memory_space<vmem>>
      %dma_start3A_25 = arith.constant 0 : i32
      %dma_start3A_26 = arith.constant 0 : i32
      %dma_start3A_27 = tpu.memref_slice %arg4[%dma_start3A_25, %dma_start3A_26] : memref<50176x128xf32, #tpu.memory_space<hbm>> -> memref<50176x128xf32, #tpu.memory_space<hbm>>
      tpu.enqueue_indirect_dma source(%dma_start3A_27 : memref<50176x128xf32, #tpu.memory_space<hbm>>) target(%dma_start3A_21 : memref<128x128xf32, #tpu.memory_space<vmem>>) offsets(%dma_start3A_24 : memref<128xi32, #tpu.memory_space<vmem>>) semaphore(%arg12 : memref<!tpu.dma_semaphore, #tpu.memory_space<semaphore_mem>>)
      %dma_start3A_28 = arith.constant 0 : i32
      %dma_start3A_29 = arith.constant 0 : i32
      %dma_start3A_30 = arith.constant 0 : i32
      %dma_start3A_31 = arith.constant 0 : i32
      %dma_start3A_32 = tpu.memref_slice %arg11[%dma_start3A_29, %dma_start3A_30, %dma_start3A_31] : memref<2x128x128xf32, #tpu.memory_space<vmem>> -> memref<1x128x128xf32, #tpu.memory_space<vmem>>
      %dma_start3A_33 = tpu.memref_squeeze %dma_start3A_32 : memref<1x128x128xf32, #tpu.memory_space<vmem>> -> memref<128x128xf32, #tpu.memory_space<vmem>>
      %dma_start3A_34 = arith.constant 0 : i32
      %dma_start3A_35 = tpu.memref_slice %arg9[%dma_start3A_28, %dma_start3A_34] : memref<2x128xi32, #tpu.memory_space<vmem>> -> memref<1x128xi32, #tpu.memory_space<vmem>>
      %dma_start3A_36 = tpu.memref_squeeze %dma_start3A_35 : memref<1x128xi32, #tpu.memory_space<vmem>> -> memref<128xi32, #tpu.memory_space<vmem>>
      %dma_start3A_37 = arith.constant 0 : i32
      %dma_start3A_38 = arith.constant 0 : i32
      %dma_start3A_39 = tpu.memref_slice %arg5[%dma_start3A_37, %dma_start3A_38] : memref<50176x128xf32, #tpu.memory_space<hbm>> -> memref<50176x128xf32, #tpu.memory_space<hbm>>
      tpu.enqueue_indirect_dma source(%dma_start3A_39 : memref<50176x128xf32, #tpu.memory_space<hbm>>) target(%dma_start3A_33 : memref<128x128xf32, #tpu.memory_space<vmem>>) offsets(%dma_start3A_36 : memref<128xi32, #tpu.memory_space<vmem>>) semaphore(%arg13 : memref<!tpu.dma_semaphore, #tpu.memory_space<semaphore_mem>>)
      %run_scoped3A_40 = arith.constant 1 : i32
      "tpu.region"() ({
        %run_scoped3A_117 = tpu.sem_alloc : memref<!tpu.dma_semaphore, #tpu.memory_space<semaphore_mem>>
        %dma_start3A_118 = arith.constant 0 : i32
        %dma_start3A_119 = tpu.memref_slice %arg8[%run_scoped3A_40, %dma_start3A_118] : memref<2x128xi32, #tpu.memory_space<vmem>> -> memref<1x128xi32, #tpu.memory_space<vmem>>
        %dma_start3A_120 = tpu.memref_squeeze %dma_start3A_119 : memref<1x128xi32, #tpu.memory_space<vmem>> -> memref<128xi32, #tpu.memory_space<vmem>>
        %dma_start3A_121 = tpu.memref_slice %arg2[%add3A_15] : memref<802816xi32, #tpu.memory_space<hbm>> -> memref<128xi32, #tpu.memory_space<hbm>>
        %dma_start3A_122 = arith.constant 0 : i32
        %dma_start3A_123 = tpu.memref_slice %arg8[%run_scoped3A_40, %dma_start3A_122] : memref<2x128xi32, #tpu.memory_space<vmem>> -> memref<1x128xi32, #tpu.memory_space<vmem>>
        %dma_start3A_124 = tpu.memref_squeeze %dma_start3A_123 : memref<1x128xi32, #tpu.memory_space<vmem>> -> memref<128xi32, #tpu.memory_space<vmem>>
        %dma_start3A_125 = tpu.memref_slice %arg2[%add3A_15] : memref<802816xi32, #tpu.memory_space<hbm>> -> memref<128xi32, #tpu.memory_space<hbm>>
        tpu.enqueue_dma source(%dma_start3A_125 : memref<128xi32, #tpu.memory_space<hbm>>) target(%dma_start3A_124 : memref<128xi32, #tpu.memory_space<vmem>>) target_semaphore(%run_scoped3A_117 : memref<!tpu.dma_semaphore, #tpu.memory_space<semaphore_mem>>)
        %dma_wait3A_126 = arith.constant 0 : i32
        %dma_wait3A_127 = tpu.memref_slice %arg8[%run_scoped3A_40, %dma_wait3A_126] : memref<2x128xi32, #tpu.memory_space<vmem>> -> memref<1x128xi32, #tpu.memory_space<vmem>>
        %dma_wait3A_128 = tpu.memref_squeeze %dma_wait3A_127 : memref<1x128xi32, #tpu.memory_space<vmem>> -> memref<128xi32, #tpu.memory_space<vmem>>
        %dma_wait3A_129 = tpu.memref_slice %arg2[%add3A_15] : memref<802816xi32, #tpu.memory_space<hbm>> -> memref<128xi32, #tpu.memory_space<hbm>>
        %dma_wait3A_130 = arith.constant 0 : i32
        %dma_wait3A_131 = tpu.memref_slice %arg8[%run_scoped3A_40, %dma_wait3A_130] : memref<2x128xi32, #tpu.memory_space<vmem>> -> memref<1x128xi32, #tpu.memory_space<vmem>>
        %dma_wait3A_132 = tpu.memref_squeeze %dma_wait3A_131 : memref<1x128xi32, #tpu.memory_space<vmem>> -> memref<128xi32, #tpu.memory_space<vmem>>
        %dma_wait3A_133 = tpu.memref_slice %arg2[%add3A_15] : memref<802816xi32, #tpu.memory_space<hbm>> -> memref<128xi32, #tpu.memory_space<hbm>>
        tpu.wait_dma2 semaphore(%run_scoped3A_117 : memref<!tpu.dma_semaphore, #tpu.memory_space<semaphore_mem>>) src(%dma_wait3A_133 : memref<128xi32, #tpu.memory_space<hbm>>) dst(%dma_wait3A_132 : memref<128xi32, #tpu.memory_space<vmem>>)
        tpu.yield
      }) : () -> ()
      %run_scoped3A_41 = arith.constant 1 : i32
      "tpu.region"() ({
        %run_scoped3A_117 = tpu.sem_alloc : memref<!tpu.dma_semaphore, #tpu.memory_space<semaphore_mem>>
        %dma_start3A_118 = arith.constant 0 : i32
        %dma_start3A_119 = tpu.memref_slice %arg9[%run_scoped3A_41, %dma_start3A_118] : memref<2x128xi32, #tpu.memory_space<vmem>> -> memref<1x128xi32, #tpu.memory_space<vmem>>
        %dma_start3A_120 = tpu.memref_squeeze %dma_start3A_119 : memref<1x128xi32, #tpu.memory_space<vmem>> -> memref<128xi32, #tpu.memory_space<vmem>>
        %dma_start3A_121 = tpu.memref_slice %arg3[%add3A_15] : memref<802816xi32, #tpu.memory_space<hbm>> -> memref<128xi32, #tpu.memory_space<hbm>>
        %dma_start3A_122 = arith.constant 0 : i32
        %dma_start3A_123 = tpu.memref_slice %arg9[%run_scoped3A_41, %dma_start3A_122] : memref<2x128xi32, #tpu.memory_space<vmem>> -> memref<1x128xi32, #tpu.memory_space<vmem>>
        %dma_start3A_124 = tpu.memref_squeeze %dma_start3A_123 : memref<1x128xi32, #tpu.memory_space<vmem>> -> memref<128xi32, #tpu.memory_space<vmem>>
        %dma_start3A_125 = tpu.memref_slice %arg3[%add3A_15] : memref<802816xi32, #tpu.memory_space<hbm>> -> memref<128xi32, #tpu.memory_space<hbm>>
        tpu.enqueue_dma source(%dma_start3A_125 : memref<128xi32, #tpu.memory_space<hbm>>) target(%dma_start3A_124 : memref<128xi32, #tpu.memory_space<vmem>>) target_semaphore(%run_scoped3A_117 : memref<!tpu.dma_semaphore, #tpu.memory_space<semaphore_mem>>)
        %dma_wait3A_126 = arith.constant 0 : i32
        %dma_wait3A_127 = tpu.memref_slice %arg9[%run_scoped3A_41, %dma_wait3A_126] : memref<2x128xi32, #tpu.memory_space<vmem>> -> memref<1x128xi32, #tpu.memory_space<vmem>>
        %dma_wait3A_128 = tpu.memref_squeeze %dma_wait3A_127 : memref<1x128xi32, #tpu.memory_space<vmem>> -> memref<128xi32, #tpu.memory_space<vmem>>
        %dma_wait3A_129 = tpu.memref_slice %arg3[%add3A_15] : memref<802816xi32, #tpu.memory_space<hbm>> -> memref<128xi32, #tpu.memory_space<hbm>>
        %dma_wait3A_130 = arith.constant 0 : i32
        %dma_wait3A_131 = tpu.memref_slice %arg9[%run_scoped3A_41, %dma_wait3A_130] : memref<2x128xi32, #tpu.memory_space<vmem>> -> memref<1x128xi32, #tpu.memory_space<vmem>>
        %dma_wait3A_132 = tpu.memref_squeeze %dma_wait3A_131 : memref<1x128xi32, #tpu.memory_space<vmem>> -> memref<128xi32, #tpu.memory_space<vmem>>
        %dma_wait3A_133 = tpu.memref_slice %arg3[%add3A_15] : memref<802816xi32, #tpu.memory_space<hbm>> -> memref<128xi32, #tpu.memory_space<hbm>>
        tpu.wait_dma2 semaphore(%run_scoped3A_117 : memref<!tpu.dma_semaphore, #tpu.memory_space<semaphore_mem>>) src(%dma_wait3A_133 : memref<128xi32, #tpu.memory_space<hbm>>) dst(%dma_wait3A_132 : memref<128xi32, #tpu.memory_space<vmem>>)
        tpu.yield
      }) : () -> ()
      %dma_start3A_42 = arith.constant 1 : i32
      %dma_start3A_43 = arith.constant 1 : i32
      %dma_start3A_44 = arith.constant 0 : i32
      %dma_start3A_45 = arith.constant 0 : i32
      %dma_start3A_46 = tpu.memref_slice %arg10[%dma_start3A_43, %dma_start3A_44, %dma_start3A_45] : memref<2x128x128xf32, #tpu.memory_space<vmem>> -> memref<1x128x128xf32, #tpu.memory_space<vmem>>
      %dma_start3A_47 = tpu.memref_squeeze %dma_start3A_46 : memref<1x128x128xf32, #tpu.memory_space<vmem>> -> memref<128x128xf32, #tpu.memory_space<vmem>>
      %dma_start3A_48 = arith.constant 0 : i32
      %dma_start3A_49 = tpu.memref_slice %arg8[%dma_start3A_42, %dma_start3A_48] : memref<2x128xi32, #tpu.memory_space<vmem>> -> memref<1x128xi32, #tpu.memory_space<vmem>>
      %dma_start3A_50 = tpu.memref_squeeze %dma_start3A_49 : memref<1x128xi32, #tpu.memory_space<vmem>> -> memref<128xi32, #tpu.memory_space<vmem>>
      %dma_start3A_51 = arith.constant 0 : i32
      %dma_start3A_52 = arith.constant 0 : i32
      %dma_start3A_53 = tpu.memref_slice %arg4[%dma_start3A_51, %dma_start3A_52] : memref<50176x128xf32, #tpu.memory_space<hbm>> -> memref<50176x128xf32, #tpu.memory_space<hbm>>
      tpu.enqueue_indirect_dma source(%dma_start3A_53 : memref<50176x128xf32, #tpu.memory_space<hbm>>) target(%dma_start3A_47 : memref<128x128xf32, #tpu.memory_space<vmem>>) offsets(%dma_start3A_50 : memref<128xi32, #tpu.memory_space<vmem>>) semaphore(%arg12 : memref<!tpu.dma_semaphore, #tpu.memory_space<semaphore_mem>>)
      %dma_start3A_54 = arith.constant 1 : i32
      %dma_start3A_55 = arith.constant 1 : i32
      %dma_start3A_56 = arith.constant 0 : i32
      %dma_start3A_57 = arith.constant 0 : i32
      %dma_start3A_58 = tpu.memref_slice %arg11[%dma_start3A_55, %dma_start3A_56, %dma_start3A_57] : memref<2x128x128xf32, #tpu.memory_space<vmem>> -> memref<1x128x128xf32, #tpu.memory_space<vmem>>
      %dma_start3A_59 = tpu.memref_squeeze %dma_start3A_58 : memref<1x128x128xf32, #tpu.memory_space<vmem>> -> memref<128x128xf32, #tpu.memory_space<vmem>>
      %dma_start3A_60 = arith.constant 0 : i32
      %dma_start3A_61 = tpu.memref_slice %arg9[%dma_start3A_54, %dma_start3A_60] : memref<2x128xi32, #tpu.memory_space<vmem>> -> memref<1x128xi32, #tpu.memory_space<vmem>>
      %dma_start3A_62 = tpu.memref_squeeze %dma_start3A_61 : memref<1x128xi32, #tpu.memory_space<vmem>> -> memref<128xi32, #tpu.memory_space<vmem>>
      %dma_start3A_63 = arith.constant 0 : i32
      %dma_start3A_64 = arith.constant 0 : i32
      %dma_start3A_65 = tpu.memref_slice %arg5[%dma_start3A_63, %dma_start3A_64] : memref<50176x128xf32, #tpu.memory_space<hbm>> -> memref<50176x128xf32, #tpu.memory_space<hbm>>
      tpu.enqueue_indirect_dma source(%dma_start3A_65 : memref<50176x128xf32, #tpu.memory_space<hbm>>) target(%dma_start3A_59 : memref<128x128xf32, #tpu.memory_space<vmem>>) offsets(%dma_start3A_62 : memref<128xi32, #tpu.memory_space<vmem>>) semaphore(%arg13 : memref<!tpu.dma_semaphore, #tpu.memory_space<semaphore_mem>>)
      %dma_wait3A = arith.constant 0 : i32
      %dma_wait3A_66 = arith.constant 0 : i32
      %dma_wait3A_67 = arith.constant 0 : i32
      %dma_wait3A_68 = arith.constant 0 : i32
      %dma_wait3A_69 = tpu.memref_slice %arg10[%dma_wait3A_66, %dma_wait3A_67, %dma_wait3A_68] : memref<2x128x128xf32, #tpu.memory_space<vmem>> -> memref<1x128x128xf32, #tpu.memory_space<vmem>>
      %dma_wait3A_70 = tpu.memref_squeeze %dma_wait3A_69 : memref<1x128x128xf32, #tpu.memory_space<vmem>> -> memref<128x128xf32, #tpu.memory_space<vmem>>
      %dma_wait3A_71 = arith.constant 0 : i32
      %dma_wait3A_72 = tpu.memref_slice %arg8[%dma_wait3A, %dma_wait3A_71] : memref<2x128xi32, #tpu.memory_space<vmem>> -> memref<1x128xi32, #tpu.memory_space<vmem>>
      %dma_wait3A_73 = tpu.memref_squeeze %dma_wait3A_72 : memref<1x128xi32, #tpu.memory_space<vmem>> -> memref<128xi32, #tpu.memory_space<vmem>>
      %dma_wait3A_74 = arith.constant 0 : i32
      %dma_wait3A_75 = arith.constant 0 : i32
      %dma_wait3A_76 = tpu.memref_slice %arg4[%dma_wait3A_74, %dma_wait3A_75] : memref<50176x128xf32, #tpu.memory_space<hbm>> -> memref<50176x128xf32, #tpu.memory_space<hbm>>
      tpu.wait_indirect_dma semaphore(%arg12 : memref<!tpu.dma_semaphore, #tpu.memory_space<semaphore_mem>>) src(%dma_wait3A_76 : memref<50176x128xf32, #tpu.memory_space<hbm>>) dst(%dma_wait3A_70 : memref<128x128xf32, #tpu.memory_space<vmem>>)
      %dma_wait3A_77 = arith.constant 0 : i32
      %dma_wait3A_78 = arith.constant 0 : i32
      %dma_wait3A_79 = arith.constant 0 : i32
      %dma_wait3A_80 = arith.constant 0 : i32
      %dma_wait3A_81 = tpu.memref_slice %arg11[%dma_wait3A_78, %dma_wait3A_79, %dma_wait3A_80] : memref<2x128x128xf32, #tpu.memory_space<vmem>> -> memref<1x128x128xf32, #tpu.memory_space<vmem>>
      %dma_wait3A_82 = tpu.memref_squeeze %dma_wait3A_81 : memref<1x128x128xf32, #tpu.memory_space<vmem>> -> memref<128x128xf32, #tpu.memory_space<vmem>>
      %dma_wait3A_83 = arith.constant 0 : i32
      %dma_wait3A_84 = tpu.memref_slice %arg9[%dma_wait3A_77, %dma_wait3A_83] : memref<2x128xi32, #tpu.memory_space<vmem>> -> memref<1x128xi32, #tpu.memory_space<vmem>>
      %dma_wait3A_85 = tpu.memref_squeeze %dma_wait3A_84 : memref<1x128xi32, #tpu.memory_space<vmem>> -> memref<128xi32, #tpu.memory_space<vmem>>
      %dma_wait3A_86 = arith.constant 0 : i32
      %dma_wait3A_87 = arith.constant 0 : i32
      %dma_wait3A_88 = tpu.memref_slice %arg5[%dma_wait3A_86, %dma_wait3A_87] : memref<50176x128xf32, #tpu.memory_space<hbm>> -> memref<50176x128xf32, #tpu.memory_space<hbm>>
      tpu.wait_indirect_dma semaphore(%arg13 : memref<!tpu.dma_semaphore, #tpu.memory_space<semaphore_mem>>) src(%dma_wait3A_88 : memref<50176x128xf32, #tpu.memory_space<hbm>>) dst(%dma_wait3A_82 : memref<128x128xf32, #tpu.memory_space<vmem>>)
      %run_scoped3A_89 = arith.constant 0 : i32
      "tpu.region"() ({
        %run_scoped3A_117 = tpu.sem_alloc : memref<!tpu.dma_semaphore, #tpu.memory_space<semaphore_mem>>
        %dma_start3A_118 = arith.constant 0 : i32
        %dma_start3A_119 = arith.constant 0 : i32
        %dma_start3A_120 = tpu.memref_slice %arg10[%run_scoped3A_89, %dma_start3A_118, %dma_start3A_119] : memref<2x128x128xf32, #tpu.memory_space<vmem>> -> memref<1x128x128xf32, #tpu.memory_space<vmem>>
        %dma_start3A_121 = tpu.memref_squeeze %dma_start3A_120 : memref<1x128x128xf32, #tpu.memory_space<vmem>> -> memref<128x128xf32, #tpu.memory_space<vmem>>
        %dma_start3A_122 = arith.constant 0 : i32
        %dma_start3A_123 = tpu.memref_slice %arg6[%add3A_13, %dma_start3A_122] : memref<802816x128xf32, #tpu.memory_space<hbm>> -> memref<128x128xf32, #tpu.memory_space<hbm>>
        %dma_start3A_124 = arith.constant 0 : i32
        %dma_start3A_125 = tpu.memref_slice %arg6[%add3A_13, %dma_start3A_124] : memref<802816x128xf32, #tpu.memory_space<hbm>> -> memref<128x128xf32, #tpu.memory_space<hbm>>
        %dma_start3A_126 = arith.constant 0 : i32
        %dma_start3A_127 = arith.constant 0 : i32
        %dma_start3A_128 = tpu.memref_slice %arg10[%run_scoped3A_89, %dma_start3A_126, %dma_start3A_127] : memref<2x128x128xf32, #tpu.memory_space<vmem>> -> memref<1x128x128xf32, #tpu.memory_space<vmem>>
        %dma_start3A_129 = tpu.memref_squeeze %dma_start3A_128 : memref<1x128x128xf32, #tpu.memory_space<vmem>> -> memref<128x128xf32, #tpu.memory_space<vmem>>
        tpu.enqueue_dma source(%dma_start3A_129 : memref<128x128xf32, #tpu.memory_space<vmem>>) target(%dma_start3A_125 : memref<128x128xf32, #tpu.memory_space<hbm>>) target_semaphore(%run_scoped3A_117 : memref<!tpu.dma_semaphore, #tpu.memory_space<semaphore_mem>>)
        %dma_wait3A_130 = arith.constant 0 : i32
        %dma_wait3A_131 = arith.constant 0 : i32
        %dma_wait3A_132 = tpu.memref_slice %arg10[%run_scoped3A_89, %dma_wait3A_130, %dma_wait3A_131] : memref<2x128x128xf32, #tpu.memory_space<vmem>> -> memref<1x128x128xf32, #tpu.memory_space<vmem>>
        %dma_wait3A_133 = tpu.memref_squeeze %dma_wait3A_132 : memref<1x128x128xf32, #tpu.memory_space<vmem>> -> memref<128x128xf32, #tpu.memory_space<vmem>>
        %dma_wait3A_134 = arith.constant 0 : i32
        %dma_wait3A_135 = tpu.memref_slice %arg6[%add3A_13, %dma_wait3A_134] : memref<802816x128xf32, #tpu.memory_space<hbm>> -> memref<128x128xf32, #tpu.memory_space<hbm>>
        %dma_wait3A_136 = arith.constant 0 : i32
        %dma_wait3A_137 = tpu.memref_slice %arg6[%add3A_13, %dma_wait3A_136] : memref<802816x128xf32, #tpu.memory_space<hbm>> -> memref<128x128xf32, #tpu.memory_space<hbm>>
        %dma_wait3A_138 = arith.constant 0 : i32
        %dma_wait3A_139 = arith.constant 0 : i32
        %dma_wait3A_140 = tpu.memref_slice %arg10[%run_scoped3A_89, %dma_wait3A_138, %dma_wait3A_139] : memref<2x128x128xf32, #tpu.memory_space<vmem>> -> memref<1x128x128xf32, #tpu.memory_space<vmem>>
        %dma_wait3A_141 = tpu.memref_squeeze %dma_wait3A_140 : memref<1x128x128xf32, #tpu.memory_space<vmem>> -> memref<128x128xf32, #tpu.memory_space<vmem>>
        tpu.wait_dma2 semaphore(%run_scoped3A_117 : memref<!tpu.dma_semaphore, #tpu.memory_space<semaphore_mem>>) src(%dma_wait3A_141 : memref<128x128xf32, #tpu.memory_space<vmem>>) dst(%dma_wait3A_137 : memref<128x128xf32, #tpu.memory_space<hbm>>)
        tpu.yield
      }) : () -> ()
      %run_scoped3A_90 = arith.constant 0 : i32
      "tpu.region"() ({
        %run_scoped3A_117 = tpu.sem_alloc : memref<!tpu.dma_semaphore, #tpu.memory_space<semaphore_mem>>
        %dma_start3A_118 = arith.constant 0 : i32
        %dma_start3A_119 = arith.constant 0 : i32
        %dma_start3A_120 = tpu.memref_slice %arg11[%run_scoped3A_90, %dma_start3A_118, %dma_start3A_119] : memref<2x128x128xf32, #tpu.memory_space<vmem>> -> memref<1x128x128xf32, #tpu.memory_space<vmem>>
        %dma_start3A_121 = tpu.memref_squeeze %dma_start3A_120 : memref<1x128x128xf32, #tpu.memory_space<vmem>> -> memref<128x128xf32, #tpu.memory_space<vmem>>
        %dma_start3A_122 = arith.constant 0 : i32
        %dma_start3A_123 = tpu.memref_slice %arg7[%add3A_13, %dma_start3A_122] : memref<802816x128xf32, #tpu.memory_space<hbm>> -> memref<128x128xf32, #tpu.memory_space<hbm>>
        %dma_start3A_124 = arith.constant 0 : i32
        %dma_start3A_125 = tpu.memref_slice %arg7[%add3A_13, %dma_start3A_124] : memref<802816x128xf32, #tpu.memory_space<hbm>> -> memref<128x128xf32, #tpu.memory_space<hbm>>
        %dma_start3A_126 = arith.constant 0 : i32
        %dma_start3A_127 = arith.constant 0 : i32
        %dma_start3A_128 = tpu.memref_slice %arg11[%run_scoped3A_90, %dma_start3A_126, %dma_start3A_127] : memref<2x128x128xf32, #tpu.memory_space<vmem>> -> memref<1x128x128xf32, #tpu.memory_space<vmem>>
        %dma_start3A_129 = tpu.memref_squeeze %dma_start3A_128 : memref<1x128x128xf32, #tpu.memory_space<vmem>> -> memref<128x128xf32, #tpu.memory_space<vmem>>
        tpu.enqueue_dma source(%dma_start3A_129 : memref<128x128xf32, #tpu.memory_space<vmem>>) target(%dma_start3A_125 : memref<128x128xf32, #tpu.memory_space<hbm>>) target_semaphore(%run_scoped3A_117 : memref<!tpu.dma_semaphore, #tpu.memory_space<semaphore_mem>>)
        %dma_wait3A_130 = arith.constant 0 : i32
        %dma_wait3A_131 = arith.constant 0 : i32
        %dma_wait3A_132 = tpu.memref_slice %arg11[%run_scoped3A_90, %dma_wait3A_130, %dma_wait3A_131] : memref<2x128x128xf32, #tpu.memory_space<vmem>> -> memref<1x128x128xf32, #tpu.memory_space<vmem>>
        %dma_wait3A_133 = tpu.memref_squeeze %dma_wait3A_132 : memref<1x128x128xf32, #tpu.memory_space<vmem>> -> memref<128x128xf32, #tpu.memory_space<vmem>>
        %dma_wait3A_134 = arith.constant 0 : i32
        %dma_wait3A_135 = tpu.memref_slice %arg7[%add3A_13, %dma_wait3A_134] : memref<802816x128xf32, #tpu.memory_space<hbm>> -> memref<128x128xf32, #tpu.memory_space<hbm>>
        %dma_wait3A_136 = arith.constant 0 : i32
        %dma_wait3A_137 = tpu.memref_slice %arg7[%add3A_13, %dma_wait3A_136] : memref<802816x128xf32, #tpu.memory_space<hbm>> -> memref<128x128xf32, #tpu.memory_space<hbm>>
        %dma_wait3A_138 = arith.constant 0 : i32
        %dma_wait3A_139 = arith.constant 0 : i32
        %dma_wait3A_140 = tpu.memref_slice %arg11[%run_scoped3A_90, %dma_wait3A_138, %dma_wait3A_139] : memref<2x128x128xf32, #tpu.memory_space<vmem>> -> memref<1x128x128xf32, #tpu.memory_space<vmem>>
        %dma_wait3A_141 = tpu.memref_squeeze %dma_wait3A_140 : memref<1x128x128xf32, #tpu.memory_space<vmem>> -> memref<128x128xf32, #tpu.memory_space<vmem>>
        tpu.wait_dma2 semaphore(%run_scoped3A_117 : memref<!tpu.dma_semaphore, #tpu.memory_space<semaphore_mem>>) src(%dma_wait3A_141 : memref<128x128xf32, #tpu.memory_space<vmem>>) dst(%dma_wait3A_137 : memref<128x128xf32, #tpu.memory_space<hbm>>)
        tpu.yield
      }) : () -> ()
      %dma_wait3A_91 = arith.constant 1 : i32
      %dma_wait3A_92 = arith.constant 1 : i32
      %dma_wait3A_93 = arith.constant 0 : i32
      %dma_wait3A_94 = arith.constant 0 : i32
      %dma_wait3A_95 = tpu.memref_slice %arg10[%dma_wait3A_92, %dma_wait3A_93, %dma_wait3A_94] : memref<2x128x128xf32, #tpu.memory_space<vmem>> -> memref<1x128x128xf32, #tpu.memory_space<vmem>>
      %dma_wait3A_96 = tpu.memref_squeeze %dma_wait3A_95 : memref<1x128x128xf32, #tpu.memory_space<vmem>> -> memref<128x128xf32, #tpu.memory_space<vmem>>
      %dma_wait3A_97 = arith.constant 0 : i32
      %dma_wait3A_98 = tpu.memref_slice %arg8[%dma_wait3A_91, %dma_wait3A_97] : memref<2x128xi32, #tpu.memory_space<vmem>> -> memref<1x128xi32, #tpu.memory_space<vmem>>
      %dma_wait3A_99 = tpu.memref_squeeze %dma_wait3A_98 : memref<1x128xi32, #tpu.memory_space<vmem>> -> memref<128xi32, #tpu.memory_space<vmem>>
      %dma_wait3A_100 = arith.constant 0 : i32
      %dma_wait3A_101 = arith.constant 0 : i32
      %dma_wait3A_102 = tpu.memref_slice %arg4[%dma_wait3A_100, %dma_wait3A_101] : memref<50176x128xf32, #tpu.memory_space<hbm>> -> memref<50176x128xf32, #tpu.memory_space<hbm>>
      tpu.wait_indirect_dma semaphore(%arg12 : memref<!tpu.dma_semaphore, #tpu.memory_space<semaphore_mem>>) src(%dma_wait3A_102 : memref<50176x128xf32, #tpu.memory_space<hbm>>) dst(%dma_wait3A_96 : memref<128x128xf32, #tpu.memory_space<vmem>>)
      %dma_wait3A_103 = arith.constant 1 : i32
      %dma_wait3A_104 = arith.constant 1 : i32
      %dma_wait3A_105 = arith.constant 0 : i32
      %dma_wait3A_106 = arith.constant 0 : i32
      %dma_wait3A_107 = tpu.memref_slice %arg11[%dma_wait3A_104, %dma_wait3A_105, %dma_wait3A_106] : memref<2x128x128xf32, #tpu.memory_space<vmem>> -> memref<1x128x128xf32, #tpu.memory_space<vmem>>
      %dma_wait3A_108 = tpu.memref_squeeze %dma_wait3A_107 : memref<1x128x128xf32, #tpu.memory_space<vmem>> -> memref<128x128xf32, #tpu.memory_space<vmem>>
      %dma_wait3A_109 = arith.constant 0 : i32
      %dma_wait3A_110 = tpu.memref_slice %arg9[%dma_wait3A_103, %dma_wait3A_109] : memref<2x128xi32, #tpu.memory_space<vmem>> -> memref<1x128xi32, #tpu.memory_space<vmem>>
      %dma_wait3A_111 = tpu.memref_squeeze %dma_wait3A_110 : memref<1x128xi32, #tpu.memory_space<vmem>> -> memref<128xi32, #tpu.memory_space<vmem>>
      %dma_wait3A_112 = arith.constant 0 : i32
      %dma_wait3A_113 = arith.constant 0 : i32
      %dma_wait3A_114 = tpu.memref_slice %arg5[%dma_wait3A_112, %dma_wait3A_113] : memref<50176x128xf32, #tpu.memory_space<hbm>> -> memref<50176x128xf32, #tpu.memory_space<hbm>>
      tpu.wait_indirect_dma semaphore(%arg13 : memref<!tpu.dma_semaphore, #tpu.memory_space<semaphore_mem>>) src(%dma_wait3A_114 : memref<50176x128xf32, #tpu.memory_space<hbm>>) dst(%dma_wait3A_108 : memref<128x128xf32, #tpu.memory_space<vmem>>)
      %run_scoped3A_115 = arith.constant 1 : i32
      "tpu.region"() ({
        %run_scoped3A_117 = tpu.sem_alloc : memref<!tpu.dma_semaphore, #tpu.memory_space<semaphore_mem>>
        %dma_start3A_118 = arith.constant 0 : i32
        %dma_start3A_119 = arith.constant 0 : i32
        %dma_start3A_120 = tpu.memref_slice %arg10[%run_scoped3A_115, %dma_start3A_118, %dma_start3A_119] : memref<2x128x128xf32, #tpu.memory_space<vmem>> -> memref<1x128x128xf32, #tpu.memory_space<vmem>>
        %dma_start3A_121 = tpu.memref_squeeze %dma_start3A_120 : memref<1x128x128xf32, #tpu.memory_space<vmem>> -> memref<128x128xf32, #tpu.memory_space<vmem>>
        %dma_start3A_122 = arith.constant 0 : i32
        %dma_start3A_123 = tpu.memref_slice %arg6[%add3A_15, %dma_start3A_122] : memref<802816x128xf32, #tpu.memory_space<hbm>> -> memref<128x128xf32, #tpu.memory_space<hbm>>
        %dma_start3A_124 = arith.constant 0 : i32
        %dma_start3A_125 = tpu.memref_slice %arg6[%add3A_15, %dma_start3A_124] : memref<802816x128xf32, #tpu.memory_space<hbm>> -> memref<128x128xf32, #tpu.memory_space<hbm>>
        %dma_start3A_126 = arith.constant 0 : i32
        %dma_start3A_127 = arith.constant 0 : i32
        %dma_start3A_128 = tpu.memref_slice %arg10[%run_scoped3A_115, %dma_start3A_126, %dma_start3A_127] : memref<2x128x128xf32, #tpu.memory_space<vmem>> -> memref<1x128x128xf32, #tpu.memory_space<vmem>>
        %dma_start3A_129 = tpu.memref_squeeze %dma_start3A_128 : memref<1x128x128xf32, #tpu.memory_space<vmem>> -> memref<128x128xf32, #tpu.memory_space<vmem>>
        tpu.enqueue_dma source(%dma_start3A_129 : memref<128x128xf32, #tpu.memory_space<vmem>>) target(%dma_start3A_125 : memref<128x128xf32, #tpu.memory_space<hbm>>) target_semaphore(%run_scoped3A_117 : memref<!tpu.dma_semaphore, #tpu.memory_space<semaphore_mem>>)
        %dma_wait3A_130 = arith.constant 0 : i32
        %dma_wait3A_131 = arith.constant 0 : i32
        %dma_wait3A_132 = tpu.memref_slice %arg10[%run_scoped3A_115, %dma_wait3A_130, %dma_wait3A_131] : memref<2x128x128xf32, #tpu.memory_space<vmem>> -> memref<1x128x128xf32, #tpu.memory_space<vmem>>
        %dma_wait3A_133 = tpu.memref_squeeze %dma_wait3A_132 : memref<1x128x128xf32, #tpu.memory_space<vmem>> -> memref<128x128xf32, #tpu.memory_space<vmem>>
        %dma_wait3A_134 = arith.constant 0 : i32
        %dma_wait3A_135 = tpu.memref_slice %arg6[%add3A_15, %dma_wait3A_134] : memref<802816x128xf32, #tpu.memory_space<hbm>> -> memref<128x128xf32, #tpu.memory_space<hbm>>
        %dma_wait3A_136 = arith.constant 0 : i32
        %dma_wait3A_137 = tpu.memref_slice %arg6[%add3A_15, %dma_wait3A_136] : memref<802816x128xf32, #tpu.memory_space<hbm>> -> memref<128x128xf32, #tpu.memory_space<hbm>>
        %dma_wait3A_138 = arith.constant 0 : i32
        %dma_wait3A_139 = arith.constant 0 : i32
        %dma_wait3A_140 = tpu.memref_slice %arg10[%run_scoped3A_115, %dma_wait3A_138, %dma_wait3A_139] : memref<2x128x128xf32, #tpu.memory_space<vmem>> -> memref<1x128x128xf32, #tpu.memory_space<vmem>>
        %dma_wait3A_141 = tpu.memref_squeeze %dma_wait3A_140 : memref<1x128x128xf32, #tpu.memory_space<vmem>> -> memref<128x128xf32, #tpu.memory_space<vmem>>
        tpu.wait_dma2 semaphore(%run_scoped3A_117 : memref<!tpu.dma_semaphore, #tpu.memory_space<semaphore_mem>>) src(%dma_wait3A_141 : memref<128x128xf32, #tpu.memory_space<vmem>>) dst(%dma_wait3A_137 : memref<128x128xf32, #tpu.memory_space<hbm>>)
        tpu.yield
      }) : () -> ()
      %run_scoped3A_116 = arith.constant 1 : i32
      "tpu.region"() ({
        %run_scoped3A_117 = tpu.sem_alloc : memref<!tpu.dma_semaphore, #tpu.memory_space<semaphore_mem>>
        %dma_start3A_118 = arith.constant 0 : i32
        %dma_start3A_119 = arith.constant 0 : i32
        %dma_start3A_120 = tpu.memref_slice %arg11[%run_scoped3A_116, %dma_start3A_118, %dma_start3A_119] : memref<2x128x128xf32, #tpu.memory_space<vmem>> -> memref<1x128x128xf32, #tpu.memory_space<vmem>>
        %dma_start3A_121 = tpu.memref_squeeze %dma_start3A_120 : memref<1x128x128xf32, #tpu.memory_space<vmem>> -> memref<128x128xf32, #tpu.memory_space<vmem>>
        %dma_start3A_122 = arith.constant 0 : i32
        %dma_start3A_123 = tpu.memref_slice %arg7[%add3A_15, %dma_start3A_122] : memref<802816x128xf32, #tpu.memory_space<hbm>> -> memref<128x128xf32, #tpu.memory_space<hbm>>
        %dma_start3A_124 = arith.constant 0 : i32
        %dma_start3A_125 = tpu.memref_slice %arg7[%add3A_15, %dma_start3A_124] : memref<802816x128xf32, #tpu.memory_space<hbm>> -> memref<128x128xf32, #tpu.memory_space<hbm>>
        %dma_start3A_126 = arith.constant 0 : i32
        %dma_start3A_127 = arith.constant 0 : i32
        %dma_start3A_128 = tpu.memref_slice %arg11[%run_scoped3A_116, %dma_start3A_126, %dma_start3A_127] : memref<2x128x128xf32, #tpu.memory_space<vmem>> -> memref<1x128x128xf32, #tpu.memory_space<vmem>>
        %dma_start3A_129 = tpu.memref_squeeze %dma_start3A_128 : memref<1x128x128xf32, #tpu.memory_space<vmem>> -> memref<128x128xf32, #tpu.memory_space<vmem>>
        tpu.enqueue_dma source(%dma_start3A_129 : memref<128x128xf32, #tpu.memory_space<vmem>>) target(%dma_start3A_125 : memref<128x128xf32, #tpu.memory_space<hbm>>) target_semaphore(%run_scoped3A_117 : memref<!tpu.dma_semaphore, #tpu.memory_space<semaphore_mem>>)
        %dma_wait3A_130 = arith.constant 0 : i32
        %dma_wait3A_131 = arith.constant 0 : i32
        %dma_wait3A_132 = tpu.memref_slice %arg11[%run_scoped3A_116, %dma_wait3A_130, %dma_wait3A_131] : memref<2x128x128xf32, #tpu.memory_space<vmem>> -> memref<1x128x128xf32, #tpu.memory_space<vmem>>
        %dma_wait3A_133 = tpu.memref_squeeze %dma_wait3A_132 : memref<1x128x128xf32, #tpu.memory_space<vmem>> -> memref<128x128xf32, #tpu.memory_space<vmem>>
        %dma_wait3A_134 = arith.constant 0 : i32
        %dma_wait3A_135 = tpu.memref_slice %arg7[%add3A_15, %dma_wait3A_134] : memref<802816x128xf32, #tpu.memory_space<hbm>> -> memref<128x128xf32, #tpu.memory_space<hbm>>
        %dma_wait3A_136 = arith.constant 0 : i32
        %dma_wait3A_137 = tpu.memref_slice %arg7[%add3A_15, %dma_wait3A_136] : memref<802816x128xf32, #tpu.memory_space<hbm>> -> memref<128x128xf32, #tpu.memory_space<hbm>>
        %dma_wait3A_138 = arith.constant 0 : i32
        %dma_wait3A_139 = arith.constant 0 : i32
        %dma_wait3A_140 = tpu.memref_slice %arg11[%run_scoped3A_116, %dma_wait3A_138, %dma_wait3A_139] : memref<2x128x128xf32, #tpu.memory_space<vmem>> -> memref<1x128x128xf32, #tpu.memory_space<vmem>>
        %dma_wait3A_141 = tpu.memref_squeeze %dma_wait3A_140 : memref<1x128x128xf32, #tpu.memory_space<vmem>> -> memref<128x128xf32, #tpu.memory_space<vmem>>
        tpu.wait_dma2 semaphore(%run_scoped3A_117 : memref<!tpu.dma_semaphore, #tpu.memory_space<semaphore_mem>>) src(%dma_wait3A_141 : memref<128x128xf32, #tpu.memory_space<vmem>>) dst(%dma_wait3A_137 : memref<128x128xf32, #tpu.memory_space<hbm>>)
        tpu.yield
      }) : () -> ()
    }
    %scan3A_7 = arith.constant 98 : i32
    return
  }
}

#map = affine_map<(d0, d1) -> (0)>
#map1 = affine_map<(d0, d1) -> (0, 0)>
module attributes {stable_mosaic.version = 14 : i64} {
  func.func @k(%arg0: i32, %arg1: i32, %arg2: memref<802816xi32, #tpu.memory_space<hbm>>, %arg3: memref<802816x128xf32, #tpu.memory_space<hbm>>, %arg4: memref<784x128xf32, #tpu.memory_space<hbm>>, %arg5: memref<25088x128xf32, #tpu.memory_space<hbm>>, %arg6: memref<2x64xi32, #tpu.memory_space<vmem>>, %arg7: memref<2x64xi32, #tpu.memory_space<vmem>>, %arg8: memref<2x64x128xf32, #tpu.memory_space<vmem>>, %arg9: memref<12544x128xf32, #tpu.memory_space<vmem_shared>>, %arg10: memref<!tpu.dma_semaphore, #tpu.memory_space<semaphore_mem>>, %arg11: memref<!tpu.dma_semaphore, #tpu.memory_space<semaphore_mem>>) attributes {dimension_semantics = [#tpu.dimension_semantics<core_parallel>, #tpu.dimension_semantics<subcore_parallel>], iteration_bounds = array<i64: 2, 16>, scalar_prefetch = 0 : i64, scratch_operands = 6 : i64, tpu.core_type = #tpu.core_type<sc_vector_subcore>, window_params = [{transform_indices = #map}, {transform_indices = #map1}, {transform_indices = #map1}, {transform_indices = #map1}]} {
    %add3A = arith.constant 2 : i32
    %add3A_0 = arith.addi %add3A, %arg0 : i32
    %mul3A = arith.constant 12500 : i32
    %mul3A_1 = arith.muli %add3A_0, %mul3A : i32
    %add3A_2 = arith.constant 12500 : i32
    %add3A_3 = arith.addi %mul3A_1, %add3A_2 : i32
    %mul3A_4 = arith.constant 784 : i32
    %mul3A_5 = arith.muli %arg1, %mul3A_4 : i32
    "tpu.region"() ({
      %run_scoped3A = tpu.sem_alloc : memref<!tpu.dma_semaphore, #tpu.memory_space<semaphore_mem>>
      %dma_start3A = arith.constant 0 : i32
      %dma_start3A_17 = tpu.memref_slice %arg9[%mul3A_5, %dma_start3A] : memref<12544x128xf32, #tpu.memory_space<vmem_shared>> -> memref<784x128xf32, #tpu.memory_space<vmem_shared>>
      tpu.enqueue_dma source(%arg4 : memref<784x128xf32, #tpu.memory_space<hbm>>) target(%dma_start3A_17 : memref<784x128xf32, #tpu.memory_space<vmem_shared>>) target_semaphore(%run_scoped3A : memref<!tpu.dma_semaphore, #tpu.memory_space<semaphore_mem>>)
      %dma_wait3A = arith.constant 0 : i32
      %dma_wait3A_18 = tpu.memref_slice %arg9[%mul3A_5, %dma_wait3A] : memref<12544x128xf32, #tpu.memory_space<vmem_shared>> -> memref<784x128xf32, #tpu.memory_space<vmem_shared>>
      tpu.wait_dma2 semaphore(%run_scoped3A : memref<!tpu.dma_semaphore, #tpu.memory_space<semaphore_mem>>) src(%arg4 : memref<784x128xf32, #tpu.memory_space<hbm>>) dst(%dma_wait3A_18 : memref<784x128xf32, #tpu.memory_space<vmem_shared>>)
      tpu.yield
    }) : () -> ()
    %barrier3A = arith.constant 0 : index
    tpu.barrier barrier_id(%barrier3A)
    %mul3A_6 = arith.constant 50176 : i32
    %mul3A_7 = arith.muli %arg1, %mul3A_6 : i32
    %scan3A = arith.constant 0 : i32
    %scan3A_8 = arith.constant 0 : i32
    %scan3A_9 = arith.constant 392 : i32
    %scan3A_10 = arith.addi %scan3A_8, %scan3A_9 : i32
    %scan3A_11 = arith.constant 1 : i32
    scf.for %scan3A_17 = %scan3A_8 to %scan3A_10 step %scan3A_11  : i32 {
      %mul3A_18 = arith.constant 2 : i32
      %mul3A_19 = arith.muli %mul3A_18, %scan3A_17 : i32
      %mul3A_20 = arith.constant 64 : i32
      %mul3A_21 = arith.muli %mul3A_19, %mul3A_20 : i32
      %add3A_22 = arith.addi %mul3A_7, %mul3A_21 : i32
      %add3A_23 = arith.constant 64 : i32
      %add3A_24 = arith.addi %add3A_22, %add3A_23 : i32
      %dma_start3A = arith.constant 0 : i32
      %dma_start3A_25 = arith.constant 0 : i32
      %dma_start3A_26 = tpu.memref_slice %arg6[%dma_start3A, %dma_start3A_25] : memref<2x64xi32, #tpu.memory_space<vmem>> -> memref<1x64xi32, #tpu.memory_space<vmem>>
      %dma_start3A_27 = tpu.memref_squeeze %dma_start3A_26 : memref<1x64xi32, #tpu.memory_space<vmem>> -> memref<64xi32, #tpu.memory_space<vmem>>
      %dma_start3A_28 = tpu.memref_slice %arg2[%add3A_22] : memref<802816xi32, #tpu.memory_space<hbm>> -> memref<64xi32, #tpu.memory_space<hbm>>
      %dma_start3A_29 = arith.constant 0 : i32
      %dma_start3A_30 = tpu.memref_slice %arg6[%dma_start3A, %dma_start3A_29] : memref<2x64xi32, #tpu.memory_space<vmem>> -> memref<1x64xi32, #tpu.memory_space<vmem>>
      %dma_start3A_31 = tpu.memref_squeeze %dma_start3A_30 : memref<1x64xi32, #tpu.memory_space<vmem>> -> memref<64xi32, #tpu.memory_space<vmem>>
      %dma_start3A_32 = tpu.memref_slice %arg2[%add3A_22] : memref<802816xi32, #tpu.memory_space<hbm>> -> memref<64xi32, #tpu.memory_space<hbm>>
      tpu.enqueue_dma source(%dma_start3A_32 : memref<64xi32, #tpu.memory_space<hbm>>) target(%dma_start3A_31 : memref<64xi32, #tpu.memory_space<vmem>>) target_semaphore(%arg10 : memref<!tpu.dma_semaphore, #tpu.memory_space<semaphore_mem>>)
      %dma_start3A_33 = arith.constant 0 : i32
      %dma_start3A_34 = arith.constant 0 : i32
      %dma_start3A_35 = arith.constant 0 : i32
      %dma_start3A_36 = tpu.memref_slice %arg8[%dma_start3A_33, %dma_start3A_34, %dma_start3A_35] : memref<2x64x128xf32, #tpu.memory_space<vmem>> -> memref<1x64x128xf32, #tpu.memory_space<vmem>>
      %dma_start3A_37 = tpu.memref_squeeze %dma_start3A_36 : memref<1x64x128xf32, #tpu.memory_space<vmem>> -> memref<64x128xf32, #tpu.memory_space<vmem>>
      %dma_start3A_38 = arith.constant 0 : i32
      %dma_start3A_39 = tpu.memref_slice %arg3[%add3A_22, %dma_start3A_38] : memref<802816x128xf32, #tpu.memory_space<hbm>> -> memref<64x128xf32, #tpu.memory_space<hbm>>
      %dma_start3A_40 = arith.constant 0 : i32
      %dma_start3A_41 = arith.constant 0 : i32
      %dma_start3A_42 = tpu.memref_slice %arg8[%dma_start3A_33, %dma_start3A_40, %dma_start3A_41] : memref<2x64x128xf32, #tpu.memory_space<vmem>> -> memref<1x64x128xf32, #tpu.memory_space<vmem>>
      %dma_start3A_43 = tpu.memref_squeeze %dma_start3A_42 : memref<1x64x128xf32, #tpu.memory_space<vmem>> -> memref<64x128xf32, #tpu.memory_space<vmem>>
      %dma_start3A_44 = arith.constant 0 : i32
      %dma_start3A_45 = tpu.memref_slice %arg3[%add3A_22, %dma_start3A_44] : memref<802816x128xf32, #tpu.memory_space<hbm>> -> memref<64x128xf32, #tpu.memory_space<hbm>>
      tpu.enqueue_dma source(%dma_start3A_45 : memref<64x128xf32, #tpu.memory_space<hbm>>) target(%dma_start3A_43 : memref<64x128xf32, #tpu.memory_space<vmem>>) target_semaphore(%arg10 : memref<!tpu.dma_semaphore, #tpu.memory_space<semaphore_mem>>)
      %dma_start3A_46 = arith.constant 1 : i32
      %dma_start3A_47 = arith.constant 0 : i32
      %dma_start3A_48 = tpu.memref_slice %arg6[%dma_start3A_46, %dma_start3A_47] : memref<2x64xi32, #tpu.memory_space<vmem>> -> memref<1x64xi32, #tpu.memory_space<vmem>>
      %dma_start3A_49 = tpu.memref_squeeze %dma_start3A_48 : memref<1x64xi32, #tpu.memory_space<vmem>> -> memref<64xi32, #tpu.memory_space<vmem>>
      %dma_start3A_50 = tpu.memref_slice %arg2[%add3A_24] : memref<802816xi32, #tpu.memory_space<hbm>> -> memref<64xi32, #tpu.memory_space<hbm>>
      %dma_start3A_51 = arith.constant 0 : i32
      %dma_start3A_52 = tpu.memref_slice %arg6[%dma_start3A_46, %dma_start3A_51] : memref<2x64xi32, #tpu.memory_space<vmem>> -> memref<1x64xi32, #tpu.memory_space<vmem>>
      %dma_start3A_53 = tpu.memref_squeeze %dma_start3A_52 : memref<1x64xi32, #tpu.memory_space<vmem>> -> memref<64xi32, #tpu.memory_space<vmem>>
      %dma_start3A_54 = tpu.memref_slice %arg2[%add3A_24] : memref<802816xi32, #tpu.memory_space<hbm>> -> memref<64xi32, #tpu.memory_space<hbm>>
      tpu.enqueue_dma source(%dma_start3A_54 : memref<64xi32, #tpu.memory_space<hbm>>) target(%dma_start3A_53 : memref<64xi32, #tpu.memory_space<vmem>>) target_semaphore(%arg11 : memref<!tpu.dma_semaphore, #tpu.memory_space<semaphore_mem>>)
      %dma_start3A_55 = arith.constant 1 : i32
      %dma_start3A_56 = arith.constant 0 : i32
      %dma_start3A_57 = arith.constant 0 : i32
      %dma_start3A_58 = tpu.memref_slice %arg8[%dma_start3A_55, %dma_start3A_56, %dma_start3A_57] : memref<2x64x128xf32, #tpu.memory_space<vmem>> -> memref<1x64x128xf32, #tpu.memory_space<vmem>>
      %dma_start3A_59 = tpu.memref_squeeze %dma_start3A_58 : memref<1x64x128xf32, #tpu.memory_space<vmem>> -> memref<64x128xf32, #tpu.memory_space<vmem>>
      %dma_start3A_60 = arith.constant 0 : i32
      %dma_start3A_61 = tpu.memref_slice %arg3[%add3A_24, %dma_start3A_60] : memref<802816x128xf32, #tpu.memory_space<hbm>> -> memref<64x128xf32, #tpu.memory_space<hbm>>
      %dma_start3A_62 = arith.constant 0 : i32
      %dma_start3A_63 = arith.constant 0 : i32
      %dma_start3A_64 = tpu.memref_slice %arg8[%dma_start3A_55, %dma_start3A_62, %dma_start3A_63] : memref<2x64x128xf32, #tpu.memory_space<vmem>> -> memref<1x64x128xf32, #tpu.memory_space<vmem>>
      %dma_start3A_65 = tpu.memref_squeeze %dma_start3A_64 : memref<1x64x128xf32, #tpu.memory_space<vmem>> -> memref<64x128xf32, #tpu.memory_space<vmem>>
      %dma_start3A_66 = arith.constant 0 : i32
      %dma_start3A_67 = tpu.memref_slice %arg3[%add3A_24, %dma_start3A_66] : memref<802816x128xf32, #tpu.memory_space<hbm>> -> memref<64x128xf32, #tpu.memory_space<hbm>>
      tpu.enqueue_dma source(%dma_start3A_67 : memref<64x128xf32, #tpu.memory_space<hbm>>) target(%dma_start3A_65 : memref<64x128xf32, #tpu.memory_space<vmem>>) target_semaphore(%arg11 : memref<!tpu.dma_semaphore, #tpu.memory_space<semaphore_mem>>)
      %dma_wait3A = arith.constant 0 : i32
      %dma_wait3A_68 = arith.constant 0 : i32
      %dma_wait3A_69 = tpu.memref_slice %arg6[%dma_wait3A, %dma_wait3A_68] : memref<2x64xi32, #tpu.memory_space<vmem>> -> memref<1x64xi32, #tpu.memory_space<vmem>>
      %dma_wait3A_70 = tpu.memref_squeeze %dma_wait3A_69 : memref<1x64xi32, #tpu.memory_space<vmem>> -> memref<64xi32, #tpu.memory_space<vmem>>
      %dma_wait3A_71 = tpu.memref_slice %arg2[%add3A_22] : memref<802816xi32, #tpu.memory_space<hbm>> -> memref<64xi32, #tpu.memory_space<hbm>>
      %dma_wait3A_72 = arith.constant 0 : i32
      %dma_wait3A_73 = tpu.memref_slice %arg6[%dma_wait3A, %dma_wait3A_72] : memref<2x64xi32, #tpu.memory_space<vmem>> -> memref<1x64xi32, #tpu.memory_space<vmem>>
      %dma_wait3A_74 = tpu.memref_squeeze %dma_wait3A_73 : memref<1x64xi32, #tpu.memory_space<vmem>> -> memref<64xi32, #tpu.memory_space<vmem>>
      %dma_wait3A_75 = tpu.memref_slice %arg2[%add3A_22] : memref<802816xi32, #tpu.memory_space<hbm>> -> memref<64xi32, #tpu.memory_space<hbm>>
      tpu.wait_dma2 semaphore(%arg10 : memref<!tpu.dma_semaphore, #tpu.memory_space<semaphore_mem>>) src(%dma_wait3A_75 : memref<64xi32, #tpu.memory_space<hbm>>) dst(%dma_wait3A_74 : memref<64xi32, #tpu.memory_space<vmem>>)
      %dma_wait3A_76 = arith.constant 0 : i32
      %dma_wait3A_77 = arith.constant 0 : i32
      %dma_wait3A_78 = arith.constant 0 : i32
      %dma_wait3A_79 = tpu.memref_slice %arg8[%dma_wait3A_76, %dma_wait3A_77, %dma_wait3A_78] : memref<2x64x128xf32, #tpu.memory_space<vmem>> -> memref<1x64x128xf32, #tpu.memory_space<vmem>>
      %dma_wait3A_80 = tpu.memref_squeeze %dma_wait3A_79 : memref<1x64x128xf32, #tpu.memory_space<vmem>> -> memref<64x128xf32, #tpu.memory_space<vmem>>
      %dma_wait3A_81 = arith.constant 0 : i32
      %dma_wait3A_82 = tpu.memref_slice %arg3[%add3A_22, %dma_wait3A_81] : memref<802816x128xf32, #tpu.memory_space<hbm>> -> memref<64x128xf32, #tpu.memory_space<hbm>>
      %dma_wait3A_83 = arith.constant 0 : i32
      %dma_wait3A_84 = arith.constant 0 : i32
      %dma_wait3A_85 = tpu.memref_slice %arg8[%dma_wait3A_76, %dma_wait3A_83, %dma_wait3A_84] : memref<2x64x128xf32, #tpu.memory_space<vmem>> -> memref<1x64x128xf32, #tpu.memory_space<vmem>>
      %dma_wait3A_86 = tpu.memref_squeeze %dma_wait3A_85 : memref<1x64x128xf32, #tpu.memory_space<vmem>> -> memref<64x128xf32, #tpu.memory_space<vmem>>
      %dma_wait3A_87 = arith.constant 0 : i32
      %dma_wait3A_88 = tpu.memref_slice %arg3[%add3A_22, %dma_wait3A_87] : memref<802816x128xf32, #tpu.memory_space<hbm>> -> memref<64x128xf32, #tpu.memory_space<hbm>>
      tpu.wait_dma2 semaphore(%arg10 : memref<!tpu.dma_semaphore, #tpu.memory_space<semaphore_mem>>) src(%dma_wait3A_88 : memref<64x128xf32, #tpu.memory_space<hbm>>) dst(%dma_wait3A_86 : memref<64x128xf32, #tpu.memory_space<vmem>>)
      %get3A = arith.constant 0 : i32
      %get3A_89 = arith.index_cast %get3A : i32 to index
      %get3A_90 = arith.constant 0 : index
      %get3A_91 = tpu.vector_load %arg6[%get3A_89, %get3A_90] {strides = array<i32>} : memref<2x64xi32, #tpu.memory_space<vmem>>, vector<1x16xi32>,
      %get3A_92 = vector.shape_cast %get3A_91 : vector<1x16xi32> to vector<16xi32>
      %ge3A = vector.broadcast %mul3A_1 : i32 to vector<16xi32>
      %ge3A_93 = arith.cmpi sge, %get3A_92, %ge3A : vector<16xi32>
      %lt3A = vector.broadcast %add3A_3 : i32 to vector<16xi32>
      %lt3A_94 = arith.cmpi slt, %get3A_92, %lt3A : vector<16xi32>
      %and3A = arith.andi %ge3A_93, %lt3A_94 : vector<16xi1>
      %sub3A = vector.broadcast %mul3A_1 : i32 to vector<16xi32>
      %sub3A_95 = arith.subi %get3A_92, %sub3A : vector<16xi32>
      %jit3A = arith.constant 12500 : i32
      %broadcast_in_dim3A = vector.broadcast %jit3A : i32 to vector<16xi32>
      %select_n3A = arith.select %and3A, %sub3A_95, %broadcast_in_dim3A : vector<16xi1>, vector<16xi32>
      %swap3A = arith.constant 0 : i32
      %swap3A_96 = arith.index_cast %swap3A : i32 to index
      %swap3A_97 = arith.constant 0 : index
      %swap3A_98 = tpu.vector_load %arg7[%swap3A_96, %swap3A_97] {strides = array<i32>} : memref<2x64xi32, #tpu.memory_space<vmem>>, vector<1x16xi32>,
      %swap3A_99 = vector.shape_cast %swap3A_98 : vector<1x16xi32> to vector<16xi32>
      %swap3A_100 = vector.shape_cast %select_n3A : vector<16xi32> to vector<1x16xi32>
      tpu.vector_store %arg7[%swap3A_96, %swap3A_97], %swap3A_100 {strides = array<i32>} : memref<2x64xi32, #tpu.memory_space<vmem>>, vector<1x16xi32>,
      %get3A_101 = arith.constant 0 : i32
      %get3A_102 = arith.index_cast %get3A_101 : i32 to index
      %get3A_103 = arith.constant 16 : index
      %get3A_104 = tpu.vector_load %arg6[%get3A_102, %get3A_103] {strides = array<i32>} : memref<2x64xi32, #tpu.memory_space<vmem>>, vector<1x16xi32>,
      %get3A_105 = vector.shape_cast %get3A_104 : vector<1x16xi32> to vector<16xi32>
      %ge3A_106 = vector.broadcast %mul3A_1 : i32 to vector<16xi32>
      %ge3A_107 = arith.cmpi sge, %get3A_105, %ge3A_106 : vector<16xi32>
      %lt3A_108 = vector.broadcast %add3A_3 : i32 to vector<16xi32>
      %lt3A_109 = arith.cmpi slt, %get3A_105, %lt3A_108 : vector<16xi32>
      %and3A_110 = arith.andi %ge3A_107, %lt3A_109 : vector<16xi1>
      %sub3A_111 = vector.broadcast %mul3A_1 : i32 to vector<16xi32>
      %sub3A_112 = arith.subi %get3A_105, %sub3A_111 : vector<16xi32>
      %jit3A_113 = arith.constant 12500 : i32
      %broadcast_in_dim3A_114 = vector.broadcast %jit3A_113 : i32 to vector<16xi32>
      %select_n3A_115 = arith.select %and3A_110, %sub3A_112, %broadcast_in_dim3A_114 : vector<16xi1>, vector<16xi32>
      %swap3A_116 = arith.constant 0 : i32
      %swap3A_117 = arith.index_cast %swap3A_116 : i32 to index
      %swap3A_118 = arith.constant 16 : index
      %swap3A_119 = tpu.vector_load %arg7[%swap3A_117, %swap3A_118] {strides = array<i32>} : memref<2x64xi32, #tpu.memory_space<vmem>>, vector<1x16xi32>,
      %swap3A_120 = vector.shape_cast %swap3A_119 : vector<1x16xi32> to vector<16xi32>
      %swap3A_121 = vector.shape_cast %select_n3A_115 : vector<16xi32> to vector<1x16xi32>
      tpu.vector_store %arg7[%swap3A_117, %swap3A_118], %swap3A_121 {strides = array<i32>} : memref<2x64xi32, #tpu.memory_space<vmem>>, vector<1x16xi32>,
      %get3A_122 = arith.constant 0 : i32
      %get3A_123 = arith.index_cast %get3A_122 : i32 to index
      %get3A_124 = arith.constant 32 : index
      %get3A_125 = tpu.vector_load %arg6[%get3A_123, %get3A_124] {strides = array<i32>} : memref<2x64xi32, #tpu.memory_space<vmem>>, vector<1x16xi32>,
      %get3A_126 = vector.shape_cast %get3A_125 : vector<1x16xi32> to vector<16xi32>
      %ge3A_127 = vector.broadcast %mul3A_1 : i32 to vector<16xi32>
      %ge3A_128 = arith.cmpi sge, %get3A_126, %ge3A_127 : vector<16xi32>
      %lt3A_129 = vector.broadcast %add3A_3 : i32 to vector<16xi32>
      %lt3A_130 = arith.cmpi slt, %get3A_126, %lt3A_129 : vector<16xi32>
      %and3A_131 = arith.andi %ge3A_128, %lt3A_130 : vector<16xi1>
      %sub3A_132 = vector.broadcast %mul3A_1 : i32 to vector<16xi32>
      %sub3A_133 = arith.subi %get3A_126, %sub3A_132 : vector<16xi32>
      %jit3A_134 = arith.constant 12500 : i32
      %broadcast_in_dim3A_135 = vector.broadcast %jit3A_134 : i32 to vector<16xi32>
      %select_n3A_136 = arith.select %and3A_131, %sub3A_133, %broadcast_in_dim3A_135 : vector<16xi1>, vector<16xi32>
      %swap3A_137 = arith.constant 0 : i32
      %swap3A_138 = arith.index_cast %swap3A_137 : i32 to index
      %swap3A_139 = arith.constant 32 : index
      %swap3A_140 = tpu.vector_load %arg7[%swap3A_138, %swap3A_139] {strides = array<i32>} : memref<2x64xi32, #tpu.memory_space<vmem>>, vector<1x16xi32>,
      %swap3A_141 = vector.shape_cast %swap3A_140 : vector<1x16xi32> to vector<16xi32>
      %swap3A_142 = vector.shape_cast %select_n3A_136 : vector<16xi32> to vector<1x16xi32>
      tpu.vector_store %arg7[%swap3A_138, %swap3A_139], %swap3A_142 {strides = array<i32>} : memref<2x64xi32, #tpu.memory_space<vmem>>, vector<1x16xi32>,
      %get3A_143 = arith.constant 0 : i32
      %get3A_144 = arith.index_cast %get3A_143 : i32 to index
      %get3A_145 = arith.constant 48 : index
      %get3A_146 = tpu.vector_load %arg6[%get3A_144, %get3A_145] {strides = array<i32>} : memref<2x64xi32, #tpu.memory_space<vmem>>, vector<1x16xi32>,
      %get3A_147 = vector.shape_cast %get3A_146 : vector<1x16xi32> to vector<16xi32>
      %ge3A_148 = vector.broadcast %mul3A_1 : i32 to vector<16xi32>
      %ge3A_149 = arith.cmpi sge, %get3A_147, %ge3A_148 : vector<16xi32>
      %lt3A_150 = vector.broadcast %add3A_3 : i32 to vector<16xi32>
      %lt3A_151 = arith.cmpi slt, %get3A_147, %lt3A_150 : vector<16xi32>
      %and3A_152 = arith.andi %ge3A_149, %lt3A_151 : vector<16xi1>
      %sub3A_153 = vector.broadcast %mul3A_1 : i32 to vector<16xi32>
      %sub3A_154 = arith.subi %get3A_147, %sub3A_153 : vector<16xi32>
      %jit3A_155 = arith.constant 12500 : i32
      %broadcast_in_dim3A_156 = vector.broadcast %jit3A_155 : i32 to vector<16xi32>
      %select_n3A_157 = arith.select %and3A_152, %sub3A_154, %broadcast_in_dim3A_156 : vector<16xi1>, vector<16xi32>
      %swap3A_158 = arith.constant 0 : i32
      %swap3A_159 = arith.index_cast %swap3A_158 : i32 to index
      %swap3A_160 = arith.constant 48 : index
      %swap3A_161 = tpu.vector_load %arg7[%swap3A_159, %swap3A_160] {strides = array<i32>} : memref<2x64xi32, #tpu.memory_space<vmem>>, vector<1x16xi32>,
      %swap3A_162 = vector.shape_cast %swap3A_161 : vector<1x16xi32> to vector<16xi32>
      %swap3A_163 = vector.shape_cast %select_n3A_157 : vector<16xi32> to vector<1x16xi32>
      tpu.vector_store %arg7[%swap3A_159, %swap3A_160], %swap3A_163 {strides = array<i32>} : memref<2x64xi32, #tpu.memory_space<vmem>>, vector<1x16xi32>,
      %run_scoped3A = arith.constant 0 : i32
      %run_scoped3A_164 = arith.constant 0 : i32
      "tpu.region"() ({
        %run_scoped3A_273 = tpu.sem_alloc : memref<!tpu.dma_semaphore, #tpu.memory_space<semaphore_mem>>
        %dma_start3A_274 = arith.constant 0 : i32
        %dma_start3A_275 = arith.constant 0 : i32
        %dma_start3A_276 = tpu.memref_slice %arg8[%run_scoped3A, %dma_start3A_274, %dma_start3A_275] : memref<2x64x128xf32, #tpu.memory_space<vmem>> -> memref<1x64x128xf32, #tpu.memory_space<vmem>>
        %dma_start3A_277 = tpu.memref_squeeze %dma_start3A_276 : memref<1x64x128xf32, #tpu.memory_space<vmem>> -> memref<64x128xf32, #tpu.memory_space<vmem>>
        %dma_start3A_278 = arith.constant 0 : i32
        %dma_start3A_279 = tpu.memref_slice %arg7[%run_scoped3A_164, %dma_start3A_278] : memref<2x64xi32, #tpu.memory_space<vmem>> -> memref<1x64xi32, #tpu.memory_space<vmem>>
        %dma_start3A_280 = tpu.memref_squeeze %dma_start3A_279 : memref<1x64xi32, #tpu.memory_space<vmem>> -> memref<64xi32, #tpu.memory_space<vmem>>
        %dma_start3A_281 = arith.constant 0 : i32
        %dma_start3A_282 = arith.constant 0 : i32
        %dma_start3A_283 = tpu.memref_slice %arg9[%dma_start3A_281, %dma_start3A_282] : memref<12544x128xf32, #tpu.memory_space<vmem_shared>> -> memref<12544x128xf32, #tpu.memory_space<vmem_shared>>
        tpu.enqueue_indirect_dma source(%dma_start3A_277 : memref<64x128xf32, #tpu.memory_space<vmem>>) target(%dma_start3A_283 : memref<12544x128xf32, #tpu.memory_space<vmem_shared>>) offsets(%dma_start3A_280 : memref<64xi32, #tpu.memory_space<vmem>>) semaphore(%run_scoped3A_273 : memref<!tpu.dma_semaphore, #tpu.memory_space<semaphore_mem>>) {add = true}
        %dma_wait3A_284 = arith.constant 0 : i32
        %dma_wait3A_285 = arith.constant 0 : i32
        %dma_wait3A_286 = tpu.memref_slice %arg8[%run_scoped3A, %dma_wait3A_284, %dma_wait3A_285] : memref<2x64x128xf32, #tpu.memory_space<vmem>> -> memref<1x64x128xf32, #tpu.memory_space<vmem>>
        %dma_wait3A_287 = tpu.memref_squeeze %dma_wait3A_286 : memref<1x64x128xf32, #tpu.memory_space<vmem>> -> memref<64x128xf32, #tpu.memory_space<vmem>>
        %dma_wait3A_288 = arith.constant 0 : i32
        %dma_wait3A_289 = tpu.memref_slice %arg7[%run_scoped3A_164, %dma_wait3A_288] : memref<2x64xi32, #tpu.memory_space<vmem>> -> memref<1x64xi32, #tpu.memory_space<vmem>>
        %dma_wait3A_290 = tpu.memref_squeeze %dma_wait3A_289 : memref<1x64xi32, #tpu.memory_space<vmem>> -> memref<64xi32, #tpu.memory_space<vmem>>
        %dma_wait3A_291 = arith.constant 0 : i32
        %dma_wait3A_292 = arith.constant 0 : i32
        %dma_wait3A_293 = tpu.memref_slice %arg9[%dma_wait3A_291, %dma_wait3A_292] : memref<12544x128xf32, #tpu.memory_space<vmem_shared>> -> memref<12544x128xf32, #tpu.memory_space<vmem_shared>>
        tpu.wait_indirect_dma semaphore(%run_scoped3A_273 : memref<!tpu.dma_semaphore, #tpu.memory_space<semaphore_mem>>) src(%dma_wait3A_287 : memref<64x128xf32, #tpu.memory_space<vmem>>) dst(%dma_wait3A_293 : memref<12544x128xf32, #tpu.memory_space<vmem_shared>>)
        tpu.yield
      }) : () -> ()
      %dma_wait3A_165 = arith.constant 1 : i32
      %dma_wait3A_166 = arith.constant 0 : i32
      %dma_wait3A_167 = tpu.memref_slice %arg6[%dma_wait3A_165, %dma_wait3A_166] : memref<2x64xi32, #tpu.memory_space<vmem>> -> memref<1x64xi32, #tpu.memory_space<vmem>>
      %dma_wait3A_168 = tpu.memref_squeeze %dma_wait3A_167 : memref<1x64xi32, #tpu.memory_space<vmem>> -> memref<64xi32, #tpu.memory_space<vmem>>
      %dma_wait3A_169 = tpu.memref_slice %arg2[%add3A_24] : memref<802816xi32, #tpu.memory_space<hbm>> -> memref<64xi32, #tpu.memory_space<hbm>>
      %dma_wait3A_170 = arith.constant 0 : i32
      %dma_wait3A_171 = tpu.memref_slice %arg6[%dma_wait3A_165, %dma_wait3A_170] : memref<2x64xi32, #tpu.memory_space<vmem>> -> memref<1x64xi32, #tpu.memory_space<vmem>>
      %dma_wait3A_172 = tpu.memref_squeeze %dma_wait3A_171 : memref<1x64xi32, #tpu.memory_space<vmem>> -> memref<64xi32, #tpu.memory_space<vmem>>
      %dma_wait3A_173 = tpu.memref_slice %arg2[%add3A_24] : memref<802816xi32, #tpu.memory_space<hbm>> -> memref<64xi32, #tpu.memory_space<hbm>>
      tpu.wait_dma2 semaphore(%arg11 : memref<!tpu.dma_semaphore, #tpu.memory_space<semaphore_mem>>) src(%dma_wait3A_173 : memref<64xi32, #tpu.memory_space<hbm>>) dst(%dma_wait3A_172 : memref<64xi32, #tpu.memory_space<vmem>>)
      %dma_wait3A_174 = arith.constant 1 : i32
      %dma_wait3A_175 = arith.constant 0 : i32
      %dma_wait3A_176 = arith.constant 0 : i32
      %dma_wait3A_177 = tpu.memref_slice %arg8[%dma_wait3A_174, %dma_wait3A_175, %dma_wait3A_176] : memref<2x64x128xf32, #tpu.memory_space<vmem>> -> memref<1x64x128xf32, #tpu.memory_space<vmem>>
      %dma_wait3A_178 = tpu.memref_squeeze %dma_wait3A_177 : memref<1x64x128xf32, #tpu.memory_space<vmem>> -> memref<64x128xf32, #tpu.memory_space<vmem>>
      %dma_wait3A_179 = arith.constant 0 : i32
      %dma_wait3A_180 = tpu.memref_slice %arg3[%add3A_24, %dma_wait3A_179] : memref<802816x128xf32, #tpu.memory_space<hbm>> -> memref<64x128xf32, #tpu.memory_space<hbm>>
      %dma_wait3A_181 = arith.constant 0 : i32
      %dma_wait3A_182 = arith.constant 0 : i32
      %dma_wait3A_183 = tpu.memref_slice %arg8[%dma_wait3A_174, %dma_wait3A_181, %dma_wait3A_182] : memref<2x64x128xf32, #tpu.memory_space<vmem>> -> memref<1x64x128xf32, #tpu.memory_space<vmem>>
      %dma_wait3A_184 = tpu.memref_squeeze %dma_wait3A_183 : memref<1x64x128xf32, #tpu.memory_space<vmem>> -> memref<64x128xf32, #tpu.memory_space<vmem>>
      %dma_wait3A_185 = arith.constant 0 : i32
      %dma_wait3A_186 = tpu.memref_slice %arg3[%add3A_24, %dma_wait3A_185] : memref<802816x128xf32, #tpu.memory_space<hbm>> -> memref<64x128xf32, #tpu.memory_space<hbm>>
      tpu.wait_dma2 semaphore(%arg11 : memref<!tpu.dma_semaphore, #tpu.memory_space<semaphore_mem>>) src(%dma_wait3A_186 : memref<64x128xf32, #tpu.memory_space<hbm>>) dst(%dma_wait3A_184 : memref<64x128xf32, #tpu.memory_space<vmem>>)
      %get3A_187 = arith.constant 1 : i32
      %get3A_188 = arith.index_cast %get3A_187 : i32 to index
      %get3A_189 = arith.constant 0 : index
      %get3A_190 = tpu.vector_load %arg6[%get3A_188, %get3A_189] {strides = array<i32>} : memref<2x64xi32, #tpu.memory_space<vmem>>, vector<1x16xi32>,
      %get3A_191 = vector.shape_cast %get3A_190 : vector<1x16xi32> to vector<16xi32>
      %ge3A_192 = vector.broadcast %mul3A_1 : i32 to vector<16xi32>
      %ge3A_193 = arith.cmpi sge, %get3A_191, %ge3A_192 : vector<16xi32>
      %lt3A_194 = vector.broadcast %add3A_3 : i32 to vector<16xi32>
      %lt3A_195 = arith.cmpi slt, %get3A_191, %lt3A_194 : vector<16xi32>
      %and3A_196 = arith.andi %ge3A_193, %lt3A_195 : vector<16xi1>
      %sub3A_197 = vector.broadcast %mul3A_1 : i32 to vector<16xi32>
      %sub3A_198 = arith.subi %get3A_191, %sub3A_197 : vector<16xi32>
      %jit3A_199 = arith.constant 12500 : i32
      %broadcast_in_dim3A_200 = vector.broadcast %jit3A_199 : i32 to vector<16xi32>
      %select_n3A_201 = arith.select %and3A_196, %sub3A_198, %broadcast_in_dim3A_200 : vector<16xi1>, vector<16xi32>
      %swap3A_202 = arith.constant 1 : i32
      %swap3A_203 = arith.index_cast %swap3A_202 : i32 to index
      %swap3A_204 = arith.constant 0 : index
      %swap3A_205 = tpu.vector_load %arg7[%swap3A_203, %swap3A_204] {strides = array<i32>} : memref<2x64xi32, #tpu.memory_space<vmem>>, vector<1x16xi32>,
      %swap3A_206 = vector.shape_cast %swap3A_205 : vector<1x16xi32> to vector<16xi32>
      %swap3A_207 = vector.shape_cast %select_n3A_201 : vector<16xi32> to vector<1x16xi32>
      tpu.vector_store %arg7[%swap3A_203, %swap3A_204], %swap3A_207 {strides = array<i32>} : memref<2x64xi32, #tpu.memory_space<vmem>>, vector<1x16xi32>,
      %get3A_208 = arith.constant 1 : i32
      %get3A_209 = arith.index_cast %get3A_208 : i32 to index
      %get3A_210 = arith.constant 16 : index
      %get3A_211 = tpu.vector_load %arg6[%get3A_209, %get3A_210] {strides = array<i32>} : memref<2x64xi32, #tpu.memory_space<vmem>>, vector<1x16xi32>,
      %get3A_212 = vector.shape_cast %get3A_211 : vector<1x16xi32> to vector<16xi32>
      %ge3A_213 = vector.broadcast %mul3A_1 : i32 to vector<16xi32>
      %ge3A_214 = arith.cmpi sge, %get3A_212, %ge3A_213 : vector<16xi32>
      %lt3A_215 = vector.broadcast %add3A_3 : i32 to vector<16xi32>
      %lt3A_216 = arith.cmpi slt, %get3A_212, %lt3A_215 : vector<16xi32>
      %and3A_217 = arith.andi %ge3A_214, %lt3A_216 : vector<16xi1>
      %sub3A_218 = vector.broadcast %mul3A_1 : i32 to vector<16xi32>
      %sub3A_219 = arith.subi %get3A_212, %sub3A_218 : vector<16xi32>
      %jit3A_220 = arith.constant 12500 : i32
      %broadcast_in_dim3A_221 = vector.broadcast %jit3A_220 : i32 to vector<16xi32>
      %select_n3A_222 = arith.select %and3A_217, %sub3A_219, %broadcast_in_dim3A_221 : vector<16xi1>, vector<16xi32>
      %swap3A_223 = arith.constant 1 : i32
      %swap3A_224 = arith.index_cast %swap3A_223 : i32 to index
      %swap3A_225 = arith.constant 16 : index
      %swap3A_226 = tpu.vector_load %arg7[%swap3A_224, %swap3A_225] {strides = array<i32>} : memref<2x64xi32, #tpu.memory_space<vmem>>, vector<1x16xi32>,
      %swap3A_227 = vector.shape_cast %swap3A_226 : vector<1x16xi32> to vector<16xi32>
      %swap3A_228 = vector.shape_cast %select_n3A_222 : vector<16xi32> to vector<1x16xi32>
      tpu.vector_store %arg7[%swap3A_224, %swap3A_225], %swap3A_228 {strides = array<i32>} : memref<2x64xi32, #tpu.memory_space<vmem>>, vector<1x16xi32>,
      %get3A_229 = arith.constant 1 : i32
      %get3A_230 = arith.index_cast %get3A_229 : i32 to index
      %get3A_231 = arith.constant 32 : index
      %get3A_232 = tpu.vector_load %arg6[%get3A_230, %get3A_231] {strides = array<i32>} : memref<2x64xi32, #tpu.memory_space<vmem>>, vector<1x16xi32>,
      %get3A_233 = vector.shape_cast %get3A_232 : vector<1x16xi32> to vector<16xi32>
      %ge3A_234 = vector.broadcast %mul3A_1 : i32 to vector<16xi32>
      %ge3A_235 = arith.cmpi sge, %get3A_233, %ge3A_234 : vector<16xi32>
      %lt3A_236 = vector.broadcast %add3A_3 : i32 to vector<16xi32>
      %lt3A_237 = arith.cmpi slt, %get3A_233, %lt3A_236 : vector<16xi32>
      %and3A_238 = arith.andi %ge3A_235, %lt3A_237 : vector<16xi1>
      %sub3A_239 = vector.broadcast %mul3A_1 : i32 to vector<16xi32>
      %sub3A_240 = arith.subi %get3A_233, %sub3A_239 : vector<16xi32>
      %jit3A_241 = arith.constant 12500 : i32
      %broadcast_in_dim3A_242 = vector.broadcast %jit3A_241 : i32 to vector<16xi32>
      %select_n3A_243 = arith.select %and3A_238, %sub3A_240, %broadcast_in_dim3A_242 : vector<16xi1>, vector<16xi32>
      %swap3A_244 = arith.constant 1 : i32
      %swap3A_245 = arith.index_cast %swap3A_244 : i32 to index
      %swap3A_246 = arith.constant 32 : index
      %swap3A_247 = tpu.vector_load %arg7[%swap3A_245, %swap3A_246] {strides = array<i32>} : memref<2x64xi32, #tpu.memory_space<vmem>>, vector<1x16xi32>,
      %swap3A_248 = vector.shape_cast %swap3A_247 : vector<1x16xi32> to vector<16xi32>
      %swap3A_249 = vector.shape_cast %select_n3A_243 : vector<16xi32> to vector<1x16xi32>
      tpu.vector_store %arg7[%swap3A_245, %swap3A_246], %swap3A_249 {strides = array<i32>} : memref<2x64xi32, #tpu.memory_space<vmem>>, vector<1x16xi32>,
      %get3A_250 = arith.constant 1 : i32
      %get3A_251 = arith.index_cast %get3A_250 : i32 to index
      %get3A_252 = arith.constant 48 : index
      %get3A_253 = tpu.vector_load %arg6[%get3A_251, %get3A_252] {strides = array<i32>} : memref<2x64xi32, #tpu.memory_space<vmem>>, vector<1x16xi32>,
      %get3A_254 = vector.shape_cast %get3A_253 : vector<1x16xi32> to vector<16xi32>
      %ge3A_255 = vector.broadcast %mul3A_1 : i32 to vector<16xi32>
      %ge3A_256 = arith.cmpi sge, %get3A_254, %ge3A_255 : vector<16xi32>
      %lt3A_257 = vector.broadcast %add3A_3 : i32 to vector<16xi32>
      %lt3A_258 = arith.cmpi slt, %get3A_254, %lt3A_257 : vector<16xi32>
      %and3A_259 = arith.andi %ge3A_256, %lt3A_258 : vector<16xi1>
      %sub3A_260 = vector.broadcast %mul3A_1 : i32 to vector<16xi32>
      %sub3A_261 = arith.subi %get3A_254, %sub3A_260 : vector<16xi32>
      %jit3A_262 = arith.constant 12500 : i32
      %broadcast_in_dim3A_263 = vector.broadcast %jit3A_262 : i32 to vector<16xi32>
      %select_n3A_264 = arith.select %and3A_259, %sub3A_261, %broadcast_in_dim3A_263 : vector<16xi1>, vector<16xi32>
      %swap3A_265 = arith.constant 1 : i32
      %swap3A_266 = arith.index_cast %swap3A_265 : i32 to index
      %swap3A_267 = arith.constant 48 : index
      %swap3A_268 = tpu.vector_load %arg7[%swap3A_266, %swap3A_267] {strides = array<i32>} : memref<2x64xi32, #tpu.memory_space<vmem>>, vector<1x16xi32>,
      %swap3A_269 = vector.shape_cast %swap3A_268 : vector<1x16xi32> to vector<16xi32>
      %swap3A_270 = vector.shape_cast %select_n3A_264 : vector<16xi32> to vector<1x16xi32>
      tpu.vector_store %arg7[%swap3A_266, %swap3A_267], %swap3A_270 {strides = array<i32>} : memref<2x64xi32, #tpu.memory_space<vmem>>, vector<1x16xi32>,
      %run_scoped3A_271 = arith.constant 1 : i32
      %run_scoped3A_272 = arith.constant 1 : i32
      "tpu.region"() ({
        %run_scoped3A_273 = tpu.sem_alloc : memref<!tpu.dma_semaphore, #tpu.memory_space<semaphore_mem>>
        %dma_start3A_274 = arith.constant 0 : i32
        %dma_start3A_275 = arith.constant 0 : i32
        %dma_start3A_276 = tpu.memref_slice %arg8[%run_scoped3A_271, %dma_start3A_274, %dma_start3A_275] : memref<2x64x128xf32, #tpu.memory_space<vmem>> -> memref<1x64x128xf32, #tpu.memory_space<vmem>>
        %dma_start3A_277 = tpu.memref_squeeze %dma_start3A_276 : memref<1x64x128xf32, #tpu.memory_space<vmem>> -> memref<64x128xf32, #tpu.memory_space<vmem>>
        %dma_start3A_278 = arith.constant 0 : i32
        %dma_start3A_279 = tpu.memref_slice %arg7[%run_scoped3A_272, %dma_start3A_278] : memref<2x64xi32, #tpu.memory_space<vmem>> -> memref<1x64xi32, #tpu.memory_space<vmem>>
        %dma_start3A_280 = tpu.memref_squeeze %dma_start3A_279 : memref<1x64xi32, #tpu.memory_space<vmem>> -> memref<64xi32, #tpu.memory_space<vmem>>
        %dma_start3A_281 = arith.constant 0 : i32
        %dma_start3A_282 = arith.constant 0 : i32
        %dma_start3A_283 = tpu.memref_slice %arg9[%dma_start3A_281, %dma_start3A_282] : memref<12544x128xf32, #tpu.memory_space<vmem_shared>> -> memref<12544x128xf32, #tpu.memory_space<vmem_shared>>
        tpu.enqueue_indirect_dma source(%dma_start3A_277 : memref<64x128xf32, #tpu.memory_space<vmem>>) target(%dma_start3A_283 : memref<12544x128xf32, #tpu.memory_space<vmem_shared>>) offsets(%dma_start3A_280 : memref<64xi32, #tpu.memory_space<vmem>>) semaphore(%run_scoped3A_273 : memref<!tpu.dma_semaphore, #tpu.memory_space<semaphore_mem>>) {add = true}
        %dma_wait3A_284 = arith.constant 0 : i32
        %dma_wait3A_285 = arith.constant 0 : i32
        %dma_wait3A_286 = tpu.memref_slice %arg8[%run_scoped3A_271, %dma_wait3A_284, %dma_wait3A_285] : memref<2x64x128xf32, #tpu.memory_space<vmem>> -> memref<1x64x128xf32, #tpu.memory_space<vmem>>
        %dma_wait3A_287 = tpu.memref_squeeze %dma_wait3A_286 : memref<1x64x128xf32, #tpu.memory_space<vmem>> -> memref<64x128xf32, #tpu.memory_space<vmem>>
        %dma_wait3A_288 = arith.constant 0 : i32
        %dma_wait3A_289 = tpu.memref_slice %arg7[%run_scoped3A_272, %dma_wait3A_288] : memref<2x64xi32, #tpu.memory_space<vmem>> -> memref<1x64xi32, #tpu.memory_space<vmem>>
        %dma_wait3A_290 = tpu.memref_squeeze %dma_wait3A_289 : memref<1x64xi32, #tpu.memory_space<vmem>> -> memref<64xi32, #tpu.memory_space<vmem>>
        %dma_wait3A_291 = arith.constant 0 : i32
        %dma_wait3A_292 = arith.constant 0 : i32
        %dma_wait3A_293 = tpu.memref_slice %arg9[%dma_wait3A_291, %dma_wait3A_292] : memref<12544x128xf32, #tpu.memory_space<vmem_shared>> -> memref<12544x128xf32, #tpu.memory_space<vmem_shared>>
        tpu.wait_indirect_dma semaphore(%run_scoped3A_273 : memref<!tpu.dma_semaphore, #tpu.memory_space<semaphore_mem>>) src(%dma_wait3A_287 : memref<64x128xf32, #tpu.memory_space<vmem>>) dst(%dma_wait3A_293 : memref<12544x128xf32, #tpu.memory_space<vmem_shared>>)
        tpu.yield
      }) : () -> ()
    }
    %scan3A_12 = arith.constant 392 : i32
    %barrier3A_13 = arith.constant 0 : index
    tpu.barrier barrier_id(%barrier3A_13)
    %mul3A_14 = arith.constant 12544 : i32
    %mul3A_15 = arith.muli %arg0, %mul3A_14 : i32
    %add3A_16 = arith.addi %mul3A_15, %mul3A_5 : i32
    "tpu.region"() ({
      %run_scoped3A = tpu.sem_alloc : memref<!tpu.dma_semaphore, #tpu.memory_space<semaphore_mem>>
      %dma_start3A = arith.constant 0 : i32
      %dma_start3A_17 = tpu.memref_slice %arg5[%add3A_16, %dma_start3A] : memref<25088x128xf32, #tpu.memory_space<hbm>> -> memref<784x128xf32, #tpu.memory_space<hbm>>
      %dma_start3A_18 = arith.constant 0 : i32
      %dma_start3A_19 = tpu.memref_slice %arg9[%mul3A_5, %dma_start3A_18] : memref<12544x128xf32, #tpu.memory_space<vmem_shared>> -> memref<784x128xf32, #tpu.memory_space<vmem_shared>>
      tpu.enqueue_dma source(%dma_start3A_19 : memref<784x128xf32, #tpu.memory_space<vmem_shared>>) target(%dma_start3A_17 : memref<784x128xf32, #tpu.memory_space<hbm>>) target_semaphore(%run_scoped3A : memref<!tpu.dma_semaphore, #tpu.memory_space<semaphore_mem>>)
      %dma_wait3A = arith.constant 0 : i32
      %dma_wait3A_20 = tpu.memref_slice %arg5[%add3A_16, %dma_wait3A] : memref<25088x128xf32, #tpu.memory_space<hbm>> -> memref<784x128xf32, #tpu.memory_space<hbm>>
      %dma_wait3A_21 = arith.constant 0 : i32
      %dma_wait3A_22 = tpu.memref_slice %arg9[%mul3A_5, %dma_wait3A_21] : memref<12544x128xf32, #tpu.memory_space<vmem_shared>> -> memref<784x128xf32, #tpu.memory_space<vmem_shared>>
      tpu.wait_dma2 semaphore(%run_scoped3A : memref<!tpu.dma_semaphore, #tpu.memory_space<semaphore_mem>>) src(%dma_wait3A_22 : memref<784x128xf32, #tpu.memory_space<vmem_shared>>) dst(%dma_wait3A_20 : memref<784x128xf32, #tpu.memory_space<hbm>>)
      tpu.yield
    }) : () -> ()
    return
  }
}

#map = affine_map<(d0, d1) -> (0)>
#map1 = affine_map<(d0, d1) -> (0, 0)>
module attributes {stable_mosaic.version = 14 : i64} {
  func.func @k(%arg0: i32, %arg1: i32, %arg2: memref<802816xi32, #tpu.memory_space<hbm>>, %arg3: memref<802816x128xf32, #tpu.memory_space<hbm>>, %arg4: memref<784x128xf32, #tpu.memory_space<hbm>>, %arg5: memref<25088x128xf32, #tpu.memory_space<hbm>>, %arg6: memref<2x64xi32, #tpu.memory_space<vmem>>, %arg7: memref<2x64xi32, #tpu.memory_space<vmem>>, %arg8: memref<2x64x128xf32, #tpu.memory_space<vmem>>, %arg9: memref<12544x128xf32, #tpu.memory_space<vmem_shared>>, %arg10: memref<!tpu.dma_semaphore, #tpu.memory_space<semaphore_mem>>, %arg11: memref<!tpu.dma_semaphore, #tpu.memory_space<semaphore_mem>>) attributes {dimension_semantics = [#tpu.dimension_semantics<core_parallel>, #tpu.dimension_semantics<subcore_parallel>], iteration_bounds = array<i64: 2, 16>, scalar_prefetch = 0 : i64, scratch_operands = 6 : i64, tpu.core_type = #tpu.core_type<sc_vector_subcore>, window_params = [{transform_indices = #map}, {transform_indices = #map1}, {transform_indices = #map1}, {transform_indices = #map1}]} {
    %add3A = arith.constant 0 : i32
    %add3A_0 = arith.addi %add3A, %arg0 : i32
    %mul3A = arith.constant 12500 : i32
    %mul3A_1 = arith.muli %add3A_0, %mul3A : i32
    %add3A_2 = arith.constant 12500 : i32
    %add3A_3 = arith.addi %mul3A_1, %add3A_2 : i32
    %mul3A_4 = arith.constant 784 : i32
    %mul3A_5 = arith.muli %arg1, %mul3A_4 : i32
    "tpu.region"() ({
      %run_scoped3A = tpu.sem_alloc : memref<!tpu.dma_semaphore, #tpu.memory_space<semaphore_mem>>
      %dma_start3A = arith.constant 0 : i32
      %dma_start3A_17 = tpu.memref_slice %arg9[%mul3A_5, %dma_start3A] : memref<12544x128xf32, #tpu.memory_space<vmem_shared>> -> memref<784x128xf32, #tpu.memory_space<vmem_shared>>
      tpu.enqueue_dma source(%arg4 : memref<784x128xf32, #tpu.memory_space<hbm>>) target(%dma_start3A_17 : memref<784x128xf32, #tpu.memory_space<vmem_shared>>) target_semaphore(%run_scoped3A : memref<!tpu.dma_semaphore, #tpu.memory_space<semaphore_mem>>)
      %dma_wait3A = arith.constant 0 : i32
      %dma_wait3A_18 = tpu.memref_slice %arg9[%mul3A_5, %dma_wait3A] : memref<12544x128xf32, #tpu.memory_space<vmem_shared>> -> memref<784x128xf32, #tpu.memory_space<vmem_shared>>
      tpu.wait_dma2 semaphore(%run_scoped3A : memref<!tpu.dma_semaphore, #tpu.memory_space<semaphore_mem>>) src(%arg4 : memref<784x128xf32, #tpu.memory_space<hbm>>) dst(%dma_wait3A_18 : memref<784x128xf32, #tpu.memory_space<vmem_shared>>)
      tpu.yield
    }) : () -> ()
    %barrier3A = arith.constant 0 : index
    tpu.barrier barrier_id(%barrier3A)
    %mul3A_6 = arith.constant 50176 : i32
    %mul3A_7 = arith.muli %arg1, %mul3A_6 : i32
    %scan3A = arith.constant 0 : i32
    %scan3A_8 = arith.constant 0 : i32
    %scan3A_9 = arith.constant 392 : i32
    %scan3A_10 = arith.addi %scan3A_8, %scan3A_9 : i32
    %scan3A_11 = arith.constant 1 : i32
    scf.for %scan3A_17 = %scan3A_8 to %scan3A_10 step %scan3A_11  : i32 {
      %mul3A_18 = arith.constant 2 : i32
      %mul3A_19 = arith.muli %mul3A_18, %scan3A_17 : i32
      %mul3A_20 = arith.constant 64 : i32
      %mul3A_21 = arith.muli %mul3A_19, %mul3A_20 : i32
      %add3A_22 = arith.addi %mul3A_7, %mul3A_21 : i32
      %add3A_23 = arith.constant 64 : i32
      %add3A_24 = arith.addi %add3A_22, %add3A_23 : i32
      %dma_start3A = arith.constant 0 : i32
      %dma_start3A_25 = arith.constant 0 : i32
      %dma_start3A_26 = tpu.memref_slice %arg6[%dma_start3A, %dma_start3A_25] : memref<2x64xi32, #tpu.memory_space<vmem>> -> memref<1x64xi32, #tpu.memory_space<vmem>>
      %dma_start3A_27 = tpu.memref_squeeze %dma_start3A_26 : memref<1x64xi32, #tpu.memory_space<vmem>> -> memref<64xi32, #tpu.memory_space<vmem>>
      %dma_start3A_28 = tpu.memref_slice %arg2[%add3A_22] : memref<802816xi32, #tpu.memory_space<hbm>> -> memref<64xi32, #tpu.memory_space<hbm>>
      %dma_start3A_29 = arith.constant 0 : i32
      %dma_start3A_30 = tpu.memref_slice %arg6[%dma_start3A, %dma_start3A_29] : memref<2x64xi32, #tpu.memory_space<vmem>> -> memref<1x64xi32, #tpu.memory_space<vmem>>
      %dma_start3A_31 = tpu.memref_squeeze %dma_start3A_30 : memref<1x64xi32, #tpu.memory_space<vmem>> -> memref<64xi32, #tpu.memory_space<vmem>>
      %dma_start3A_32 = tpu.memref_slice %arg2[%add3A_22] : memref<802816xi32, #tpu.memory_space<hbm>> -> memref<64xi32, #tpu.memory_space<hbm>>
      tpu.enqueue_dma source(%dma_start3A_32 : memref<64xi32, #tpu.memory_space<hbm>>) target(%dma_start3A_31 : memref<64xi32, #tpu.memory_space<vmem>>) target_semaphore(%arg10 : memref<!tpu.dma_semaphore, #tpu.memory_space<semaphore_mem>>)
      %dma_start3A_33 = arith.constant 0 : i32
      %dma_start3A_34 = arith.constant 0 : i32
      %dma_start3A_35 = arith.constant 0 : i32
      %dma_start3A_36 = tpu.memref_slice %arg8[%dma_start3A_33, %dma_start3A_34, %dma_start3A_35] : memref<2x64x128xf32, #tpu.memory_space<vmem>> -> memref<1x64x128xf32, #tpu.memory_space<vmem>>
      %dma_start3A_37 = tpu.memref_squeeze %dma_start3A_36 : memref<1x64x128xf32, #tpu.memory_space<vmem>> -> memref<64x128xf32, #tpu.memory_space<vmem>>
      %dma_start3A_38 = arith.constant 0 : i32
      %dma_start3A_39 = tpu.memref_slice %arg3[%add3A_22, %dma_start3A_38] : memref<802816x128xf32, #tpu.memory_space<hbm>> -> memref<64x128xf32, #tpu.memory_space<hbm>>
      %dma_start3A_40 = arith.constant 0 : i32
      %dma_start3A_41 = arith.constant 0 : i32
      %dma_start3A_42 = tpu.memref_slice %arg8[%dma_start3A_33, %dma_start3A_40, %dma_start3A_41] : memref<2x64x128xf32, #tpu.memory_space<vmem>> -> memref<1x64x128xf32, #tpu.memory_space<vmem>>
      %dma_start3A_43 = tpu.memref_squeeze %dma_start3A_42 : memref<1x64x128xf32, #tpu.memory_space<vmem>> -> memref<64x128xf32, #tpu.memory_space<vmem>>
      %dma_start3A_44 = arith.constant 0 : i32
      %dma_start3A_45 = tpu.memref_slice %arg3[%add3A_22, %dma_start3A_44] : memref<802816x128xf32, #tpu.memory_space<hbm>> -> memref<64x128xf32, #tpu.memory_space<hbm>>
      tpu.enqueue_dma source(%dma_start3A_45 : memref<64x128xf32, #tpu.memory_space<hbm>>) target(%dma_start3A_43 : memref<64x128xf32, #tpu.memory_space<vmem>>) target_semaphore(%arg10 : memref<!tpu.dma_semaphore, #tpu.memory_space<semaphore_mem>>)
      %dma_start3A_46 = arith.constant 1 : i32
      %dma_start3A_47 = arith.constant 0 : i32
      %dma_start3A_48 = tpu.memref_slice %arg6[%dma_start3A_46, %dma_start3A_47] : memref<2x64xi32, #tpu.memory_space<vmem>> -> memref<1x64xi32, #tpu.memory_space<vmem>>
      %dma_start3A_49 = tpu.memref_squeeze %dma_start3A_48 : memref<1x64xi32, #tpu.memory_space<vmem>> -> memref<64xi32, #tpu.memory_space<vmem>>
      %dma_start3A_50 = tpu.memref_slice %arg2[%add3A_24] : memref<802816xi32, #tpu.memory_space<hbm>> -> memref<64xi32, #tpu.memory_space<hbm>>
      %dma_start3A_51 = arith.constant 0 : i32
      %dma_start3A_52 = tpu.memref_slice %arg6[%dma_start3A_46, %dma_start3A_51] : memref<2x64xi32, #tpu.memory_space<vmem>> -> memref<1x64xi32, #tpu.memory_space<vmem>>
      %dma_start3A_53 = tpu.memref_squeeze %dma_start3A_52 : memref<1x64xi32, #tpu.memory_space<vmem>> -> memref<64xi32, #tpu.memory_space<vmem>>
      %dma_start3A_54 = tpu.memref_slice %arg2[%add3A_24] : memref<802816xi32, #tpu.memory_space<hbm>> -> memref<64xi32, #tpu.memory_space<hbm>>
      tpu.enqueue_dma source(%dma_start3A_54 : memref<64xi32, #tpu.memory_space<hbm>>) target(%dma_start3A_53 : memref<64xi32, #tpu.memory_space<vmem>>) target_semaphore(%arg11 : memref<!tpu.dma_semaphore, #tpu.memory_space<semaphore_mem>>)
      %dma_start3A_55 = arith.constant 1 : i32
      %dma_start3A_56 = arith.constant 0 : i32
      %dma_start3A_57 = arith.constant 0 : i32
      %dma_start3A_58 = tpu.memref_slice %arg8[%dma_start3A_55, %dma_start3A_56, %dma_start3A_57] : memref<2x64x128xf32, #tpu.memory_space<vmem>> -> memref<1x64x128xf32, #tpu.memory_space<vmem>>
      %dma_start3A_59 = tpu.memref_squeeze %dma_start3A_58 : memref<1x64x128xf32, #tpu.memory_space<vmem>> -> memref<64x128xf32, #tpu.memory_space<vmem>>
      %dma_start3A_60 = arith.constant 0 : i32
      %dma_start3A_61 = tpu.memref_slice %arg3[%add3A_24, %dma_start3A_60] : memref<802816x128xf32, #tpu.memory_space<hbm>> -> memref<64x128xf32, #tpu.memory_space<hbm>>
      %dma_start3A_62 = arith.constant 0 : i32
      %dma_start3A_63 = arith.constant 0 : i32
      %dma_start3A_64 = tpu.memref_slice %arg8[%dma_start3A_55, %dma_start3A_62, %dma_start3A_63] : memref<2x64x128xf32, #tpu.memory_space<vmem>> -> memref<1x64x128xf32, #tpu.memory_space<vmem>>
      %dma_start3A_65 = tpu.memref_squeeze %dma_start3A_64 : memref<1x64x128xf32, #tpu.memory_space<vmem>> -> memref<64x128xf32, #tpu.memory_space<vmem>>
      %dma_start3A_66 = arith.constant 0 : i32
      %dma_start3A_67 = tpu.memref_slice %arg3[%add3A_24, %dma_start3A_66] : memref<802816x128xf32, #tpu.memory_space<hbm>> -> memref<64x128xf32, #tpu.memory_space<hbm>>
      tpu.enqueue_dma source(%dma_start3A_67 : memref<64x128xf32, #tpu.memory_space<hbm>>) target(%dma_start3A_65 : memref<64x128xf32, #tpu.memory_space<vmem>>) target_semaphore(%arg11 : memref<!tpu.dma_semaphore, #tpu.memory_space<semaphore_mem>>)
      %dma_wait3A = arith.constant 0 : i32
      %dma_wait3A_68 = arith.constant 0 : i32
      %dma_wait3A_69 = tpu.memref_slice %arg6[%dma_wait3A, %dma_wait3A_68] : memref<2x64xi32, #tpu.memory_space<vmem>> -> memref<1x64xi32, #tpu.memory_space<vmem>>
      %dma_wait3A_70 = tpu.memref_squeeze %dma_wait3A_69 : memref<1x64xi32, #tpu.memory_space<vmem>> -> memref<64xi32, #tpu.memory_space<vmem>>
      %dma_wait3A_71 = tpu.memref_slice %arg2[%add3A_22] : memref<802816xi32, #tpu.memory_space<hbm>> -> memref<64xi32, #tpu.memory_space<hbm>>
      %dma_wait3A_72 = arith.constant 0 : i32
      %dma_wait3A_73 = tpu.memref_slice %arg6[%dma_wait3A, %dma_wait3A_72] : memref<2x64xi32, #tpu.memory_space<vmem>> -> memref<1x64xi32, #tpu.memory_space<vmem>>
      %dma_wait3A_74 = tpu.memref_squeeze %dma_wait3A_73 : memref<1x64xi32, #tpu.memory_space<vmem>> -> memref<64xi32, #tpu.memory_space<vmem>>
      %dma_wait3A_75 = tpu.memref_slice %arg2[%add3A_22] : memref<802816xi32, #tpu.memory_space<hbm>> -> memref<64xi32, #tpu.memory_space<hbm>>
      tpu.wait_dma2 semaphore(%arg10 : memref<!tpu.dma_semaphore, #tpu.memory_space<semaphore_mem>>) src(%dma_wait3A_75 : memref<64xi32, #tpu.memory_space<hbm>>) dst(%dma_wait3A_74 : memref<64xi32, #tpu.memory_space<vmem>>)
      %dma_wait3A_76 = arith.constant 0 : i32
      %dma_wait3A_77 = arith.constant 0 : i32
      %dma_wait3A_78 = arith.constant 0 : i32
      %dma_wait3A_79 = tpu.memref_slice %arg8[%dma_wait3A_76, %dma_wait3A_77, %dma_wait3A_78] : memref<2x64x128xf32, #tpu.memory_space<vmem>> -> memref<1x64x128xf32, #tpu.memory_space<vmem>>
      %dma_wait3A_80 = tpu.memref_squeeze %dma_wait3A_79 : memref<1x64x128xf32, #tpu.memory_space<vmem>> -> memref<64x128xf32, #tpu.memory_space<vmem>>
      %dma_wait3A_81 = arith.constant 0 : i32
      %dma_wait3A_82 = tpu.memref_slice %arg3[%add3A_22, %dma_wait3A_81] : memref<802816x128xf32, #tpu.memory_space<hbm>> -> memref<64x128xf32, #tpu.memory_space<hbm>>
      %dma_wait3A_83 = arith.constant 0 : i32
      %dma_wait3A_84 = arith.constant 0 : i32
      %dma_wait3A_85 = tpu.memref_slice %arg8[%dma_wait3A_76, %dma_wait3A_83, %dma_wait3A_84] : memref<2x64x128xf32, #tpu.memory_space<vmem>> -> memref<1x64x128xf32, #tpu.memory_space<vmem>>
      %dma_wait3A_86 = tpu.memref_squeeze %dma_wait3A_85 : memref<1x64x128xf32, #tpu.memory_space<vmem>> -> memref<64x128xf32, #tpu.memory_space<vmem>>
      %dma_wait3A_87 = arith.constant 0 : i32
      %dma_wait3A_88 = tpu.memref_slice %arg3[%add3A_22, %dma_wait3A_87] : memref<802816x128xf32, #tpu.memory_space<hbm>> -> memref<64x128xf32, #tpu.memory_space<hbm>>
      tpu.wait_dma2 semaphore(%arg10 : memref<!tpu.dma_semaphore, #tpu.memory_space<semaphore_mem>>) src(%dma_wait3A_88 : memref<64x128xf32, #tpu.memory_space<hbm>>) dst(%dma_wait3A_86 : memref<64x128xf32, #tpu.memory_space<vmem>>)
      %get3A = arith.constant 0 : i32
      %get3A_89 = arith.index_cast %get3A : i32 to index
      %get3A_90 = arith.constant 0 : index
      %get3A_91 = tpu.vector_load %arg6[%get3A_89, %get3A_90] {strides = array<i32>} : memref<2x64xi32, #tpu.memory_space<vmem>>, vector<1x16xi32>,
      %get3A_92 = vector.shape_cast %get3A_91 : vector<1x16xi32> to vector<16xi32>
      %ge3A = vector.broadcast %mul3A_1 : i32 to vector<16xi32>
      %ge3A_93 = arith.cmpi sge, %get3A_92, %ge3A : vector<16xi32>
      %lt3A = vector.broadcast %add3A_3 : i32 to vector<16xi32>
      %lt3A_94 = arith.cmpi slt, %get3A_92, %lt3A : vector<16xi32>
      %and3A = arith.andi %ge3A_93, %lt3A_94 : vector<16xi1>
      %sub3A = vector.broadcast %mul3A_1 : i32 to vector<16xi32>
      %sub3A_95 = arith.subi %get3A_92, %sub3A : vector<16xi32>
      %jit3A = arith.constant 12500 : i32
      %broadcast_in_dim3A = vector.broadcast %jit3A : i32 to vector<16xi32>
      %select_n3A = arith.select %and3A, %sub3A_95, %broadcast_in_dim3A : vector<16xi1>, vector<16xi32>
      %swap3A = arith.constant 0 : i32
      %swap3A_96 = arith.index_cast %swap3A : i32 to index
      %swap3A_97 = arith.constant 0 : index
      %swap3A_98 = tpu.vector_load %arg7[%swap3A_96, %swap3A_97] {strides = array<i32>} : memref<2x64xi32, #tpu.memory_space<vmem>>, vector<1x16xi32>,
      %swap3A_99 = vector.shape_cast %swap3A_98 : vector<1x16xi32> to vector<16xi32>
      %swap3A_100 = vector.shape_cast %select_n3A : vector<16xi32> to vector<1x16xi32>
      tpu.vector_store %arg7[%swap3A_96, %swap3A_97], %swap3A_100 {strides = array<i32>} : memref<2x64xi32, #tpu.memory_space<vmem>>, vector<1x16xi32>,
      %get3A_101 = arith.constant 0 : i32
      %get3A_102 = arith.index_cast %get3A_101 : i32 to index
      %get3A_103 = arith.constant 16 : index
      %get3A_104 = tpu.vector_load %arg6[%get3A_102, %get3A_103] {strides = array<i32>} : memref<2x64xi32, #tpu.memory_space<vmem>>, vector<1x16xi32>,
      %get3A_105 = vector.shape_cast %get3A_104 : vector<1x16xi32> to vector<16xi32>
      %ge3A_106 = vector.broadcast %mul3A_1 : i32 to vector<16xi32>
      %ge3A_107 = arith.cmpi sge, %get3A_105, %ge3A_106 : vector<16xi32>
      %lt3A_108 = vector.broadcast %add3A_3 : i32 to vector<16xi32>
      %lt3A_109 = arith.cmpi slt, %get3A_105, %lt3A_108 : vector<16xi32>
      %and3A_110 = arith.andi %ge3A_107, %lt3A_109 : vector<16xi1>
      %sub3A_111 = vector.broadcast %mul3A_1 : i32 to vector<16xi32>
      %sub3A_112 = arith.subi %get3A_105, %sub3A_111 : vector<16xi32>
      %jit3A_113 = arith.constant 12500 : i32
      %broadcast_in_dim3A_114 = vector.broadcast %jit3A_113 : i32 to vector<16xi32>
      %select_n3A_115 = arith.select %and3A_110, %sub3A_112, %broadcast_in_dim3A_114 : vector<16xi1>, vector<16xi32>
      %swap3A_116 = arith.constant 0 : i32
      %swap3A_117 = arith.index_cast %swap3A_116 : i32 to index
      %swap3A_118 = arith.constant 16 : index
      %swap3A_119 = tpu.vector_load %arg7[%swap3A_117, %swap3A_118] {strides = array<i32>} : memref<2x64xi32, #tpu.memory_space<vmem>>, vector<1x16xi32>,
      %swap3A_120 = vector.shape_cast %swap3A_119 : vector<1x16xi32> to vector<16xi32>
      %swap3A_121 = vector.shape_cast %select_n3A_115 : vector<16xi32> to vector<1x16xi32>
      tpu.vector_store %arg7[%swap3A_117, %swap3A_118], %swap3A_121 {strides = array<i32>} : memref<2x64xi32, #tpu.memory_space<vmem>>, vector<1x16xi32>,
      %get3A_122 = arith.constant 0 : i32
      %get3A_123 = arith.index_cast %get3A_122 : i32 to index
      %get3A_124 = arith.constant 32 : index
      %get3A_125 = tpu.vector_load %arg6[%get3A_123, %get3A_124] {strides = array<i32>} : memref<2x64xi32, #tpu.memory_space<vmem>>, vector<1x16xi32>,
      %get3A_126 = vector.shape_cast %get3A_125 : vector<1x16xi32> to vector<16xi32>
      %ge3A_127 = vector.broadcast %mul3A_1 : i32 to vector<16xi32>
      %ge3A_128 = arith.cmpi sge, %get3A_126, %ge3A_127 : vector<16xi32>
      %lt3A_129 = vector.broadcast %add3A_3 : i32 to vector<16xi32>
      %lt3A_130 = arith.cmpi slt, %get3A_126, %lt3A_129 : vector<16xi32>
      %and3A_131 = arith.andi %ge3A_128, %lt3A_130 : vector<16xi1>
      %sub3A_132 = vector.broadcast %mul3A_1 : i32 to vector<16xi32>
      %sub3A_133 = arith.subi %get3A_126, %sub3A_132 : vector<16xi32>
      %jit3A_134 = arith.constant 12500 : i32
      %broadcast_in_dim3A_135 = vector.broadcast %jit3A_134 : i32 to vector<16xi32>
      %select_n3A_136 = arith.select %and3A_131, %sub3A_133, %broadcast_in_dim3A_135 : vector<16xi1>, vector<16xi32>
      %swap3A_137 = arith.constant 0 : i32
      %swap3A_138 = arith.index_cast %swap3A_137 : i32 to index
      %swap3A_139 = arith.constant 32 : index
      %swap3A_140 = tpu.vector_load %arg7[%swap3A_138, %swap3A_139] {strides = array<i32>} : memref<2x64xi32, #tpu.memory_space<vmem>>, vector<1x16xi32>,
      %swap3A_141 = vector.shape_cast %swap3A_140 : vector<1x16xi32> to vector<16xi32>
      %swap3A_142 = vector.shape_cast %select_n3A_136 : vector<16xi32> to vector<1x16xi32>
      tpu.vector_store %arg7[%swap3A_138, %swap3A_139], %swap3A_142 {strides = array<i32>} : memref<2x64xi32, #tpu.memory_space<vmem>>, vector<1x16xi32>,
      %get3A_143 = arith.constant 0 : i32
      %get3A_144 = arith.index_cast %get3A_143 : i32 to index
      %get3A_145 = arith.constant 48 : index
      %get3A_146 = tpu.vector_load %arg6[%get3A_144, %get3A_145] {strides = array<i32>} : memref<2x64xi32, #tpu.memory_space<vmem>>, vector<1x16xi32>,
      %get3A_147 = vector.shape_cast %get3A_146 : vector<1x16xi32> to vector<16xi32>
      %ge3A_148 = vector.broadcast %mul3A_1 : i32 to vector<16xi32>
      %ge3A_149 = arith.cmpi sge, %get3A_147, %ge3A_148 : vector<16xi32>
      %lt3A_150 = vector.broadcast %add3A_3 : i32 to vector<16xi32>
      %lt3A_151 = arith.cmpi slt, %get3A_147, %lt3A_150 : vector<16xi32>
      %and3A_152 = arith.andi %ge3A_149, %lt3A_151 : vector<16xi1>
      %sub3A_153 = vector.broadcast %mul3A_1 : i32 to vector<16xi32>
      %sub3A_154 = arith.subi %get3A_147, %sub3A_153 : vector<16xi32>
      %jit3A_155 = arith.constant 12500 : i32
      %broadcast_in_dim3A_156 = vector.broadcast %jit3A_155 : i32 to vector<16xi32>
      %select_n3A_157 = arith.select %and3A_152, %sub3A_154, %broadcast_in_dim3A_156 : vector<16xi1>, vector<16xi32>
      %swap3A_158 = arith.constant 0 : i32
      %swap3A_159 = arith.index_cast %swap3A_158 : i32 to index
      %swap3A_160 = arith.constant 48 : index
      %swap3A_161 = tpu.vector_load %arg7[%swap3A_159, %swap3A_160] {strides = array<i32>} : memref<2x64xi32, #tpu.memory_space<vmem>>, vector<1x16xi32>,
      %swap3A_162 = vector.shape_cast %swap3A_161 : vector<1x16xi32> to vector<16xi32>
      %swap3A_163 = vector.shape_cast %select_n3A_157 : vector<16xi32> to vector<1x16xi32>
      tpu.vector_store %arg7[%swap3A_159, %swap3A_160], %swap3A_163 {strides = array<i32>} : memref<2x64xi32, #tpu.memory_space<vmem>>, vector<1x16xi32>,
      %run_scoped3A = arith.constant 0 : i32
      %run_scoped3A_164 = arith.constant 0 : i32
      "tpu.region"() ({
        %run_scoped3A_273 = tpu.sem_alloc : memref<!tpu.dma_semaphore, #tpu.memory_space<semaphore_mem>>
        %dma_start3A_274 = arith.constant 0 : i32
        %dma_start3A_275 = arith.constant 0 : i32
        %dma_start3A_276 = tpu.memref_slice %arg8[%run_scoped3A, %dma_start3A_274, %dma_start3A_275] : memref<2x64x128xf32, #tpu.memory_space<vmem>> -> memref<1x64x128xf32, #tpu.memory_space<vmem>>
        %dma_start3A_277 = tpu.memref_squeeze %dma_start3A_276 : memref<1x64x128xf32, #tpu.memory_space<vmem>> -> memref<64x128xf32, #tpu.memory_space<vmem>>
        %dma_start3A_278 = arith.constant 0 : i32
        %dma_start3A_279 = tpu.memref_slice %arg7[%run_scoped3A_164, %dma_start3A_278] : memref<2x64xi32, #tpu.memory_space<vmem>> -> memref<1x64xi32, #tpu.memory_space<vmem>>
        %dma_start3A_280 = tpu.memref_squeeze %dma_start3A_279 : memref<1x64xi32, #tpu.memory_space<vmem>> -> memref<64xi32, #tpu.memory_space<vmem>>
        %dma_start3A_281 = arith.constant 0 : i32
        %dma_start3A_282 = arith.constant 0 : i32
        %dma_start3A_283 = tpu.memref_slice %arg9[%dma_start3A_281, %dma_start3A_282] : memref<12544x128xf32, #tpu.memory_space<vmem_shared>> -> memref<12544x128xf32, #tpu.memory_space<vmem_shared>>
        tpu.enqueue_indirect_dma source(%dma_start3A_277 : memref<64x128xf32, #tpu.memory_space<vmem>>) target(%dma_start3A_283 : memref<12544x128xf32, #tpu.memory_space<vmem_shared>>) offsets(%dma_start3A_280 : memref<64xi32, #tpu.memory_space<vmem>>) semaphore(%run_scoped3A_273 : memref<!tpu.dma_semaphore, #tpu.memory_space<semaphore_mem>>) {add = true}
        %dma_wait3A_284 = arith.constant 0 : i32
        %dma_wait3A_285 = arith.constant 0 : i32
        %dma_wait3A_286 = tpu.memref_slice %arg8[%run_scoped3A, %dma_wait3A_284, %dma_wait3A_285] : memref<2x64x128xf32, #tpu.memory_space<vmem>> -> memref<1x64x128xf32, #tpu.memory_space<vmem>>
        %dma_wait3A_287 = tpu.memref_squeeze %dma_wait3A_286 : memref<1x64x128xf32, #tpu.memory_space<vmem>> -> memref<64x128xf32, #tpu.memory_space<vmem>>
        %dma_wait3A_288 = arith.constant 0 : i32
        %dma_wait3A_289 = tpu.memref_slice %arg7[%run_scoped3A_164, %dma_wait3A_288] : memref<2x64xi32, #tpu.memory_space<vmem>> -> memref<1x64xi32, #tpu.memory_space<vmem>>
        %dma_wait3A_290 = tpu.memref_squeeze %dma_wait3A_289 : memref<1x64xi32, #tpu.memory_space<vmem>> -> memref<64xi32, #tpu.memory_space<vmem>>
        %dma_wait3A_291 = arith.constant 0 : i32
        %dma_wait3A_292 = arith.constant 0 : i32
        %dma_wait3A_293 = tpu.memref_slice %arg9[%dma_wait3A_291, %dma_wait3A_292] : memref<12544x128xf32, #tpu.memory_space<vmem_shared>> -> memref<12544x128xf32, #tpu.memory_space<vmem_shared>>
        tpu.wait_indirect_dma semaphore(%run_scoped3A_273 : memref<!tpu.dma_semaphore, #tpu.memory_space<semaphore_mem>>) src(%dma_wait3A_287 : memref<64x128xf32, #tpu.memory_space<vmem>>) dst(%dma_wait3A_293 : memref<12544x128xf32, #tpu.memory_space<vmem_shared>>)
        tpu.yield
      }) : () -> ()
      %dma_wait3A_165 = arith.constant 1 : i32
      %dma_wait3A_166 = arith.constant 0 : i32
      %dma_wait3A_167 = tpu.memref_slice %arg6[%dma_wait3A_165, %dma_wait3A_166] : memref<2x64xi32, #tpu.memory_space<vmem>> -> memref<1x64xi32, #tpu.memory_space<vmem>>
      %dma_wait3A_168 = tpu.memref_squeeze %dma_wait3A_167 : memref<1x64xi32, #tpu.memory_space<vmem>> -> memref<64xi32, #tpu.memory_space<vmem>>
      %dma_wait3A_169 = tpu.memref_slice %arg2[%add3A_24] : memref<802816xi32, #tpu.memory_space<hbm>> -> memref<64xi32, #tpu.memory_space<hbm>>
      %dma_wait3A_170 = arith.constant 0 : i32
      %dma_wait3A_171 = tpu.memref_slice %arg6[%dma_wait3A_165, %dma_wait3A_170] : memref<2x64xi32, #tpu.memory_space<vmem>> -> memref<1x64xi32, #tpu.memory_space<vmem>>
      %dma_wait3A_172 = tpu.memref_squeeze %dma_wait3A_171 : memref<1x64xi32, #tpu.memory_space<vmem>> -> memref<64xi32, #tpu.memory_space<vmem>>
      %dma_wait3A_173 = tpu.memref_slice %arg2[%add3A_24] : memref<802816xi32, #tpu.memory_space<hbm>> -> memref<64xi32, #tpu.memory_space<hbm>>
      tpu.wait_dma2 semaphore(%arg11 : memref<!tpu.dma_semaphore, #tpu.memory_space<semaphore_mem>>) src(%dma_wait3A_173 : memref<64xi32, #tpu.memory_space<hbm>>) dst(%dma_wait3A_172 : memref<64xi32, #tpu.memory_space<vmem>>)
      %dma_wait3A_174 = arith.constant 1 : i32
      %dma_wait3A_175 = arith.constant 0 : i32
      %dma_wait3A_176 = arith.constant 0 : i32
      %dma_wait3A_177 = tpu.memref_slice %arg8[%dma_wait3A_174, %dma_wait3A_175, %dma_wait3A_176] : memref<2x64x128xf32, #tpu.memory_space<vmem>> -> memref<1x64x128xf32, #tpu.memory_space<vmem>>
      %dma_wait3A_178 = tpu.memref_squeeze %dma_wait3A_177 : memref<1x64x128xf32, #tpu.memory_space<vmem>> -> memref<64x128xf32, #tpu.memory_space<vmem>>
      %dma_wait3A_179 = arith.constant 0 : i32
      %dma_wait3A_180 = tpu.memref_slice %arg3[%add3A_24, %dma_wait3A_179] : memref<802816x128xf32, #tpu.memory_space<hbm>> -> memref<64x128xf32, #tpu.memory_space<hbm>>
      %dma_wait3A_181 = arith.constant 0 : i32
      %dma_wait3A_182 = arith.constant 0 : i32
      %dma_wait3A_183 = tpu.memref_slice %arg8[%dma_wait3A_174, %dma_wait3A_181, %dma_wait3A_182] : memref<2x64x128xf32, #tpu.memory_space<vmem>> -> memref<1x64x128xf32, #tpu.memory_space<vmem>>
      %dma_wait3A_184 = tpu.memref_squeeze %dma_wait3A_183 : memref<1x64x128xf32, #tpu.memory_space<vmem>> -> memref<64x128xf32, #tpu.memory_space<vmem>>
      %dma_wait3A_185 = arith.constant 0 : i32
      %dma_wait3A_186 = tpu.memref_slice %arg3[%add3A_24, %dma_wait3A_185] : memref<802816x128xf32, #tpu.memory_space<hbm>> -> memref<64x128xf32, #tpu.memory_space<hbm>>
      tpu.wait_dma2 semaphore(%arg11 : memref<!tpu.dma_semaphore, #tpu.memory_space<semaphore_mem>>) src(%dma_wait3A_186 : memref<64x128xf32, #tpu.memory_space<hbm>>) dst(%dma_wait3A_184 : memref<64x128xf32, #tpu.memory_space<vmem>>)
      %get3A_187 = arith.constant 1 : i32
      %get3A_188 = arith.index_cast %get3A_187 : i32 to index
      %get3A_189 = arith.constant 0 : index
      %get3A_190 = tpu.vector_load %arg6[%get3A_188, %get3A_189] {strides = array<i32>} : memref<2x64xi32, #tpu.memory_space<vmem>>, vector<1x16xi32>,
      %get3A_191 = vector.shape_cast %get3A_190 : vector<1x16xi32> to vector<16xi32>
      %ge3A_192 = vector.broadcast %mul3A_1 : i32 to vector<16xi32>
      %ge3A_193 = arith.cmpi sge, %get3A_191, %ge3A_192 : vector<16xi32>
      %lt3A_194 = vector.broadcast %add3A_3 : i32 to vector<16xi32>
      %lt3A_195 = arith.cmpi slt, %get3A_191, %lt3A_194 : vector<16xi32>
      %and3A_196 = arith.andi %ge3A_193, %lt3A_195 : vector<16xi1>
      %sub3A_197 = vector.broadcast %mul3A_1 : i32 to vector<16xi32>
      %sub3A_198 = arith.subi %get3A_191, %sub3A_197 : vector<16xi32>
      %jit3A_199 = arith.constant 12500 : i32
      %broadcast_in_dim3A_200 = vector.broadcast %jit3A_199 : i32 to vector<16xi32>
      %select_n3A_201 = arith.select %and3A_196, %sub3A_198, %broadcast_in_dim3A_200 : vector<16xi1>, vector<16xi32>
      %swap3A_202 = arith.constant 1 : i32
      %swap3A_203 = arith.index_cast %swap3A_202 : i32 to index
      %swap3A_204 = arith.constant 0 : index
      %swap3A_205 = tpu.vector_load %arg7[%swap3A_203, %swap3A_204] {strides = array<i32>} : memref<2x64xi32, #tpu.memory_space<vmem>>, vector<1x16xi32>,
      %swap3A_206 = vector.shape_cast %swap3A_205 : vector<1x16xi32> to vector<16xi32>
      %swap3A_207 = vector.shape_cast %select_n3A_201 : vector<16xi32> to vector<1x16xi32>
      tpu.vector_store %arg7[%swap3A_203, %swap3A_204], %swap3A_207 {strides = array<i32>} : memref<2x64xi32, #tpu.memory_space<vmem>>, vector<1x16xi32>,
      %get3A_208 = arith.constant 1 : i32
      %get3A_209 = arith.index_cast %get3A_208 : i32 to index
      %get3A_210 = arith.constant 16 : index
      %get3A_211 = tpu.vector_load %arg6[%get3A_209, %get3A_210] {strides = array<i32>} : memref<2x64xi32, #tpu.memory_space<vmem>>, vector<1x16xi32>,
      %get3A_212 = vector.shape_cast %get3A_211 : vector<1x16xi32> to vector<16xi32>
      %ge3A_213 = vector.broadcast %mul3A_1 : i32 to vector<16xi32>
      %ge3A_214 = arith.cmpi sge, %get3A_212, %ge3A_213 : vector<16xi32>
      %lt3A_215 = vector.broadcast %add3A_3 : i32 to vector<16xi32>
      %lt3A_216 = arith.cmpi slt, %get3A_212, %lt3A_215 : vector<16xi32>
      %and3A_217 = arith.andi %ge3A_214, %lt3A_216 : vector<16xi1>
      %sub3A_218 = vector.broadcast %mul3A_1 : i32 to vector<16xi32>
      %sub3A_219 = arith.subi %get3A_212, %sub3A_218 : vector<16xi32>
      %jit3A_220 = arith.constant 12500 : i32
      %broadcast_in_dim3A_221 = vector.broadcast %jit3A_220 : i32 to vector<16xi32>
      %select_n3A_222 = arith.select %and3A_217, %sub3A_219, %broadcast_in_dim3A_221 : vector<16xi1>, vector<16xi32>
      %swap3A_223 = arith.constant 1 : i32
      %swap3A_224 = arith.index_cast %swap3A_223 : i32 to index
      %swap3A_225 = arith.constant 16 : index
      %swap3A_226 = tpu.vector_load %arg7[%swap3A_224, %swap3A_225] {strides = array<i32>} : memref<2x64xi32, #tpu.memory_space<vmem>>, vector<1x16xi32>,
      %swap3A_227 = vector.shape_cast %swap3A_226 : vector<1x16xi32> to vector<16xi32>
      %swap3A_228 = vector.shape_cast %select_n3A_222 : vector<16xi32> to vector<1x16xi32>
      tpu.vector_store %arg7[%swap3A_224, %swap3A_225], %swap3A_228 {strides = array<i32>} : memref<2x64xi32, #tpu.memory_space<vmem>>, vector<1x16xi32>,
      %get3A_229 = arith.constant 1 : i32
      %get3A_230 = arith.index_cast %get3A_229 : i32 to index
      %get3A_231 = arith.constant 32 : index
      %get3A_232 = tpu.vector_load %arg6[%get3A_230, %get3A_231] {strides = array<i32>} : memref<2x64xi32, #tpu.memory_space<vmem>>, vector<1x16xi32>,
      %get3A_233 = vector.shape_cast %get3A_232 : vector<1x16xi32> to vector<16xi32>
      %ge3A_234 = vector.broadcast %mul3A_1 : i32 to vector<16xi32>
      %ge3A_235 = arith.cmpi sge, %get3A_233, %ge3A_234 : vector<16xi32>
      %lt3A_236 = vector.broadcast %add3A_3 : i32 to vector<16xi32>
      %lt3A_237 = arith.cmpi slt, %get3A_233, %lt3A_236 : vector<16xi32>
      %and3A_238 = arith.andi %ge3A_235, %lt3A_237 : vector<16xi1>
      %sub3A_239 = vector.broadcast %mul3A_1 : i32 to vector<16xi32>
      %sub3A_240 = arith.subi %get3A_233, %sub3A_239 : vector<16xi32>
      %jit3A_241 = arith.constant 12500 : i32
      %broadcast_in_dim3A_242 = vector.broadcast %jit3A_241 : i32 to vector<16xi32>
      %select_n3A_243 = arith.select %and3A_238, %sub3A_240, %broadcast_in_dim3A_242 : vector<16xi1>, vector<16xi32>
      %swap3A_244 = arith.constant 1 : i32
      %swap3A_245 = arith.index_cast %swap3A_244 : i32 to index
      %swap3A_246 = arith.constant 32 : index
      %swap3A_247 = tpu.vector_load %arg7[%swap3A_245, %swap3A_246] {strides = array<i32>} : memref<2x64xi32, #tpu.memory_space<vmem>>, vector<1x16xi32>,
      %swap3A_248 = vector.shape_cast %swap3A_247 : vector<1x16xi32> to vector<16xi32>
      %swap3A_249 = vector.shape_cast %select_n3A_243 : vector<16xi32> to vector<1x16xi32>
      tpu.vector_store %arg7[%swap3A_245, %swap3A_246], %swap3A_249 {strides = array<i32>} : memref<2x64xi32, #tpu.memory_space<vmem>>, vector<1x16xi32>,
      %get3A_250 = arith.constant 1 : i32
      %get3A_251 = arith.index_cast %get3A_250 : i32 to index
      %get3A_252 = arith.constant 48 : index
      %get3A_253 = tpu.vector_load %arg6[%get3A_251, %get3A_252] {strides = array<i32>} : memref<2x64xi32, #tpu.memory_space<vmem>>, vector<1x16xi32>,
      %get3A_254 = vector.shape_cast %get3A_253 : vector<1x16xi32> to vector<16xi32>
      %ge3A_255 = vector.broadcast %mul3A_1 : i32 to vector<16xi32>
      %ge3A_256 = arith.cmpi sge, %get3A_254, %ge3A_255 : vector<16xi32>
      %lt3A_257 = vector.broadcast %add3A_3 : i32 to vector<16xi32>
      %lt3A_258 = arith.cmpi slt, %get3A_254, %lt3A_257 : vector<16xi32>
      %and3A_259 = arith.andi %ge3A_256, %lt3A_258 : vector<16xi1>
      %sub3A_260 = vector.broadcast %mul3A_1 : i32 to vector<16xi32>
      %sub3A_261 = arith.subi %get3A_254, %sub3A_260 : vector<16xi32>
      %jit3A_262 = arith.constant 12500 : i32
      %broadcast_in_dim3A_263 = vector.broadcast %jit3A_262 : i32 to vector<16xi32>
      %select_n3A_264 = arith.select %and3A_259, %sub3A_261, %broadcast_in_dim3A_263 : vector<16xi1>, vector<16xi32>
      %swap3A_265 = arith.constant 1 : i32
      %swap3A_266 = arith.index_cast %swap3A_265 : i32 to index
      %swap3A_267 = arith.constant 48 : index
      %swap3A_268 = tpu.vector_load %arg7[%swap3A_266, %swap3A_267] {strides = array<i32>} : memref<2x64xi32, #tpu.memory_space<vmem>>, vector<1x16xi32>,
      %swap3A_269 = vector.shape_cast %swap3A_268 : vector<1x16xi32> to vector<16xi32>
      %swap3A_270 = vector.shape_cast %select_n3A_264 : vector<16xi32> to vector<1x16xi32>
      tpu.vector_store %arg7[%swap3A_266, %swap3A_267], %swap3A_270 {strides = array<i32>} : memref<2x64xi32, #tpu.memory_space<vmem>>, vector<1x16xi32>,
      %run_scoped3A_271 = arith.constant 1 : i32
      %run_scoped3A_272 = arith.constant 1 : i32
      "tpu.region"() ({
        %run_scoped3A_273 = tpu.sem_alloc : memref<!tpu.dma_semaphore, #tpu.memory_space<semaphore_mem>>
        %dma_start3A_274 = arith.constant 0 : i32
        %dma_start3A_275 = arith.constant 0 : i32
        %dma_start3A_276 = tpu.memref_slice %arg8[%run_scoped3A_271, %dma_start3A_274, %dma_start3A_275] : memref<2x64x128xf32, #tpu.memory_space<vmem>> -> memref<1x64x128xf32, #tpu.memory_space<vmem>>
        %dma_start3A_277 = tpu.memref_squeeze %dma_start3A_276 : memref<1x64x128xf32, #tpu.memory_space<vmem>> -> memref<64x128xf32, #tpu.memory_space<vmem>>
        %dma_start3A_278 = arith.constant 0 : i32
        %dma_start3A_279 = tpu.memref_slice %arg7[%run_scoped3A_272, %dma_start3A_278] : memref<2x64xi32, #tpu.memory_space<vmem>> -> memref<1x64xi32, #tpu.memory_space<vmem>>
        %dma_start3A_280 = tpu.memref_squeeze %dma_start3A_279 : memref<1x64xi32, #tpu.memory_space<vmem>> -> memref<64xi32, #tpu.memory_space<vmem>>
        %dma_start3A_281 = arith.constant 0 : i32
        %dma_start3A_282 = arith.constant 0 : i32
        %dma_start3A_283 = tpu.memref_slice %arg9[%dma_start3A_281, %dma_start3A_282] : memref<12544x128xf32, #tpu.memory_space<vmem_shared>> -> memref<12544x128xf32, #tpu.memory_space<vmem_shared>>
        tpu.enqueue_indirect_dma source(%dma_start3A_277 : memref<64x128xf32, #tpu.memory_space<vmem>>) target(%dma_start3A_283 : memref<12544x128xf32, #tpu.memory_space<vmem_shared>>) offsets(%dma_start3A_280 : memref<64xi32, #tpu.memory_space<vmem>>) semaphore(%run_scoped3A_273 : memref<!tpu.dma_semaphore, #tpu.memory_space<semaphore_mem>>) {add = true}
        %dma_wait3A_284 = arith.constant 0 : i32
        %dma_wait3A_285 = arith.constant 0 : i32
        %dma_wait3A_286 = tpu.memref_slice %arg8[%run_scoped3A_271, %dma_wait3A_284, %dma_wait3A_285] : memref<2x64x128xf32, #tpu.memory_space<vmem>> -> memref<1x64x128xf32, #tpu.memory_space<vmem>>
        %dma_wait3A_287 = tpu.memref_squeeze %dma_wait3A_286 : memref<1x64x128xf32, #tpu.memory_space<vmem>> -> memref<64x128xf32, #tpu.memory_space<vmem>>
        %dma_wait3A_288 = arith.constant 0 : i32
        %dma_wait3A_289 = tpu.memref_slice %arg7[%run_scoped3A_272, %dma_wait3A_288] : memref<2x64xi32, #tpu.memory_space<vmem>> -> memref<1x64xi32, #tpu.memory_space<vmem>>
        %dma_wait3A_290 = tpu.memref_squeeze %dma_wait3A_289 : memref<1x64xi32, #tpu.memory_space<vmem>> -> memref<64xi32, #tpu.memory_space<vmem>>
        %dma_wait3A_291 = arith.constant 0 : i32
        %dma_wait3A_292 = arith.constant 0 : i32
        %dma_wait3A_293 = tpu.memref_slice %arg9[%dma_wait3A_291, %dma_wait3A_292] : memref<12544x128xf32, #tpu.memory_space<vmem_shared>> -> memref<12544x128xf32, #tpu.memory_space<vmem_shared>>
        tpu.wait_indirect_dma semaphore(%run_scoped3A_273 : memref<!tpu.dma_semaphore, #tpu.memory_space<semaphore_mem>>) src(%dma_wait3A_287 : memref<64x128xf32, #tpu.memory_space<vmem>>) dst(%dma_wait3A_293 : memref<12544x128xf32, #tpu.memory_space<vmem_shared>>)
        tpu.yield
      }) : () -> ()
    }
    %scan3A_12 = arith.constant 392 : i32
    %barrier3A_13 = arith.constant 0 : index
    tpu.barrier barrier_id(%barrier3A_13)
    %mul3A_14 = arith.constant 12544 : i32
    %mul3A_15 = arith.muli %arg0, %mul3A_14 : i32
    %add3A_16 = arith.addi %mul3A_15, %mul3A_5 : i32
    "tpu.region"() ({
      %run_scoped3A = tpu.sem_alloc : memref<!tpu.dma_semaphore, #tpu.memory_space<semaphore_mem>>
      %dma_start3A = arith.constant 0 : i32
      %dma_start3A_17 = tpu.memref_slice %arg5[%add3A_16, %dma_start3A] : memref<25088x128xf32, #tpu.memory_space<hbm>> -> memref<784x128xf32, #tpu.memory_space<hbm>>
      %dma_start3A_18 = arith.constant 0 : i32
      %dma_start3A_19 = tpu.memref_slice %arg9[%mul3A_5, %dma_start3A_18] : memref<12544x128xf32, #tpu.memory_space<vmem_shared>> -> memref<784x128xf32, #tpu.memory_space<vmem_shared>>
      tpu.enqueue_dma source(%dma_start3A_19 : memref<784x128xf32, #tpu.memory_space<vmem_shared>>) target(%dma_start3A_17 : memref<784x128xf32, #tpu.memory_space<hbm>>) target_semaphore(%run_scoped3A : memref<!tpu.dma_semaphore, #tpu.memory_space<semaphore_mem>>)
      %dma_wait3A = arith.constant 0 : i32
      %dma_wait3A_20 = tpu.memref_slice %arg5[%add3A_16, %dma_wait3A] : memref<25088x128xf32, #tpu.memory_space<hbm>> -> memref<784x128xf32, #tpu.memory_space<hbm>>
      %dma_wait3A_21 = arith.constant 0 : i32
      %dma_wait3A_22 = tpu.memref_slice %arg9[%mul3A_5, %dma_wait3A_21] : memref<12544x128xf32, #tpu.memory_space<vmem_shared>> -> memref<784x128xf32, #tpu.memory_space<vmem_shared>>
      tpu.wait_dma2 semaphore(%run_scoped3A : memref<!tpu.dma_semaphore, #tpu.memory_space<semaphore_mem>>) src(%dma_wait3A_22 : memref<784x128xf32, #tpu.memory_space<vmem_shared>>) dst(%dma_wait3A_20 : memref<784x128xf32, #tpu.memory_space<hbm>>)
      tpu.yield
    }) : () -> ()
    return
  }
}

#map = affine_map<(d0, d1) -> (0)>
#map1 = affine_map<(d0, d1) -> (0, 0)>
module attributes {stable_mosaic.version = 14 : i64} {
  func.func @k(%arg0: i32, %arg1: i32, %arg2: memref<512xi32, #tpu.memory_space<hbm>>, %arg3: memref<50176x128xf32, #tpu.memory_space<hbm>>, %arg4: memref<512x128xf32, #tpu.memory_space<hbm>>, %arg5: memref<16xi32, #tpu.memory_space<vmem>>, %arg6: memref<16x128xf32, #tpu.memory_space<vmem>>, %arg7: memref<!tpu.dma_semaphore, #tpu.memory_space<semaphore_mem>>) attributes {dimension_semantics = [#tpu.dimension_semantics<core_parallel>, #tpu.dimension_semantics<subcore_parallel>], iteration_bounds = array<i64: 2, 16>, scalar_prefetch = 0 : i64, scratch_operands = 3 : i64, tpu.core_type = #tpu.core_type<sc_vector_subcore>, window_params = [{transform_indices = #map}, {transform_indices = #map1}, {transform_indices = #map1}]} {
    %mul3A = arith.constant 2 : i32
    %mul3A_0 = arith.muli %arg1, %mul3A : i32
    %add3A = arith.addi %mul3A_0, %arg0 : i32
    %mul3A_1 = arith.constant 16 : i32
    %mul3A_2 = arith.muli %add3A, %mul3A_1 : i32
    "tpu.region"() ({
      %run_scoped3A = tpu.sem_alloc : memref<!tpu.dma_semaphore, #tpu.memory_space<semaphore_mem>>
      %dma_start3A_7 = tpu.memref_slice %arg2[%mul3A_2] : memref<512xi32, #tpu.memory_space<hbm>> -> memref<16xi32, #tpu.memory_space<hbm>>
      %dma_start3A_8 = tpu.memref_slice %arg2[%mul3A_2] : memref<512xi32, #tpu.memory_space<hbm>> -> memref<16xi32, #tpu.memory_space<hbm>>
      tpu.enqueue_dma source(%dma_start3A_8 : memref<16xi32, #tpu.memory_space<hbm>>) target(%arg5 : memref<16xi32, #tpu.memory_space<vmem>>) target_semaphore(%run_scoped3A : memref<!tpu.dma_semaphore, #tpu.memory_space<semaphore_mem>>)
      %dma_wait3A_9 = tpu.memref_slice %arg2[%mul3A_2] : memref<512xi32, #tpu.memory_space<hbm>> -> memref<16xi32, #tpu.memory_space<hbm>>
      %dma_wait3A_10 = tpu.memref_slice %arg2[%mul3A_2] : memref<512xi32, #tpu.memory_space<hbm>> -> memref<16xi32, #tpu.memory_space<hbm>>
      tpu.wait_dma2 semaphore(%run_scoped3A : memref<!tpu.dma_semaphore, #tpu.memory_space<semaphore_mem>>) src(%dma_wait3A_10 : memref<16xi32, #tpu.memory_space<hbm>>) dst(%arg5 : memref<16xi32, #tpu.memory_space<vmem>>)
      tpu.yield
    }) : () -> ()
    %dma_start3A = arith.constant 0 : i32
    %dma_start3A_3 = arith.constant 0 : i32
    %dma_start3A_4 = tpu.memref_slice %arg3[%dma_start3A, %dma_start3A_3] : memref<50176x128xf32, #tpu.memory_space<hbm>> -> memref<50176x128xf32, #tpu.memory_space<hbm>>
    tpu.enqueue_indirect_dma source(%dma_start3A_4 : memref<50176x128xf32, #tpu.memory_space<hbm>>) target(%arg6 : memref<16x128xf32, #tpu.memory_space<vmem>>) offsets(%arg5 : memref<16xi32, #tpu.memory_space<vmem>>) semaphore(%arg7 : memref<!tpu.dma_semaphore, #tpu.memory_space<semaphore_mem>>)
    %dma_wait3A = arith.constant 0 : i32
    %dma_wait3A_5 = arith.constant 0 : i32
    %dma_wait3A_6 = tpu.memref_slice %arg3[%dma_wait3A, %dma_wait3A_5] : memref<50176x128xf32, #tpu.memory_space<hbm>> -> memref<50176x128xf32, #tpu.memory_space<hbm>>
    tpu.wait_indirect_dma semaphore(%arg7 : memref<!tpu.dma_semaphore, #tpu.memory_space<semaphore_mem>>) src(%dma_wait3A_6 : memref<50176x128xf32, #tpu.memory_space<hbm>>) dst(%arg6 : memref<16x128xf32, #tpu.memory_space<vmem>>)
    "tpu.region"() ({
      %run_scoped3A = tpu.sem_alloc : memref<!tpu.dma_semaphore, #tpu.memory_space<semaphore_mem>>
      %dma_start3A_7 = arith.constant 0 : i32
      %dma_start3A_8 = tpu.memref_slice %arg4[%mul3A_2, %dma_start3A_7] : memref<512x128xf32, #tpu.memory_space<hbm>> -> memref<16x128xf32, #tpu.memory_space<hbm>>
      %dma_start3A_9 = arith.constant 0 : i32
      %dma_start3A_10 = tpu.memref_slice %arg4[%mul3A_2, %dma_start3A_9] : memref<512x128xf32, #tpu.memory_space<hbm>> -> memref<16x128xf32, #tpu.memory_space<hbm>>
      tpu.enqueue_dma source(%arg6 : memref<16x128xf32, #tpu.memory_space<vmem>>) target(%dma_start3A_10 : memref<16x128xf32, #tpu.memory_space<hbm>>) target_semaphore(%run_scoped3A : memref<!tpu.dma_semaphore, #tpu.memory_space<semaphore_mem>>)
      %dma_wait3A_11 = arith.constant 0 : i32
      %dma_wait3A_12 = tpu.memref_slice %arg4[%mul3A_2, %dma_wait3A_11] : memref<512x128xf32, #tpu.memory_space<hbm>> -> memref<16x128xf32, #tpu.memory_space<hbm>>
      %dma_wait3A_13 = arith.constant 0 : i32
      %dma_wait3A_14 = tpu.memref_slice %arg4[%mul3A_2, %dma_wait3A_13] : memref<512x128xf32, #tpu.memory_space<hbm>> -> memref<16x128xf32, #tpu.memory_space<hbm>>
      tpu.wait_dma2 semaphore(%run_scoped3A : memref<!tpu.dma_semaphore, #tpu.memory_space<semaphore_mem>>) src(%arg6 : memref<16x128xf32, #tpu.memory_space<vmem>>) dst(%dma_wait3A_14 : memref<16x128xf32, #tpu.memory_space<hbm>>)
      tpu.yield
    }) : () -> ()
    return
  }
}

module attributes {stable_mosaic.version = 14 : i64} {
  func.func @_k_prologue(%arg0: i32, %arg1: memref<1000x8xf32, #tpu.memory_space<vmem>>, %arg2: memref<1000x64xf32, #tpu.memory_space<vmem>>, %arg3: memref<8x64xf32, #tpu.memory_space<vmem>>, %arg4: memref<1x64xf32, #tpu.memory_space<vmem>>, %arg5: memref<64x64xf32, #tpu.memory_space<vmem>>, %arg6: memref<1x64xf32, #tpu.memory_space<vmem>>, %arg7: memref<64x64xf32, #tpu.memory_space<vmem>>, %arg8: memref<1x64xf32, #tpu.memory_space<vmem>>, %arg9: memref<64x64xf32, #tpu.memory_space<vmem>>, %arg10: memref<1x64xf32, #tpu.memory_space<vmem>>, %arg11: memref<64x64xf32, #tpu.memory_space<vmem>>, %arg12: memref<1x64xf32, #tpu.memory_space<vmem>>, %arg13: memref<1000x128xf32, #tpu.memory_space<vmem>>, %arg14: memref<1000x128xf32, #tpu.memory_space<vmem>>) attributes {dimension_semantics = [#tpu.dimension_semantics<arbitrary>], iteration_bounds = array<i64: 50>, scalar_prefetch = 0 : i64, scratch_operands = 0 : i64, tpu.core_type = #tpu.core_type<tc>, window_params = [{transform_indices = @transform_0, window_bounds = array<i64: 1000, 8>}, {transform_indices = @transform_1, window_bounds = array<i64: 1000, 64>}, {pipeline_mode = #tpu.pipeline_mode<synchronous>, transform_indices = @transform_2, window_bounds = array<i64: 8, 64>}, {pipeline_mode = #tpu.pipeline_mode<synchronous>, transform_indices = @transform_3, window_bounds = array<i64: 1, 64>}, {pipeline_mode = #tpu.pipeline_mode<synchronous>, transform_indices = @transform_4, window_bounds = array<i64: 64, 64>}, {pipeline_mode = #tpu.pipeline_mode<synchronous>, transform_indices = @transform_5, window_bounds = array<i64: 1, 64>}, {pipeline_mode = #tpu.pipeline_mode<synchronous>, transform_indices = @transform_6, window_bounds = array<i64: 64, 64>}, {pipeline_mode = #tpu.pipeline_mode<synchronous>, transform_indices = @transform_7, window_bounds = array<i64: 1, 64>}, {pipeline_mode = #tpu.pipeline_mode<synchronous>, transform_indices = @transform_8, window_bounds = array<i64: 64, 64>}, {pipeline_mode = #tpu.pipeline_mode<synchronous>, transform_indices = @transform_9, window_bounds = array<i64: 1, 64>}, {pipeline_mode = #tpu.pipeline_mode<synchronous>, transform_indices = @transform_10, window_bounds = array<i64: 64, 64>}, {pipeline_mode = #tpu.pipeline_mode<synchronous>, transform_indices = @transform_11, window_bounds = array<i64: 1, 64>}, {transform_indices = @transform_12, window_bounds = array<i64: 1000, 128>}, {transform_indices = @transform_13, window_bounds = array<i64: 1000, 128>}]} {
    %get3A = arith.constant 0 : index
    %get3A_0 = arith.constant 0 : index
    %get3A_1 = vector.load %arg1[%get3A, %get3A_0] : memref<1000x8xf32, #tpu.memory_space<vmem>>, vector<1000x8xf32>
    %get3A_2 = arith.constant 0 : index
    %get3A_3 = arith.constant 0 : index
    %get3A_4 = vector.load %arg3[%get3A_2, %get3A_3] : memref<8x64xf32, #tpu.memory_space<vmem>>, vector<8x64xf32>
    %dot_general3A = arith.constant dense<0.000000e+00> : vector<1000x64xf32>
    %dot_general3A_5 = tpu.matmul %get3A_1, %get3A_4, %dot_general3A {dimension_numbers = #tpu.dot_dimension_numbers<[1], [0], [0], [1], [0, 0, 1, 1], [], []>, transpose_lhs_hint = false} : vector<1000x8xf32>, vector<8x64xf32>, vector<1000x64xf32> -> vector<1000x64xf32>
    %get3A_6 = arith.constant 0 : index
    %get3A_7 = arith.constant 0 : index
    %get3A_8 = vector.load %arg4[%get3A_6, %get3A_7] : memref<1x64xf32, #tpu.memory_space<vmem>>, vector<1x64xf32>
    %add3A = vector.broadcast %get3A_8 : vector<1x64xf32> to vector<1000x64xf32>
    %add3A_9 = arith.addf %dot_general3A_5, %add3A : vector<1000x64xf32>
    %max3A = arith.constant 0.000000e+00 : f32
    %max3A_10 = vector.broadcast %max3A : f32 to vector<1000x64xf32>
    %max3A_11 = arith.maximumf %add3A_9, %max3A_10 : vector<1000x64xf32>
    %get3A_12 = arith.constant 0 : index
    %get3A_13 = arith.constant 0 : index
    %get3A_14 = vector.load %arg5[%get3A_12, %get3A_13] : memref<64x64xf32, #tpu.memory_space<vmem>>, vector<64x64xf32>
    %dot_general3A_15 = arith.constant dense<0.000000e+00> : vector<1000x64xf32>
    %dot_general3A_16 = tpu.matmul %max3A_11, %get3A_14, %dot_general3A_15 {dimension_numbers = #tpu.dot_dimension_numbers<[1], [0], [0], [1], [0, 0, 1, 1], [], []>, transpose_lhs_hint = false} : vector<1000x64xf32>, vector<64x64xf32>, vector<1000x64xf32> -> vector<1000x64xf32>
    %get3A_17 = arith.constant 0 : index
    %get3A_18 = arith.constant 0 : index
    %get3A_19 = vector.load %arg6[%get3A_17, %get3A_18] : memref<1x64xf32, #tpu.memory_space<vmem>>, vector<1x64xf32>
    %add3A_20 = vector.broadcast %get3A_19 : vector<1x64xf32> to vector<1000x64xf32>
    %add3A_21 = arith.addf %dot_general3A_16, %add3A_20 : vector<1000x64xf32>
    %get3A_22 = arith.constant 0 : index
    %get3A_23 = arith.constant 0 : index
    %get3A_24 = vector.load %arg2[%get3A_22, %get3A_23] : memref<1000x64xf32, #tpu.memory_space<vmem>>, vector<1000x64xf32>
    %add3A_25 = arith.addf %get3A_24, %add3A_21 : vector<1000x64xf32>
    %get3A_26 = arith.constant 0 : index
    %get3A_27 = arith.constant 0 : index
    %get3A_28 = vector.load %arg7[%get3A_26, %get3A_27] : memref<64x64xf32, #tpu.memory_space<vmem>>, vector<64x64xf32>
    %dot_general3A_29 = arith.constant dense<0.000000e+00> : vector<1000x64xf32>
    %dot_general3A_30 = tpu.matmul %add3A_25, %get3A_28, %dot_general3A_29 {dimension_numbers = #tpu.dot_dimension_numbers<[1], [0], [0], [1], [0, 0, 1, 1], [], []>, transpose_lhs_hint = false} : vector<1000x64xf32>, vector<64x64xf32>, vector<1000x64xf32> -> vector<1000x64xf32>
    %get3A_31 = arith.constant 0 : index
    %get3A_32 = arith.constant 0 : index
    %get3A_33 = vector.load %arg8[%get3A_31, %get3A_32] : memref<1x64xf32, #tpu.memory_space<vmem>>, vector<1x64xf32>
    %add3A_34 = vector.broadcast %get3A_33 : vector<1x64xf32> to vector<1000x64xf32>
    %add3A_35 = arith.addf %dot_general3A_30, %add3A_34 : vector<1000x64xf32>
    %get3A_36 = arith.constant 0 : index
    %get3A_37 = arith.constant 0 : index
    %get3A_38 = vector.load %arg9[%get3A_36, %get3A_37] : memref<64x64xf32, #tpu.memory_space<vmem>>, vector<64x64xf32>
    %dot_general3A_39 = arith.constant dense<0.000000e+00> : vector<1000x64xf32>
    %dot_general3A_40 = tpu.matmul %add3A_25, %get3A_38, %dot_general3A_39 {dimension_numbers = #tpu.dot_dimension_numbers<[1], [0], [0], [1], [0, 0, 1, 1], [], []>, transpose_lhs_hint = false} : vector<1000x64xf32>, vector<64x64xf32>, vector<1000x64xf32> -> vector<1000x64xf32>
    %get3A_41 = arith.constant 0 : index
    %get3A_42 = arith.constant 0 : index
    %get3A_43 = vector.load %arg10[%get3A_41, %get3A_42] : memref<1x64xf32, #tpu.memory_space<vmem>>, vector<1x64xf32>
    %add3A_44 = vector.broadcast %get3A_43 : vector<1x64xf32> to vector<1000x64xf32>
    %add3A_45 = arith.addf %dot_general3A_40, %add3A_44 : vector<1000x64xf32>
    %get3A_46 = arith.constant 0 : index
    %get3A_47 = arith.constant 0 : index
    %get3A_48 = vector.load %arg11[%get3A_46, %get3A_47] : memref<64x64xf32, #tpu.memory_space<vmem>>, vector<64x64xf32>
    %dot_general3A_49 = arith.constant dense<0.000000e+00> : vector<1000x64xf32>
    %dot_general3A_50 = tpu.matmul %add3A_25, %get3A_48, %dot_general3A_49 {dimension_numbers = #tpu.dot_dimension_numbers<[1], [0], [0], [1], [0, 0, 1, 1], [], []>, transpose_lhs_hint = false} : vector<1000x64xf32>, vector<64x64xf32>, vector<1000x64xf32> -> vector<1000x64xf32>
    %get3A_51 = arith.constant 0 : index
    %get3A_52 = arith.constant 0 : index
    %get3A_53 = vector.load %arg12[%get3A_51, %get3A_52] : memref<1x64xf32, #tpu.memory_space<vmem>>, vector<1x64xf32>
    %add3A_54 = vector.broadcast %get3A_53 : vector<1x64xf32> to vector<1000x64xf32>
    %add3A_55 = arith.addf %dot_general3A_50, %add3A_54 : vector<1000x64xf32>
    %concatenate3A = tpu.concatenate %add3A_45, %add3A_55 in 1 : vector<1000x64xf32>, vector<1000x64xf32> -> vector<1000x128xf32>
    %swap3A = arith.constant 0 : index
    %swap3A_56 = arith.constant 0 : index
    %swap3A_57 = vector.load %arg13[%swap3A, %swap3A_56] : memref<1000x128xf32, #tpu.memory_space<vmem>>, vector<1000x128xf32>
    tpu.vector_store %arg13[%swap3A, %swap3A_56], %concatenate3A {strides = array<i32>} : memref<1000x128xf32, #tpu.memory_space<vmem>>, vector<1000x128xf32>,
    %broadcast_in_dim3A = arith.constant 0.000000e+00 : f32
    %broadcast_in_dim3A_58 = vector.broadcast %broadcast_in_dim3A : f32 to vector<1000x64xf32>
    %concatenate3A_59 = tpu.concatenate %add3A_35, %broadcast_in_dim3A_58 in 1 : vector<1000x64xf32>, vector<1000x64xf32> -> vector<1000x128xf32>
    %swap3A_60 = arith.constant 0 : index
    %swap3A_61 = arith.constant 0 : index
    %swap3A_62 = vector.load %arg14[%swap3A_60, %swap3A_61] : memref<1000x128xf32, #tpu.memory_space<vmem>>, vector<1000x128xf32>
    tpu.vector_store %arg14[%swap3A_60, %swap3A_61], %concatenate3A_59 {strides = array<i32>} : memref<1000x128xf32, #tpu.memory_space<vmem>>, vector<1000x128xf32>,
    return
  }
  func.func @transform_0(%arg0: i32) -> (i32, i32) {
    %c0_i32 = arith.constant 0 : i32
    %c0_i32_0 = arith.constant 0 : i32
    return %arg0, %c0_i32 : i32, i32
  }
  func.func @transform_1(%arg0: i32) -> (i32, i32) {
    %c0_i32 = arith.constant 0 : i32
    %c0_i32_0 = arith.constant 0 : i32
    return %arg0, %c0_i32 : i32, i32
  }
  func.func @transform_2(%arg0: i32) -> (i32, i32) {
    %c0_i32 = arith.constant 0 : i32
    %c0_i32_0 = arith.constant 0 : i32
    %c0_i32_1 = arith.constant 0 : i32
    return %c0_i32, %c0_i32_0 : i32, i32
  }
  func.func @transform_3(%arg0: i32) -> (i32, i32) {
    %c0_i32 = arith.constant 0 : i32
    %c0_i32_0 = arith.constant 0 : i32
    %c0_i32_1 = arith.constant 0 : i32
    return %c0_i32, %c0_i32_0 : i32, i32
  }
  func.func @transform_4(%arg0: i32) -> (i32, i32) {
    %c0_i32 = arith.constant 0 : i32
    %c0_i32_0 = arith.constant 0 : i32
    %c0_i32_1 = arith.constant 0 : i32
    return %c0_i32, %c0_i32_0 : i32, i32
  }
  func.func @transform_5(%arg0: i32) -> (i32, i32) {
    %c0_i32 = arith.constant 0 : i32
    %c0_i32_0 = arith.constant 0 : i32
    %c0_i32_1 = arith.constant 0 : i32
    return %c0_i32, %c0_i32_0 : i32, i32
  }
  func.func @transform_6(%arg0: i32) -> (i32, i32) {
    %c0_i32 = arith.constant 0 : i32
    %c0_i32_0 = arith.constant 0 : i32
    %c0_i32_1 = arith.constant 0 : i32
    return %c0_i32, %c0_i32_0 : i32, i32
  }
  func.func @transform_7(%arg0: i32) -> (i32, i32) {
    %c0_i32 = arith.constant 0 : i32
    %c0_i32_0 = arith.constant 0 : i32
    %c0_i32_1 = arith.constant 0 : i32
    return %c0_i32, %c0_i32_0 : i32, i32
  }
  func.func @transform_8(%arg0: i32) -> (i32, i32) {
    %c0_i32 = arith.constant 0 : i32
    %c0_i32_0 = arith.constant 0 : i32
    %c0_i32_1 = arith.constant 0 : i32
    return %c0_i32, %c0_i32_0 : i32, i32
  }
  func.func @transform_9(%arg0: i32) -> (i32, i32) {
    %c0_i32 = arith.constant 0 : i32
    %c0_i32_0 = arith.constant 0 : i32
    %c0_i32_1 = arith.constant 0 : i32
    return %c0_i32, %c0_i32_0 : i32, i32
  }
  func.func @transform_10(%arg0: i32) -> (i32, i32) {
    %c0_i32 = arith.constant 0 : i32
    %c0_i32_0 = arith.constant 0 : i32
    %c0_i32_1 = arith.constant 0 : i32
    return %c0_i32, %c0_i32_0 : i32, i32
  }
  func.func @transform_11(%arg0: i32) -> (i32, i32) {
    %c0_i32 = arith.constant 0 : i32
    %c0_i32_0 = arith.constant 0 : i32
    %c0_i32_1 = arith.constant 0 : i32
    return %c0_i32, %c0_i32_0 : i32, i32
  }
  func.func @transform_12(%arg0: i32) -> (i32, i32) {
    %c0_i32 = arith.constant 0 : i32
    %c0_i32_0 = arith.constant 0 : i32
    return %arg0, %c0_i32 : i32, i32
  }
  func.func @transform_13(%arg0: i32) -> (i32, i32) {
    %c0_i32 = arith.constant 0 : i32
    %c0_i32_0 = arith.constant 0 : i32
    return %arg0, %c0_i32 : i32, i32
  }
}

module attributes {stable_mosaic.version = 14 : i64} {
  func.func @_k_edge_compute_e(%arg0: i32, %arg1: memref<1024x8xf32, #tpu.memory_space<vmem>>, %arg2: memref<1024x128xf32, #tpu.memory_space<vmem>>, %arg3: memref<1024x128xf32, #tpu.memory_space<vmem>>, %arg4: memref<8x64xf32, #tpu.memory_space<vmem>>, %arg5: memref<1x64xf32, #tpu.memory_space<vmem>>, %arg6: memref<64x64xf32, #tpu.memory_space<vmem>>, %arg7: memref<1x64xf32, #tpu.memory_space<vmem>>, %arg8: memref<64x64xf32, #tpu.memory_space<vmem>>, %arg9: memref<1x64xf32, #tpu.memory_space<vmem>>, %arg10: memref<64x64xf32, #tpu.memory_space<vmem>>, %arg11: memref<1x64xf32, #tpu.memory_space<vmem>>, %arg12: memref<64x8xf32, #tpu.memory_space<vmem>>, %arg13: memref<8x64xf32, #tpu.memory_space<vmem>>, %arg14: memref<8x64xf32, #tpu.memory_space<vmem>>, %arg15: memref<1024x64xf32, #tpu.memory_space<vmem>>, %arg16: memref<1024x128xf32, #tpu.memory_space<vmem>>) attributes {dimension_semantics = [#tpu.dimension_semantics<arbitrary>], iteration_bounds = array<i64: 784>, scalar_prefetch = 0 : i64, scratch_operands = 0 : i64, tpu.core_type = #tpu.core_type<tc>, window_params = [{transform_indices = @transform_0, window_bounds = array<i64: 1024, 8>}, {transform_indices = @transform_1, window_bounds = array<i64: 1024, 128>}, {transform_indices = @transform_2, window_bounds = array<i64: 1024, 128>}, {pipeline_mode = #tpu.pipeline_mode<synchronous>, transform_indices = @transform_3, window_bounds = array<i64: 8, 64>}, {pipeline_mode = #tpu.pipeline_mode<synchronous>, transform_indices = @transform_4, window_bounds = array<i64: 1, 64>}, {pipeline_mode = #tpu.pipeline_mode<synchronous>, transform_indices = @transform_5, window_bounds = array<i64: 64, 64>}, {pipeline_mode = #tpu.pipeline_mode<synchronous>, transform_indices = @transform_6, window_bounds = array<i64: 1, 64>}, {pipeline_mode = #tpu.pipeline_mode<synchronous>, transform_indices = @transform_7, window_bounds = array<i64: 64, 64>}, {pipeline_mode = #tpu.pipeline_mode<synchronous>, transform_indices = @transform_8, window_bounds = array<i64: 1, 64>}, {pipeline_mode = #tpu.pipeline_mode<synchronous>, transform_indices = @transform_9, window_bounds = array<i64: 64, 64>}, {pipeline_mode = #tpu.pipeline_mode<synchronous>, transform_indices = @transform_10, window_bounds = array<i64: 1, 64>}, {pipeline_mode = #tpu.pipeline_mode<synchronous>, transform_indices = @transform_11, window_bounds = array<i64: 64, 8>}, {pipeline_mode = #tpu.pipeline_mode<synchronous>, transform_indices = @transform_12, window_bounds = array<i64: 8, 64>}, {pipeline_mode = #tpu.pipeline_mode<synchronous>, transform_indices = @transform_13, window_bounds = array<i64: 8, 64>}, {transform_indices = @transform_14, window_bounds = array<i64: 1024, 64>}, {transform_indices = @transform_15, window_bounds = array<i64: 1024, 128>}]} {
    %get3A = arith.constant 0 : index
    %get3A_0 = arith.constant 0 : index
    %get3A_1 = vector.load %arg1[%get3A, %get3A_0] : memref<1024x8xf32, #tpu.memory_space<vmem>>, vector<1024x8xf32>
    %get3A_2 = arith.constant 0 : index
    %get3A_3 = arith.constant 0 : index
    %get3A_4 = vector.load %arg4[%get3A_2, %get3A_3] : memref<8x64xf32, #tpu.memory_space<vmem>>, vector<8x64xf32>
    %dot_general3A = arith.constant dense<0.000000e+00> : vector<1024x64xf32>
    %dot_general3A_5 = tpu.matmul %get3A_1, %get3A_4, %dot_general3A {dimension_numbers = #tpu.dot_dimension_numbers<[1], [0], [0], [1], [0, 0, 1, 1], [], []>, transpose_lhs_hint = false} : vector<1024x8xf32>, vector<8x64xf32>, vector<1024x64xf32> -> vector<1024x64xf32>
    %get3A_6 = arith.constant 0 : index
    %get3A_7 = arith.constant 0 : index
    %get3A_8 = vector.load %arg5[%get3A_6, %get3A_7] : memref<1x64xf32, #tpu.memory_space<vmem>>, vector<1x64xf32>
    %add3A = vector.broadcast %get3A_8 : vector<1x64xf32> to vector<1024x64xf32>
    %add3A_9 = arith.addf %dot_general3A_5, %add3A : vector<1024x64xf32>
    %max3A = arith.constant 0.000000e+00 : f32
    %max3A_10 = vector.broadcast %max3A : f32 to vector<1024x64xf32>
    %max3A_11 = arith.maximumf %add3A_9, %max3A_10 : vector<1024x64xf32>
    %get3A_12 = arith.constant 0 : index
    %get3A_13 = arith.constant 0 : index
    %get3A_14 = vector.load %arg6[%get3A_12, %get3A_13] : memref<64x64xf32, #tpu.memory_space<vmem>>, vector<64x64xf32>
    %dot_general3A_15 = arith.constant dense<0.000000e+00> : vector<1024x64xf32>
    %dot_general3A_16 = tpu.matmul %max3A_11, %get3A_14, %dot_general3A_15 {dimension_numbers = #tpu.dot_dimension_numbers<[1], [0], [0], [1], [0, 0, 1, 1], [], []>, transpose_lhs_hint = false} : vector<1024x64xf32>, vector<64x64xf32>, vector<1024x64xf32> -> vector<1024x64xf32>
    %get3A_17 = arith.constant 0 : index
    %get3A_18 = arith.constant 0 : index
    %get3A_19 = vector.load %arg7[%get3A_17, %get3A_18] : memref<1x64xf32, #tpu.memory_space<vmem>>, vector<1x64xf32>
    %add3A_20 = vector.broadcast %get3A_19 : vector<1x64xf32> to vector<1024x64xf32>
    %add3A_21 = arith.addf %dot_general3A_16, %add3A_20 : vector<1024x64xf32>
    %get3A_22 = arith.constant 0 : index
    %get3A_23 = arith.constant 0 : index
    %get3A_24 = vector.load %arg8[%get3A_22, %get3A_23] : memref<64x64xf32, #tpu.memory_space<vmem>>, vector<64x64xf32>
    %dot_general3A_25 = arith.constant dense<0.000000e+00> : vector<1024x64xf32>
    %dot_general3A_26 = tpu.matmul %add3A_21, %get3A_24, %dot_general3A_25 {dimension_numbers = #tpu.dot_dimension_numbers<[1], [0], [0], [1], [0, 0, 1, 1], [], []>, transpose_lhs_hint = false} : vector<1024x64xf32>, vector<64x64xf32>, vector<1024x64xf32> -> vector<1024x64xf32>
    %get3A_27 = arith.constant 0 : index
    %get3A_28 = arith.constant 0 : index
    %get3A_29 = vector.load %arg9[%get3A_27, %get3A_28] : memref<1x64xf32, #tpu.memory_space<vmem>>, vector<1x64xf32>
    %add3A_30 = vector.broadcast %get3A_29 : vector<1x64xf32> to vector<1024x64xf32>
    %add3A_31 = arith.addf %dot_general3A_26, %add3A_30 : vector<1024x64xf32>
    %get3A_32 = arith.constant 0 : index
    %get3A_33 = arith.constant 0 : index
    %get3A_34 = vector.load %arg10[%get3A_32, %get3A_33] : memref<64x64xf32, #tpu.memory_space<vmem>>, vector<64x64xf32>
    %dot_general3A_35 = arith.constant dense<0.000000e+00> : vector<1024x64xf32>
    %dot_general3A_36 = tpu.matmul %add3A_21, %get3A_34, %dot_general3A_35 {dimension_numbers = #tpu.dot_dimension_numbers<[1], [0], [0], [1], [0, 0, 1, 1], [], []>, transpose_lhs_hint = false} : vector<1024x64xf32>, vector<64x64xf32>, vector<1024x64xf32> -> vector<1024x64xf32>
    %get3A_37 = arith.constant 0 : index
    %get3A_38 = arith.constant 0 : index
    %get3A_39 = vector.load %arg11[%get3A_37, %get3A_38] : memref<1x64xf32, #tpu.memory_space<vmem>>, vector<1x64xf32>
    %add3A_40 = vector.broadcast %get3A_39 : vector<1x64xf32> to vector<1024x64xf32>
    %add3A_41 = arith.addf %dot_general3A_36, %add3A_40 : vector<1024x64xf32>
    %get3A_42 = arith.constant 0 : index
    %get3A_43 = arith.constant 0 : index
    %get3A_44 = vector.load %arg2[%get3A_42, %get3A_43] : memref<1024x128xf32, #tpu.memory_space<vmem>>, vector<1024x128xf32>
    %get3A_45 = arith.constant 0 : index
    %get3A_46 = arith.constant 0 : index
    %get3A_47 = vector.load %arg3[%get3A_45, %get3A_46] : memref<1024x128xf32, #tpu.memory_space<vmem>>, vector<1024x128xf32>
    %slice3A = vector.extract_strided_slice %get3A_44 {offsets = [0, 0], sizes = [1024, 64], strides = [1, 1]} : vector<1024x128xf32> to vector<1024x64xf32>
    %slice3A_48 = vector.extract_strided_slice %get3A_44 {offsets = [0, 64], sizes = [1024, 64], strides = [1, 1]} : vector<1024x128xf32> to vector<1024x64xf32>
    %slice3A_49 = vector.extract_strided_slice %get3A_47 {offsets = [0, 0], sizes = [1024, 64], strides = [1, 1]} : vector<1024x128xf32> to vector<1024x64xf32>
    %add3A_50 = arith.addf %slice3A, %slice3A_49 : vector<1024x64xf32>
    %mul3A = arith.mulf %add3A_50, %add3A_31 : vector<1024x64xf32>
    %max3A_51 = arith.constant 0.000000e+00 : f32
    %max3A_52 = vector.broadcast %max3A_51 : f32 to vector<1024x64xf32>
    %max3A_53 = arith.maximumf %mul3A, %max3A_52 : vector<1024x64xf32>
    %max3A_54 = arith.constant 9.99999993E-9 : f32
    %max3A_55 = vector.broadcast %max3A_54 : f32 to vector<1024x64xf32>
    %max3A_56 = arith.maximumf %max3A_53, %max3A_55 : vector<1024x64xf32>
    %neg3A = arith.constant 0.000000e+00 : f32
    %neg3A_57 = vector.broadcast %neg3A : f32 to vector<1024x64xf32>
    %neg3A_58 = arith.subf %neg3A_57, %mul3A : vector<1024x64xf32>
    %max3A_59 = arith.constant 0.000000e+00 : f32
    %max3A_60 = vector.broadcast %max3A_59 : f32 to vector<1024x64xf32>
    %max3A_61 = arith.maximumf %neg3A_58, %max3A_60 : vector<1024x64xf32>
    %max3A_62 = arith.constant 9.99999993E-9 : f32
    %max3A_63 = vector.broadcast %max3A_62 : f32 to vector<1024x64xf32>
    %max3A_64 = arith.maximumf %max3A_61, %max3A_63 : vector<1024x64xf32>
    %sqrt3A = math.sqrt %max3A_56 : vector<1024x64xf32>
    %sqrt3A_65 = math.sqrt %max3A_64 : vector<1024x64xf32>
    %sub3A = arith.subf %sqrt3A, %sqrt3A_65 : vector<1024x64xf32>
    %add3A_66 = arith.addf %sub3A, %add3A_41 : vector<1024x64xf32>
    %max3A_67 = arith.constant 0.000000e+00 : f32
    %max3A_68 = vector.broadcast %max3A_67 : f32 to vector<1024x64xf32>
    %max3A_69 = arith.maximumf %add3A_66, %max3A_68 : vector<1024x64xf32>
    %get3A_70 = arith.constant 0 : index
    %get3A_71 = arith.constant 0 : index
    %get3A_72 = vector.load %arg12[%get3A_70, %get3A_71] : memref<64x8xf32, #tpu.memory_space<vmem>>, vector<64x8xf32>
    %dot_general3A_73 = arith.constant dense<0.000000e+00> : vector<1024x8xf32>
    %dot_general3A_74 = tpu.matmul %max3A_69, %get3A_72, %dot_general3A_73 {dimension_numbers = #tpu.dot_dimension_numbers<[1], [0], [0], [1], [0, 0, 1, 1], [], []>, transpose_lhs_hint = false} : vector<1024x64xf32>, vector<64x8xf32>, vector<1024x8xf32> -> vector<1024x8xf32>
    %jit3A = arith.constant -5.000000e+00 : f32
    %jit3A_75 = arith.constant 5.000000e+00 : f32
    %max3A_76 = vector.broadcast %jit3A : f32 to vector<1024x8xf32>
    %max3A_77 = arith.maximumf %max3A_76, %dot_general3A_74 : vector<1024x8xf32>
    %min3A = vector.broadcast %jit3A_75 : f32 to vector<1024x8xf32>
    %min3A_78 = arith.minimumf %min3A, %max3A_77 : vector<1024x8xf32>
    %exp3A = math.exp %min3A_78 : vector<1024x8xf32>
    %get3A_79 = arith.constant 0 : index
    %get3A_80 = arith.constant 0 : index
    %get3A_81 = vector.load %arg13[%get3A_79, %get3A_80] : memref<8x64xf32, #tpu.memory_space<vmem>>, vector<8x64xf32>
    %dot_general3A_82 = arith.constant dense<0.000000e+00> : vector<1024x64xf32>
    %dot_general3A_83 = tpu.matmul %exp3A, %get3A_81, %dot_general3A_82 {dimension_numbers = #tpu.dot_dimension_numbers<[1], [0], [0], [1], [0, 0, 1, 1], [], []>, transpose_lhs_hint = false} : vector<1024x8xf32>, vector<8x64xf32>, vector<1024x64xf32> -> vector<1024x64xf32>
    %mul3A_84 = arith.mulf %slice3A_48, %dot_general3A_83 : vector<1024x64xf32>
    %get3A_85 = arith.constant 0 : index
    %get3A_86 = arith.constant 0 : index
    %get3A_87 = vector.load %arg14[%get3A_85, %get3A_86] : memref<8x64xf32, #tpu.memory_space<vmem>>, vector<8x64xf32>
    %dot_general3A_88 = arith.constant dense<0.000000e+00> : vector<1024x64xf32>
    %dot_general3A_89 = tpu.matmul %exp3A, %get3A_87, %dot_general3A_88 {dimension_numbers = #tpu.dot_dimension_numbers<[1], [0], [0], [1], [0, 0, 1, 1], [], []>, transpose_lhs_hint = false} : vector<1024x8xf32>, vector<8x64xf32>, vector<1024x64xf32> -> vector<1024x64xf32>
    %concatenate3A = tpu.concatenate %mul3A_84, %dot_general3A_89 in 1 : vector<1024x64xf32>, vector<1024x64xf32> -> vector<1024x128xf32>
    %swap3A = arith.constant 0 : index
    %swap3A_90 = arith.constant 0 : index
    %swap3A_91 = vector.load %arg15[%swap3A, %swap3A_90] : memref<1024x64xf32, #tpu.memory_space<vmem>>, vector<1024x64xf32>
    tpu.vector_store %arg15[%swap3A, %swap3A_90], %max3A_69 {strides = array<i32>} : memref<1024x64xf32, #tpu.memory_space<vmem>>, vector<1024x64xf32>,
    %swap3A_92 = arith.constant 0 : index
    %swap3A_93 = arith.constant 0 : index
    %swap3A_94 = vector.load %arg16[%swap3A_92, %swap3A_93] : memref<1024x128xf32, #tpu.memory_space<vmem>>, vector<1024x128xf32>
    tpu.vector_store %arg16[%swap3A_92, %swap3A_93], %concatenate3A {strides = array<i32>} : memref<1024x128xf32, #tpu.memory_space<vmem>>, vector<1024x128xf32>,
    return
  }
  func.func @transform_0(%arg0: i32) -> (i32, i32) {
    %c0_i32 = arith.constant 0 : i32
    %c0_i32_0 = arith.constant 0 : i32
    return %arg0, %c0_i32 : i32, i32
  }
  func.func @transform_1(%arg0: i32) -> (i32, i32) {
    %c0_i32 = arith.constant 0 : i32
    %c0_i32_0 = arith.constant 0 : i32
    return %arg0, %c0_i32 : i32, i32
  }
  func.func @transform_2(%arg0: i32) -> (i32, i32) {
    %c0_i32 = arith.constant 0 : i32
    %c0_i32_0 = arith.constant 0 : i32
    return %arg0, %c0_i32 : i32, i32
  }
  func.func @transform_3(%arg0: i32) -> (i32, i32) {
    %c0_i32 = arith.constant 0 : i32
    %c0_i32_0 = arith.constant 0 : i32
    %c0_i32_1 = arith.constant 0 : i32
    return %c0_i32, %c0_i32_0 : i32, i32
  }
  func.func @transform_4(%arg0: i32) -> (i32, i32) {
    %c0_i32 = arith.constant 0 : i32
    %c0_i32_0 = arith.constant 0 : i32
    %c0_i32_1 = arith.constant 0 : i32
    return %c0_i32, %c0_i32_0 : i32, i32
  }
  func.func @transform_5(%arg0: i32) -> (i32, i32) {
    %c0_i32 = arith.constant 0 : i32
    %c0_i32_0 = arith.constant 0 : i32
    %c0_i32_1 = arith.constant 0 : i32
    return %c0_i32, %c0_i32_0 : i32, i32
  }
  func.func @transform_6(%arg0: i32) -> (i32, i32) {
    %c0_i32 = arith.constant 0 : i32
    %c0_i32_0 = arith.constant 0 : i32
    %c0_i32_1 = arith.constant 0 : i32
    return %c0_i32, %c0_i32_0 : i32, i32
  }
  func.func @transform_7(%arg0: i32) -> (i32, i32) {
    %c0_i32 = arith.constant 0 : i32
    %c0_i32_0 = arith.constant 0 : i32
    %c0_i32_1 = arith.constant 0 : i32
    return %c0_i32, %c0_i32_0 : i32, i32
  }
  func.func @transform_8(%arg0: i32) -> (i32, i32) {
    %c0_i32 = arith.constant 0 : i32
    %c0_i32_0 = arith.constant 0 : i32
    %c0_i32_1 = arith.constant 0 : i32
    return %c0_i32, %c0_i32_0 : i32, i32
  }
  func.func @transform_9(%arg0: i32) -> (i32, i32) {
    %c0_i32 = arith.constant 0 : i32
    %c0_i32_0 = arith.constant 0 : i32
    %c0_i32_1 = arith.constant 0 : i32
    return %c0_i32, %c0_i32_0 : i32, i32
  }
  func.func @transform_10(%arg0: i32) -> (i32, i32) {
    %c0_i32 = arith.constant 0 : i32
    %c0_i32_0 = arith.constant 0 : i32
    %c0_i32_1 = arith.constant 0 : i32
    return %c0_i32, %c0_i32_0 : i32, i32
  }
  func.func @transform_11(%arg0: i32) -> (i32, i32) {
    %c0_i32 = arith.constant 0 : i32
    %c0_i32_0 = arith.constant 0 : i32
    %c0_i32_1 = arith.constant 0 : i32
    return %c0_i32, %c0_i32_0 : i32, i32
  }
  func.func @transform_12(%arg0: i32) -> (i32, i32) {
    %c0_i32 = arith.constant 0 : i32
    %c0_i32_0 = arith.constant 0 : i32
    %c0_i32_1 = arith.constant 0 : i32
    return %c0_i32, %c0_i32_0 : i32, i32
  }
  func.func @transform_13(%arg0: i32) -> (i32, i32) {
    %c0_i32 = arith.constant 0 : i32
    %c0_i32_0 = arith.constant 0 : i32
    %c0_i32_1 = arith.constant 0 : i32
    return %c0_i32, %c0_i32_0 : i32, i32
  }
  func.func @transform_14(%arg0: i32) -> (i32, i32) {
    %c0_i32 = arith.constant 0 : i32
    %c0_i32_0 = arith.constant 0 : i32
    return %arg0, %c0_i32 : i32, i32
  }
  func.func @transform_15(%arg0: i32) -> (i32, i32) {
    %c0_i32 = arith.constant 0 : i32
    %c0_i32_0 = arith.constant 0 : i32
    return %arg0, %c0_i32 : i32, i32
  }
}

module attributes {stable_mosaic.version = 14 : i64} {
  func.func @_k_qkv_from_acc(%arg0: i32, %arg1: memref<1024x128xf32, #tpu.memory_space<vmem>>, %arg2: memref<128x64xf32, #tpu.memory_space<vmem>>, %arg3: memref<64x64xf32, #tpu.memory_space<vmem>>, %arg4: memref<1x64xf32, #tpu.memory_space<vmem>>, %arg5: memref<64x64xf32, #tpu.memory_space<vmem>>, %arg6: memref<1x64xf32, #tpu.memory_space<vmem>>, %arg7: memref<64x64xf32, #tpu.memory_space<vmem>>, %arg8: memref<1x64xf32, #tpu.memory_space<vmem>>, %arg9: memref<1024x128xf32, #tpu.memory_space<vmem>>, %arg10: memref<1024x128xf32, #tpu.memory_space<vmem>>) attributes {dimension_semantics = [#tpu.dimension_semantics<arbitrary>], iteration_bounds = array<i64: 49>, scalar_prefetch = 0 : i64, scratch_operands = 0 : i64, tpu.core_type = #tpu.core_type<tc>, window_params = [{transform_indices = @transform_0, window_bounds = array<i64: 1024, 128>}, {pipeline_mode = #tpu.pipeline_mode<synchronous>, transform_indices = @transform_1, window_bounds = array<i64: 128, 64>}, {pipeline_mode = #tpu.pipeline_mode<synchronous>, transform_indices = @transform_2, window_bounds = array<i64: 64, 64>}, {pipeline_mode = #tpu.pipeline_mode<synchronous>, transform_indices = @transform_3, window_bounds = array<i64: 1, 64>}, {pipeline_mode = #tpu.pipeline_mode<synchronous>, transform_indices = @transform_4, window_bounds = array<i64: 64, 64>}, {pipeline_mode = #tpu.pipeline_mode<synchronous>, transform_indices = @transform_5, window_bounds = array<i64: 1, 64>}, {pipeline_mode = #tpu.pipeline_mode<synchronous>, transform_indices = @transform_6, window_bounds = array<i64: 64, 64>}, {pipeline_mode = #tpu.pipeline_mode<synchronous>, transform_indices = @transform_7, window_bounds = array<i64: 1, 64>}, {transform_indices = @transform_8, window_bounds = array<i64: 1024, 128>}, {transform_indices = @transform_9, window_bounds = array<i64: 1024, 128>}]} {
    %get3A = arith.constant 0 : index
    %get3A_0 = arith.constant 0 : index
    %get3A_1 = vector.load %arg1[%get3A, %get3A_0] : memref<1024x128xf32, #tpu.memory_space<vmem>>, vector<1024x128xf32>
    %slice3A = vector.extract_strided_slice %get3A_1 {offsets = [0, 0], sizes = [1024, 64], strides = [1, 1]} : vector<1024x128xf32> to vector<1024x64xf32>
    %get3A_2 = arith.constant 0 : index
    %get3A_3 = arith.constant 0 : index
    %get3A_4 = vector.load %arg2[%get3A_2, %get3A_3] : memref<128x64xf32, #tpu.memory_space<vmem>>, vector<128x64xf32>
    %dot_general3A = arith.constant dense<0.000000e+00> : vector<1024x64xf32>
    %dot_general3A_5 = tpu.matmul %get3A_1, %get3A_4, %dot_general3A {dimension_numbers = #tpu.dot_dimension_numbers<[1], [0], [0], [1], [0, 0, 1, 1], [], []>, transpose_lhs_hint = false} : vector<1024x128xf32>, vector<128x64xf32>, vector<1024x64xf32> -> vector<1024x64xf32>
    %add3A = arith.constant 9.99999997E-7 : f32
    %add3A_6 = vector.broadcast %add3A : f32 to vector<1024x64xf32>
    %add3A_7 = arith.addf %dot_general3A_5, %add3A_6 : vector<1024x64xf32>
    %div3A = arith.divf %slice3A, %add3A_7 : vector<1024x64xf32>
    %get3A_8 = arith.constant 0 : index
    %get3A_9 = arith.constant 0 : index
    %get3A_10 = vector.load %arg3[%get3A_8, %get3A_9] : memref<64x64xf32, #tpu.memory_space<vmem>>, vector<64x64xf32>
    %dot_general3A_11 = arith.constant dense<0.000000e+00> : vector<1024x64xf32>
    %dot_general3A_12 = tpu.matmul %div3A, %get3A_10, %dot_general3A_11 {dimension_numbers = #tpu.dot_dimension_numbers<[1], [0], [0], [1], [0, 0, 1, 1], [], []>, transpose_lhs_hint = false} : vector<1024x64xf32>, vector<64x64xf32>, vector<1024x64xf32> -> vector<1024x64xf32>
    %get3A_13 = arith.constant 0 : index
    %get3A_14 = arith.constant 0 : index
    %get3A_15 = vector.load %arg4[%get3A_13, %get3A_14] : memref<1x64xf32, #tpu.memory_space<vmem>>, vector<1x64xf32>
    %add3A_16 = vector.broadcast %get3A_15 : vector<1x64xf32> to vector<1024x64xf32>
    %add3A_17 = arith.addf %dot_general3A_12, %add3A_16 : vector<1024x64xf32>
    %get3A_18 = arith.constant 0 : index
    %get3A_19 = arith.constant 0 : index
    %get3A_20 = vector.load %arg5[%get3A_18, %get3A_19] : memref<64x64xf32, #tpu.memory_space<vmem>>, vector<64x64xf32>
    %dot_general3A_21 = arith.constant dense<0.000000e+00> : vector<1024x64xf32>
    %dot_general3A_22 = tpu.matmul %div3A, %get3A_20, %dot_general3A_21 {dimension_numbers = #tpu.dot_dimension_numbers<[1], [0], [0], [1], [0, 0, 1, 1], [], []>, transpose_lhs_hint = false} : vector<1024x64xf32>, vector<64x64xf32>, vector<1024x64xf32> -> vector<1024x64xf32>
    %get3A_23 = arith.constant 0 : index
    %get3A_24 = arith.constant 0 : index
    %get3A_25 = vector.load %arg6[%get3A_23, %get3A_24] : memref<1x64xf32, #tpu.memory_space<vmem>>, vector<1x64xf32>
    %add3A_26 = vector.broadcast %get3A_25 : vector<1x64xf32> to vector<1024x64xf32>
    %add3A_27 = arith.addf %dot_general3A_22, %add3A_26 : vector<1024x64xf32>
    %get3A_28 = arith.constant 0 : index
    %get3A_29 = arith.constant 0 : index
    %get3A_30 = vector.load %arg7[%get3A_28, %get3A_29] : memref<64x64xf32, #tpu.memory_space<vmem>>, vector<64x64xf32>
    %dot_general3A_31 = arith.constant dense<0.000000e+00> : vector<1024x64xf32>
    %dot_general3A_32 = tpu.matmul %div3A, %get3A_30, %dot_general3A_31 {dimension_numbers = #tpu.dot_dimension_numbers<[1], [0], [0], [1], [0, 0, 1, 1], [], []>, transpose_lhs_hint = false} : vector<1024x64xf32>, vector<64x64xf32>, vector<1024x64xf32> -> vector<1024x64xf32>
    %get3A_33 = arith.constant 0 : index
    %get3A_34 = arith.constant 0 : index
    %get3A_35 = vector.load %arg8[%get3A_33, %get3A_34] : memref<1x64xf32, #tpu.memory_space<vmem>>, vector<1x64xf32>
    %add3A_36 = vector.broadcast %get3A_35 : vector<1x64xf32> to vector<1024x64xf32>
    %add3A_37 = arith.addf %dot_general3A_32, %add3A_36 : vector<1024x64xf32>
    %concatenate3A = tpu.concatenate %add3A_27, %add3A_37 in 1 : vector<1024x64xf32>, vector<1024x64xf32> -> vector<1024x128xf32>
    %swap3A = arith.constant 0 : index
    %swap3A_38 = arith.constant 0 : index
    %swap3A_39 = vector.load %arg9[%swap3A, %swap3A_38] : memref<1024x128xf32, #tpu.memory_space<vmem>>, vector<1024x128xf32>
    tpu.vector_store %arg9[%swap3A, %swap3A_38], %concatenate3A {strides = array<i32>} : memref<1024x128xf32, #tpu.memory_space<vmem>>, vector<1024x128xf32>,
    %broadcast_in_dim3A = arith.constant 0.000000e+00 : f32
    %broadcast_in_dim3A_40 = vector.broadcast %broadcast_in_dim3A : f32 to vector<1024x64xf32>
    %concatenate3A_41 = tpu.concatenate %add3A_17, %broadcast_in_dim3A_40 in 1 : vector<1024x64xf32>, vector<1024x64xf32> -> vector<1024x128xf32>
    %swap3A_42 = arith.constant 0 : index
    %swap3A_43 = arith.constant 0 : index
    %swap3A_44 = vector.load %arg10[%swap3A_42, %swap3A_43] : memref<1024x128xf32, #tpu.memory_space<vmem>>, vector<1024x128xf32>
    tpu.vector_store %arg10[%swap3A_42, %swap3A_43], %concatenate3A_41 {strides = array<i32>} : memref<1024x128xf32, #tpu.memory_space<vmem>>, vector<1024x128xf32>,
    return
  }
  func.func @transform_0(%arg0: i32) -> (i32, i32) {
    %c0_i32 = arith.constant 0 : i32
    %c0_i32_0 = arith.constant 0 : i32
    return %arg0, %c0_i32 : i32, i32
  }
  func.func @transform_1(%arg0: i32) -> (i32, i32) {
    %c0_i32 = arith.constant 0 : i32
    %c0_i32_0 = arith.constant 0 : i32
    %c0_i32_1 = arith.constant 0 : i32
    return %c0_i32, %c0_i32_0 : i32, i32
  }
  func.func @transform_2(%arg0: i32) -> (i32, i32) {
    %c0_i32 = arith.constant 0 : i32
    %c0_i32_0 = arith.constant 0 : i32
    %c0_i32_1 = arith.constant 0 : i32
    return %c0_i32, %c0_i32_0 : i32, i32
  }
  func.func @transform_3(%arg0: i32) -> (i32, i32) {
    %c0_i32 = arith.constant 0 : i32
    %c0_i32_0 = arith.constant 0 : i32
    %c0_i32_1 = arith.constant 0 : i32
    return %c0_i32, %c0_i32_0 : i32, i32
  }
  func.func @transform_4(%arg0: i32) -> (i32, i32) {
    %c0_i32 = arith.constant 0 : i32
    %c0_i32_0 = arith.constant 0 : i32
    %c0_i32_1 = arith.constant 0 : i32
    return %c0_i32, %c0_i32_0 : i32, i32
  }
  func.func @transform_5(%arg0: i32) -> (i32, i32) {
    %c0_i32 = arith.constant 0 : i32
    %c0_i32_0 = arith.constant 0 : i32
    %c0_i32_1 = arith.constant 0 : i32
    return %c0_i32, %c0_i32_0 : i32, i32
  }
  func.func @transform_6(%arg0: i32) -> (i32, i32) {
    %c0_i32 = arith.constant 0 : i32
    %c0_i32_0 = arith.constant 0 : i32
    %c0_i32_1 = arith.constant 0 : i32
    return %c0_i32, %c0_i32_0 : i32, i32
  }
  func.func @transform_7(%arg0: i32) -> (i32, i32) {
    %c0_i32 = arith.constant 0 : i32
    %c0_i32_0 = arith.constant 0 : i32
    %c0_i32_1 = arith.constant 0 : i32
    return %c0_i32, %c0_i32_0 : i32, i32
  }
  func.func @transform_8(%arg0: i32) -> (i32, i32) {
    %c0_i32 = arith.constant 0 : i32
    %c0_i32_0 = arith.constant 0 : i32
    return %arg0, %c0_i32 : i32, i32
  }
  func.func @transform_9(%arg0: i32) -> (i32, i32) {
    %c0_i32 = arith.constant 0 : i32
    %c0_i32_0 = arith.constant 0 : i32
    return %arg0, %c0_i32 : i32, i32
  }
}

module attributes {stable_mosaic.version = 14 : i64} {
  func.func @_k_edge_compute_noe(%arg0: i32, %arg1: memref<1024x64xf32, #tpu.memory_space<vmem>>, %arg2: memref<1024x128xf32, #tpu.memory_space<vmem>>, %arg3: memref<1024x128xf32, #tpu.memory_space<vmem>>, %arg4: memref<64x64xf32, #tpu.memory_space<vmem>>, %arg5: memref<1x64xf32, #tpu.memory_space<vmem>>, %arg6: memref<64x64xf32, #tpu.memory_space<vmem>>, %arg7: memref<1x64xf32, #tpu.memory_space<vmem>>, %arg8: memref<64x8xf32, #tpu.memory_space<vmem>>, %arg9: memref<8x64xf32, #tpu.memory_space<vmem>>, %arg10: memref<8x64xf32, #tpu.memory_space<vmem>>, %arg11: memref<1024x128xf32, #tpu.memory_space<vmem>>) attributes {dimension_semantics = [#tpu.dimension_semantics<arbitrary>], iteration_bounds = array<i64: 784>, scalar_prefetch = 0 : i64, scratch_operands = 0 : i64, tpu.core_type = #tpu.core_type<tc>, window_params = [{transform_indices = @transform_0, window_bounds = array<i64: 1024, 64>}, {transform_indices = @transform_1, window_bounds = array<i64: 1024, 128>}, {transform_indices = @transform_2, window_bounds = array<i64: 1024, 128>}, {pipeline_mode = #tpu.pipeline_mode<synchronous>, transform_indices = @transform_3, window_bounds = array<i64: 64, 64>}, {pipeline_mode = #tpu.pipeline_mode<synchronous>, transform_indices = @transform_4, window_bounds = array<i64: 1, 64>}, {pipeline_mode = #tpu.pipeline_mode<synchronous>, transform_indices = @transform_5, window_bounds = array<i64: 64, 64>}, {pipeline_mode = #tpu.pipeline_mode<synchronous>, transform_indices = @transform_6, window_bounds = array<i64: 1, 64>}, {pipeline_mode = #tpu.pipeline_mode<synchronous>, transform_indices = @transform_7, window_bounds = array<i64: 64, 8>}, {pipeline_mode = #tpu.pipeline_mode<synchronous>, transform_indices = @transform_8, window_bounds = array<i64: 8, 64>}, {pipeline_mode = #tpu.pipeline_mode<synchronous>, transform_indices = @transform_9, window_bounds = array<i64: 8, 64>}, {transform_indices = @transform_10, window_bounds = array<i64: 1024, 128>}]} {
    %get3A = arith.constant 0 : index
    %get3A_0 = arith.constant 0 : index
    %get3A_1 = vector.load %arg1[%get3A, %get3A_0] : memref<1024x64xf32, #tpu.memory_space<vmem>>, vector<1024x64xf32>
    %get3A_2 = arith.constant 0 : index
    %get3A_3 = arith.constant 0 : index
    %get3A_4 = vector.load %arg4[%get3A_2, %get3A_3] : memref<64x64xf32, #tpu.memory_space<vmem>>, vector<64x64xf32>
    %dot_general3A = arith.constant dense<0.000000e+00> : vector<1024x64xf32>
    %dot_general3A_5 = tpu.matmul %get3A_1, %get3A_4, %dot_general3A {dimension_numbers = #tpu.dot_dimension_numbers<[1], [0], [0], [1], [0, 0, 1, 1], [], []>, transpose_lhs_hint = false} : vector<1024x64xf32>, vector<64x64xf32>, vector<1024x64xf32> -> vector<1024x64xf32>
    %get3A_6 = arith.constant 0 : index
    %get3A_7 = arith.constant 0 : index
    %get3A_8 = vector.load %arg5[%get3A_6, %get3A_7] : memref<1x64xf32, #tpu.memory_space<vmem>>, vector<1x64xf32>
    %add3A = vector.broadcast %get3A_8 : vector<1x64xf32> to vector<1024x64xf32>
    %add3A_9 = arith.addf %dot_general3A_5, %add3A : vector<1024x64xf32>
    %get3A_10 = arith.constant 0 : index
    %get3A_11 = arith.constant 0 : index
    %get3A_12 = vector.load %arg6[%get3A_10, %get3A_11] : memref<64x64xf32, #tpu.memory_space<vmem>>, vector<64x64xf32>
    %dot_general3A_13 = arith.constant dense<0.000000e+00> : vector<1024x64xf32>
    %dot_general3A_14 = tpu.matmul %get3A_1, %get3A_12, %dot_general3A_13 {dimension_numbers = #tpu.dot_dimension_numbers<[1], [0], [0], [1], [0, 0, 1, 1], [], []>, transpose_lhs_hint = false} : vector<1024x64xf32>, vector<64x64xf32>, vector<1024x64xf32> -> vector<1024x64xf32>
    %get3A_15 = arith.constant 0 : index
    %get3A_16 = arith.constant 0 : index
    %get3A_17 = vector.load %arg7[%get3A_15, %get3A_16] : memref<1x64xf32, #tpu.memory_space<vmem>>, vector<1x64xf32>
    %add3A_18 = vector.broadcast %get3A_17 : vector<1x64xf32> to vector<1024x64xf32>
    %add3A_19 = arith.addf %dot_general3A_14, %add3A_18 : vector<1024x64xf32>
    %get3A_20 = arith.constant 0 : index
    %get3A_21 = arith.constant 0 : index
    %get3A_22 = vector.load %arg2[%get3A_20, %get3A_21] : memref<1024x128xf32, #tpu.memory_space<vmem>>, vector<1024x128xf32>
    %get3A_23 = arith.constant 0 : index
    %get3A_24 = arith.constant 0 : index
    %get3A_25 = vector.load %arg3[%get3A_23, %get3A_24] : memref<1024x128xf32, #tpu.memory_space<vmem>>, vector<1024x128xf32>
    %slice3A = vector.extract_strided_slice %get3A_22 {offsets = [0, 0], sizes = [1024, 64], strides = [1, 1]} : vector<1024x128xf32> to vector<1024x64xf32>
    %slice3A_26 = vector.extract_strided_slice %get3A_22 {offsets = [0, 64], sizes = [1024, 64], strides = [1, 1]} : vector<1024x128xf32> to vector<1024x64xf32>
    %slice3A_27 = vector.extract_strided_slice %get3A_25 {offsets = [0, 0], sizes = [1024, 64], strides = [1, 1]} : vector<1024x128xf32> to vector<1024x64xf32>
    %add3A_28 = arith.addf %slice3A, %slice3A_27 : vector<1024x64xf32>
    %mul3A = arith.mulf %add3A_28, %add3A_9 : vector<1024x64xf32>
    %max3A = arith.constant 0.000000e+00 : f32
    %max3A_29 = vector.broadcast %max3A : f32 to vector<1024x64xf32>
    %max3A_30 = arith.maximumf %mul3A, %max3A_29 : vector<1024x64xf32>
    %max3A_31 = arith.constant 9.99999993E-9 : f32
    %max3A_32 = vector.broadcast %max3A_31 : f32 to vector<1024x64xf32>
    %max3A_33 = arith.maximumf %max3A_30, %max3A_32 : vector<1024x64xf32>
    %neg3A = arith.constant 0.000000e+00 : f32
    %neg3A_34 = vector.broadcast %neg3A : f32 to vector<1024x64xf32>
    %neg3A_35 = arith.subf %neg3A_34, %mul3A : vector<1024x64xf32>
    %max3A_36 = arith.constant 0.000000e+00 : f32
    %max3A_37 = vector.broadcast %max3A_36 : f32 to vector<1024x64xf32>
    %max3A_38 = arith.maximumf %neg3A_35, %max3A_37 : vector<1024x64xf32>
    %max3A_39 = arith.constant 9.99999993E-9 : f32
    %max3A_40 = vector.broadcast %max3A_39 : f32 to vector<1024x64xf32>
    %max3A_41 = arith.maximumf %max3A_38, %max3A_40 : vector<1024x64xf32>
    %sqrt3A = math.sqrt %max3A_33 : vector<1024x64xf32>
    %sqrt3A_42 = math.sqrt %max3A_41 : vector<1024x64xf32>
    %sub3A = arith.subf %sqrt3A, %sqrt3A_42 : vector<1024x64xf32>
    %add3A_43 = arith.addf %sub3A, %add3A_19 : vector<1024x64xf32>
    %max3A_44 = arith.constant 0.000000e+00 : f32
    %max3A_45 = vector.broadcast %max3A_44 : f32 to vector<1024x64xf32>
    %max3A_46 = arith.maximumf %add3A_43, %max3A_45 : vector<1024x64xf32>
    %get3A_47 = arith.constant 0 : index
    %get3A_48 = arith.constant 0 : index
    %get3A_49 = vector.load %arg8[%get3A_47, %get3A_48] : memref<64x8xf32, #tpu.memory_space<vmem>>, vector<64x8xf32>
    %dot_general3A_50 = arith.constant dense<0.000000e+00> : vector<1024x8xf32>
    %dot_general3A_51 = tpu.matmul %max3A_46, %get3A_49, %dot_general3A_50 {dimension_numbers = #tpu.dot_dimension_numbers<[1], [0], [0], [1], [0, 0, 1, 1], [], []>, transpose_lhs_hint = false} : vector<1024x64xf32>, vector<64x8xf32>, vector<1024x8xf32> -> vector<1024x8xf32>
    %jit3A = arith.constant -5.000000e+00 : f32
    %jit3A_52 = arith.constant 5.000000e+00 : f32
    %max3A_53 = vector.broadcast %jit3A : f32 to vector<1024x8xf32>
    %max3A_54 = arith.maximumf %max3A_53, %dot_general3A_51 : vector<1024x8xf32>
    %min3A = vector.broadcast %jit3A_52 : f32 to vector<1024x8xf32>
    %min3A_55 = arith.minimumf %min3A, %max3A_54 : vector<1024x8xf32>
    %exp3A = math.exp %min3A_55 : vector<1024x8xf32>
    %get3A_56 = arith.constant 0 : index
    %get3A_57 = arith.constant 0 : index
    %get3A_58 = vector.load %arg9[%get3A_56, %get3A_57] : memref<8x64xf32, #tpu.memory_space<vmem>>, vector<8x64xf32>
    %dot_general3A_59 = arith.constant dense<0.000000e+00> : vector<1024x64xf32>
    %dot_general3A_60 = tpu.matmul %exp3A, %get3A_58, %dot_general3A_59 {dimension_numbers = #tpu.dot_dimension_numbers<[1], [0], [0], [1], [0, 0, 1, 1], [], []>, transpose_lhs_hint = false} : vector<1024x8xf32>, vector<8x64xf32>, vector<1024x64xf32> -> vector<1024x64xf32>
    %mul3A_61 = arith.mulf %slice3A_26, %dot_general3A_60 : vector<1024x64xf32>
    %get3A_62 = arith.constant 0 : index
    %get3A_63 = arith.constant 0 : index
    %get3A_64 = vector.load %arg10[%get3A_62, %get3A_63] : memref<8x64xf32, #tpu.memory_space<vmem>>, vector<8x64xf32>
    %dot_general3A_65 = arith.constant dense<0.000000e+00> : vector<1024x64xf32>
    %dot_general3A_66 = tpu.matmul %exp3A, %get3A_64, %dot_general3A_65 {dimension_numbers = #tpu.dot_dimension_numbers<[1], [0], [0], [1], [0, 0, 1, 1], [], []>, transpose_lhs_hint = false} : vector<1024x8xf32>, vector<8x64xf32>, vector<1024x64xf32> -> vector<1024x64xf32>
    %concatenate3A = tpu.concatenate %mul3A_61, %dot_general3A_66 in 1 : vector<1024x64xf32>, vector<1024x64xf32> -> vector<1024x128xf32>
    %swap3A = arith.constant 0 : index
    %swap3A_67 = arith.constant 0 : index
    %swap3A_68 = vector.load %arg11[%swap3A, %swap3A_67] : memref<1024x128xf32, #tpu.memory_space<vmem>>, vector<1024x128xf32>
    tpu.vector_store %arg11[%swap3A, %swap3A_67], %concatenate3A {strides = array<i32>} : memref<1024x128xf32, #tpu.memory_space<vmem>>, vector<1024x128xf32>,
    return
  }
  func.func @transform_0(%arg0: i32) -> (i32, i32) {
    %c0_i32 = arith.constant 0 : i32
    %c0_i32_0 = arith.constant 0 : i32
    return %arg0, %c0_i32 : i32, i32
  }
  func.func @transform_1(%arg0: i32) -> (i32, i32) {
    %c0_i32 = arith.constant 0 : i32
    %c0_i32_0 = arith.constant 0 : i32
    return %arg0, %c0_i32 : i32, i32
  }
  func.func @transform_2(%arg0: i32) -> (i32, i32) {
    %c0_i32 = arith.constant 0 : i32
    %c0_i32_0 = arith.constant 0 : i32
    return %arg0, %c0_i32 : i32, i32
  }
  func.func @transform_3(%arg0: i32) -> (i32, i32) {
    %c0_i32 = arith.constant 0 : i32
    %c0_i32_0 = arith.constant 0 : i32
    %c0_i32_1 = arith.constant 0 : i32
    return %c0_i32, %c0_i32_0 : i32, i32
  }
  func.func @transform_4(%arg0: i32) -> (i32, i32) {
    %c0_i32 = arith.constant 0 : i32
    %c0_i32_0 = arith.constant 0 : i32
    %c0_i32_1 = arith.constant 0 : i32
    return %c0_i32, %c0_i32_0 : i32, i32
  }
  func.func @transform_5(%arg0: i32) -> (i32, i32) {
    %c0_i32 = arith.constant 0 : i32
    %c0_i32_0 = arith.constant 0 : i32
    %c0_i32_1 = arith.constant 0 : i32
    return %c0_i32, %c0_i32_0 : i32, i32
  }
  func.func @transform_6(%arg0: i32) -> (i32, i32) {
    %c0_i32 = arith.constant 0 : i32
    %c0_i32_0 = arith.constant 0 : i32
    %c0_i32_1 = arith.constant 0 : i32
    return %c0_i32, %c0_i32_0 : i32, i32
  }
  func.func @transform_7(%arg0: i32) -> (i32, i32) {
    %c0_i32 = arith.constant 0 : i32
    %c0_i32_0 = arith.constant 0 : i32
    %c0_i32_1 = arith.constant 0 : i32
    return %c0_i32, %c0_i32_0 : i32, i32
  }
  func.func @transform_8(%arg0: i32) -> (i32, i32) {
    %c0_i32 = arith.constant 0 : i32
    %c0_i32_0 = arith.constant 0 : i32
    %c0_i32_1 = arith.constant 0 : i32
    return %c0_i32, %c0_i32_0 : i32, i32
  }
  func.func @transform_9(%arg0: i32) -> (i32, i32) {
    %c0_i32 = arith.constant 0 : i32
    %c0_i32_0 = arith.constant 0 : i32
    %c0_i32_1 = arith.constant 0 : i32
    return %c0_i32, %c0_i32_0 : i32, i32
  }
  func.func @transform_10(%arg0: i32) -> (i32, i32) {
    %c0_i32 = arith.constant 0 : i32
    %c0_i32_0 = arith.constant 0 : i32
    return %arg0, %c0_i32 : i32, i32
  }
}

module attributes {stable_mosaic.version = 14 : i64} {
  func.func @_k_norm_all(%arg0: i32, %arg1: memref<1024x128xf32, #tpu.memory_space<vmem>>, %arg2: memref<128x64xf32, #tpu.memory_space<vmem>>, %arg3: memref<1024x128xf32, #tpu.memory_space<vmem>>) attributes {dimension_semantics = [#tpu.dimension_semantics<arbitrary>], iteration_bounds = array<i64: 49>, scalar_prefetch = 0 : i64, scratch_operands = 0 : i64, tpu.core_type = #tpu.core_type<tc>, window_params = [{transform_indices = @transform_0, window_bounds = array<i64: 1024, 128>}, {pipeline_mode = #tpu.pipeline_mode<synchronous>, transform_indices = @transform_1, window_bounds = array<i64: 128, 64>}, {transform_indices = @transform_2, window_bounds = array<i64: 1024, 128>}]} {
    %get3A = arith.constant 0 : index
    %get3A_0 = arith.constant 0 : index
    %get3A_1 = vector.load %arg1[%get3A, %get3A_0] : memref<1024x128xf32, #tpu.memory_space<vmem>>, vector<1024x128xf32>
    %slice3A = vector.extract_strided_slice %get3A_1 {offsets = [0, 0], sizes = [1024, 64], strides = [1, 1]} : vector<1024x128xf32> to vector<1024x64xf32>
    %get3A_2 = arith.constant 0 : index
    %get3A_3 = arith.constant 0 : index
    %get3A_4 = vector.load %arg2[%get3A_2, %get3A_3] : memref<128x64xf32, #tpu.memory_space<vmem>>, vector<128x64xf32>
    %dot_general3A = arith.constant dense<0.000000e+00> : vector<1024x64xf32>
    %dot_general3A_5 = tpu.matmul %get3A_1, %get3A_4, %dot_general3A {dimension_numbers = #tpu.dot_dimension_numbers<[1], [0], [0], [1], [0, 0, 1, 1], [], []>, transpose_lhs_hint = false} : vector<1024x128xf32>, vector<128x64xf32>, vector<1024x64xf32> -> vector<1024x64xf32>
    %add3A = arith.constant 9.99999997E-7 : f32
    %add3A_6 = vector.broadcast %add3A : f32 to vector<1024x64xf32>
    %add3A_7 = arith.addf %dot_general3A_5, %add3A_6 : vector<1024x64xf32>
    %div3A = arith.divf %slice3A, %add3A_7 : vector<1024x64xf32>
    %broadcast_in_dim3A = arith.constant 0.000000e+00 : f32
    %broadcast_in_dim3A_8 = vector.broadcast %broadcast_in_dim3A : f32 to vector<1024x64xf32>
    %concatenate3A = tpu.concatenate %div3A, %broadcast_in_dim3A_8 in 1 : vector<1024x64xf32>, vector<1024x64xf32> -> vector<1024x128xf32>
    %swap3A = arith.constant 0 : index
    %swap3A_9 = arith.constant 0 : index
    %swap3A_10 = vector.load %arg3[%swap3A, %swap3A_9] : memref<1024x128xf32, #tpu.memory_space<vmem>>, vector<1024x128xf32>
    tpu.vector_store %arg3[%swap3A, %swap3A_9], %concatenate3A {strides = array<i32>} : memref<1024x128xf32, #tpu.memory_space<vmem>>, vector<1024x128xf32>,
    return
  }
  func.func @transform_0(%arg0: i32) -> (i32, i32) {
    %c0_i32 = arith.constant 0 : i32
    %c0_i32_0 = arith.constant 0 : i32
    return %arg0, %c0_i32 : i32, i32
  }
  func.func @transform_1(%arg0: i32) -> (i32, i32) {
    %c0_i32 = arith.constant 0 : i32
    %c0_i32_0 = arith.constant 0 : i32
    %c0_i32_1 = arith.constant 0 : i32
    return %c0_i32, %c0_i32_0 : i32, i32
  }
  func.func @transform_2(%arg0: i32) -> (i32, i32) {
    %c0_i32 = arith.constant 0 : i32
    %c0_i32_0 = arith.constant 0 : i32
    return %arg0, %c0_i32 : i32, i32
  }
}

</mosaic_0001>

<sc_bundles>
// kernel: kernel.14.cloned.1.call-start
scs
__scs_entry_jumppad:
0x0: {  	(pc) =	sbr.rel $0x88, $3  }
0x1: {  	(tag) =	ssettag $0x0;
	lr =	simm.s32 $0x1  }
0x2: {  	[smem:$0x3F83] =	sst lr;
	_ =	strace $0xD0000000  }
0x3: {  	_ = 	snop  }
0x4: {  	_ = 	snop  }
0x5: {  	_ = 	snop  }
0x6: {  	_ = 	snop  }
0x7: {  	_ = 	snop  }
__scs_overlays_trampoline_lowered:
0x8: {  	[smem:$0x3F92] =	sst s0  }
0x9: {  	[smem:$0x3F93] =	sst s1  }
0xa: {  	[smem:$0x3F94] =	sst s2  }
0xb: {  	[smem:$0x3F95] =	sst s3  }
0xc: {  	[smem:$0x3F96] =	sst s4  }
0xd: {  	[smem:$0x3F97] =	sst s5  }
0xe: {  	[smem:$0x3F98] =	sst s6  }
0xf: {  	[smem:$0x3F99] =	sst s7  }
0x10: {  	[smem:$0x3F9A] =	sst s8  }
0x11: {  	[smem:$0x3F9B] =	sst s9;
	s0 =	simm.s32 @!p0 $0x0  }
0x12: {  	s1 =	sld [smem:$0x3F81];
	s0 =	simm.s32 @p0 $0x1  }
0x13: {  	[smem:$0x3F9C] =	sst s0;
	s0 =	simm.s32 @!p1 $0x0  }
0x14: {  	s2 =	sld [smem:$0x3F80];
	s0 =	simm.s32 @p1 $0x1  }
0x15: {  	[smem:$0x3F9D] =	sst s0;
	s0 =	simm.s32 @!p2 $0x0  }
0x16: {  	s3 =	sld [smem:$0x3FDB];
	s0 =	simm.s32 @p2 $0x1  }
0x17: {  	s4 =	simm.s32 $0x1BF5;
	[smem:$0x3F9F] =	sst s0  }
0x18: {  	s0 =	sld [smem:$0x3F82];
	_ =	swait.ge [sflag:s4], $0x0  }
0x19: {  	s7 =	sld [smem:$0x3F83]  }
0x1a: {  	s8 =	sadd.s32 $0xFFFFE003, lr  }
0x1b: {  	s9 =	sadd.s32 $0xFFFFFEF7, lr;
	s5 =	simm.s32 $0xFFFFFFFF;
	p2 =	slt.u32 s8, $0xFFFFF086  }
0x1c: {  	p1 =	slt.u32 s9, $0xF7A;
	s5 =	simm.s32 @!p2 $0x0  }
0x1d: {  	s5 =	simm.s32 @p1 $0x1;
	p0 =	seq.s32 s7, s2  }
0x1e: {  	s7 =	smul.u32 @!p0 $0xF7A, s2;
	p2 =	seq.s32 @!p0 s5, $0x0  }
0x1f: {  	s9 =	smul.u32 $0xF7A, s1;
	s8 =	simm.s32 @!p0 $0x1BF5;
	p2 =	por !p2, p0  }
0x20: {  	[sflag:s8] =	ssyncset.s32 @!p0 $0xFFFFF086;
	s6 =	sadd.s32 @!p0 s3, s7;
	s7 =	simm.s32 @!p0 $0x108  }
0x21: {  	s3 =	sadd.s32 s3, s9;
	s6 =	sadd.s32 @!p0 $0x88, s6;
	s7 =	simm.s32 @p2 $0x1082  }
0x22: {  	[simem:s7], [sflag:s8] =	dma.local @!p0 [hbm:s6], $0xF7A  }
0x23: {  	s9 =	sor.u32 $0xD0000000, s2;
	s6 =	simm.s32 $0x108;
	_ =	swait.ge @!p0 [sflag:s8], $0x0  }
0x24: {  	s3 =	sadd.s32 $0x88, s3;
	s6 =	simm.s32 @!p1 $0x1082;
	[sflag:s4] =	ssyncset.s32 $0xFFFFF086  }
0x25: {  	[simem:s6], [sflag:s4] =	dma.local [hbm:s3], $0xF7A  }
0x26: {  	[smem:$0x3F83] =	sst s1;
	(tag) =	ssettag s2;
	_ =	strace s9  }
0x27: {  	s1 =	sld [smem:$0x3F93]  }
0x28: {  	s2 =	sld [smem:$0x3F94]  }
0x29: {  	s4 =	sld [smem:$0x3F96]  }
0x2a: {  	p0 =	seq.s32 s5, $0x0;
	s5 =	sld [smem:$0x3F97]  }
0x2b: {  	s6 =	sld [smem:$0x3F98]  }
0x2c: {  	s7 =	sld [smem:$0x3F99]  }
0x2d: {  	s3 =	simm.s32 $0x108;
	s8 =	sld [smem:$0x3F9A]  }
0x2e: {  	s3 =	simm.s32 @!p0 $0x1082;
	s9 =	sld [smem:$0x3F9B]  }
0x2f: {  	lr =	sadd.s32 s0, s3;
	s0 =	sld [smem:$0x3F92]  }
0x30: {  	s3 =	sld [smem:$0x3F95]  }
0x31: {  	[smem:$0x3F9E] =	sst s10  }
0x32: {  	s10 =	sld [smem:$0x3F9C];
	_ =	sdelay $0x3  }
0x33: {  	p0 =	seq.s32 s10, $0x1;
	s10 =	sld [smem:$0x3F9E];
	_ =	sdelay $0x3  }
0x34: {  	[smem:$0x3F9E] =	sst s10  }
0x35: {  	s10 =	sld [smem:$0x3F9D];
	_ =	sdelay $0x3  }
0x36: {  	p1 =	seq.s32 s10, $0x1;
	s10 =	sld [smem:$0x3F9E];
	_ =	sdelay $0x3  }
0x37: {  	[smem:$0x3F9E] =	sst s10  }
0x38: {  	s10 =	sld [smem:$0x3F9F]  }
0x39: {  	_ = 	snop;
	(pc) =	sbr.ind lr, $3  }
0x3a: {  	_ = 	snop  }
0x3b: {  	_ = 	snop  }
0x3c: {  	p2 =	seq.s32 s10, $0x1;
	s10 =	sld [smem:$0x3F9E]  }
0x3d: {  	_ =	shalt  }
0x3e: {  	_ =	shalt  }
0x3f: {  	_ =	shalt  }
0x40: {  	_ =	shalt  }
0x41: {  	_ =	shalt  }
0x42: {  	_ =	shalt  }
0x43: {  	_ =	shalt  }
0x44: {  	_ =	shalt  }
0x45: {  	_ =	shalt  }
0x46: {  	_ =	shalt  }
0x47: {  	_ =	shalt  }
0x48: {  	_ =	shalt  }
0x49: {  	_ =	shalt  }
0x4a: {  	_ =	shalt  }
0x4b: {  	_ =	shalt  }
0x4c: {  	_ =	shalt  }
0x4d: {  	_ =	shalt  }
0x4e: {  	_ =	shalt  }
0x4f: {  	_ =	shalt  }
0x50: {  	_ =	shalt  }
0x51: {  	_ =	shalt  }
0x52: {  	_ =	shalt  }
0x53: {  	_ =	shalt  }
0x54: {  	_ =	shalt  }
0x55: {  	_ =	shalt  }
0x56: {  	_ =	shalt  }
0x57: {  	_ =	shalt  }
0x58: {  	_ =	shalt  }
0x59: {  	_ =	shalt  }
0x5a: {  	_ =	shalt  }
0x5b: {  	_ =	shalt  }
0x5c: {  	_ =	shalt  }
0x5d: {  	_ =	shalt  }
0x5e: {  	_ =	shalt  }
0x5f: {  	_ =	shalt  }
0x60: {  	_ =	shalt  }
0x61: {  	_ =	shalt  }
0x62: {  	_ =	shalt  }
0x63: {  	_ =	shalt  }
0x64: {  	_ =	shalt  }
0x65: {  	_ =	shalt  }
0x66: {  	_ =	shalt  }
0x67: {  	_ =	shalt  }
0x68: {  	_ =	shalt  }
0x69: {  	_ =	shalt  }
0x6a: {  	_ =	shalt  }
0x6b: {  	_ =	shalt  }
0x6c: {  	_ =	shalt  }
0x6d: {  	_ =	shalt  }
0x6e: {  	_ =	shalt  }
0x6f: {  	_ =	shalt  }
0x70: {  	_ =	shalt  }
0x71: {  	_ =	shalt  }
0x72: {  	_ =	shalt  }
0x73: {  	_ =	shalt  }
0x74: {  	_ =	shalt  }
0x75: {  	_ =	shalt  }
0x76: {  	_ =	shalt  }
0x77: {  	_ =	shalt  }
0x78: {  	_ =	shalt  }
0x79: {  	_ =	shalt  }
0x7a: {  	_ =	shalt  }
0x7b: {  	_ =	shalt  }
0x7c: {  	_ =	shalt  }
0x7d: {  	_ =	shalt  }
0x7e: {  	_ =	shalt  }
0x7f: {  	_ =	shalt  }
0x80: {  	_ =	shalt  }
0x81: {  	_ =	shalt  }
0x82: {  	_ =	shalt  }
0x83: {  	_ =	shalt  }
0x84: {  	_ =	shalt  }
0x85: {  	_ =	shalt  }
0x86: {  	_ =	shalt  }
0x87: {  	_ =	shalt  }
.Lfunc_end0:
.L_simem_size_0:
called_computation_lowered:
.L_overlay_start_0:
0x88: {  	s2 =	sld [smem:$0x3FD9]  }
0x89: {  	s3 =	sld [smem:$0x3FFE];
	_ =	sdelay $0x1  }
0x8a: {  	s1 =	srdreg.scid  }
0x8b: {  	s0 =	sand.u32 $0x1, s1  }
0x8c: {  	s16 =	sshll.u32 s0, $0xA;
	s2 =	sadd.s32 s3, s2  }
0x8d: {  	s2 =	sadd.s32 s2, s16  }
0x8e: {  	[smem:$0x3FAA] =	sst s2  }
0x8f: {  	_ = 	snop  }
0x90: {  	(tm) =	ssettm $0x1  }
0x91: {  	s17 =	sld [smem:$0x3FFB];
	_ =	sdelay $0x3  }
0x92: {  	_ =	strace s17  }
0x93: {  	s2 =	sld [smem:$0x3FFC];
	_ =	sdelay $0x3  }
0x94: {  	_ =	strace s2  }
0x95: {  	s2 =	sld [smem:$0x3FFD];
	_ =	sdelay $0x3  }
0x96: {  	_ =	strace s2  }
0x97: {  	_ =	strace $0x8FFFFFFF  }
0x98: {  	s18 =	sld [smem:$0x3FDB];
	_ =	sdelay $0x1  }
0x99: {  	s19 =	simm.s32 $_scs_section_size  }
0x9a: {  	s4 =	simm.s32 $_size__tile_overlayer_lowered;
	s5 =	simm.s32 $_tile_overlayer_lowered  }
0x9b: {  	s22 =	simm.s32 $0x1BFF;
	s21 =	sshll.u32 s5, $0x1;
	s2 =	sadd.s32 s19, s18  }
0x9c: {  	s6 =	simm.s32 $0x0;
	s20 =	sshll.u32 s4, $0x1;
	s4 =	sadd.s32 s21, s2  }
0x9d: {  	[timem:s6], [sflag:s22] =	dma.local [hbm:s4], s20  }
0x9e: {  	_ =	swait.ge [sflag:s22], s20  }
0x9f: {  	s3 =	ssub.s32 $0x0, s20;
	[sflag:s22] =	ssyncset.done $0x0  }
0xa0: {  	[sflag:s22] =	ssyncadd.s32 s3;
	_ =	sdelay $0x1  }
0xa1: {  	s23 =	simm.s32 $0x1B8B  }
0xa2: {  	_ =	swait.ge [sflag:s23], $0x1  }
0xa3: {  	[sflag:s23] =	ssyncset.done $0x0  }
0xa4: {  	s25 =	simm.s32 $0x1B8E;
	s24 =	sld [smem:$0x3FFE];
	[sflag:s23] =	ssyncadd.s32 $0xFFFFFFFF  }
0xa5: {  	s26 =	simm.s32 $execute0_lowered;
	[smem:$0x3FD2] =	sst s25  }
0xa6: {  	s4 =	sshll.u32 s26, $0x1;
	_ =	strace $0x80000046;
	[dreg:$0x1] =	wrdreg $0xFFFFFFFF  }
0xa7: {  	s28 =	simm.s32 $_size_execute0_lowered;
	s2 =	sadd.s32 s2, s4;
	[dreg:$0x0] =	wrdreg $0x0  }
0xa8: {  	s4 =	sshll.u32 s28, $0x1;
	[dreg:$0x2] =	wrdreg s2  }
0xa9: {  	[dreg:$0x3] =	wrdreg s4  }
0xaa: {  	[dreg:$0x4] =	wrdreg $0xC0  }
0xab: {  	_ =	task [dreg:s6], $0x5FFFF  }
0xac: {  	[dreg:$0x1] =	wrdreg $0xFFFFFFFF  }
0xad: {  	[dreg:$0x0] =	wrdreg $0x60  }
0xae: {  	[dreg:$0x2] =	wrdreg s24  }
0xaf: {  	[dreg:$0x3] =	wrdreg $0x9  }
0xb0: {  	_ =	task.clear_ibuf [dreg:s6], $0x4FFFF;
	_ =	strace $0x90000046  }
0xb1: {  	s29 =	simm.s32 $0x9;
	_ =	strace $0x80000048  }
0xb2: {  	_ =	swait.ge [sflag:s29], $0x1  }
0xb3: {  	[sflag:s29] =	ssyncadd.s32 $0xFFFFFFFF  }
0xb4: {  	_ =	strace $0x90000048  }
0xb5: {  	_ =	sfence  }
0xb6: {  	s30 =	sld [smem:$0x0];
	_ =	sdelay $0x2  }
0xb7: {  	s31 =	sshll.u32 s1, $0xD;
	s1 =	sshrl.u32 s1, $0x2  }
0xb8: {  	s3 =	sand.u32 $0x4000, s31;
	s1 =	sadd.s32 s1, s30  }
0xb9: {  	s0 =	sor.u32 s3, s0;
	s1 =	sshll.u32 s1, $0x11  }
0xba: {  	s0 =	sor.u32 s1, s0  }
0xbb: {  	s0 =	sadd.s32 $0x8F2B, s0  }
0xbc: {  	[sflag:s0] =	ssyncadd.remote.s32 $0x1  }
0xbd: {  	_ =	sfence.sel $0xFFFF  }
0xbe: {  	[dreg:$0x0] =	wrdreg $0xFFFFFFFF;
	(pc) =	sbr.abs _section_cstart, $3  }
0xbf: {  	[dreg:$0x1] =	wrdreg $0xFFFFFFFF  }
0xc0: {  	_ =	task.clear_ibuf [dreg:s6], $0x2FFFF;
	_ =	strace $0x9FFFFFFF  }
0xc1: {  	(tm) =	ssettm $0x7FFFFFFF  }
tec
execute0_lowered:
.L_overlay_start_1:
0x0: {  	(tag) =	ssettag $0x1  }
0x1: {  	s6 =	rddreg [dreg:$0x0]  }
0x2: {  	s0 =	rddreg [dreg:$0x1];
	s2 =	simm.s32 $0x0  }
0x3: {  	s1 =	stileid.u32;
	s3 =	srdreg.scid;
	s14 =	simm.s32 $0x80  }
0x4: {  	s15 =	simm.s32 $0x200;
	s16 =	simm.s32 $0x8200;
	s17 =	simm.s32 $0x180  }
0x5: {  	s18 =	simm.s32 $0x4200;
	s19 =	simm.s32 $0xC200;
	s20 =	simm.s32 $0x1  }
0x6: {  	s21 =	simm.s32 $0x2;
	s22 =	simm.s32 $0x0;
	[smem:$0x7FF] =	sst s2  }
0x7: {  	s7 =	smul.u32 $0xC4000, s1;
	s8 =	sand.u32 $0x1, s3;
	s3 =	sadd.s32 $0xE27200, s6  }
0x8: {  	s4 =	sadd.s32 $0x3A600, s6;
	s5 =	sadd.s32 $0xE3FA00, s6;
	s11 =	smul.u32 $0xC400, s1  }
0x9: {  	_ =	strace $0x80000047;
	s9 =	smul.u32 $0x62000, s8;
	s10 =	ssub.s32 $0x2, s8  }
0xa: {  	s13 =	smul.u32 $0x6200, s8;
	s7 =	sadd.s32 s7, s6;
	s12 =	sshrl.u32 s10, $0x1  }
0xb: {  	s6 =	sadd.s32 $0xF03000, s6;
	s31 =	ssub.s32 s10, s12;
	s9 =	sadd.s32 s9, s7  }
0xc: {  	s11 =	sadd.s32 s13, s11;
	s12 =	simm.s32 $0x3;
	s13 =	simm.s32 $0x100  }
0xd: {  	s7 =	smax.u32 s31, $0x1;
	s10 =	sshrl.u32 s11, $0x3;
	s11 =	sor.u32 $0x80, s11  }
0xe: {  	s8 =	sadd.s32 $0xFC6600, s9;
	s9 =	sadd.s32 $0x1C06600, s9;
	s11 =	sshrl.u32 s11, $0x3  }
.LBB2_1:
0xf: {  	s23 =	sadd.s32 s3, s10  }
0x10: {  	[tilespmem:s2], [sflag:$0x3] =	stream.linear.gather [hbm4b:s23+s2], $0x80, $0x38;
	[tilespmem:$0x10200] =	vst v63  }
0x11: {  	_ =	swait.ge [sflag:s12], $0x80  }
0x12: {  	[sflag:s12] =	ssyncset.done $0x0  }
0x13: {  	s26 =	sadd.s32 s4, s10;
	[sflag:s12] =	ssyncadd.s32 $0xFFFFFF80  }
0x14: {  	[tilespmem:s13], [sflag:$0x3] =	stream.linear.gather [hbm4b:s26+s2], $0x80, $0x38;
	[tilespmem:$0x10200] =	vst v63  }
0x15: {  	_ =	swait.ge [sflag:s12], $0x80  }
0x16: {  	[sflag:s12] =	ssyncset.done $0x0  }
0x17: {  	[sflag:s12] =	ssyncadd.s32 $0xFFFFFF80  }
0x18: {  	[tilespmem:s15], [sflag:$0x1] =	stream.indirect.gather [hbm4b:s5+s14], $0x80, s2, s14, $0xb8;
	[tilespmem:$0x10200] =	vst v63  }
0x19: {  	_ = 	snop  }
0x1a: {  	[tilespmem:s16], [sflag:$0x2] =	stream.indirect.gather [hbm4b:s6+s14], $0x80, s13, s14, $0xb8;
	[tilespmem:$0x10200] =	vst v63  }
0x1b: {  	s28 =	sadd.s32 s3, s11  }
0x1c: {  	[tilespmem:s14], [sflag:$0x3] =	stream.linear.gather [hbm4b:s28+s2], $0x80, $0x38;
	[tilespmem:$0x10200] =	vst v63  }
0x1d: {  	_ =	swait.ge [sflag:s12], $0x80  }
0x1e: {  	[sflag:s12] =	ssyncset.done $0x0  }
0x1f: {  	s29 =	sadd.s32 s4, s11;
	[sflag:s12] =	ssyncadd.s32 $0xFFFFFF80  }
0x20: {  	[tilespmem:s17], [sflag:$0x3] =	stream.linear.gather [hbm4b:s29+s2], $0x80, $0x38;
	[tilespmem:$0x10200] =	vst v63  }
0x21: {  	_ =	swait.ge [sflag:s12], $0x80  }
0x22: {  	[sflag:s12] =	ssyncset.done $0x0  }
0x23: {  	[sflag:s12] =	ssyncadd.s32 $0xFFFFFF80  }
0x24: {  	[tilespmem:s18], [sflag:$0x1] =	stream.indirect.gather [hbm4b:s5+s14], $0x80, s14, s14, $0xb8;
	[tilespmem:$0x10200] =	vst v63  }
0x25: {  	_ = 	snop  }
0x26: {  	[tilespmem:s19], [sflag:$0x2] =	stream.indirect.gather [hbm4b:s6+s14], $0x80, s17, s14, $0xb8;
	[tilespmem:$0x10200] =	vst v63  }
0x27: {  	_ =	swait.ge [sflag:s20], $0x4000  }
0x28: {  	[sflag:s20] =	ssyncset.done $0x0  }
0x29: {  	[sflag:s20] =	ssyncadd.s32 $0xFFFFC000  }
0x2a: {  	_ =	swait.ge [sflag:s21], $0x4000  }
0x2b: {  	[sflag:s21] =	ssyncset.done $0x0  }
0x2c: {  	s30 =	sadd.s32 $0x0, s8;
	[sflag:s21] =	ssyncadd.s32 $0xFFFFC000  }
0x2d: {  	[hbm4b:s30+s2] =	stream.linear.scatter [tilespmem:s15], [sflag:$0x3], $0x4000, $0x38;
	[tilespmem:$0x10200] =	vst v63  }
0x2e: {  	_ =	swait.ge [sflag:s12], $0x4000  }
0x2f: {  	[sflag:s12] =	ssyncset.done $0x0  }
0x30: {  	s24 =	sadd.s32 $0x0, s9;
	[sflag:s12] =	ssyncadd.s32 $0xFFFFC000  }
0x31: {  	[hbm4b:s24+s2] =	stream.linear.scatter [tilespmem:s16], [sflag:$0x3], $0x4000, $0x38;
	[tilespmem:$0x10200] =	vst v63  }
0x32: {  	_ =	swait.ge [sflag:s12], $0x4000  }
0x33: {  	[sflag:s12] =	ssyncset.done $0x0  }
0x34: {  	[sflag:s12] =	ssyncadd.s32 $0xFFFFC000  }
0x35: {  	_ =	swait.ge [sflag:s20], $0x4000  }
0x36: {  	[sflag:s20] =	ssyncset.done $0x0  }
0x37: {  	[sflag:s20] =	ssyncadd.s32 $0xFFFFC000  }
0x38: {  	_ =	swait.ge [sflag:s21], $0x4000  }
0x39: {  	[sflag:s21] =	ssyncset.done $0x0  }
0x3a: {  	s23 =	sadd.s32 $0x800, s30;
	[sflag:s21] =	ssyncadd.s32 $0xFFFFC000  }
0x3b: {  	[hbm4b:s23+s2] =	stream.linear.scatter [tilespmem:s18], [sflag:$0x3], $0x4000, $0x38;
	[tilespmem:$0x10200] =	vst v63  }
0x3c: {  	_ =	swait.ge [sflag:s12], $0x4000  }
0x3d: {  	[sflag:s12] =	ssyncset.done $0x0  }
0x3e: {  	s31 =	sadd.s32 $0x800, s24;
	[sflag:s12] =	ssyncadd.s32 $0xFFFFC000  }
0x3f: {  	[hbm4b:s31+s2] =	stream.linear.scatter [tilespmem:s19], [sflag:$0x3], $0x4000, $0x38;
	[tilespmem:$0x10200] =	vst v63  }
0x40: {  	s25 =	smov.u32 s4;
	s26 =	simm.s32 $0x2000;
	_ =	swait.ge [sflag:s12], $0x4000  }
0x41: {  	s24 =	sadd.s32 $0x20, s3;
	s23 =	simm.s32 $0x1000;
	[sflag:s12] =	ssyncset.done $0x0  }
.LBB2_2:
0x42: {  	s29 =	sadd.s32 s24, s10  }
0x43: {  	[sflag:s12] =	ssyncadd.s32 $0xFFFFC000;
	s25 =	sadd.s32 $0x20, s25;
	s28 =	smov.u32 s26  }
0x44: {  	[tilespmem:s2], [sflag:$0x3] =	stream.linear.gather [hbm4b:s29+s2], $0x80, $0x38;
	[tilespmem:$0x10200] =	vst v63  }
0x45: {  	p0 =	sne.s32 s26, $0x61000;
	s26 =	sadd.s32 $0x1000, s26;
	_ =	swait.ge [sflag:s12], $0x80  }
0x46: {  	[sflag:s12] =	ssyncset.done $0x0  }
0x47: {  	s29 =	sadd.s32 s25, s10;
	[sflag:s12] =	ssyncadd.s32 $0xFFFFFF80  }
0x48: {  	[tilespmem:s13], [sflag:$0x3] =	stream.linear.gather [hbm4b:s29+s2], $0x80, $0x38;
	[tilespmem:$0x10200] =	vst v63  }
0x49: {  	_ =	swait.ge [sflag:s12], $0x80  }
0x4a: {  	[sflag:s12] =	ssyncset.done $0x0  }
0x4b: {  	[sflag:s12] =	ssyncadd.s32 $0xFFFFFF80  }
0x4c: {  	[tilespmem:s15], [sflag:$0x1] =	stream.indirect.gather [hbm4b:s5+s14], $0x80, s2, s14, $0xb8;
	[tilespmem:$0x10200] =	vst v63  }
0x4d: {  	_ = 	snop  }
0x4e: {  	[tilespmem:s16], [sflag:$0x2] =	stream.indirect.gather [hbm4b:s6+s14], $0x80, s13, s14, $0xb8;
	[tilespmem:$0x10200] =	vst v63  }
0x4f: {  	s29 =	sadd.s32 s24, s11  }
0x50: {  	[tilespmem:s14], [sflag:$0x3] =	stream.linear.gather [hbm4b:s29+s2], $0x80, $0x38;
	[tilespmem:$0x10200] =	vst v63  }
0x51: {  	_ =	swait.ge [sflag:s12], $0x80  }
0x52: {  	[sflag:s12] =	ssyncset.done $0x0  }
0x53: {  	s29 =	sadd.s32 s25, s11;
	[sflag:s12] =	ssyncadd.s32 $0xFFFFFF80  }
0x54: {  	[tilespmem:s17], [sflag:$0x3] =	stream.linear.gather [hbm4b:s29+s2], $0x80, $0x38;
	[tilespmem:$0x10200] =	vst v63  }
0x55: {  	_ =	swait.ge [sflag:s12], $0x80  }
0x56: {  	[sflag:s12] =	ssyncset.done $0x0  }
0x57: {  	[sflag:s12] =	ssyncadd.s32 $0xFFFFFF80  }
0x58: {  	[tilespmem:s18], [sflag:$0x1] =	stream.indirect.gather [hbm4b:s5+s14], $0x80, s14, s14, $0xb8;
	[tilespmem:$0x10200] =	vst v63  }
0x59: {  	_ = 	snop  }
0x5a: {  	[tilespmem:s19], [sflag:$0x2] =	stream.indirect.gather [hbm4b:s6+s14], $0x80, s17, s14, $0xb8;
	[tilespmem:$0x10200] =	vst v63  }
0x5b: {  	_ =	swait.ge [sflag:s20], $0x4000  }
0x5c: {  	[sflag:s20] =	ssyncset.done $0x0  }
0x5d: {  	[sflag:s20] =	ssyncadd.s32 $0xFFFFC000  }
0x5e: {  	_ =	swait.ge [sflag:s21], $0x4000  }
0x5f: {  	[sflag:s21] =	ssyncset.done $0x0  }
0x60: {  	s29 =	sadd.s32 s23, s8;
	[sflag:s21] =	ssyncadd.s32 $0xFFFFC000  }
0x61: {  	[hbm4b:s29+s2] =	stream.linear.scatter [tilespmem:s15], [sflag:$0x3], $0x4000, $0x38;
	[tilespmem:$0x10200] =	vst v63  }
0x62: {  	_ =	swait.ge [sflag:s12], $0x4000  }
0x63: {  	[sflag:s12] =	ssyncset.done $0x0  }
0x64: {  	s30 =	sadd.s32 s23, s9;
	s23 =	smov.u32 s28;
	[sflag:s12] =	ssyncadd.s32 $0xFFFFC000  }
0x65: {  	[hbm4b:s30+s2] =	stream.linear.scatter [tilespmem:s16], [sflag:$0x3], $0x4000, $0x38;
	[tilespmem:$0x10200] =	vst v63  }
0x66: {  	_ =	swait.ge [sflag:s12], $0x4000  }
0x67: {  	[sflag:s12] =	ssyncset.done $0x0  }
0x68: {  	[sflag:s12] =	ssyncadd.s32 $0xFFFFC000  }
0x69: {  	_ =	swait.ge [sflag:s20], $0x4000  }
0x6a: {  	[sflag:s20] =	ssyncset.done $0x0  }
0x6b: {  	[sflag:s20] =	ssyncadd.s32 $0xFFFFC000  }
0x6c: {  	_ =	swait.ge [sflag:s21], $0x4000  }
0x6d: {  	[sflag:s21] =	ssyncset.done $0x0  }
0x6e: {  	s28 =	sadd.s32 $0x800, s29;
	[sflag:s21] =	ssyncadd.s32 $0xFFFFC000  }
0x6f: {  	[hbm4b:s28+s2] =	stream.linear.scatter [tilespmem:s18], [sflag:$0x3], $0x4000, $0x38;
	[tilespmem:$0x10200] =	vst v63  }
0x70: {  	_ =	swait.ge [sflag:s12], $0x4000  }
.Ltmp0:
0x71: {  	[sflag:s12] =	ssyncset.done $0x0;
	(pc) =	sbr.rel @p0 .LBB2_2-.Ltmp0, $4  }
0x72: {  	s28 =	sadd.s32 $0x800, s30;
	[sflag:s12] =	ssyncadd.s32 $0xFFFFC000  }
0x73: {  	[hbm4b:s28+s2] =	stream.linear.scatter [tilespmem:s19], [sflag:$0x3], $0x4000, $0x38;
	[tilespmem:$0x10200] =	vst v63  }
0x74: {  	_ =	swait.ge [sflag:s12], $0x4000  }
0x75: {  	s24 =	sadd.s32 $0x20, s24;
	[sflag:s12] =	ssyncset.done $0x0  }
0x76: {  	s26 =	sadd.s32 s24, s10;
	[sflag:s12] =	ssyncadd.s32 $0xFFFFC000  }
0x77: {  	[tilespmem:s2], [sflag:$0x3] =	stream.linear.gather [hbm4b:s26+s2], $0x80, $0x38;
	[tilespmem:$0x10200] =	vst v63  }
0x78: {  	_ =	swait.ge [sflag:s12], $0x80  }
0x79: {  	s25 =	sadd.s32 $0x20, s25;
	[sflag:s12] =	ssyncset.done $0x0  }
0x7a: {  	s31 =	sadd.s32 s25, s10;
	[sflag:s12] =	ssyncadd.s32 $0xFFFFFF80  }
0x7b: {  	[tilespmem:s13], [sflag:$0x3] =	stream.linear.gather [hbm4b:s31+s2], $0x80, $0x38;
	[tilespmem:$0x10200] =	vst v63  }
0x7c: {  	_ =	swait.ge [sflag:s12], $0x80  }
0x7d: {  	[sflag:s12] =	ssyncset.done $0x0  }
0x7e: {  	[sflag:s12] =	ssyncadd.s32 $0xFFFFFF80  }
0x7f: {  	[tilespmem:s15], [sflag:$0x1] =	stream.indirect.gather [hbm4b:s5+s14], $0x80, s2, s14, $0xb8;
	[tilespmem:$0x10200] =	vst v63  }
0x80: {  	_ = 	snop  }
0x81: {  	[tilespmem:s16], [sflag:$0x2] =	stream.indirect.gather [hbm4b:s6+s14], $0x80, s13, s14, $0xb8;
	[tilespmem:$0x10200] =	vst v63  }
0x82: {  	s28 =	sadd.s32 s24, s11  }
0x83: {  	[tilespmem:s14], [sflag:$0x3] =	stream.linear.gather [hbm4b:s28+s2], $0x80, $0x38;
	[tilespmem:$0x10200] =	vst v63  }
0x84: {  	_ =	swait.ge [sflag:s12], $0x80  }
0x85: {  	[sflag:s12] =	ssyncset.done $0x0  }
0x86: {  	s29 =	sadd.s32 s25, s11;
	[sflag:s12] =	ssyncadd.s32 $0xFFFFFF80  }
0x87: {  	[tilespmem:s17], [sflag:$0x3] =	stream.linear.gather [hbm4b:s29+s2], $0x80, $0x38;
	[tilespmem:$0x10200] =	vst v63  }
0x88: {  	_ =	swait.ge [sflag:s12], $0x80  }
0x89: {  	[sflag:s12] =	ssyncset.done $0x0  }
0x8a: {  	[sflag:s12] =	ssyncadd.s32 $0xFFFFFF80  }
0x8b: {  	[tilespmem:s18], [sflag:$0x1] =	stream.indirect.gather [hbm4b:s5+s14], $0x80, s14, s14, $0xb8;
	[tilespmem:$0x10200] =	vst v63  }
0x8c: {  	_ = 	snop  }
0x8d: {  	[tilespmem:s19], [sflag:$0x2] =	stream.indirect.gather [hbm4b:s6+s14], $0x80, s17, s14, $0xb8;
	[tilespmem:$0x10200] =	vst v63  }
0x8e: {  	_ =	swait.ge [sflag:s20], $0x4000  }
0x8f: {  	[sflag:s20] =	ssyncset.done $0x0  }
0x90: {  	[sflag:s20] =	ssyncadd.s32 $0xFFFFC000  }
0x91: {  	_ =	swait.ge [sflag:s21], $0x4000  }
0x92: {  	[sflag:s21] =	ssyncset.done $0x0  }
0x93: {  	s30 =	sadd.s32 s23, s8;
	[sflag:s21] =	ssyncadd.s32 $0xFFFFC000  }
0x94: {  	[hbm4b:s30+s2] =	stream.linear.scatter [tilespmem:s15], [sflag:$0x3], $0x4000, $0x38;
	[tilespmem:$0x10200] =	vst v63  }
0x95: {  	_ =	swait.ge [sflag:s12], $0x4000  }
0x96: {  	[sflag:s12] =	ssyncset.done $0x0  }
0x97: {  	s31 =	sadd.s32 s23, s9;
	[sflag:s12] =	ssyncadd.s32 $0xFFFFC000  }
0x98: {  	[hbm4b:s31+s2] =	stream.linear.scatter [tilespmem:s16], [sflag:$0x3], $0x4000, $0x38;
	[tilespmem:$0x10200] =	vst v63  }
0x99: {  	_ =	swait.ge [sflag:s12], $0x4000  }
0x9a: {  	[sflag:s12] =	ssyncset.done $0x0  }
0x9b: {  	[sflag:s12] =	ssyncadd.s32 $0xFFFFC000  }
0x9c: {  	_ =	swait.ge [sflag:s20], $0x4000  }
0x9d: {  	[sflag:s20] =	ssyncset.done $0x0  }
0x9e: {  	[sflag:s20] =	ssyncadd.s32 $0xFFFFC000  }
0x9f: {  	_ =	swait.ge [sflag:s21], $0x4000  }
0xa0: {  	[sflag:s21] =	ssyncset.done $0x0  }
0xa1: {  	s24 =	sadd.s32 $0x800, s30;
	[sflag:s21] =	ssyncadd.s32 $0xFFFFC000  }
0xa2: {  	[hbm4b:s24+s2] =	stream.linear.scatter [tilespmem:s18], [sflag:$0x3], $0x4000, $0x38;
	[tilespmem:$0x10200] =	vst v63  }
0xa3: {  	s22 =	sadd.s32 $0x1, s22;
	_ =	swait.ge [sflag:s12], $0x4000  }
0xa4: {  	p0 =	sne.s32 s22, s7;
	[sflag:s12] =	ssyncset.done $0x0  }
.Ltmp1:
0xa5: {  	s23 =	sadd.s32 $0x800, s31;
	[sflag:s12] =	ssyncadd.s32 $0xFFFFC000;
	(pc) =	sbr.rel @p0 .LBB2_1-.Ltmp1, $4  }
0xa6: {  	[hbm4b:s23+s2] =	stream.linear.scatter [tilespmem:s19], [sflag:$0x3], $0x4000, $0x38;
	[tilespmem:$0x10200] =	vst v63  }
0xa7: {  	_ =	swait.ge [sflag:s12], $0x4000  }
0xa8: {  	[sflag:s12] =	ssyncset.done $0x0  }
0xa9: {  	[sflag:s12] =	ssyncadd.s32 $0xFFFFC000  }
0xaa: {  	_ =	sfence.sel $0x180000  }
0xab: {  	[bflag:$0x0] =	sbarrier.arrive $0xFFFF  }
0xac: {  	p0 =	sne.s32 s1, $0x0;
	_ =	strace $0x90000047  }
0xad: {  	s0 =	sadd.s32 @!p0 $0x100000, s0;
	[bflag:$0x2] =	sbarrier.arrive $0xFFFF  }
0xae: {  	[sflag:s0] =	ssyncadd.tile.s32 @!p0 $0x1;
	_ =	shalt  }
.Lfunc_end2:
_tile_overlayer_lowered:
.L_overlay_start_2:
0xaf: {  	(tag) =	ssettag $0x2  }
0xb0: {  	s0 =	rddreg [dreg:$0x0];
	s2 =	stileid.u32  }
0xb1: {  	s1 =	rddreg [dreg:$0x1];
	p0 =	sne.s32 s2, $0x0  }
0xb2: {  	s3 =	rddreg [dreg:$0x2];
	[bflag:$0x3] =	sbarrier.arrive $0xFFFF;
	s2 =	simm.s32 @!p0 $0x1C03  }
0xb3: {  	[timem:s3], [sflag:s2] =	dma.local @!p0 [hbm:s0], s1  }
0xb4: {  	s0 =	simm.s32 @!p0 $0x3  }
0xb5: {  	_ =	swait.ge @!p0 [sflag:s0], s1  }
0xb6: {  	s1 =	ssub.s32 @!p0 $0x0, s1;
	[sflag:s0] =	ssyncset.done @!p0 $0x0  }
0xb7: {  	[sflag:s0] =	ssyncadd.s32 @!p0 s1  }
0xb8: {  	[bflag:$0x3] =	sbarrier.arrive $0xFFFF  }
0xb9: {  	_ =	shalt  }

// kernel: kernel.17.cloned.1.call-start
scs
__scs_entry_jumppad:
0x0: {  	(pc) =	sbr.rel $0x88, $3  }
0x1: {  	(tag) =	ssettag $0x0;
	lr =	simm.s32 $0x1  }
0x2: {  	[smem:$0x3F83] =	sst lr;
	_ =	strace $0xD0000000  }
0x3: {  	_ = 	snop  }
0x4: {  	_ = 	snop  }
0x5: {  	_ = 	snop  }
0x6: {  	_ = 	snop  }
0x7: {  	_ = 	snop  }
__scs_overlays_trampoline_lowered:
0x8: {  	[smem:$0x3F92] =	sst s0  }
0x9: {  	[smem:$0x3F93] =	sst s1  }
0xa: {  	[smem:$0x3F94] =	sst s2  }
0xb: {  	[smem:$0x3F95] =	sst s3  }
0xc: {  	[smem:$0x3F96] =	sst s4  }
0xd: {  	[smem:$0x3F97] =	sst s5  }
0xe: {  	[smem:$0x3F98] =	sst s6  }
0xf: {  	[smem:$0x3F99] =	sst s7  }
0x10: {  	[smem:$0x3F9A] =	sst s8  }
0x11: {  	[smem:$0x3F9B] =	sst s9;
	s0 =	simm.s32 @!p0 $0x0  }
0x12: {  	s1 =	sld [smem:$0x3F81];
	s0 =	simm.s32 @p0 $0x1  }
0x13: {  	[smem:$0x3F9C] =	sst s0;
	s0 =	simm.s32 @!p1 $0x0  }
0x14: {  	s2 =	sld [smem:$0x3F80];
	s0 =	simm.s32 @p1 $0x1  }
0x15: {  	[smem:$0x3F9D] =	sst s0;
	s0 =	simm.s32 @!p2 $0x0  }
0x16: {  	s3 =	sld [smem:$0x3FDB];
	s0 =	simm.s32 @p2 $0x1  }
0x17: {  	s4 =	simm.s32 $0x1BF5;
	[smem:$0x3F9F] =	sst s0  }
0x18: {  	s0 =	sld [smem:$0x3F82];
	_ =	swait.ge [sflag:s4], $0x0  }
0x19: {  	s7 =	sld [smem:$0x3F83]  }
0x1a: {  	s8 =	sadd.s32 $0xFFFFE003, lr  }
0x1b: {  	s9 =	sadd.s32 $0xFFFFFEF7, lr;
	s5 =	simm.s32 $0xFFFFFFFF;
	p2 =	slt.u32 s8, $0xFFFFF086  }
0x1c: {  	p1 =	slt.u32 s9, $0xF7A;
	s5 =	simm.s32 @!p2 $0x0  }
0x1d: {  	s5 =	simm.s32 @p1 $0x1;
	p0 =	seq.s32 s7, s2  }
0x1e: {  	s7 =	smul.u32 @!p0 $0xF7A, s2;
	p2 =	seq.s32 @!p0 s5, $0x0  }
0x1f: {  	s9 =	smul.u32 $0xF7A, s1;
	s8 =	simm.s32 @!p0 $0x1BF5;
	p2 =	por !p2, p0  }
0x20: {  	[sflag:s8] =	ssyncset.s32 @!p0 $0xFFFFF086;
	s6 =	sadd.s32 @!p0 s3, s7;
	s7 =	simm.s32 @!p0 $0x108  }
0x21: {  	s3 =	sadd.s32 s3, s9;
	s6 =	sadd.s32 @!p0 $0x88, s6;
	s7 =	simm.s32 @p2 $0x1082  }
0x22: {  	[simem:s7], [sflag:s8] =	dma.local @!p0 [hbm:s6], $0xF7A  }
0x23: {  	s9 =	sor.u32 $0xD0000000, s2;
	s6 =	simm.s32 $0x108;
	_ =	swait.ge @!p0 [sflag:s8], $0x0  }
0x24: {  	s3 =	sadd.s32 $0x88, s3;
	s6 =	simm.s32 @!p1 $0x1082;
	[sflag:s4] =	ssyncset.s32 $0xFFFFF086  }
0x25: {  	[simem:s6], [sflag:s4] =	dma.local [hbm:s3], $0xF7A  }
0x26: {  	[smem:$0x3F83] =	sst s1;
	(tag) =	ssettag s2;
	_ =	strace s9  }
0x27: {  	s1 =	sld [smem:$0x3F93]  }
0x28: {  	s2 =	sld [smem:$0x3F94]  }
0x29: {  	s4 =	sld [smem:$0x3F96]  }
0x2a: {  	p0 =	seq.s32 s5, $0x0;
	s5 =	sld [smem:$0x3F97]  }
0x2b: {  	s6 =	sld [smem:$0x3F98]  }
0x2c: {  	s7 =	sld [smem:$0x3F99]  }
0x2d: {  	s3 =	simm.s32 $0x108;
	s8 =	sld [smem:$0x3F9A]  }
0x2e: {  	s3 =	simm.s32 @!p0 $0x1082;
	s9 =	sld [smem:$0x3F9B]  }
0x2f: {  	lr =	sadd.s32 s0, s3;
	s0 =	sld [smem:$0x3F92]  }
0x30: {  	s3 =	sld [smem:$0x3F95]  }
0x31: {  	[smem:$0x3F9E] =	sst s10  }
0x32: {  	s10 =	sld [smem:$0x3F9C];
	_ =	sdelay $0x3  }
0x33: {  	p0 =	seq.s32 s10, $0x1;
	s10 =	sld [smem:$0x3F9E];
	_ =	sdelay $0x3  }
0x34: {  	[smem:$0x3F9E] =	sst s10  }
0x35: {  	s10 =	sld [smem:$0x3F9D];
	_ =	sdelay $0x3  }
0x36: {  	p1 =	seq.s32 s10, $0x1;
	s10 =	sld [smem:$0x3F9E];
	_ =	sdelay $0x3  }
0x37: {  	[smem:$0x3F9E] =	sst s10  }
0x38: {  	s10 =	sld [smem:$0x3F9F]  }
0x39: {  	_ = 	snop;
	(pc) =	sbr.ind lr, $3  }
0x3a: {  	_ = 	snop  }
0x3b: {  	_ = 	snop  }
0x3c: {  	p2 =	seq.s32 s10, $0x1;
	s10 =	sld [smem:$0x3F9E]  }
0x3d: {  	_ =	shalt  }
0x3e: {  	_ =	shalt  }
0x3f: {  	_ =	shalt  }
0x40: {  	_ =	shalt  }
0x41: {  	_ =	shalt  }
0x42: {  	_ =	shalt  }
0x43: {  	_ =	shalt  }
0x44: {  	_ =	shalt  }
0x45: {  	_ =	shalt  }
0x46: {  	_ =	shalt  }
0x47: {  	_ =	shalt  }
0x48: {  	_ =	shalt  }
0x49: {  	_ =	shalt  }
0x4a: {  	_ =	shalt  }
0x4b: {  	_ =	shalt  }
0x4c: {  	_ =	shalt  }
0x4d: {  	_ =	shalt  }
0x4e: {  	_ =	shalt  }
0x4f: {  	_ =	shalt  }
0x50: {  	_ =	shalt  }
0x51: {  	_ =	shalt  }
0x52: {  	_ =	shalt  }
0x53: {  	_ =	shalt  }
0x54: {  	_ =	shalt  }
0x55: {  	_ =	shalt  }
0x56: {  	_ =	shalt  }
0x57: {  	_ =	shalt  }
0x58: {  	_ =	shalt  }
0x59: {  	_ =	shalt  }
0x5a: {  	_ =	shalt  }
0x5b: {  	_ =	shalt  }
0x5c: {  	_ =	shalt  }
0x5d: {  	_ =	shalt  }
0x5e: {  	_ =	shalt  }
0x5f: {  	_ =	shalt  }
0x60: {  	_ =	shalt  }
0x61: {  	_ =	shalt  }
0x62: {  	_ =	shalt  }
0x63: {  	_ =	shalt  }
0x64: {  	_ =	shalt  }
0x65: {  	_ =	shalt  }
0x66: {  	_ =	shalt  }
0x67: {  	_ =	shalt  }
0x68: {  	_ =	shalt  }
0x69: {  	_ =	shalt  }
0x6a: {  	_ =	shalt  }
0x6b: {  	_ =	shalt  }
0x6c: {  	_ =	shalt  }
0x6d: {  	_ =	shalt  }
0x6e: {  	_ =	shalt  }
0x6f: {  	_ =	shalt  }
0x70: {  	_ =	shalt  }
0x71: {  	_ =	shalt  }
0x72: {  	_ =	shalt  }
0x73: {  	_ =	shalt  }
0x74: {  	_ =	shalt  }
0x75: {  	_ =	shalt  }
0x76: {  	_ =	shalt  }
0x77: {  	_ =	shalt  }
0x78: {  	_ =	shalt  }
0x79: {  	_ =	shalt  }
0x7a: {  	_ =	shalt  }
0x7b: {  	_ =	shalt  }
0x7c: {  	_ =	shalt  }
0x7d: {  	_ =	shalt  }
0x7e: {  	_ =	shalt  }
0x7f: {  	_ =	shalt  }
0x80: {  	_ =	shalt  }
0x81: {  	_ =	shalt  }
0x82: {  	_ =	shalt  }
0x83: {  	_ =	shalt  }
0x84: {  	_ =	shalt  }
0x85: {  	_ =	shalt  }
0x86: {  	_ =	shalt  }
0x87: {  	_ =	shalt  }
.Lfunc_end0:
.L_simem_size_0:
called_computation.1_lowered:
.L_overlay_start_0:
0x88: {  	s2 =	sld [smem:$0x3FD9]  }
0x89: {  	s3 =	sld [smem:$0x3FFE];
	_ =	sdelay $0x1  }
0x8a: {  	s1 =	srdreg.scid  }
0x8b: {  	s0 =	sand.u32 $0x1, s1  }
0x8c: {  	s16 =	sshll.u32 s0, $0xA;
	s2 =	sadd.s32 s3, s2  }
0x8d: {  	s2 =	sadd.s32 s2, s16  }
0x8e: {  	[smem:$0x3FAA] =	sst s2  }
0x8f: {  	_ = 	snop  }
0x90: {  	(tm) =	ssettm $0x1  }
0x91: {  	s17 =	sld [smem:$0x3FFB];
	_ =	sdelay $0x3  }
0x92: {  	_ =	strace s17  }
0x93: {  	s2 =	sld [smem:$0x3FFC];
	_ =	sdelay $0x3  }
0x94: {  	_ =	strace s2  }
0x95: {  	s2 =	sld [smem:$0x3FFD];
	_ =	sdelay $0x3  }
0x96: {  	_ =	strace s2  }
0x97: {  	_ =	strace $0x8FFFFFFF  }
0x98: {  	s18 =	sld [smem:$0x3FDB];
	_ =	sdelay $0x1  }
0x99: {  	s19 =	simm.s32 $_scs_section_size  }
0x9a: {  	s4 =	simm.s32 $_size__tile_overlayer_lowered;
	s5 =	simm.s32 $_tile_overlayer_lowered  }
0x9b: {  	s22 =	simm.s32 $0x1BFF;
	s21 =	sshll.u32 s5, $0x1;
	s2 =	sadd.s32 s19, s18  }
0x9c: {  	s6 =	simm.s32 $0x0;
	s20 =	sshll.u32 s4, $0x1;
	s4 =	sadd.s32 s21, s2  }
0x9d: {  	[timem:s6], [sflag:s22] =	dma.local [hbm:s4], s20  }
0x9e: {  	_ =	swait.ge [sflag:s22], s20  }
0x9f: {  	s3 =	ssub.s32 $0x0, s20;
	[sflag:s22] =	ssyncset.done $0x0  }
0xa0: {  	[sflag:s22] =	ssyncadd.s32 s3;
	_ =	sdelay $0x1  }
0xa1: {  	s23 =	simm.s32 $0x1B8B  }
0xa2: {  	_ =	swait.ge [sflag:s23], $0x1  }
0xa3: {  	[sflag:s23] =	ssyncset.done $0x0  }
0xa4: {  	s25 =	simm.s32 $0x1B8E;
	s24 =	sld [smem:$0x3FFE];
	[sflag:s23] =	ssyncadd.s32 $0xFFFFFFFF  }
0xa5: {  	s26 =	simm.s32 $execute0_lowered;
	[smem:$0x3FD2] =	sst s25  }
0xa6: {  	s4 =	sshll.u32 s26, $0x1;
	_ =	strace $0x80000049;
	[dreg:$0x1] =	wrdreg $0xFFFFFFFF  }
0xa7: {  	s28 =	simm.s32 $_size_execute0_lowered;
	s2 =	sadd.s32 s2, s4;
	[dreg:$0x0] =	wrdreg $0x0  }
0xa8: {  	s4 =	sshll.u32 s28, $0x1;
	[dreg:$0x2] =	wrdreg s2  }
0xa9: {  	[dreg:$0x3] =	wrdreg s4  }
0xaa: {  	[dreg:$0x4] =	wrdreg $0xC0  }
0xab: {  	_ =	task [dreg:s6], $0x5FFFF  }
0xac: {  	[dreg:$0x1] =	wrdreg $0xFFFFFFFF  }
0xad: {  	[dreg:$0x0] =	wrdreg $0x60  }
0xae: {  	[dreg:$0x2] =	wrdreg s24  }
0xaf: {  	[dreg:$0x3] =	wrdreg $0x42000  }
0xb0: {  	[dreg:$0x4] =	wrdreg $0x9  }
0xb1: {  	_ =	task.clear_ibuf [dreg:s6], $0x5FFFF;
	_ =	strace $0x90000049  }
0xb2: {  	s29 =	simm.s32 $0x9;
	_ =	strace $0x8000004B  }
0xb3: {  	_ =	swait.ge [sflag:s29], $0x1  }
0xb4: {  	[sflag:s29] =	ssyncadd.s32 $0xFFFFFFFF  }
0xb5: {  	_ =	strace $0x9000004B  }
0xb6: {  	_ =	sfence  }
0xb7: {  	s30 =	sld [smem:$0x0];
	_ =	sdelay $0x2  }
0xb8: {  	s31 =	sshll.u32 s1, $0xD;
	s1 =	sshrl.u32 s1, $0x2  }
0xb9: {  	s3 =	sand.u32 $0x4000, s31;
	s1 =	sadd.s32 s1, s30  }
0xba: {  	s0 =	sor.u32 s3, s0;
	s1 =	sshll.u32 s1, $0x11  }
0xbb: {  	s0 =	sor.u32 s1, s0  }
0xbc: {  	s0 =	sadd.s32 $0x8F2B, s0  }
0xbd: {  	[sflag:s0] =	ssyncadd.remote.s32 $0x1  }
0xbe: {  	_ =	sfence.sel $0xFFFF  }
0xbf: {  	[dreg:$0x0] =	wrdreg $0xFFFFFFFF;
	(pc) =	sbr.abs _section_cstart, $3  }
0xc0: {  	[dreg:$0x1] =	wrdreg $0xFFFFFFFF  }
0xc1: {  	_ =	task.clear_ibuf [dreg:s6], $0x2FFFF;
	_ =	strace $0x9FFFFFFF  }
0xc2: {  	(tm) =	ssettm $0x7FFFFFFF  }
0xc3: {  	_ =	shalt  }
tec
execute0_lowered:
.L_overlay_start_1:
0x0: {  	(tag) =	ssettag $0x1  }
0x1: {  	s5 =	rddreg [dreg:$0x0]  }
0x2: {  	s2 =	rddreg [dreg:$0x1]  }
0x3: {  	s1 =	stileid.u32;
	s0 =	rddreg [dreg:$0x2]  }
0x4: {  	s3 =	simm.s32 $0x0;
	s7 =	srdreg.scid;
	s13 =	simm.s32 $0x80  }
0x5: {  	s14 =	simm.s32 $0x2200;
	s15 =	simm.s32 $0x1;
	s4 =	smul.u32 $0x1880, s1  }
0x6: {  	s16 =	simm.s32 $0x40;
	s17 =	simm.s32 $0x100;
	s6 =	smul.u32 $0xC4000, s1  }
0x7: {  	s20 =	simm.s32 $0x0;
	[smem:$0x7FF] =	sst s3;
	s8 =	smul.u32 $0x3100, s1  }
0x8: {  	s7 =	sand.u32 $0x1, s7;
	s26 =	smul.u32 $0x62000, s1;
	s31 =	sshll.u32 s1, $0x6  }
0x9: {  	_ =	strace $0x8000004A;
	s9 =	smul.u32 $0x31000, s7;
	s25 =	ssub.s32 $0x2, s7  }
0xa: {  	s18 =	smul.u32 $0x30D4, s7;
	s10 =	sadd.s32 s4, s5;
	s11 =	sadd.s32 s6, s5  }
0xb: {  	s4 =	sadd.s32 $0x3A600, s5;
	s28 =	sshrl.u32 s25, $0x1;
	s30 =	sshrl.u32 s26, $0x2  }
0xc: {  	s24 =	sadd.s32 s8, s9;
	s29 =	ssub.s32 s25, s28;
	s19 =	sadd.s32 $0x30D4, s18  }
0xd: {  	s12 =	sadd.s32 s30, s2;
	s8 =	sadd.s32 $0x3486600, s11;
	s9 =	sadd.s32 $0x52E00, s10  }
0xe: {  	s11 =	simm.s32 $0x3;
	v0 =	vmov s18;
	s18 =	simm.s32 $0x2;
	s6 =	sadd.s32 s24, s5  }
0xf: {  	s5 =	sor.u32 $0x1C03, s31;
	s7 =	smax.u32 s29, $0x1;
	s10 =	sshrl.u32 s12, $0x3  }
0x10: {  	s12 =	simm.s32 $0x200;
	v1 =	vmov s19;
	s19 =	simm.s32 $0x180;
	s6 =	sadd.s32 $0x6B600, s6  }
.LBB2_1:
0x11: {  	[spmem:s10], [sflag:s5] =	dma.local [hbm:s4], $0x3100  }
0x12: {  	_ =	swait.ge [sflag:s11], $0x3100  }
0x13: {  	[sflag:s11] =	ssyncset.done $0x0  }
0x14: {  	[sflag:s11] =	ssyncadd.s32 $0xFFFFCF00  }
0x15: {  	s21 =	sadd.s32 $0x0, s9;
	[bflag:$0x0] =	sbarrier.arrive $0xFFFF  }
0x16: {  	[tilespmem:s3], [sflag:$0x1] =	stream.linear.gather [hbm4b:s21+s3], $0x40, $0x38;
	[tilespmem:$0x1CA00] =	vst v63  }
0x17: {  	_ = 	snop  }
0x18: {  	[tilespmem:s12], [sflag:$0x1] =	stream.linear.gather [hbm4b:s8+s3], $0x2000, $0x38;
	[tilespmem:$0x1CA00] =	vst v63  }
0x19: {  	s21 =	sadd.s32 $0x8, s21  }
0x1a: {  	[tilespmem:s13], [sflag:$0x2] =	stream.linear.gather [hbm4b:s21+s3], $0x40, $0x38;
	[tilespmem:$0x1CA00] =	vst v63  }
0x1b: {  	s31 =	sadd.s32 $0x400, s8  }
0x1c: {  	[tilespmem:s14], [sflag:$0x2] =	stream.linear.gather [hbm4b:s31+s3], $0x2000, $0x38;
	[tilespmem:$0x1CA00] =	vst v63  }
0x1d: {  	_ =	swait.ge [sflag:s15], $0x40  }
0x1e: {  	[sflag:s15] =	ssyncset.done $0x0  }
0x1f: {  	[sflag:s15] =	ssyncadd.s32 $0xFFFFFFC0  }
0x20: {  	_ =	swait.ge [sflag:s15], $0x2000  }
0x21: {  	[sflag:s15] =	ssyncset.done $0x0  }
0x22: {  	[sflag:s15] =	ssyncadd.s32 $0xFFFFE000  }
0x23: {  	v2 =	vld [tilespmem:$0x30]  }
0x24: {  	v3 =	vld [tilespmem:$0x20];
	_ =	sdelay $0x1  }
0x25: {  	v4 =	vld [tilespmem:$0x0];
	_ =	sdelay $0x1  }
0x26: {  	v5 =	vld [tilespmem:$0x10];
	vm0 =	vge.s32 v2, v0  }
0x27: {  	vm1 =	vlt.s32 v2, v1;
	vm2 =	vge.s32 v3, v0;
	vm3 =	vlt.s32 v3, v1  }
0x28: {  	v2 =	vsub.s32 v2, v0;
	v3 =	vsub.s32 v3, v0;
	vm2 =	vmand vm2, vm3  }
0x29: {  	vm0 =	vmand vm0, vm1;
	vm1 =	vge.s32 v4, v0;
	vm3 =	vlt.s32 v4, v1  }
0x2a: {  	v4 =	vsub.s32 v4, v0;
	v3 =	vnsel vm2, $0x30D4, v3;
	vm1 =	vmand vm1, vm3  }
0x2b: {  	vm2 =	vlt.s32 v5, v1;
	v2 =	vnsel vm0, $0x30D4, v2;
	vm0 =	vge.s32 v5, v0;
	[tilespmem:$0x120] =	vst v3  }
0x2c: {  	v3 =	vnsel vm1, $0x30D4, v4;
	[tilespmem:$0x130] =	vst v2;
	vm0 =	vmand vm0, vm2;
	v2 =	vsub.s32 v5, v0  }
0x2d: {  	[tilespmem:$0x100] =	vst v3;
	v2 =	vnsel vm0, $0x30D4, v2  }
0x2e: {  	[tilespmem:$0x110] =	vst v2  }
0x2f: {  	[spmem:s2] =	stream.indirect.scatter.add.f32 [tilespmem:s12], [sflag:$0x3], $0x80, s17, s16, $0xb8;
	[tilespmem:$0x1CA00] =	vst v63  }
0x30: {  	_ =	swait.ge [sflag:s11], $0x2000  }
0x31: {  	[sflag:s11] =	ssyncset.done $0x0  }
0x32: {  	[sflag:s11] =	ssyncadd.s32 $0xFFFFE000  }
0x33: {  	_ =	swait.ge [sflag:s18], $0x40  }
0x34: {  	[sflag:s18] =	ssyncset.done $0x0  }
0x35: {  	[sflag:s18] =	ssyncadd.s32 $0xFFFFFFC0  }
0x36: {  	_ =	swait.ge [sflag:s18], $0x2000  }
0x37: {  	[sflag:s18] =	ssyncset.done $0x0  }
0x38: {  	[sflag:s18] =	ssyncadd.s32 $0xFFFFE000  }
0x39: {  	v2 =	vld [tilespmem:$0x80]  }
0x3a: {  	v5 =	vld [tilespmem:$0x90];
	_ =	sdelay $0x1  }
0x3b: {  	v4 =	vld [tilespmem:$0xA0]  }
0x3c: {  	v3 =	vld [tilespmem:$0xB0]  }
0x3d: {  	vm0 =	vge.s32 v2, v0;
	vm1 =	vlt.s32 v2, v1  }
0x3e: {  	s22 =	smov.u32 s8;
	s21 =	simm.s32 $0x10;
	vm2 =	vlt.s32 v5, v1;
	vm0 =	vmand vm0, vm1;
	vm1 =	vge.s32 v5, v0  }
.LBB2_2:
0x3f: {  	p0 =	sne.s32 s21, $0x1870  }
0x40: {  	v5 =	vsub.s32 v5, v0;
	vm3 =	vge.s32 v4, v0;
	vm4 =	vlt.s32 v4, v1;
	s22 =	sadd.s32 $0x800, s22;
	s23 =	smov.u32 s21;
	s21 =	sadd.s32 $0x10, s21  }
0x41: {  	vm1 =	vmand vm1, vm2;
	v4 =	vsub.s32 v4, v0;
	v6 =	vsub.s32 v3, v0  }
0x42: {  	v5 =	vnsel vm1, $0x30D4, v5;
	vm1 =	vmand vm3, vm4;
	vm2 =	vlt.s32 v3, v1  }
0x43: {  	v2 =	vsub.s32 v2, v0;
	v4 =	vnsel vm1, $0x30D4, v4;
	vm1 =	vge.s32 v3, v0;
	[tilespmem:$0x190] =	vst v5  }
0x44: {  	v2 =	vnsel vm0, $0x30D4, v2;
	vm0 =	vmand vm1, vm2;
	[tilespmem:$0x1A0] =	vst v4  }
0x45: {  	[tilespmem:$0x180] =	vst v2;
	v2 =	vnsel vm0, $0x30D4, v6  }
0x46: {  	[tilespmem:$0x1B0] =	vst v2  }
0x47: {  	[spmem:s2] =	stream.indirect.scatter.add.f32 [tilespmem:s14], [sflag:$0x3], $0x80, s19, s16, $0xb8;
	[tilespmem:$0x1CA00] =	vst v63  }
0x48: {  	_ =	swait.ge [sflag:s11], $0x2000  }
0x49: {  	[sflag:s11] =	ssyncset.done $0x0  }
0x4a: {  	s23 =	sadd.s32 s23, s9;
	[sflag:s11] =	ssyncadd.s32 $0xFFFFE000  }
0x4b: {  	[tilespmem:s3], [sflag:$0x1] =	stream.linear.gather [hbm4b:s23+s3], $0x40, $0x38;
	[tilespmem:$0x1CA00] =	vst v63  }
0x4c: {  	_ = 	snop  }
0x4d: {  	[tilespmem:s12], [sflag:$0x1] =	stream.linear.gather [hbm4b:s22+s3], $0x2000, $0x38;
	[tilespmem:$0x1CA00] =	vst v63  }
0x4e: {  	s23 =	sadd.s32 $0x8, s23  }
0x4f: {  	[tilespmem:s13], [sflag:$0x2] =	stream.linear.gather [hbm4b:s23+s3], $0x40, $0x38;
	[tilespmem:$0x1CA00] =	vst v63  }
0x50: {  	s23 =	sadd.s32 $0x400, s22  }
0x51: {  	[tilespmem:s14], [sflag:$0x2] =	stream.linear.gather [hbm4b:s23+s3], $0x2000, $0x38;
	[tilespmem:$0x1CA00] =	vst v63  }
0x52: {  	_ =	swait.ge [sflag:s15], $0x40  }
0x53: {  	[sflag:s15] =	ssyncset.done $0x0  }
0x54: {  	[sflag:s15] =	ssyncadd.s32 $0xFFFFFFC0  }
0x55: {  	_ =	swait.ge [sflag:s15], $0x2000  }
0x56: {  	[sflag:s15] =	ssyncset.done $0x0  }
0x57: {  	[sflag:s15] =	ssyncadd.s32 $0xFFFFE000  }
0x58: {  	v2 =	vld [tilespmem:$0x30]  }
0x59: {  	v3 =	vld [tilespmem:$0x20]  }
0x5a: {  	v4 =	vld [tilespmem:$0x0]  }
0x5b: {  	v5 =	vld [tilespmem:$0x10];
	_ =	sdelay $0x1  }
0x5c: {  	vm0 =	vge.s32 v2, v0;
	vm1 =	vlt.s32 v2, v1;
	v2 =	vsub.s32 v2, v0  }
0x5d: {  	vm2 =	vge.s32 v3, v0;
	vm3 =	vlt.s32 v3, v1;
	v3 =	vsub.s32 v3, v0  }
0x5e: {  	vm0 =	vmand vm0, vm1;
	v6 =	vsub.s32 v4, v0;
	vm2 =	vmand vm2, vm3  }
0x5f: {  	vm1 =	vge.s32 v4, v0;
	vm3 =	vlt.s32 v4, v1;
	v3 =	vnsel vm2, $0x30D4, v3  }
0x60: {  	v2 =	vnsel vm0, $0x30D4, v2;
	vm1 =	vmand vm1, vm3;
	vm2 =	vlt.s32 v5, v1;
	[tilespmem:$0x120] =	vst v3  }
0x61: {  	vm0 =	vge.s32 v5, v0;
	v3 =	vnsel vm1, $0x30D4, v6;
	[tilespmem:$0x130] =	vst v2  }
0x62: {  	vm0 =	vmand vm0, vm2;
	v2 =	vsub.s32 v5, v0;
	[tilespmem:$0x100] =	vst v3  }
0x63: {  	v2 =	vnsel vm0, $0x30D4, v2  }
0x64: {  	[tilespmem:$0x110] =	vst v2  }
0x65: {  	[spmem:s2] =	stream.indirect.scatter.add.f32 [tilespmem:s12], [sflag:$0x3], $0x80, s17, s16, $0xb8;
	[tilespmem:$0x1CA00] =	vst v63  }
0x66: {  	_ =	swait.ge [sflag:s11], $0x2000  }
0x67: {  	[sflag:s11] =	ssyncset.done $0x0  }
0x68: {  	[sflag:s11] =	ssyncadd.s32 $0xFFFFE000  }
0x69: {  	_ =	swait.ge [sflag:s18], $0x40  }
0x6a: {  	[sflag:s18] =	ssyncset.done $0x0  }
0x6b: {  	[sflag:s18] =	ssyncadd.s32 $0xFFFFFFC0  }
0x6c: {  	_ =	swait.ge [sflag:s18], $0x2000  }
0x6d: {  	[sflag:s18] =	ssyncset.done $0x0  }
0x6e: {  	[sflag:s18] =	ssyncadd.s32 $0xFFFFE000  }
0x6f: {  	v2 =	vld [tilespmem:$0x80]  }
0x70: {  	v5 =	vld [tilespmem:$0x90]  }
.Ltmp0:
0x71: {  	v4 =	vld [tilespmem:$0xA0];
	(pc) =	sbr.rel @p0 .LBB2_2-.Ltmp0, $3  }
0x72: {  	v3 =	vld [tilespmem:$0xB0];
	_ =	sdelay $0x1  }
0x73: {  	vm0 =	vge.s32 v2, v0;
	vm1 =	vlt.s32 v2, v1  }
0x74: {  	vm0 =	vmand vm0, vm1;
	vm1 =	vge.s32 v5, v0;
	vm2 =	vlt.s32 v5, v1  }
0x75: {  	v5 =	vsub.s32 v5, v0;
	vm3 =	vge.s32 v4, v0  }
0x76: {  	vm4 =	vlt.s32 v4, v1;
	vm1 =	vmand vm1, vm2;
	v63 =	vsub.s32 v4, v0  }
0x77: {  	v2 =	vsub.s32 v2, v0;
	v5 =	vnsel vm1, $0x30D4, v5;
	vm12 =	vmand vm3, vm4  }
0x78: {  	vm13 =	vlt.s32 v3, v1;
	vm14 =	vge.s32 v3, v0;
	v2 =	vnsel vm0, $0x30D4, v2;
	[tilespmem:$0x190] =	vst v5  }
0x79: {  	v3 =	vsub.s32 v3, v0;
	v4 =	vnsel vm12, $0x30D4, v63;
	vm15 =	vmand vm14, vm13;
	[tilespmem:$0x180] =	vst v2  }
0x7a: {  	[tilespmem:$0x1A0] =	vst v4;
	v2 =	vnsel vm15, $0x30D4, v3  }
0x7b: {  	[tilespmem:$0x1B0] =	vst v2  }
0x7c: {  	[spmem:s2] =	stream.indirect.scatter.add.f32 [tilespmem:s14], [sflag:$0x3], $0x80, s19, s16, $0xb8;
	[tilespmem:$0x1CA00] =	vst v63  }
0x7d: {  	_ =	swait.ge [sflag:s11], $0x2000  }
0x7e: {  	s20 =	sadd.s32 $0x1, s20;
	[sflag:s11] =	ssyncset.done $0x0  }
0x7f: {  	p0 =	sne.s32 s20, s7;
	[sflag:s11] =	ssyncadd.s32 $0xFFFFE000  }
.Ltmp1:
0x80: {  	[bflag:$0x0] =	sbarrier.arrive $0xFFFF;
	(pc) =	sbr.rel @p0 .LBB2_1-.Ltmp1, $4  }
0x81: {  	[hbm:s6], [sflag:s5] =	dma.local [spmem:s10], $0x3100  }
0x82: {  	_ =	swait.ge [sflag:s11], $0x3100  }
0x83: {  	[sflag:s11] =	ssyncset.done $0x0  }
0x84: {  	[sflag:s11] =	ssyncadd.s32 $0xFFFFCF00  }
0x85: {  	_ =	sfence.sel $0x180000  }
0x86: {  	[bflag:$0x0] =	sbarrier.arrive $0xFFFF  }
0x87: {  	p0 =	sne.s32 s1, $0x0;
	_ =	strace $0x9000004A  }
0x88: {  	s0 =	sadd.s32 @!p0 $0x100000, s0;
	[bflag:$0x2] =	sbarrier.arrive $0xFFFF  }
0x89: {  	[sflag:s0] =	ssyncadd.tile.s32 @!p0 $0x1;
	_ =	shalt  }
.Lfunc_end2:
_tile_overlayer_lowered:
.L_overlay_start_2:
0x8a: {  	(tag) =	ssettag $0x2  }
0x8b: {  	s0 =	rddreg [dreg:$0x0];
	s2 =	stileid.u32  }
0x8c: {  	s1 =	rddreg [dreg:$0x1];
	p0 =	sne.s32 s2, $0x0  }
0x8d: {  	s3 =	rddreg [dreg:$0x2];
	[bflag:$0x3] =	sbarrier.arrive $0xFFFF;
	s2 =	simm.s32 @!p0 $0x1C03  }
0x8e: {  	[timem:s3], [sflag:s2] =	dma.local @!p0 [hbm:s0], s1  }
0x8f: {  	s0 =	simm.s32 @!p0 $0x3  }
0x90: {  	_ =	swait.ge @!p0 [sflag:s0], s1  }
0x91: {  	s1 =	ssub.s32 @!p0 $0x0, s1;
	[sflag:s0] =	ssyncset.done @!p0 $0x0  }
0x92: {  	[sflag:s0] =	ssyncadd.s32 @!p0 s1  }
0x93: {  	[bflag:$0x3] =	sbarrier.arrive $0xFFFF  }
0x94: {  	_ =	shalt  }

// kernel: kernel.20.cloned.1.call-start
scs
__scs_entry_jumppad:
0x0: {  	(pc) =	sbr.rel $0x88, $3  }
0x1: {  	(tag) =	ssettag $0x0;
	lr =	simm.s32 $0x1  }
0x2: {  	[smem:$0x3F83] =	sst lr;
	_ =	strace $0xD0000000  }
0x3: {  	_ = 	snop  }
0x4: {  	_ = 	snop  }
0x5: {  	_ = 	snop  }
0x6: {  	_ = 	snop  }
0x7: {  	_ = 	snop  }
__scs_overlays_trampoline_lowered:
0x8: {  	[smem:$0x3F92] =	sst s0  }
0x9: {  	[smem:$0x3F93] =	sst s1  }
0xa: {  	[smem:$0x3F94] =	sst s2  }
0xb: {  	[smem:$0x3F95] =	sst s3  }
0xc: {  	[smem:$0x3F96] =	sst s4  }
0xd: {  	[smem:$0x3F97] =	sst s5  }
0xe: {  	[smem:$0x3F98] =	sst s6  }
0xf: {  	[smem:$0x3F99] =	sst s7  }
0x10: {  	[smem:$0x3F9A] =	sst s8  }
0x11: {  	[smem:$0x3F9B] =	sst s9;
	s0 =	simm.s32 @!p0 $0x0  }
0x12: {  	s1 =	sld [smem:$0x3F81];
	s0 =	simm.s32 @p0 $0x1  }
0x13: {  	[smem:$0x3F9C] =	sst s0;
	s0 =	simm.s32 @!p1 $0x0  }
0x14: {  	s2 =	sld [smem:$0x3F80];
	s0 =	simm.s32 @p1 $0x1  }
0x15: {  	[smem:$0x3F9D] =	sst s0;
	s0 =	simm.s32 @!p2 $0x0  }
0x16: {  	s3 =	sld [smem:$0x3FDB];
	s0 =	simm.s32 @p2 $0x1  }
0x17: {  	s4 =	simm.s32 $0x1BF5;
	[smem:$0x3F9F] =	sst s0  }
0x18: {  	s0 =	sld [smem:$0x3F82];
	_ =	swait.ge [sflag:s4], $0x0  }
0x19: {  	s7 =	sld [smem:$0x3F83]  }
0x1a: {  	s8 =	sadd.s32 $0xFFFFE003, lr  }
0x1b: {  	s9 =	sadd.s32 $0xFFFFFEF7, lr;
	s5 =	simm.s32 $0xFFFFFFFF;
	p2 =	slt.u32 s8, $0xFFFFF086  }
0x1c: {  	p1 =	slt.u32 s9, $0xF7A;
	s5 =	simm.s32 @!p2 $0x0  }
0x1d: {  	s5 =	simm.s32 @p1 $0x1;
	p0 =	seq.s32 s7, s2  }
0x1e: {  	s7 =	smul.u32 @!p0 $0xF7A, s2;
	p2 =	seq.s32 @!p0 s5, $0x0  }
0x1f: {  	s9 =	smul.u32 $0xF7A, s1;
	s8 =	simm.s32 @!p0 $0x1BF5;
	p2 =	por !p2, p0  }
0x20: {  	[sflag:s8] =	ssyncset.s32 @!p0 $0xFFFFF086;
	s6 =	sadd.s32 @!p0 s3, s7;
	s7 =	simm.s32 @!p0 $0x108  }
0x21: {  	s3 =	sadd.s32 s3, s9;
	s6 =	sadd.s32 @!p0 $0x88, s6;
	s7 =	simm.s32 @p2 $0x1082  }
0x22: {  	[simem:s7], [sflag:s8] =	dma.local @!p0 [hbm:s6], $0xF7A  }
0x23: {  	s9 =	sor.u32 $0xD0000000, s2;
	s6 =	simm.s32 $0x108;
	_ =	swait.ge @!p0 [sflag:s8], $0x0  }
0x24: {  	s3 =	sadd.s32 $0x88, s3;
	s6 =	simm.s32 @!p1 $0x1082;
	[sflag:s4] =	ssyncset.s32 $0xFFFFF086  }
0x25: {  	[simem:s6], [sflag:s4] =	dma.local [hbm:s3], $0xF7A  }
0x26: {  	[smem:$0x3F83] =	sst s1;
	(tag) =	ssettag s2;
	_ =	strace s9  }
0x27: {  	s1 =	sld [smem:$0x3F93]  }
0x28: {  	s2 =	sld [smem:$0x3F94]  }
0x29: {  	s4 =	sld [smem:$0x3F96]  }
0x2a: {  	p0 =	seq.s32 s5, $0x0;
	s5 =	sld [smem:$0x3F97]  }
0x2b: {  	s6 =	sld [smem:$0x3F98]  }
0x2c: {  	s7 =	sld [smem:$0x3F99]  }
0x2d: {  	s3 =	simm.s32 $0x108;
	s8 =	sld [smem:$0x3F9A]  }
0x2e: {  	s3 =	simm.s32 @!p0 $0x1082;
	s9 =	sld [smem:$0x3F9B]  }
0x2f: {  	lr =	sadd.s32 s0, s3;
	s0 =	sld [smem:$0x3F92]  }
0x30: {  	s3 =	sld [smem:$0x3F95]  }
0x31: {  	[smem:$0x3F9E] =	sst s10  }
0x32: {  	s10 =	sld [smem:$0x3F9C];
	_ =	sdelay $0x3  }
0x33: {  	p0 =	seq.s32 s10, $0x1;
	s10 =	sld [smem:$0x3F9E];
	_ =	sdelay $0x3  }
0x34: {  	[smem:$0x3F9E] =	sst s10  }
0x35: {  	s10 =	sld [smem:$0x3F9D];
	_ =	sdelay $0x3  }
0x36: {  	p1 =	seq.s32 s10, $0x1;
	s10 =	sld [smem:$0x3F9E];
	_ =	sdelay $0x3  }
0x37: {  	[smem:$0x3F9E] =	sst s10  }
0x38: {  	s10 =	sld [smem:$0x3F9F]  }
0x39: {  	_ = 	snop;
	(pc) =	sbr.ind lr, $3  }
0x3a: {  	_ = 	snop  }
0x3b: {  	_ = 	snop  }
0x3c: {  	p2 =	seq.s32 s10, $0x1;
	s10 =	sld [smem:$0x3F9E]  }
0x3d: {  	_ =	shalt  }
0x3e: {  	_ =	shalt  }
0x3f: {  	_ =	shalt  }
0x40: {  	_ =	shalt  }
0x41: {  	_ =	shalt  }
0x42: {  	_ =	shalt  }
0x43: {  	_ =	shalt  }
0x44: {  	_ =	shalt  }
0x45: {  	_ =	shalt  }
0x46: {  	_ =	shalt  }
0x47: {  	_ =	shalt  }
0x48: {  	_ =	shalt  }
0x49: {  	_ =	shalt  }
0x4a: {  	_ =	shalt  }
0x4b: {  	_ =	shalt  }
0x4c: {  	_ =	shalt  }
0x4d: {  	_ =	shalt  }
0x4e: {  	_ =	shalt  }
0x4f: {  	_ =	shalt  }
0x50: {  	_ =	shalt  }
0x51: {  	_ =	shalt  }
0x52: {  	_ =	shalt  }
0x53: {  	_ =	shalt  }
0x54: {  	_ =	shalt  }
0x55: {  	_ =	shalt  }
0x56: {  	_ =	shalt  }
0x57: {  	_ =	shalt  }
0x58: {  	_ =	shalt  }
0x59: {  	_ =	shalt  }
0x5a: {  	_ =	shalt  }
0x5b: {  	_ =	shalt  }
0x5c: {  	_ =	shalt  }
0x5d: {  	_ =	shalt  }
0x5e: {  	_ =	shalt  }
0x5f: {  	_ =	shalt  }
0x60: {  	_ =	shalt  }
0x61: {  	_ =	shalt  }
0x62: {  	_ =	shalt  }
0x63: {  	_ =	shalt  }
0x64: {  	_ =	shalt  }
0x65: {  	_ =	shalt  }
0x66: {  	_ =	shalt  }
0x67: {  	_ =	shalt  }
0x68: {  	_ =	shalt  }
0x69: {  	_ =	shalt  }
0x6a: {  	_ =	shalt  }
0x6b: {  	_ =	shalt  }
0x6c: {  	_ =	shalt  }
0x6d: {  	_ =	shalt  }
0x6e: {  	_ =	shalt  }
0x6f: {  	_ =	shalt  }
0x70: {  	_ =	shalt  }
0x71: {  	_ =	shalt  }
0x72: {  	_ =	shalt  }
0x73: {  	_ =	shalt  }
0x74: {  	_ =	shalt  }
0x75: {  	_ =	shalt  }
0x76: {  	_ =	shalt  }
0x77: {  	_ =	shalt  }
0x78: {  	_ =	shalt  }
0x79: {  	_ =	shalt  }
0x7a: {  	_ =	shalt  }
0x7b: {  	_ =	shalt  }
0x7c: {  	_ =	shalt  }
0x7d: {  	_ =	shalt  }
0x7e: {  	_ =	shalt  }
0x7f: {  	_ =	shalt  }
0x80: {  	_ =	shalt  }
0x81: {  	_ =	shalt  }
0x82: {  	_ =	shalt  }
0x83: {  	_ =	shalt  }
0x84: {  	_ =	shalt  }
0x85: {  	_ =	shalt  }
0x86: {  	_ =	shalt  }
0x87: {  	_ =	shalt  }
.Lfunc_end0:
.L_simem_size_0:
called_computation.2_lowered:
.L_overlay_start_0:
0x88: {  	s2 =	sld [smem:$0x3FD9]  }
0x89: {  	s3 =	sld [smem:$0x3FFE];
	_ =	sdelay $0x1  }
0x8a: {  	s1 =	srdreg.scid  }
0x8b: {  	s0 =	sand.u32 $0x1, s1  }
0x8c: {  	s17 =	sshll.u32 s0, $0xA;
	s2 =	sadd.s32 s3, s2  }
0x8d: {  	s2 =	sadd.s32 s2, s17  }
0x8e: {  	[smem:$0x3FAA] =	sst s2  }
0x8f: {  	_ = 	snop  }
0x90: {  	(tm) =	ssettm $0x1  }
0x91: {  	s18 =	sld [smem:$0x3FFB];
	_ =	sdelay $0x3  }
0x92: {  	_ =	strace s18  }
0x93: {  	s2 =	sld [smem:$0x3FFC];
	_ =	sdelay $0x3  }
0x94: {  	_ =	strace s2  }
0x95: {  	s2 =	sld [smem:$0x3FFD];
	_ =	sdelay $0x3  }
0x96: {  	_ =	strace s2  }
0x97: {  	_ =	strace $0x8FFFFFFF  }
0x98: {  	s19 =	sld [smem:$0x3FDB];
	_ =	sdelay $0x1  }
0x99: {  	s20 =	simm.s32 $_scs_section_size  }
0x9a: {  	s4 =	simm.s32 $_size__tile_overlayer_lowered;
	s5 =	simm.s32 $_tile_overlayer_lowered  }
0x9b: {  	s6 =	simm.s32 $0x1BFF;
	s21 =	sshll.u32 s5, $0x1;
	s3 =	sadd.s32 s20, s19  }
0x9c: {  	s22 =	simm.s32 $0x0;
	s4 =	sshll.u32 s4, $0x1;
	s5 =	sadd.s32 s21, s3  }
0x9d: {  	[timem:s22], [sflag:s6] =	dma.local [hbm:s5], s4  }
0x9e: {  	_ =	swait.ge [sflag:s6], s4  }
0x9f: {  	s4 =	ssub.s32 $0x0, s4;
	[sflag:s6] =	ssyncset.done $0x0  }
0xa0: {  	[sflag:s6] =	ssyncadd.s32 s4;
	_ =	sdelay $0x1  }
0xa1: {  	s23 =	simm.s32 $0x1B8B  }
0xa2: {  	_ =	swait.ge [sflag:s23], $0x1  }
0xa3: {  	[sflag:s23] =	ssyncset.done $0x0  }
0xa4: {  	[sflag:s23] =	ssyncadd.s32 $0xFFFFFFFF  }
0xa5: {  	s4 =	sld [smem:$0x0]  }
0xa6: {  	s5 =	sand.u32 $0xFFFFFFFE, s1  }
0xa7: {  	p0 =	sne.s32 s1, s5  }
0xa8: {  	s5 =	sshll.u32 @p0 s5, $0xE  }
0xa9: {  	s5 =	sadd.s32 @p0 $0x11B8D, s5;
	s6 =	sshll.u32 @p0 s4, $0x11  }
0xaa: {  	s5 =	sor.u32 @p0 s6, s5  }
0xab: {  	[sflag:s5] =	ssyncadd.remote.s32 @p0 $0x1;
	_ =	sdelay $0x1  }
0xac: {  	s5 =	simm.s32 @p0 $0x1B8D  }
0xad: {  	_ =	swait.eq @p0 [sflag:s5], $0x1  }
0xae: {  	[sflag:s5] =	ssyncadd.s32 @p0 $0xFFFFFFFF  }
0xaf: {  	s6 =	sshll.u32 @!p0 s1, $0xE  }
0xb0: {  	s6 =	sor.u32 @!p0 $0x4000, s6;
	s5 =	simm.s32 @!p0 $0x1B8D  }
0xb1: {  	s4 =	sshll.u32 @!p0 s4, $0x11;
	s6 =	sadd.s32 @!p0 $0x11B8D, s6;
	_ =	swait.eq @!p0 [sflag:s5], $0x1  }
0xb2: {  	s4 =	sor.u32 @!p0 s4, s6;
	[sflag:s5] =	ssyncadd.s32 @!p0 $0xFFFFFFFF  }
0xb3: {  	s25 =	simm.s32 $0x1B8E;
	s24 =	sld [smem:$0x3FFE];
	[sflag:s4] =	ssyncadd.remote.s32 @!p0 $0x1  }
0xb4: {  	s26 =	simm.s32 $execute0_lowered;
	[smem:$0x3FD2] =	sst s25  }
0xb5: {  	s5 =	sshll.u32 s26, $0x1;
	_ =	strace $0x8000004C;
	[dreg:$0x1] =	wrdreg $0xFFFFFFFF  }
0xb6: {  	s28 =	simm.s32 $_size_execute0_lowered;
	s3 =	sadd.s32 s3, s5;
	[dreg:$0x0] =	wrdreg $0x0  }
0xb7: {  	s5 =	sshll.u32 s28, $0x1;
	[dreg:$0x2] =	wrdreg s3  }
0xb8: {  	[dreg:$0x3] =	wrdreg s5  }
0xb9: {  	[dreg:$0x4] =	wrdreg $0xC0  }
0xba: {  	_ =	task [dreg:s22], $0x5FFFF  }
0xbb: {  	[dreg:$0x1] =	wrdreg $0xFFFFFFFF  }
0xbc: {  	[dreg:$0x0] =	wrdreg $0x60  }
0xbd: {  	[dreg:$0x2] =	wrdreg s24  }
0xbe: {  	[dreg:$0x3] =	wrdreg $0x42000  }
0xbf: {  	[dreg:$0x4] =	wrdreg $0xA  }
0xc0: {  	_ =	task.clear_ibuf [dreg:s22], $0x5FFFF;
	_ =	strace $0x9000004C  }
0xc1: {  	s29 =	simm.s32 $0xA;
	_ =	strace $0x8000004E  }
0xc2: {  	_ =	swait.ge [sflag:s29], $0x1  }
0xc3: {  	[sflag:s29] =	ssyncadd.s32 $0xFFFFFFFF  }
0xc4: {  	_ =	strace $0x9000004E  }
0xc5: {  	_ =	sfence  }
0xc6: {  	s30 =	sld [smem:$0x0];
	_ =	sdelay $0x2  }
0xc7: {  	s31 =	sshll.u32 s1, $0xD;
	s1 =	sshrl.u32 s1, $0x2  }
0xc8: {  	s4 =	sand.u32 $0x4000, s31;
	s1 =	sadd.s32 s1, s30  }
0xc9: {  	s0 =	sor.u32 s4, s0;
	s1 =	sshll.u32 s1, $0x11  }
0xca: {  	s0 =	sor.u32 s1, s0  }
0xcb: {  	s0 =	sadd.s32 $0x8F2B, s0  }
0xcc: {  	[sflag:s0] =	ssyncadd.remote.s32 $0x1  }
0xcd: {  	_ =	sfence.sel $0xFFFF  }
0xce: {  	[dreg:$0x0] =	wrdreg $0xFFFFFFFF;
	(pc) =	sbr.abs _section_cstart, $3  }
0xcf: {  	[dreg:$0x1] =	wrdreg $0xFFFFFFFF  }
0xd0: {  	_ =	task.clear_ibuf [dreg:s22], $0x2FFFF;
	_ =	strace $0x9FFFFFFF  }
0xd1: {  	(tm) =	ssettm $0x7FFFFFFF  }
tec
execute0_lowered:
.L_overlay_start_1:
0x0: {  	(tag) =	ssettag $0x1  }
0x1: {  	s5 =	rddreg [dreg:$0x0]  }
0x2: {  	s2 =	rddreg [dreg:$0x1]  }
0x3: {  	s1 =	stileid.u32;
	s0 =	rddreg [dreg:$0x2];
	s3 =	simm.s32 $0x0  }
0x4: {  	s7 =	srdreg.scid;
	s13 =	simm.s32 $0x80;
	s4 =	smul.u32 $0x1880, s1  }
0x5: {  	s14 =	simm.s32 $0x2200;
	s15 =	simm.s32 $0x1;
	s6 =	smul.u32 $0xC4000, s1  }
0x6: {  	s16 =	simm.s32 $0x40;
	s17 =	simm.s32 $0x100;
	s8 =	smul.u32 $0x3100, s1  }
0x7: {  	s20 =	simm.s32 $0x0;
	s7 =	sand.u32 $0x1, s7;
	s12 =	smul.u32 $0x62000, s1  }
0x8: {  	[smem:$0x7FF] =	sst s3;
	s31 =	sshll.u32 s1, $0x6;
	s28 =	smul.u32 $0x31000, s7  }
0x9: {  	_ =	strace $0x8000004D;
	s29 =	ssub.s32 $0x2, s7;
	s7 =	smul.u32 $0x30D4, s7  }
0xa: {  	s9 =	sadd.s32 s4, s5;
	s10 =	sadd.s32 s6, s5;
	s11 =	sshrl.u32 s29, $0x1  }
0xb: {  	s4 =	sadd.s32 $0x3A600, s5;
	s30 =	sshrl.u32 s12, $0x2;
	s8 =	sadd.s32 s8, s28  }
0xc: {  	s11 =	ssub.s32 s29, s11;
	s18 =	sadd.s32 $0x61A8, s7;
	s19 =	sadd.s32 $0x927C, s7  }
0xd: {  	s12 =	sadd.s32 s30, s2;
	s9 =	sadd.s32 $0x52E00, s9;
	s8 =	sadd.s32 s8, s5  }
0xe: {  	s5 =	sor.u32 $0x1C03, s31;
	s7 =	smax.u32 s11, $0x1;
	s11 =	simm.s32 $0x3  }
0xf: {  	v0 =	vmov s18;
	v1 =	vmov s19;
	s18 =	simm.s32 $0x2;
	s19 =	simm.s32 $0x180;
	s6 =	sadd.s32 $0xCD600, s8  }
0x10: {  	s8 =	sadd.s32 $0x3486600, s10;
	s10 =	sshrl.u32 s12, $0x3;
	s12 =	simm.s32 $0x200  }
.LBB2_1:
0x11: {  	[spmem:s10], [sflag:s5] =	dma.local [hbm:s4], $0x3100  }
0x12: {  	_ =	swait.ge [sflag:s11], $0x3100  }
0x13: {  	[sflag:s11] =	ssyncset.done $0x0  }
0x14: {  	[sflag:s11] =	ssyncadd.s32 $0xFFFFCF00  }
0x15: {  	s21 =	sadd.s32 $0x0, s9;
	[bflag:$0x0] =	sbarrier.arrive $0xFFFF  }
0x16: {  	[tilespmem:s3], [sflag:$0x1] =	stream.linear.gather [hbm4b:s21+s3], $0x40, $0x38;
	[tilespmem:$0x1CA00] =	vst v63  }
0x17: {  	_ = 	snop  }
0x18: {  	[tilespmem:s12], [sflag:$0x1] =	stream.linear.gather [hbm4b:s8+s3], $0x2000, $0x38;
	[tilespmem:$0x1CA00] =	vst v63  }
0x19: {  	s21 =	sadd.s32 $0x8, s21  }
0x1a: {  	[tilespmem:s13], [sflag:$0x2] =	stream.linear.gather [hbm4b:s21+s3], $0x40, $0x38;
	[tilespmem:$0x1CA00] =	vst v63  }
0x1b: {  	s31 =	sadd.s32 $0x400, s8  }
0x1c: {  	[tilespmem:s14], [sflag:$0x2] =	stream.linear.gather [hbm4b:s31+s3], $0x2000, $0x38;
	[tilespmem:$0x1CA00] =	vst v63  }
0x1d: {  	_ =	swait.ge [sflag:s15], $0x40  }
0x1e: {  	[sflag:s15] =	ssyncset.done $0x0  }
0x1f: {  	[sflag:s15] =	ssyncadd.s32 $0xFFFFFFC0  }
0x20: {  	_ =	swait.ge [sflag:s15], $0x2000  }
0x21: {  	[sflag:s15] =	ssyncset.done $0x0  }
0x22: {  	[sflag:s15] =	ssyncadd.s32 $0xFFFFE000  }
0x23: {  	v2 =	vld [tilespmem:$0x30]  }
0x24: {  	v3 =	vld [tilespmem:$0x20];
	_ =	sdelay $0x1  }
0x25: {  	v4 =	vld [tilespmem:$0x0];
	_ =	sdelay $0x1  }
0x26: {  	v5 =	vld [tilespmem:$0x10];
	vm0 =	vge.s32 v2, v0  }
0x27: {  	vm1 =	vlt.s32 v2, v1;
	vm2 =	vge.s32 v3, v0;
	vm3 =	vlt.s32 v3, v1  }
0x28: {  	v2 =	vsub.s32 v2, v0;
	v3 =	vsub.s32 v3, v0;
	vm2 =	vmand vm2, vm3  }
0x29: {  	vm0 =	vmand vm0, vm1;
	vm1 =	vge.s32 v4, v0;
	vm3 =	vlt.s32 v4, v1  }
0x2a: {  	v4 =	vsub.s32 v4, v0;
	v3 =	vnsel vm2, $0x30D4, v3;
	vm1 =	vmand vm1, vm3  }
0x2b: {  	vm2 =	vlt.s32 v5, v1;
	v2 =	vnsel vm0, $0x30D4, v2;
	vm0 =	vge.s32 v5, v0;
	[tilespmem:$0x120] =	vst v3  }
0x2c: {  	v3 =	vnsel vm1, $0x30D4, v4;
	[tilespmem:$0x130] =	vst v2;
	vm0 =	vmand vm0, vm2;
	v2 =	vsub.s32 v5, v0  }
0x2d: {  	[tilespmem:$0x100] =	vst v3;
	v2 =	vnsel vm0, $0x30D4, v2  }
0x2e: {  	[tilespmem:$0x110] =	vst v2  }
0x2f: {  	[spmem:s2] =	stream.indirect.scatter.add.f32 [tilespmem:s12], [sflag:$0x3], $0x80, s17, s16, $0xb8;
	[tilespmem:$0x1CA00] =	vst v63  }
0x30: {  	_ =	swait.ge [sflag:s11], $0x2000  }
0x31: {  	[sflag:s11] =	ssyncset.done $0x0  }
0x32: {  	[sflag:s11] =	ssyncadd.s32 $0xFFFFE000  }
0x33: {  	_ =	swait.ge [sflag:s18], $0x40  }
0x34: {  	[sflag:s18] =	ssyncset.done $0x0  }
0x35: {  	[sflag:s18] =	ssyncadd.s32 $0xFFFFFFC0  }
0x36: {  	_ =	swait.ge [sflag:s18], $0x2000  }
0x37: {  	[sflag:s18] =	ssyncset.done $0x0  }
0x38: {  	[sflag:s18] =	ssyncadd.s32 $0xFFFFE000  }
0x39: {  	v2 =	vld [tilespmem:$0x80]  }
0x3a: {  	v5 =	vld [tilespmem:$0x90];
	_ =	sdelay $0x1  }
0x3b: {  	v4 =	vld [tilespmem:$0xA0]  }
0x3c: {  	v3 =	vld [tilespmem:$0xB0]  }
0x3d: {  	vm0 =	vge.s32 v2, v0;
	vm1 =	vlt.s32 v2, v1  }
0x3e: {  	s22 =	smov.u32 s8;
	s21 =	simm.s32 $0x10;
	vm2 =	vlt.s32 v5, v1;
	vm0 =	vmand vm0, vm1;
	vm1 =	vge.s32 v5, v0  }
.LBB2_2:
0x3f: {  	p0 =	sne.s32 s21, $0x1870  }
0x40: {  	v5 =	vsub.s32 v5, v0;
	vm3 =	vge.s32 v4, v0;
	vm4 =	vlt.s32 v4, v1;
	s22 =	sadd.s32 $0x800, s22;
	s23 =	smov.u32 s21;
	s21 =	sadd.s32 $0x10, s21  }
0x41: {  	vm1 =	vmand vm1, vm2;
	v4 =	vsub.s32 v4, v0;
	v6 =	vsub.s32 v3, v0  }
0x42: {  	v5 =	vnsel vm1, $0x30D4, v5;
	vm1 =	vmand vm3, vm4;
	vm2 =	vlt.s32 v3, v1  }
0x43: {  	v2 =	vsub.s32 v2, v0;
	v4 =	vnsel vm1, $0x30D4, v4;
	vm1 =	vge.s32 v3, v0;
	[tilespmem:$0x190] =	vst v5  }
0x44: {  	v2 =	vnsel vm0, $0x30D4, v2;
	vm0 =	vmand vm1, vm2;
	[tilespmem:$0x1A0] =	vst v4  }
0x45: {  	[tilespmem:$0x180] =	vst v2;
	v2 =	vnsel vm0, $0x30D4, v6  }
0x46: {  	[tilespmem:$0x1B0] =	vst v2  }
0x47: {  	[spmem:s2] =	stream.indirect.scatter.add.f32 [tilespmem:s14], [sflag:$0x3], $0x80, s19, s16, $0xb8;
	[tilespmem:$0x1CA00] =	vst v63  }
0x48: {  	_ =	swait.ge [sflag:s11], $0x2000  }
0x49: {  	[sflag:s11] =	ssyncset.done $0x0  }
0x4a: {  	s23 =	sadd.s32 s23, s9;
	[sflag:s11] =	ssyncadd.s32 $0xFFFFE000  }
0x4b: {  	[tilespmem:s3], [sflag:$0x1] =	stream.linear.gather [hbm4b:s23+s3], $0x40, $0x38;
	[tilespmem:$0x1CA00] =	vst v63  }
0x4c: {  	_ = 	snop  }
0x4d: {  	[tilespmem:s12], [sflag:$0x1] =	stream.linear.gather [hbm4b:s22+s3], $0x2000, $0x38;
	[tilespmem:$0x1CA00] =	vst v63  }
0x4e: {  	s23 =	sadd.s32 $0x8, s23  }
0x4f: {  	[tilespmem:s13], [sflag:$0x2] =	stream.linear.gather [hbm4b:s23+s3], $0x40, $0x38;
	[tilespmem:$0x1CA00] =	vst v63  }
0x50: {  	s23 =	sadd.s32 $0x400, s22  }
0x51: {  	[tilespmem:s14], [sflag:$0x2] =	stream.linear.gather [hbm4b:s23+s3], $0x2000, $0x38;
	[tilespmem:$0x1CA00] =	vst v63  }
0x52: {  	_ =	swait.ge [sflag:s15], $0x40  }
0x53: {  	[sflag:s15] =	ssyncset.done $0x0  }
0x54: {  	[sflag:s15] =	ssyncadd.s32 $0xFFFFFFC0  }
0x55: {  	_ =	swait.ge [sflag:s15], $0x2000  }
0x56: {  	[sflag:s15] =	ssyncset.done $0x0  }
0x57: {  	[sflag:s15] =	ssyncadd.s32 $0xFFFFE000  }
0x58: {  	v2 =	vld [tilespmem:$0x30]  }
0x59: {  	v3 =	vld [tilespmem:$0x20]  }
0x5a: {  	v4 =	vld [tilespmem:$0x0]  }
0x5b: {  	v5 =	vld [tilespmem:$0x10];
	_ =	sdelay $0x1  }
0x5c: {  	vm0 =	vge.s32 v2, v0;
	vm1 =	vlt.s32 v2, v1;
	v2 =	vsub.s32 v2, v0  }
0x5d: {  	vm2 =	vge.s32 v3, v0;
	vm3 =	vlt.s32 v3, v1;
	v3 =	vsub.s32 v3, v0  }
0x5e: {  	vm0 =	vmand vm0, vm1;
	v6 =	vsub.s32 v4, v0;
	vm2 =	vmand vm2, vm3  }
0x5f: {  	vm1 =	vge.s32 v4, v0;
	vm3 =	vlt.s32 v4, v1;
	v3 =	vnsel vm2, $0x30D4, v3  }
0x60: {  	v2 =	vnsel vm0, $0x30D4, v2;
	vm1 =	vmand vm1, vm3;
	vm2 =	vlt.s32 v5, v1;
	[tilespmem:$0x120] =	vst v3  }
0x61: {  	vm0 =	vge.s32 v5, v0;
	v3 =	vnsel vm1, $0x30D4, v6;
	[tilespmem:$0x130] =	vst v2  }
0x62: {  	vm0 =	vmand vm0, vm2;
	v2 =	vsub.s32 v5, v0;
	[tilespmem:$0x100] =	vst v3  }
0x63: {  	v2 =	vnsel vm0, $0x30D4, v2  }
0x64: {  	[tilespmem:$0x110] =	vst v2  }
0x65: {  	[spmem:s2] =	stream.indirect.scatter.add.f32 [tilespmem:s12], [sflag:$0x3], $0x80, s17, s16, $0xb8;
	[tilespmem:$0x1CA00] =	vst v63  }
0x66: {  	_ =	swait.ge [sflag:s11], $0x2000  }
0x67: {  	[sflag:s11] =	ssyncset.done $0x0  }
0x68: {  	[sflag:s11] =	ssyncadd.s32 $0xFFFFE000  }
0x69: {  	_ =	swait.ge [sflag:s18], $0x40  }
0x6a: {  	[sflag:s18] =	ssyncset.done $0x0  }
0x6b: {  	[sflag:s18] =	ssyncadd.s32 $0xFFFFFFC0  }
0x6c: {  	_ =	swait.ge [sflag:s18], $0x2000  }
0x6d: {  	[sflag:s18] =	ssyncset.done $0x0  }
0x6e: {  	[sflag:s18] =	ssyncadd.s32 $0xFFFFE000  }
0x6f: {  	v2 =	vld [tilespmem:$0x80]  }
0x70: {  	v5 =	vld [tilespmem:$0x90]  }
.Ltmp0:
0x71: {  	v4 =	vld [tilespmem:$0xA0];
	(pc) =	sbr.rel @p0 .LBB2_2-.Ltmp0, $3  }
0x72: {  	v3 =	vld [tilespmem:$0xB0];
	_ =	sdelay $0x1  }
0x73: {  	vm0 =	vge.s32 v2, v0;
	vm1 =	vlt.s32 v2, v1  }
0x74: {  	vm0 =	vmand vm0, vm1;
	vm1 =	vge.s32 v5, v0;
	vm2 =	vlt.s32 v5, v1  }
0x75: {  	v5 =	vsub.s32 v5, v0;
	vm3 =	vge.s32 v4, v0  }
0x76: {  	vm4 =	vlt.s32 v4, v1;
	vm1 =	vmand vm1, vm2;
	v63 =	vsub.s32 v4, v0  }
0x77: {  	v2 =	vsub.s32 v2, v0;
	v5 =	vnsel vm1, $0x30D4, v5;
	vm12 =	vmand vm3, vm4  }
0x78: {  	vm13 =	vlt.s32 v3, v1;
	vm14 =	vge.s32 v3, v0;
	v2 =	vnsel vm0, $0x30D4, v2;
	[tilespmem:$0x190] =	vst v5  }
0x79: {  	v3 =	vsub.s32 v3, v0;
	v4 =	vnsel vm12, $0x30D4, v63;
	vm15 =	vmand vm14, vm13;
	[tilespmem:$0x180] =	vst v2  }
0x7a: {  	[tilespmem:$0x1A0] =	vst v4;
	v2 =	vnsel vm15, $0x30D4, v3  }
0x7b: {  	[tilespmem:$0x1B0] =	vst v2  }
0x7c: {  	[spmem:s2] =	stream.indirect.scatter.add.f32 [tilespmem:s14], [sflag:$0x3], $0x80, s19, s16, $0xb8;
	[tilespmem:$0x1CA00] =	vst v63  }
0x7d: {  	_ =	swait.ge [sflag:s11], $0x2000  }
0x7e: {  	s20 =	sadd.s32 $0x1, s20;
	[sflag:s11] =	ssyncset.done $0x0  }
0x7f: {  	p0 =	sne.s32 s20, s7;
	[sflag:s11] =	ssyncadd.s32 $0xFFFFE000  }
.Ltmp1:
0x80: {  	[bflag:$0x0] =	sbarrier.arrive $0xFFFF;
	(pc) =	sbr.rel @p0 .LBB2_1-.Ltmp1, $4  }
0x81: {  	[hbm:s6], [sflag:s5] =	dma.local [spmem:s10], $0x3100  }
0x82: {  	_ =	swait.ge [sflag:s11], $0x3100  }
0x83: {  	[sflag:s11] =	ssyncset.done $0x0  }
0x84: {  	[sflag:s11] =	ssyncadd.s32 $0xFFFFCF00  }
0x85: {  	_ =	sfence.sel $0x180000  }
0x86: {  	[bflag:$0x0] =	sbarrier.arrive $0xFFFF  }
0x87: {  	p0 =	sne.s32 s1, $0x0;
	_ =	strace $0x9000004D  }
0x88: {  	s0 =	sadd.s32 @!p0 $0x100000, s0;
	[bflag:$0x2] =	sbarrier.arrive $0xFFFF  }
0x89: {  	[sflag:s0] =	ssyncadd.tile.s32 @!p0 $0x1;
	_ =	shalt  }
.Lfunc_end2:
_tile_overlayer_lowered:
.L_overlay_start_2:
0x8a: {  	(tag) =	ssettag $0x2  }
0x8b: {  	s0 =	rddreg [dreg:$0x0];
	s2 =	stileid.u32  }
0x8c: {  	s1 =	rddreg [dreg:$0x1];
	p0 =	sne.s32 s2, $0x0  }
0x8d: {  	s3 =	rddreg [dreg:$0x2];
	[bflag:$0x3] =	sbarrier.arrive $0xFFFF;
	s2 =	simm.s32 @!p0 $0x1C03  }
0x8e: {  	[timem:s3], [sflag:s2] =	dma.local @!p0 [hbm:s0], s1  }
0x8f: {  	s0 =	simm.s32 @!p0 $0x3  }
0x90: {  	_ =	swait.ge @!p0 [sflag:s0], s1  }
0x91: {  	s1 =	ssub.s32 @!p0 $0x0, s1;
	[sflag:s0] =	ssyncset.done @!p0 $0x0  }
0x92: {  	[sflag:s0] =	ssyncadd.s32 @!p0 s1  }
0x93: {  	[bflag:$0x3] =	sbarrier.arrive $0xFFFF  }
0x94: {  	_ =	shalt  }

// kernel: kernel.23.cloned.1.call-start
scs
__scs_entry_jumppad:
0x0: {  	(pc) =	sbr.rel $0x88, $3  }
0x1: {  	(tag) =	ssettag $0x0;
	lr =	simm.s32 $0x1  }
0x2: {  	[smem:$0x3F83] =	sst lr;
	_ =	strace $0xD0000000  }
0x3: {  	_ = 	snop  }
0x4: {  	_ = 	snop  }
0x5: {  	_ = 	snop  }
0x6: {  	_ = 	snop  }
0x7: {  	_ = 	snop  }
__scs_overlays_trampoline_lowered:
0x8: {  	[smem:$0x3F92] =	sst s0  }
0x9: {  	[smem:$0x3F93] =	sst s1  }
0xa: {  	[smem:$0x3F94] =	sst s2  }
0xb: {  	[smem:$0x3F95] =	sst s3  }
0xc: {  	[smem:$0x3F96] =	sst s4  }
0xd: {  	[smem:$0x3F97] =	sst s5  }
0xe: {  	[smem:$0x3F98] =	sst s6  }
0xf: {  	[smem:$0x3F99] =	sst s7  }
0x10: {  	[smem:$0x3F9A] =	sst s8  }
0x11: {  	[smem:$0x3F9B] =	sst s9;
	s0 =	simm.s32 @!p0 $0x0  }
0x12: {  	s1 =	sld [smem:$0x3F81];
	s0 =	simm.s32 @p0 $0x1  }
0x13: {  	[smem:$0x3F9C] =	sst s0;
	s0 =	simm.s32 @!p1 $0x0  }
0x14: {  	s2 =	sld [smem:$0x3F80];
	s0 =	simm.s32 @p1 $0x1  }
0x15: {  	[smem:$0x3F9D] =	sst s0;
	s0 =	simm.s32 @!p2 $0x0  }
0x16: {  	s3 =	sld [smem:$0x3FDB];
	s0 =	simm.s32 @p2 $0x1  }
0x17: {  	s4 =	simm.s32 $0x1BF5;
	[smem:$0x3F9F] =	sst s0  }
0x18: {  	s0 =	sld [smem:$0x3F82];
	_ =	swait.ge [sflag:s4], $0x0  }
0x19: {  	s7 =	sld [smem:$0x3F83]  }
0x1a: {  	s8 =	sadd.s32 $0xFFFFE003, lr  }
0x1b: {  	s9 =	sadd.s32 $0xFFFFFEF7, lr;
	s5 =	simm.s32 $0xFFFFFFFF;
	p2 =	slt.u32 s8, $0xFFFFF086  }
0x1c: {  	p1 =	slt.u32 s9, $0xF7A;
	s5 =	simm.s32 @!p2 $0x0  }
0x1d: {  	s5 =	simm.s32 @p1 $0x1;
	p0 =	seq.s32 s7, s2  }
0x1e: {  	s7 =	smul.u32 @!p0 $0xF7A, s2;
	p2 =	seq.s32 @!p0 s5, $0x0  }
0x1f: {  	s9 =	smul.u32 $0xF7A, s1;
	s8 =	simm.s32 @!p0 $0x1BF5;
	p2 =	por !p2, p0  }
0x20: {  	[sflag:s8] =	ssyncset.s32 @!p0 $0xFFFFF086;
	s6 =	sadd.s32 @!p0 s3, s7;
	s7 =	simm.s32 @!p0 $0x108  }
0x21: {  	s3 =	sadd.s32 s3, s9;
	s6 =	sadd.s32 @!p0 $0x88, s6;
	s7 =	simm.s32 @p2 $0x1082  }
0x22: {  	[simem:s7], [sflag:s8] =	dma.local @!p0 [hbm:s6], $0xF7A  }
0x23: {  	s9 =	sor.u32 $0xD0000000, s2;
	s6 =	simm.s32 $0x108;
	_ =	swait.ge @!p0 [sflag:s8], $0x0  }
0x24: {  	s3 =	sadd.s32 $0x88, s3;
	s6 =	simm.s32 @!p1 $0x1082;
	[sflag:s4] =	ssyncset.s32 $0xFFFFF086  }
0x25: {  	[simem:s6], [sflag:s4] =	dma.local [hbm:s3], $0xF7A  }
0x26: {  	[smem:$0x3F83] =	sst s1;
	(tag) =	ssettag s2;
	_ =	strace s9  }
0x27: {  	s1 =	sld [smem:$0x3F93]  }
0x28: {  	s2 =	sld [smem:$0x3F94]  }
0x29: {  	s4 =	sld [smem:$0x3F96]  }
0x2a: {  	p0 =	seq.s32 s5, $0x0;
	s5 =	sld [smem:$0x3F97]  }
0x2b: {  	s6 =	sld [smem:$0x3F98]  }
0x2c: {  	s7 =	sld [smem:$0x3F99]  }
0x2d: {  	s3 =	simm.s32 $0x108;
	s8 =	sld [smem:$0x3F9A]  }
0x2e: {  	s3 =	simm.s32 @!p0 $0x1082;
	s9 =	sld [smem:$0x3F9B]  }
0x2f: {  	lr =	sadd.s32 s0, s3;
	s0 =	sld [smem:$0x3F92]  }
0x30: {  	s3 =	sld [smem:$0x3F95]  }
0x31: {  	[smem:$0x3F9E] =	sst s10  }
0x32: {  	s10 =	sld [smem:$0x3F9C];
	_ =	sdelay $0x3  }
0x33: {  	p0 =	seq.s32 s10, $0x1;
	s10 =	sld [smem:$0x3F9E];
	_ =	sdelay $0x3  }
0x34: {  	[smem:$0x3F9E] =	sst s10  }
0x35: {  	s10 =	sld [smem:$0x3F9D];
	_ =	sdelay $0x3  }
0x36: {  	p1 =	seq.s32 s10, $0x1;
	s10 =	sld [smem:$0x3F9E];
	_ =	sdelay $0x3  }
0x37: {  	[smem:$0x3F9E] =	sst s10  }
0x38: {  	s10 =	sld [smem:$0x3F9F]  }
0x39: {  	_ = 	snop;
	(pc) =	sbr.ind lr, $3  }
0x3a: {  	_ = 	snop  }
0x3b: {  	_ = 	snop  }
0x3c: {  	p2 =	seq.s32 s10, $0x1;
	s10 =	sld [smem:$0x3F9E]  }
0x3d: {  	_ =	shalt  }
0x3e: {  	_ =	shalt  }
0x3f: {  	_ =	shalt  }
0x40: {  	_ =	shalt  }
0x41: {  	_ =	shalt  }
0x42: {  	_ =	shalt  }
0x43: {  	_ =	shalt  }
0x44: {  	_ =	shalt  }
0x45: {  	_ =	shalt  }
0x46: {  	_ =	shalt  }
0x47: {  	_ =	shalt  }
0x48: {  	_ =	shalt  }
0x49: {  	_ =	shalt  }
0x4a: {  	_ =	shalt  }
0x4b: {  	_ =	shalt  }
0x4c: {  	_ =	shalt  }
0x4d: {  	_ =	shalt  }
0x4e: {  	_ =	shalt  }
0x4f: {  	_ =	shalt  }
0x50: {  	_ =	shalt  }
0x51: {  	_ =	shalt  }
0x52: {  	_ =	shalt  }
0x53: {  	_ =	shalt  }
0x54: {  	_ =	shalt  }
0x55: {  	_ =	shalt  }
0x56: {  	_ =	shalt  }
0x57: {  	_ =	shalt  }
0x58: {  	_ =	shalt  }
0x59: {  	_ =	shalt  }
0x5a: {  	_ =	shalt  }
0x5b: {  	_ =	shalt  }
0x5c: {  	_ =	shalt  }
0x5d: {  	_ =	shalt  }
0x5e: {  	_ =	shalt  }
0x5f: {  	_ =	shalt  }
0x60: {  	_ =	shalt  }
0x61: {  	_ =	shalt  }
0x62: {  	_ =	shalt  }
0x63: {  	_ =	shalt  }
0x64: {  	_ =	shalt  }
0x65: {  	_ =	shalt  }
0x66: {  	_ =	shalt  }
0x67: {  	_ =	shalt  }
0x68: {  	_ =	shalt  }
0x69: {  	_ =	shalt  }
0x6a: {  	_ =	shalt  }
0x6b: {  	_ =	shalt  }
0x6c: {  	_ =	shalt  }
0x6d: {  	_ =	shalt  }
0x6e: {  	_ =	shalt  }
0x6f: {  	_ =	shalt  }
0x70: {  	_ =	shalt  }
0x71: {  	_ =	shalt  }
0x72: {  	_ =	shalt  }
0x73: {  	_ =	shalt  }
0x74: {  	_ =	shalt  }
0x75: {  	_ =	shalt  }
0x76: {  	_ =	shalt  }
0x77: {  	_ =	shalt  }
0x78: {  	_ =	shalt  }
0x79: {  	_ =	shalt  }
0x7a: {  	_ =	shalt  }
0x7b: {  	_ =	shalt  }
0x7c: {  	_ =	shalt  }
0x7d: {  	_ =	shalt  }
0x7e: {  	_ =	shalt  }
0x7f: {  	_ =	shalt  }
0x80: {  	_ =	shalt  }
0x81: {  	_ =	shalt  }
0x82: {  	_ =	shalt  }
0x83: {  	_ =	shalt  }
0x84: {  	_ =	shalt  }
0x85: {  	_ =	shalt  }
0x86: {  	_ =	shalt  }
0x87: {  	_ =	shalt  }
.Lfunc_end0:
.L_simem_size_0:
called_computation.3_lowered:
.L_overlay_start_0:
0x88: {  	s2 =	sld [smem:$0x3FD9]  }
0x89: {  	s3 =	sld [smem:$0x3FFE];
	_ =	sdelay $0x1  }
0x8a: {  	s1 =	srdreg.scid  }
0x8b: {  	s0 =	sand.u32 $0x1, s1  }
0x8c: {  	s16 =	sshll.u32 s0, $0xA;
	s2 =	sadd.s32 s3, s2  }
0x8d: {  	s2 =	sadd.s32 s2, s16  }
0x8e: {  	[smem:$0x3FAA] =	sst s2  }
0x8f: {  	_ = 	snop  }
0x90: {  	(tm) =	ssettm $0x1  }
0x91: {  	s17 =	sld [smem:$0x3FFB];
	_ =	sdelay $0x3  }
0x92: {  	_ =	strace s17  }
0x93: {  	s2 =	sld [smem:$0x3FFC];
	_ =	sdelay $0x3  }
0x94: {  	_ =	strace s2  }
0x95: {  	s2 =	sld [smem:$0x3FFD];
	_ =	sdelay $0x3  }
0x96: {  	_ =	strace s2  }
0x97: {  	_ =	strace $0x8FFFFFFF  }
0x98: {  	s18 =	sld [smem:$0x3FDB];
	_ =	sdelay $0x1  }
0x99: {  	s19 =	simm.s32 $_scs_section_size  }
0x9a: {  	s4 =	simm.s32 $_size__tile_overlayer_lowered;
	s5 =	simm.s32 $_tile_overlayer_lowered  }
0x9b: {  	s22 =	simm.s32 $0x1BFF;
	s21 =	sshll.u32 s5, $0x1;
	s2 =	sadd.s32 s19, s18  }
0x9c: {  	s6 =	simm.s32 $0x0;
	s20 =	sshll.u32 s4, $0x1;
	s4 =	sadd.s32 s21, s2  }
0x9d: {  	[timem:s6], [sflag:s22] =	dma.local [hbm:s4], s20  }
0x9e: {  	_ =	swait.ge [sflag:s22], s20  }
0x9f: {  	s3 =	ssub.s32 $0x0, s20;
	[sflag:s22] =	ssyncset.done $0x0  }
0xa0: {  	[sflag:s22] =	ssyncadd.s32 s3;
	_ =	sdelay $0x1  }
0xa1: {  	s23 =	simm.s32 $0x1B8B  }
0xa2: {  	_ =	swait.ge [sflag:s23], $0x1  }
0xa3: {  	[sflag:s23] =	ssyncset.done $0x0  }
0xa4: {  	s25 =	simm.s32 $0x1B8E;
	s24 =	sld [smem:$0x3FFE];
	[sflag:s23] =	ssyncadd.s32 $0xFFFFFFFF  }
0xa5: {  	s26 =	simm.s32 $execute0_lowered;
	[smem:$0x3FD2] =	sst s25  }
0xa6: {  	s4 =	sshll.u32 s26, $0x1;
	_ =	strace $0x8000004F;
	[dreg:$0x1] =	wrdreg $0xFFFFFFFF  }
0xa7: {  	s28 =	simm.s32 $_size_execute0_lowered;
	s2 =	sadd.s32 s2, s4;
	[dreg:$0x0] =	wrdreg $0x0  }
0xa8: {  	s4 =	sshll.u32 s28, $0x1;
	[dreg:$0x2] =	wrdreg s2  }
0xa9: {  	[dreg:$0x3] =	wrdreg s4  }
0xaa: {  	[dreg:$0x4] =	wrdreg $0xC0  }
0xab: {  	_ =	task [dreg:s6], $0x5FFFF  }
0xac: {  	[dreg:$0x1] =	wrdreg $0xFFFFFFFF  }
0xad: {  	[dreg:$0x0] =	wrdreg $0x60  }
0xae: {  	[dreg:$0x2] =	wrdreg s24  }
0xaf: {  	[dreg:$0x3] =	wrdreg $0x9  }
0xb0: {  	_ =	task.clear_ibuf [dreg:s6], $0x4FFFF;
	_ =	strace $0x9000004F  }
0xb1: {  	s29 =	simm.s32 $0x9;
	_ =	strace $0x80000051  }
0xb2: {  	_ =	swait.ge [sflag:s29], $0x1  }
0xb3: {  	[sflag:s29] =	ssyncadd.s32 $0xFFFFFFFF  }
0xb4: {  	_ =	strace $0x90000051  }
0xb5: {  	_ =	sfence  }
0xb6: {  	s30 =	sld [smem:$0x0];
	_ =	sdelay $0x2  }
0xb7: {  	s31 =	sshll.u32 s1, $0xD;
	s1 =	sshrl.u32 s1, $0x2  }
0xb8: {  	s3 =	sand.u32 $0x4000, s31;
	s1 =	sadd.s32 s1, s30  }
0xb9: {  	s0 =	sor.u32 s3, s0;
	s1 =	sshll.u32 s1, $0x11  }
0xba: {  	s0 =	sor.u32 s1, s0  }
0xbb: {  	s0 =	sadd.s32 $0x8F2B, s0  }
0xbc: {  	[sflag:s0] =	ssyncadd.remote.s32 $0x1  }
0xbd: {  	_ =	sfence.sel $0xFFFF  }
0xbe: {  	[dreg:$0x0] =	wrdreg $0xFFFFFFFF;
	(pc) =	sbr.abs _section_cstart, $3  }
0xbf: {  	[dreg:$0x1] =	wrdreg $0xFFFFFFFF  }
0xc0: {  	_ =	task.clear_ibuf [dreg:s6], $0x2FFFF;
	_ =	strace $0x9FFFFFFF  }
0xc1: {  	(tm) =	ssettm $0x7FFFFFFF  }
tec
execute0_lowered:
.L_overlay_start_1:
0x0: {  	(tag) =	ssettag $0x1  }
0x1: {  	s6 =	rddreg [dreg:$0x0]  }
0x2: {  	s0 =	rddreg [dreg:$0x1];
	s2 =	simm.s32 $0x0  }
0x3: {  	s1 =	stileid.u32;
	s3 =	srdreg.scid;
	s14 =	simm.s32 $0x80  }
0x4: {  	s15 =	simm.s32 $0x200;
	s16 =	simm.s32 $0x8200;
	s17 =	simm.s32 $0x180  }
0x5: {  	s18 =	simm.s32 $0x4200;
	s19 =	simm.s32 $0xC200;
	s20 =	simm.s32 $0x1  }
0x6: {  	s21 =	simm.s32 $0x2;
	s22 =	simm.s32 $0x0;
	[smem:$0x7FF] =	sst s2  }
0x7: {  	s7 =	smul.u32 $0xC4000, s1;
	s8 =	sand.u32 $0x1, s3;
	s3 =	sadd.s32 $0x9600, s6  }
0x8: {  	s4 =	sadd.s32 $0x12F600, s6;
	s5 =	sadd.s32 $0x6B600, s6;
	s11 =	smul.u32 $0xC400, s1  }
0x9: {  	_ =	strace $0x80000050;
	s9 =	smul.u32 $0x62000, s8;
	s10 =	ssub.s32 $0x2, s8  }
0xa: {  	s13 =	smul.u32 $0x6200, s8;
	s7 =	sadd.s32 s7, s6;
	s12 =	sshrl.u32 s10, $0x1  }
0xb: {  	s6 =	sadd.s32 $0x20BE00, s6;
	s31 =	ssub.s32 s10, s12;
	s9 =	sadd.s32 s9, s7  }
0xc: {  	s11 =	sadd.s32 s13, s11;
	s12 =	simm.s32 $0x3;
	s13 =	simm.s32 $0x100  }
0xd: {  	s7 =	smax.u32 s31, $0x1;
	s10 =	sshrl.u32 s11, $0x3;
	s11 =	sor.u32 $0x80, s11  }
0xe: {  	s8 =	sadd.s32 $0xCA1600, s9;
	s9 =	sadd.s32 $0x18E1600, s9;
	s11 =	sshrl.u32 s11, $0x3  }
.LBB2_1:
0xf: {  	s23 =	sadd.s32 s3, s10  }
0x10: {  	[tilespmem:s2], [sflag:$0x3] =	stream.linear.gather [hbm4b:s23+s2], $0x80, $0x38;
	[tilespmem:$0x10200] =	vst v63  }
0x11: {  	_ =	swait.ge [sflag:s12], $0x80  }
0x12: {  	[sflag:s12] =	ssyncset.done $0x0  }
0x13: {  	s26 =	sadd.s32 s4, s10;
	[sflag:s12] =	ssyncadd.s32 $0xFFFFFF80  }
0x14: {  	[tilespmem:s13], [sflag:$0x3] =	stream.linear.gather [hbm4b:s26+s2], $0x80, $0x38;
	[tilespmem:$0x10200] =	vst v63  }
0x15: {  	_ =	swait.ge [sflag:s12], $0x80  }
0x16: {  	[sflag:s12] =	ssyncset.done $0x0  }
0x17: {  	[sflag:s12] =	ssyncadd.s32 $0xFFFFFF80  }
0x18: {  	[tilespmem:s15], [sflag:$0x1] =	stream.indirect.gather [hbm4b:s5+s14], $0x80, s2, s14, $0xb8;
	[tilespmem:$0x10200] =	vst v63  }
0x19: {  	_ = 	snop  }
0x1a: {  	[tilespmem:s16], [sflag:$0x2] =	stream.indirect.gather [hbm4b:s6+s14], $0x80, s13, s14, $0xb8;
	[tilespmem:$0x10200] =	vst v63  }
0x1b: {  	s28 =	sadd.s32 s3, s11  }
0x1c: {  	[tilespmem:s14], [sflag:$0x3] =	stream.linear.gather [hbm4b:s28+s2], $0x80, $0x38;
	[tilespmem:$0x10200] =	vst v63  }
0x1d: {  	_ =	swait.ge [sflag:s12], $0x80  }
0x1e: {  	[sflag:s12] =	ssyncset.done $0x0  }
0x1f: {  	s29 =	sadd.s32 s4, s11;
	[sflag:s12] =	ssyncadd.s32 $0xFFFFFF80  }
0x20: {  	[tilespmem:s17], [sflag:$0x3] =	stream.linear.gather [hbm4b:s29+s2], $0x80, $0x38;
	[tilespmem:$0x10200] =	vst v63  }
0x21: {  	_ =	swait.ge [sflag:s12], $0x80  }
0x22: {  	[sflag:s12] =	ssyncset.done $0x0  }
0x23: {  	[sflag:s12] =	ssyncadd.s32 $0xFFFFFF80  }
0x24: {  	[tilespmem:s18], [sflag:$0x1] =	stream.indirect.gather [hbm4b:s5+s14], $0x80, s14, s14, $0xb8;
	[tilespmem:$0x10200] =	vst v63  }
0x25: {  	_ = 	snop  }
0x26: {  	[tilespmem:s19], [sflag:$0x2] =	stream.indirect.gather [hbm4b:s6+s14], $0x80, s17, s14, $0xb8;
	[tilespmem:$0x10200] =	vst v63  }
0x27: {  	_ =	swait.ge [sflag:s20], $0x4000  }
0x28: {  	[sflag:s20] =	ssyncset.done $0x0  }
0x29: {  	[sflag:s20] =	ssyncadd.s32 $0xFFFFC000  }
0x2a: {  	_ =	swait.ge [sflag:s21], $0x4000  }
0x2b: {  	[sflag:s21] =	ssyncset.done $0x0  }
0x2c: {  	s30 =	sadd.s32 $0x0, s8;
	[sflag:s21] =	ssyncadd.s32 $0xFFFFC000  }
0x2d: {  	[hbm4b:s30+s2] =	stream.linear.scatter [tilespmem:s15], [sflag:$0x3], $0x4000, $0x38;
	[tilespmem:$0x10200] =	vst v63  }
0x2e: {  	_ =	swait.ge [sflag:s12], $0x4000  }
0x2f: {  	[sflag:s12] =	ssyncset.done $0x0  }
0x30: {  	s24 =	sadd.s32 $0x0, s9;
	[sflag:s12] =	ssyncadd.s32 $0xFFFFC000  }
0x31: {  	[hbm4b:s24+s2] =	stream.linear.scatter [tilespmem:s16], [sflag:$0x3], $0x4000, $0x38;
	[tilespmem:$0x10200] =	vst v63  }
0x32: {  	_ =	swait.ge [sflag:s12], $0x4000  }
0x33: {  	[sflag:s12] =	ssyncset.done $0x0  }
0x34: {  	[sflag:s12] =	ssyncadd.s32 $0xFFFFC000  }
0x35: {  	_ =	swait.ge [sflag:s20], $0x4000  }
0x36: {  	[sflag:s20] =	ssyncset.done $0x0  }
0x37: {  	[sflag:s20] =	ssyncadd.s32 $0xFFFFC000  }
0x38: {  	_ =	swait.ge [sflag:s21], $0x4000  }
0x39: {  	[sflag:s21] =	ssyncset.done $0x0  }
0x3a: {  	s23 =	sadd.s32 $0x800, s30;
	[sflag:s21] =	ssyncadd.s32 $0xFFFFC000  }
0x3b: {  	[hbm4b:s23+s2] =	stream.linear.scatter [tilespmem:s18], [sflag:$0x3], $0x4000, $0x38;
	[tilespmem:$0x10200] =	vst v63  }
0x3c: {  	_ =	swait.ge [sflag:s12], $0x4000  }
0x3d: {  	[sflag:s12] =	ssyncset.done $0x0  }
0x3e: {  	s31 =	sadd.s32 $0x800, s24;
	[sflag:s12] =	ssyncadd.s32 $0xFFFFC000  }
0x3f: {  	[hbm4b:s31+s2] =	stream.linear.scatter [tilespmem:s19], [sflag:$0x3], $0x4000, $0x38;
	[tilespmem:$0x10200] =	vst v63  }
0x40: {  	s25 =	smov.u32 s4;
	s26 =	simm.s32 $0x2000;
	_ =	swait.ge [sflag:s12], $0x4000  }
0x41: {  	s24 =	sadd.s32 $0x20, s3;
	s23 =	simm.s32 $0x1000;
	[sflag:s12] =	ssyncset.done $0x0  }
.LBB2_2:
0x42: {  	s29 =	sadd.s32 s24, s10  }
0x43: {  	[sflag:s12] =	ssyncadd.s32 $0xFFFFC000;
	s25 =	sadd.s32 $0x20, s25;
	s28 =	smov.u32 s26  }
0x44: {  	[tilespmem:s2], [sflag:$0x3] =	stream.linear.gather [hbm4b:s29+s2], $0x80, $0x38;
	[tilespmem:$0x10200] =	vst v63  }
0x45: {  	p0 =	sne.s32 s26, $0x61000;
	s26 =	sadd.s32 $0x1000, s26;
	_ =	swait.ge [sflag:s12], $0x80  }
0x46: {  	[sflag:s12] =	ssyncset.done $0x0  }
0x47: {  	s29 =	sadd.s32 s25, s10;
	[sflag:s12] =	ssyncadd.s32 $0xFFFFFF80  }
0x48: {  	[tilespmem:s13], [sflag:$0x3] =	stream.linear.gather [hbm4b:s29+s2], $0x80, $0x38;
	[tilespmem:$0x10200] =	vst v63  }
0x49: {  	_ =	swait.ge [sflag:s12], $0x80  }
0x4a: {  	[sflag:s12] =	ssyncset.done $0x0  }
0x4b: {  	[sflag:s12] =	ssyncadd.s32 $0xFFFFFF80  }
0x4c: {  	[tilespmem:s15], [sflag:$0x1] =	stream.indirect.gather [hbm4b:s5+s14], $0x80, s2, s14, $0xb8;
	[tilespmem:$0x10200] =	vst v63  }
0x4d: {  	_ = 	snop  }
0x4e: {  	[tilespmem:s16], [sflag:$0x2] =	stream.indirect.gather [hbm4b:s6+s14], $0x80, s13, s14, $0xb8;
	[tilespmem:$0x10200] =	vst v63  }
0x4f: {  	s29 =	sadd.s32 s24, s11  }
0x50: {  	[tilespmem:s14], [sflag:$0x3] =	stream.linear.gather [hbm4b:s29+s2], $0x80, $0x38;
	[tilespmem:$0x10200] =	vst v63  }
0x51: {  	_ =	swait.ge [sflag:s12], $0x80  }
0x52: {  	[sflag:s12] =	ssyncset.done $0x0  }
0x53: {  	s29 =	sadd.s32 s25, s11;
	[sflag:s12] =	ssyncadd.s32 $0xFFFFFF80  }
0x54: {  	[tilespmem:s17], [sflag:$0x3] =	stream.linear.gather [hbm4b:s29+s2], $0x80, $0x38;
	[tilespmem:$0x10200] =	vst v63  }
0x55: {  	_ =	swait.ge [sflag:s12], $0x80  }
0x56: {  	[sflag:s12] =	ssyncset.done $0x0  }
0x57: {  	[sflag:s12] =	ssyncadd.s32 $0xFFFFFF80  }
0x58: {  	[tilespmem:s18], [sflag:$0x1] =	stream.indirect.gather [hbm4b:s5+s14], $0x80, s14, s14, $0xb8;
	[tilespmem:$0x10200] =	vst v63  }
0x59: {  	_ = 	snop  }
0x5a: {  	[tilespmem:s19], [sflag:$0x2] =	stream.indirect.gather [hbm4b:s6+s14], $0x80, s17, s14, $0xb8;
	[tilespmem:$0x10200] =	vst v63  }
0x5b: {  	_ =	swait.ge [sflag:s20], $0x4000  }
0x5c: {  	[sflag:s20] =	ssyncset.done $0x0  }
0x5d: {  	[sflag:s20] =	ssyncadd.s32 $0xFFFFC000  }
0x5e: {  	_ =	swait.ge [sflag:s21], $0x4000  }
0x5f: {  	[sflag:s21] =	ssyncset.done $0x0  }
0x60: {  	s29 =	sadd.s32 s23, s8;
	[sflag:s21] =	ssyncadd.s32 $0xFFFFC000  }
0x61: {  	[hbm4b:s29+s2] =	stream.linear.scatter [tilespmem:s15], [sflag:$0x3], $0x4000, $0x38;
	[tilespmem:$0x10200] =	vst v63  }
0x62: {  	_ =	swait.ge [sflag:s12], $0x4000  }
0x63: {  	[sflag:s12] =	ssyncset.done $0x0  }
0x64: {  	s30 =	sadd.s32 s23, s9;
	s23 =	smov.u32 s28;
	[sflag:s12] =	ssyncadd.s32 $0xFFFFC000  }
0x65: {  	[hbm4b:s30+s2] =	stream.linear.scatter [tilespmem:s16], [sflag:$0x3], $0x4000, $0x38;
	[tilespmem:$0x10200] =	vst v63  }
0x66: {  	_ =	swait.ge [sflag:s12], $0x4000  }
0x67: {  	[sflag:s12] =	ssyncset.done $0x0  }
0x68: {  	[sflag:s12] =	ssyncadd.s32 $0xFFFFC000  }
0x69: {  	_ =	swait.ge [sflag:s20], $0x4000  }
0x6a: {  	[sflag:s20] =	ssyncset.done $0x0  }
0x6b: {  	[sflag:s20] =	ssyncadd.s32 $0xFFFFC000  }
0x6c: {  	_ =	swait.ge [sflag:s21], $0x4000  }
0x6d: {  	[sflag:s21] =	ssyncset.done $0x0  }
0x6e: {  	s28 =	sadd.s32 $0x800, s29;
	[sflag:s21] =	ssyncadd.s32 $0xFFFFC000  }
0x6f: {  	[hbm4b:s28+s2] =	stream.linear.scatter [tilespmem:s18], [sflag:$0x3], $0x4000, $0x38;
	[tilespmem:$0x10200] =	vst v63  }
0x70: {  	_ =	swait.ge [sflag:s12], $0x4000  }
.Ltmp0:
0x71: {  	[sflag:s12] =	ssyncset.done $0x0;
	(pc) =	sbr.rel @p0 .LBB2_2-.Ltmp0, $4  }
0x72: {  	s28 =	sadd.s32 $0x800, s30;
	[sflag:s12] =	ssyncadd.s32 $0xFFFFC000  }
0x73: {  	[hbm4b:s28+s2] =	stream.linear.scatter [tilespmem:s19], [sflag:$0x3], $0x4000, $0x38;
	[tilespmem:$0x10200] =	vst v63  }
0x74: {  	_ =	swait.ge [sflag:s12], $0x4000  }
0x75: {  	s24 =	sadd.s32 $0x20, s24;
	[sflag:s12] =	ssyncset.done $0x0  }
0x76: {  	s26 =	sadd.s32 s24, s10;
	[sflag:s12] =	ssyncadd.s32 $0xFFFFC000  }
0x77: {  	[tilespmem:s2], [sflag:$0x3] =	stream.linear.gather [hbm4b:s26+s2], $0x80, $0x38;
	[tilespmem:$0x10200] =	vst v63  }
0x78: {  	_ =	swait.ge [sflag:s12], $0x80  }
0x79: {  	s25 =	sadd.s32 $0x20, s25;
	[sflag:s12] =	ssyncset.done $0x0  }
0x7a: {  	s31 =	sadd.s32 s25, s10;
	[sflag:s12] =	ssyncadd.s32 $0xFFFFFF80  }
0x7b: {  	[tilespmem:s13], [sflag:$0x3] =	stream.linear.gather [hbm4b:s31+s2], $0x80, $0x38;
	[tilespmem:$0x10200] =	vst v63  }
0x7c: {  	_ =	swait.ge [sflag:s12], $0x80  }
0x7d: {  	[sflag:s12] =	ssyncset.done $0x0  }
0x7e: {  	[sflag:s12] =	ssyncadd.s32 $0xFFFFFF80  }
0x7f: {  	[tilespmem:s15], [sflag:$0x1] =	stream.indirect.gather [hbm4b:s5+s14], $0x80, s2, s14, $0xb8;
	[tilespmem:$0x10200] =	vst v63  }
0x80: {  	_ = 	snop  }
0x81: {  	[tilespmem:s16], [sflag:$0x2] =	stream.indirect.gather [hbm4b:s6+s14], $0x80, s13, s14, $0xb8;
	[tilespmem:$0x10200] =	vst v63  }
0x82: {  	s28 =	sadd.s32 s24, s11  }
0x83: {  	[tilespmem:s14], [sflag:$0x3] =	stream.linear.gather [hbm4b:s28+s2], $0x80, $0x38;
	[tilespmem:$0x10200] =	vst v63  }
0x84: {  	_ =	swait.ge [sflag:s12], $0x80  }
0x85: {  	[sflag:s12] =	ssyncset.done $0x0  }
0x86: {  	s29 =	sadd.s32 s25, s11;
	[sflag:s12] =	ssyncadd.s32 $0xFFFFFF80  }
0x87: {  	[tilespmem:s17], [sflag:$0x3] =	stream.linear.gather [hbm4b:s29+s2], $0x80, $0x38;
	[tilespmem:$0x10200] =	vst v63  }
0x88: {  	_ =	swait.ge [sflag:s12], $0x80  }
0x89: {  	[sflag:s12] =	ssyncset.done $0x0  }
0x8a: {  	[sflag:s12] =	ssyncadd.s32 $0xFFFFFF80  }
0x8b: {  	[tilespmem:s18], [sflag:$0x1] =	stream.indirect.gather [hbm4b:s5+s14], $0x80, s14, s14, $0xb8;
	[tilespmem:$0x10200] =	vst v63  }
0x8c: {  	_ = 	snop  }
0x8d: {  	[tilespmem:s19], [sflag:$0x2] =	stream.indirect.gather [hbm4b:s6+s14], $0x80, s17, s14, $0xb8;
	[tilespmem:$0x10200] =	vst v63  }
0x8e: {  	_ =	swait.ge [sflag:s20], $0x4000  }
0x8f: {  	[sflag:s20] =	ssyncset.done $0x0  }
0x90: {  	[sflag:s20] =	ssyncadd.s32 $0xFFFFC000  }
0x91: {  	_ =	swait.ge [sflag:s21], $0x4000  }
0x92: {  	[sflag:s21] =	ssyncset.done $0x0  }
0x93: {  	s30 =	sadd.s32 s23, s8;
	[sflag:s21] =	ssyncadd.s32 $0xFFFFC000  }
0x94: {  	[hbm4b:s30+s2] =	stream.linear.scatter [tilespmem:s15], [sflag:$0x3], $0x4000, $0x38;
	[tilespmem:$0x10200] =	vst v63  }
0x95: {  	_ =	swait.ge [sflag:s12], $0x4000  }
0x96: {  	[sflag:s12] =	ssyncset.done $0x0  }
0x97: {  	s31 =	sadd.s32 s23, s9;
	[sflag:s12] =	ssyncadd.s32 $0xFFFFC000  }
0x98: {  	[hbm4b:s31+s2] =	stream.linear.scatter [tilespmem:s16], [sflag:$0x3], $0x4000, $0x38;
	[tilespmem:$0x10200] =	vst v63  }
0x99: {  	_ =	swait.ge [sflag:s12], $0x4000  }
0x9a: {  	[sflag:s12] =	ssyncset.done $0x0  }
0x9b: {  	[sflag:s12] =	ssyncadd.s32 $0xFFFFC000  }
0x9c: {  	_ =	swait.ge [sflag:s20], $0x4000  }
0x9d: {  	[sflag:s20] =	ssyncset.done $0x0  }
0x9e: {  	[sflag:s20] =	ssyncadd.s32 $0xFFFFC000  }
0x9f: {  	_ =	swait.ge [sflag:s21], $0x4000  }
0xa0: {  	[sflag:s21] =	ssyncset.done $0x0  }
0xa1: {  	s24 =	sadd.s32 $0x800, s30;
	[sflag:s21] =	ssyncadd.s32 $0xFFFFC000  }
0xa2: {  	[hbm4b:s24+s2] =	stream.linear.scatter [tilespmem:s18], [sflag:$0x3], $0x4000, $0x38;
	[tilespmem:$0x10200] =	vst v63  }
0xa3: {  	s22 =	sadd.s32 $0x1, s22;
	_ =	swait.ge [sflag:s12], $0x4000  }
0xa4: {  	p0 =	sne.s32 s22, s7;
	[sflag:s12] =	ssyncset.done $0x0  }
.Ltmp1:
0xa5: {  	s23 =	sadd.s32 $0x800, s31;
	[sflag:s12] =	ssyncadd.s32 $0xFFFFC000;
	(pc) =	sbr.rel @p0 .LBB2_1-.Ltmp1, $4  }
0xa6: {  	[hbm4b:s23+s2] =	stream.linear.scatter [tilespmem:s19], [sflag:$0x3], $0x4000, $0x38;
	[tilespmem:$0x10200] =	vst v63  }
0xa7: {  	_ =	swait.ge [sflag:s12], $0x4000  }
0xa8: {  	[sflag:s12] =	ssyncset.done $0x0  }
0xa9: {  	[sflag:s12] =	ssyncadd.s32 $0xFFFFC000  }
0xaa: {  	_ =	sfence.sel $0x180000  }
0xab: {  	[bflag:$0x0] =	sbarrier.arrive $0xFFFF  }
0xac: {  	p0 =	sne.s32 s1, $0x0;
	_ =	strace $0x90000050  }
0xad: {  	s0 =	sadd.s32 @!p0 $0x100000, s0;
	[bflag:$0x2] =	sbarrier.arrive $0xFFFF  }
0xae: {  	[sflag:s0] =	ssyncadd.tile.s32 @!p0 $0x1;
	_ =	shalt  }
.Lfunc_end2:
_tile_overlayer_lowered:
.L_overlay_start_2:
0xaf: {  	(tag) =	ssettag $0x2  }
0xb0: {  	s0 =	rddreg [dreg:$0x0];
	s2 =	stileid.u32  }
0xb1: {  	s1 =	rddreg [dreg:$0x1];
	p0 =	sne.s32 s2, $0x0  }
0xb2: {  	s3 =	rddreg [dreg:$0x2];
	[bflag:$0x3] =	sbarrier.arrive $0xFFFF;
	s2 =	simm.s32 @!p0 $0x1C03  }
0xb3: {  	[timem:s3], [sflag:s2] =	dma.local @!p0 [hbm:s0], s1  }
0xb4: {  	s0 =	simm.s32 @!p0 $0x3  }
0xb5: {  	_ =	swait.ge @!p0 [sflag:s0], s1  }
0xb6: {  	s1 =	ssub.s32 @!p0 $0x0, s1;
	[sflag:s0] =	ssyncset.done @!p0 $0x0  }
0xb7: {  	[sflag:s0] =	ssyncadd.s32 @!p0 s1  }
0xb8: {  	[bflag:$0x3] =	sbarrier.arrive $0xFFFF  }
0xb9: {  	_ =	shalt  }

// kernel: kernel.26.cloned.1.call-start
scs
__scs_entry_jumppad:
0x0: {  	(pc) =	sbr.rel $0x88, $3  }
0x1: {  	(tag) =	ssettag $0x0;
	lr =	simm.s32 $0x1  }
0x2: {  	[smem:$0x3F83] =	sst lr;
	_ =	strace $0xD0000000  }
0x3: {  	_ = 	snop  }
0x4: {  	_ = 	snop  }
0x5: {  	_ = 	snop  }
0x6: {  	_ = 	snop  }
0x7: {  	_ = 	snop  }
__scs_overlays_trampoline_lowered:
0x8: {  	[smem:$0x3F92] =	sst s0  }
0x9: {  	[smem:$0x3F93] =	sst s1  }
0xa: {  	[smem:$0x3F94] =	sst s2  }
0xb: {  	[smem:$0x3F95] =	sst s3  }
0xc: {  	[smem:$0x3F96] =	sst s4  }
0xd: {  	[smem:$0x3F97] =	sst s5  }
0xe: {  	[smem:$0x3F98] =	sst s6  }
0xf: {  	[smem:$0x3F99] =	sst s7  }
0x10: {  	[smem:$0x3F9A] =	sst s8  }
0x11: {  	[smem:$0x3F9B] =	sst s9;
	s0 =	simm.s32 @!p0 $0x0  }
0x12: {  	s1 =	sld [smem:$0x3F81];
	s0 =	simm.s32 @p0 $0x1  }
0x13: {  	[smem:$0x3F9C] =	sst s0;
	s0 =	simm.s32 @!p1 $0x0  }
0x14: {  	s2 =	sld [smem:$0x3F80];
	s0 =	simm.s32 @p1 $0x1  }
0x15: {  	[smem:$0x3F9D] =	sst s0;
	s0 =	simm.s32 @!p2 $0x0  }
0x16: {  	s3 =	sld [smem:$0x3FDB];
	s0 =	simm.s32 @p2 $0x1  }
0x17: {  	s4 =	simm.s32 $0x1BF5;
	[smem:$0x3F9F] =	sst s0  }
0x18: {  	s0 =	sld [smem:$0x3F82];
	_ =	swait.ge [sflag:s4], $0x0  }
0x19: {  	s7 =	sld [smem:$0x3F83]  }
0x1a: {  	s8 =	sadd.s32 $0xFFFFE003, lr  }
0x1b: {  	s9 =	sadd.s32 $0xFFFFFEF7, lr;
	s5 =	simm.s32 $0xFFFFFFFF;
	p2 =	slt.u32 s8, $0xFFFFF086  }
0x1c: {  	p1 =	slt.u32 s9, $0xF7A;
	s5 =	simm.s32 @!p2 $0x0  }
0x1d: {  	s5 =	simm.s32 @p1 $0x1;
	p0 =	seq.s32 s7, s2  }
0x1e: {  	s7 =	smul.u32 @!p0 $0xF7A, s2;
	p2 =	seq.s32 @!p0 s5, $0x0  }
0x1f: {  	s9 =	smul.u32 $0xF7A, s1;
	s8 =	simm.s32 @!p0 $0x1BF5;
	p2 =	por !p2, p0  }
0x20: {  	[sflag:s8] =	ssyncset.s32 @!p0 $0xFFFFF086;
	s6 =	sadd.s32 @!p0 s3, s7;
	s7 =	simm.s32 @!p0 $0x108  }
0x21: {  	s3 =	sadd.s32 s3, s9;
	s6 =	sadd.s32 @!p0 $0x88, s6;
	s7 =	simm.s32 @p2 $0x1082  }
0x22: {  	[simem:s7], [sflag:s8] =	dma.local @!p0 [hbm:s6], $0xF7A  }
0x23: {  	s9 =	sor.u32 $0xD0000000, s2;
	s6 =	simm.s32 $0x108;
	_ =	swait.ge @!p0 [sflag:s8], $0x0  }
0x24: {  	s3 =	sadd.s32 $0x88, s3;
	s6 =	simm.s32 @!p1 $0x1082;
	[sflag:s4] =	ssyncset.s32 $0xFFFFF086  }
0x25: {  	[simem:s6], [sflag:s4] =	dma.local [hbm:s3], $0xF7A  }
0x26: {  	[smem:$0x3F83] =	sst s1;
	(tag) =	ssettag s2;
	_ =	strace s9  }
0x27: {  	s1 =	sld [smem:$0x3F93]  }
0x28: {  	s2 =	sld [smem:$0x3F94]  }
0x29: {  	s4 =	sld [smem:$0x3F96]  }
0x2a: {  	p0 =	seq.s32 s5, $0x0;
	s5 =	sld [smem:$0x3F97]  }
0x2b: {  	s6 =	sld [smem:$0x3F98]  }
0x2c: {  	s7 =	sld [smem:$0x3F99]  }
0x2d: {  	s3 =	simm.s32 $0x108;
	s8 =	sld [smem:$0x3F9A]  }
0x2e: {  	s3 =	simm.s32 @!p0 $0x1082;
	s9 =	sld [smem:$0x3F9B]  }
0x2f: {  	lr =	sadd.s32 s0, s3;
	s0 =	sld [smem:$0x3F92]  }
0x30: {  	s3 =	sld [smem:$0x3F95]  }
0x31: {  	[smem:$0x3F9E] =	sst s10  }
0x32: {  	s10 =	sld [smem:$0x3F9C];
	_ =	sdelay $0x3  }
0x33: {  	p0 =	seq.s32 s10, $0x1;
	s10 =	sld [smem:$0x3F9E];
	_ =	sdelay $0x3  }
0x34: {  	[smem:$0x3F9E] =	sst s10  }
0x35: {  	s10 =	sld [smem:$0x3F9D];
	_ =	sdelay $0x3  }
0x36: {  	p1 =	seq.s32 s10, $0x1;
	s10 =	sld [smem:$0x3F9E];
	_ =	sdelay $0x3  }
0x37: {  	[smem:$0x3F9E] =	sst s10  }
0x38: {  	s10 =	sld [smem:$0x3F9F]  }
0x39: {  	_ = 	snop;
	(pc) =	sbr.ind lr, $3  }
0x3a: {  	_ = 	snop  }
0x3b: {  	_ = 	snop  }
0x3c: {  	p2 =	seq.s32 s10, $0x1;
	s10 =	sld [smem:$0x3F9E]  }
0x3d: {  	_ =	shalt  }
0x3e: {  	_ =	shalt  }
0x3f: {  	_ =	shalt  }
0x40: {  	_ =	shalt  }
0x41: {  	_ =	shalt  }
0x42: {  	_ =	shalt  }
0x43: {  	_ =	shalt  }
0x44: {  	_ =	shalt  }
0x45: {  	_ =	shalt  }
0x46: {  	_ =	shalt  }
0x47: {  	_ =	shalt  }
0x48: {  	_ =	shalt  }
0x49: {  	_ =	shalt  }
0x4a: {  	_ =	shalt  }
0x4b: {  	_ =	shalt  }
0x4c: {  	_ =	shalt  }
0x4d: {  	_ =	shalt  }
0x4e: {  	_ =	shalt  }
0x4f: {  	_ =	shalt  }
0x50: {  	_ =	shalt  }
0x51: {  	_ =	shalt  }
0x52: {  	_ =	shalt  }
0x53: {  	_ =	shalt  }
0x54: {  	_ =	shalt  }
0x55: {  	_ =	shalt  }
0x56: {  	_ =	shalt  }
0x57: {  	_ =	shalt  }
0x58: {  	_ =	shalt  }
0x59: {  	_ =	shalt  }
0x5a: {  	_ =	shalt  }
0x5b: {  	_ =	shalt  }
0x5c: {  	_ =	shalt  }
0x5d: {  	_ =	shalt  }
0x5e: {  	_ =	shalt  }
0x5f: {  	_ =	shalt  }
0x60: {  	_ =	shalt  }
0x61: {  	_ =	shalt  }
0x62: {  	_ =	shalt  }
0x63: {  	_ =	shalt  }
0x64: {  	_ =	shalt  }
0x65: {  	_ =	shalt  }
0x66: {  	_ =	shalt  }
0x67: {  	_ =	shalt  }
0x68: {  	_ =	shalt  }
0x69: {  	_ =	shalt  }
0x6a: {  	_ =	shalt  }
0x6b: {  	_ =	shalt  }
0x6c: {  	_ =	shalt  }
0x6d: {  	_ =	shalt  }
0x6e: {  	_ =	shalt  }
0x6f: {  	_ =	shalt  }
0x70: {  	_ =	shalt  }
0x71: {  	_ =	shalt  }
0x72: {  	_ =	shalt  }
0x73: {  	_ =	shalt  }
0x74: {  	_ =	shalt  }
0x75: {  	_ =	shalt  }
0x76: {  	_ =	shalt  }
0x77: {  	_ =	shalt  }
0x78: {  	_ =	shalt  }
0x79: {  	_ =	shalt  }
0x7a: {  	_ =	shalt  }
0x7b: {  	_ =	shalt  }
0x7c: {  	_ =	shalt  }
0x7d: {  	_ =	shalt  }
0x7e: {  	_ =	shalt  }
0x7f: {  	_ =	shalt  }
0x80: {  	_ =	shalt  }
0x81: {  	_ =	shalt  }
0x82: {  	_ =	shalt  }
0x83: {  	_ =	shalt  }
0x84: {  	_ =	shalt  }
0x85: {  	_ =	shalt  }
0x86: {  	_ =	shalt  }
0x87: {  	_ =	shalt  }
.Lfunc_end0:
.L_simem_size_0:
called_computation.4_lowered:
.L_overlay_start_0:
0x88: {  	s2 =	sld [smem:$0x3FD9]  }
0x89: {  	s3 =	sld [smem:$0x3FFE];
	_ =	sdelay $0x1  }
0x8a: {  	s1 =	srdreg.scid  }
0x8b: {  	s0 =	sand.u32 $0x1, s1  }
0x8c: {  	s16 =	sshll.u32 s0, $0xA;
	s2 =	sadd.s32 s3, s2  }
0x8d: {  	s2 =	sadd.s32 s2, s16  }
0x8e: {  	[smem:$0x3FAA] =	sst s2  }
0x8f: {  	_ = 	snop  }
0x90: {  	(tm) =	ssettm $0x1  }
0x91: {  	s17 =	sld [smem:$0x3FFB];
	_ =	sdelay $0x3  }
0x92: {  	_ =	strace s17  }
0x93: {  	s2 =	sld [smem:$0x3FFC];
	_ =	sdelay $0x3  }
0x94: {  	_ =	strace s2  }
0x95: {  	s2 =	sld [smem:$0x3FFD];
	_ =	sdelay $0x3  }
0x96: {  	_ =	strace s2  }
0x97: {  	_ =	strace $0x8FFFFFFF  }
0x98: {  	s18 =	sld [smem:$0x3FDB];
	_ =	sdelay $0x1  }
0x99: {  	s19 =	simm.s32 $_scs_section_size  }
0x9a: {  	s4 =	simm.s32 $_size__tile_overlayer_lowered;
	s5 =	simm.s32 $_tile_overlayer_lowered  }
0x9b: {  	s22 =	simm.s32 $0x1BFF;
	s21 =	sshll.u32 s5, $0x1;
	s2 =	sadd.s32 s19, s18  }
0x9c: {  	s6 =	simm.s32 $0x0;
	s20 =	sshll.u32 s4, $0x1;
	s4 =	sadd.s32 s21, s2  }
0x9d: {  	[timem:s6], [sflag:s22] =	dma.local [hbm:s4], s20  }
0x9e: {  	_ =	swait.ge [sflag:s22], s20  }
0x9f: {  	s3 =	ssub.s32 $0x0, s20;
	[sflag:s22] =	ssyncset.done $0x0  }
0xa0: {  	[sflag:s22] =	ssyncadd.s32 s3;
	_ =	sdelay $0x1  }
0xa1: {  	s23 =	simm.s32 $0x1B8B  }
0xa2: {  	_ =	swait.ge [sflag:s23], $0x1  }
0xa3: {  	[sflag:s23] =	ssyncset.done $0x0  }
0xa4: {  	s25 =	simm.s32 $0x1B8E;
	s24 =	sld [smem:$0x3FFE];
	[sflag:s23] =	ssyncadd.s32 $0xFFFFFFFF  }
0xa5: {  	s26 =	simm.s32 $execute0_lowered;
	[smem:$0x3FD2] =	sst s25  }
0xa6: {  	s4 =	sshll.u32 s26, $0x1;
	_ =	strace $0x80000052;
	[dreg:$0x1] =	wrdreg $0xFFFFFFFF  }
0xa7: {  	s28 =	simm.s32 $_size_execute0_lowered;
	s2 =	sadd.s32 s2, s4;
	[dreg:$0x0] =	wrdreg $0x0  }
0xa8: {  	s4 =	sshll.u32 s28, $0x1;
	[dreg:$0x2] =	wrdreg s2  }
0xa9: {  	[dreg:$0x3] =	wrdreg s4  }
0xaa: {  	[dreg:$0x4] =	wrdreg $0xC0  }
0xab: {  	_ =	task [dreg:s6], $0x5FFFF  }
0xac: {  	[dreg:$0x1] =	wrdreg $0xFFFFFFFF  }
0xad: {  	[dreg:$0x0] =	wrdreg $0x60  }
0xae: {  	[dreg:$0x2] =	wrdreg s24  }
0xaf: {  	[dreg:$0x3] =	wrdreg $0x42000  }
0xb0: {  	[dreg:$0x4] =	wrdreg $0x9  }
0xb1: {  	_ =	task.clear_ibuf [dreg:s6], $0x5FFFF;
	_ =	strace $0x90000052  }
0xb2: {  	s29 =	simm.s32 $0x9;
	_ =	strace $0x80000054  }
0xb3: {  	_ =	swait.ge [sflag:s29], $0x1  }
0xb4: {  	[sflag:s29] =	ssyncadd.s32 $0xFFFFFFFF  }
0xb5: {  	_ =	strace $0x90000054  }
0xb6: {  	_ =	sfence  }
0xb7: {  	s30 =	sld [smem:$0x0];
	_ =	sdelay $0x2  }
0xb8: {  	s31 =	sshll.u32 s1, $0xD;
	s1 =	sshrl.u32 s1, $0x2  }
0xb9: {  	s3 =	sand.u32 $0x4000, s31;
	s1 =	sadd.s32 s1, s30  }
0xba: {  	s0 =	sor.u32 s3, s0;
	s1 =	sshll.u32 s1, $0x11  }
0xbb: {  	s0 =	sor.u32 s1, s0  }
0xbc: {  	s0 =	sadd.s32 $0x8F2B, s0  }
0xbd: {  	[sflag:s0] =	ssyncadd.remote.s32 $0x1  }
0xbe: {  	_ =	sfence.sel $0xFFFF  }
0xbf: {  	[dreg:$0x0] =	wrdreg $0xFFFFFFFF;
	(pc) =	sbr.abs _section_cstart, $3  }
0xc0: {  	[dreg:$0x1] =	wrdreg $0xFFFFFFFF  }
0xc1: {  	_ =	task.clear_ibuf [dreg:s6], $0x2FFFF;
	_ =	strace $0x9FFFFFFF  }
0xc2: {  	(tm) =	ssettm $0x7FFFFFFF  }
0xc3: {  	_ =	shalt  }
tec
execute0_lowered:
.L_overlay_start_1:
0x0: {  	(tag) =	ssettag $0x1  }
0x1: {  	s5 =	rddreg [dreg:$0x0]  }
0x2: {  	s2 =	rddreg [dreg:$0x1]  }
0x3: {  	s1 =	stileid.u32;
	s0 =	rddreg [dreg:$0x2]  }
0x4: {  	s3 =	simm.s32 $0x0;
	s7 =	srdreg.scid;
	s13 =	simm.s32 $0x80  }
0x5: {  	s14 =	simm.s32 $0x2200;
	s15 =	simm.s32 $0x1;
	s4 =	smul.u32 $0x1880, s1  }
0x6: {  	s16 =	simm.s32 $0x40;
	s17 =	simm.s32 $0x100;
	s6 =	smul.u32 $0xC4000, s1  }
0x7: {  	s20 =	simm.s32 $0x0;
	[smem:$0x7FF] =	sst s3;
	s8 =	smul.u32 $0x3100, s1  }
0x8: {  	s7 =	sand.u32 $0x1, s7;
	s26 =	smul.u32 $0x62000, s1;
	s31 =	sshll.u32 s1, $0x6  }
0x9: {  	_ =	strace $0x80000053;
	s9 =	smul.u32 $0x31000, s7;
	s25 =	ssub.s32 $0x2, s7  }
0xa: {  	s18 =	smul.u32 $0x30D4, s7;
	s10 =	sadd.s32 s4, s5;
	s11 =	sadd.s32 s6, s5  }
0xb: {  	s4 =	sadd.s32 $0x3A600, s5;
	s28 =	sshrl.u32 s25, $0x1;
	s30 =	sshrl.u32 s26, $0x2  }
0xc: {  	s24 =	sadd.s32 s8, s9;
	s29 =	ssub.s32 s25, s28;
	s19 =	sadd.s32 $0x30D4, s18  }
0xd: {  	s12 =	sadd.s32 s30, s2;
	s8 =	sadd.s32 $0x2521600, s11;
	s9 =	sadd.s32 $0x52E00, s10  }
0xe: {  	s11 =	simm.s32 $0x3;
	v0 =	vmov s18;
	s18 =	simm.s32 $0x2;
	s6 =	sadd.s32 s24, s5  }
0xf: {  	s5 =	sor.u32 $0x1C03, s31;
	s7 =	smax.u32 s29, $0x1;
	s10 =	sshrl.u32 s12, $0x3  }
0x10: {  	s12 =	simm.s32 $0x200;
	v1 =	vmov s19;
	s19 =	simm.s32 $0x180;
	s6 =	sadd.s32 $0x6B600, s6  }
.LBB2_1:
0x11: {  	[spmem:s10], [sflag:s5] =	dma.local [hbm:s4], $0x3100  }
0x12: {  	_ =	swait.ge [sflag:s11], $0x3100  }
0x13: {  	[sflag:s11] =	ssyncset.done $0x0  }
0x14: {  	[sflag:s11] =	ssyncadd.s32 $0xFFFFCF00  }
0x15: {  	s21 =	sadd.s32 $0x0, s9;
	[bflag:$0x0] =	sbarrier.arrive $0xFFFF  }
0x16: {  	[tilespmem:s3], [sflag:$0x1] =	stream.linear.gather [hbm4b:s21+s3], $0x40, $0x38;
	[tilespmem:$0x1CA00] =	vst v63  }
0x17: {  	_ = 	snop  }
0x18: {  	[tilespmem:s12], [sflag:$0x1] =	stream.linear.gather [hbm4b:s8+s3], $0x2000, $0x38;
	[tilespmem:$0x1CA00] =	vst v63  }
0x19: {  	s21 =	sadd.s32 $0x8, s21  }
0x1a: {  	[tilespmem:s13], [sflag:$0x2] =	stream.linear.gather [hbm4b:s21+s3], $0x40, $0x38;
	[tilespmem:$0x1CA00] =	vst v63  }
0x1b: {  	s31 =	sadd.s32 $0x400, s8  }
0x1c: {  	[tilespmem:s14], [sflag:$0x2] =	stream.linear.gather [hbm4b:s31+s3], $0x2000, $0x38;
	[tilespmem:$0x1CA00] =	vst v63  }
0x1d: {  	_ =	swait.ge [sflag:s15], $0x40  }
0x1e: {  	[sflag:s15] =	ssyncset.done $0x0  }
0x1f: {  	[sflag:s15] =	ssyncadd.s32 $0xFFFFFFC0  }
0x20: {  	_ =	swait.ge [sflag:s15], $0x2000  }
0x21: {  	[sflag:s15] =	ssyncset.done $0x0  }
0x22: {  	[sflag:s15] =	ssyncadd.s32 $0xFFFFE000  }
0x23: {  	v2 =	vld [tilespmem:$0x30]  }
0x24: {  	v3 =	vld [tilespmem:$0x20];
	_ =	sdelay $0x1  }
0x25: {  	v4 =	vld [tilespmem:$0x0];
	_ =	sdelay $0x1  }
0x26: {  	v5 =	vld [tilespmem:$0x10];
	vm0 =	vge.s32 v2, v0  }
0x27: {  	vm1 =	vlt.s32 v2, v1;
	vm2 =	vge.s32 v3, v0;
	vm3 =	vlt.s32 v3, v1  }
0x28: {  	v2 =	vsub.s32 v2, v0;
	v3 =	vsub.s32 v3, v0;
	vm2 =	vmand vm2, vm3  }
0x29: {  	vm0 =	vmand vm0, vm1;
	vm1 =	vge.s32 v4, v0;
	vm3 =	vlt.s32 v4, v1  }
0x2a: {  	v4 =	vsub.s32 v4, v0;
	v3 =	vnsel vm2, $0x30D4, v3;
	vm1 =	vmand vm1, vm3  }
0x2b: {  	vm2 =	vlt.s32 v5, v1;
	v2 =	vnsel vm0, $0x30D4, v2;
	vm0 =	vge.s32 v5, v0;
	[tilespmem:$0x120] =	vst v3  }
0x2c: {  	v3 =	vnsel vm1, $0x30D4, v4;
	[tilespmem:$0x130] =	vst v2;
	vm0 =	vmand vm0, vm2;
	v2 =	vsub.s32 v5, v0  }
0x2d: {  	[tilespmem:$0x100] =	vst v3;
	v2 =	vnsel vm0, $0x30D4, v2  }
0x2e: {  	[tilespmem:$0x110] =	vst v2  }
0x2f: {  	[spmem:s2] =	stream.indirect.scatter.add.f32 [tilespmem:s12], [sflag:$0x3], $0x80, s17, s16, $0xb8;
	[tilespmem:$0x1CA00] =	vst v63  }
0x30: {  	_ =	swait.ge [sflag:s11], $0x2000  }
0x31: {  	[sflag:s11] =	ssyncset.done $0x0  }
0x32: {  	[sflag:s11] =	ssyncadd.s32 $0xFFFFE000  }
0x33: {  	_ =	swait.ge [sflag:s18], $0x40  }
0x34: {  	[sflag:s18] =	ssyncset.done $0x0  }
0x35: {  	[sflag:s18] =	ssyncadd.s32 $0xFFFFFFC0  }
0x36: {  	_ =	swait.ge [sflag:s18], $0x2000  }
0x37: {  	[sflag:s18] =	ssyncset.done $0x0  }
0x38: {  	[sflag:s18] =	ssyncadd.s32 $0xFFFFE000  }
0x39: {  	v2 =	vld [tilespmem:$0x80]  }
0x3a: {  	v5 =	vld [tilespmem:$0x90];
	_ =	sdelay $0x1  }
0x3b: {  	v4 =	vld [tilespmem:$0xA0]  }
0x3c: {  	v3 =	vld [tilespmem:$0xB0]  }
0x3d: {  	vm0 =	vge.s32 v2, v0;
	vm1 =	vlt.s32 v2, v1  }
0x3e: {  	s22 =	smov.u32 s8;
	s21 =	simm.s32 $0x10;
	vm2 =	vlt.s32 v5, v1;
	vm0 =	vmand vm0, vm1;
	vm1 =	vge.s32 v5, v0  }
.LBB2_2:
0x3f: {  	p0 =	sne.s32 s21, $0x1870  }
0x40: {  	v5 =	vsub.s32 v5, v0;
	vm3 =	vge.s32 v4, v0;
	vm4 =	vlt.s32 v4, v1;
	s22 =	sadd.s32 $0x800, s22;
	s23 =	smov.u32 s21;
	s21 =	sadd.s32 $0x10, s21  }
0x41: {  	vm1 =	vmand vm1, vm2;
	v4 =	vsub.s32 v4, v0;
	v6 =	vsub.s32 v3, v0  }
0x42: {  	v5 =	vnsel vm1, $0x30D4, v5;
	vm1 =	vmand vm3, vm4;
	vm2 =	vlt.s32 v3, v1  }
0x43: {  	v2 =	vsub.s32 v2, v0;
	v4 =	vnsel vm1, $0x30D4, v4;
	vm1 =	vge.s32 v3, v0;
	[tilespmem:$0x190] =	vst v5  }
0x44: {  	v2 =	vnsel vm0, $0x30D4, v2;
	vm0 =	vmand vm1, vm2;
	[tilespmem:$0x1A0] =	vst v4  }
0x45: {  	[tilespmem:$0x180] =	vst v2;
	v2 =	vnsel vm0, $0x30D4, v6  }
0x46: {  	[tilespmem:$0x1B0] =	vst v2  }
0x47: {  	[spmem:s2] =	stream.indirect.scatter.add.f32 [tilespmem:s14], [sflag:$0x3], $0x80, s19, s16, $0xb8;
	[tilespmem:$0x1CA00] =	vst v63  }
0x48: {  	_ =	swait.ge [sflag:s11], $0x2000  }
0x49: {  	[sflag:s11] =	ssyncset.done $0x0  }
0x4a: {  	s23 =	sadd.s32 s23, s9;
	[sflag:s11] =	ssyncadd.s32 $0xFFFFE000  }
0x4b: {  	[tilespmem:s3], [sflag:$0x1] =	stream.linear.gather [hbm4b:s23+s3], $0x40, $0x38;
	[tilespmem:$0x1CA00] =	vst v63  }
0x4c: {  	_ = 	snop  }
0x4d: {  	[tilespmem:s12], [sflag:$0x1] =	stream.linear.gather [hbm4b:s22+s3], $0x2000, $0x38;
	[tilespmem:$0x1CA00] =	vst v63  }
0x4e: {  	s23 =	sadd.s32 $0x8, s23  }
0x4f: {  	[tilespmem:s13], [sflag:$0x2] =	stream.linear.gather [hbm4b:s23+s3], $0x40, $0x38;
	[tilespmem:$0x1CA00] =	vst v63  }
0x50: {  	s23 =	sadd.s32 $0x400, s22  }
0x51: {  	[tilespmem:s14], [sflag:$0x2] =	stream.linear.gather [hbm4b:s23+s3], $0x2000, $0x38;
	[tilespmem:$0x1CA00] =	vst v63  }
0x52: {  	_ =	swait.ge [sflag:s15], $0x40  }
0x53: {  	[sflag:s15] =	ssyncset.done $0x0  }
0x54: {  	[sflag:s15] =	ssyncadd.s32 $0xFFFFFFC0  }
0x55: {  	_ =	swait.ge [sflag:s15], $0x2000  }
0x56: {  	[sflag:s15] =	ssyncset.done $0x0  }
0x57: {  	[sflag:s15] =	ssyncadd.s32 $0xFFFFE000  }
0x58: {  	v2 =	vld [tilespmem:$0x30]  }
0x59: {  	v3 =	vld [tilespmem:$0x20]  }
0x5a: {  	v4 =	vld [tilespmem:$0x0]  }
0x5b: {  	v5 =	vld [tilespmem:$0x10];
	_ =	sdelay $0x1  }
0x5c: {  	vm0 =	vge.s32 v2, v0;
	vm1 =	vlt.s32 v2, v1;
	v2 =	vsub.s32 v2, v0  }
0x5d: {  	vm2 =	vge.s32 v3, v0;
	vm3 =	vlt.s32 v3, v1;
	v3 =	vsub.s32 v3, v0  }
0x5e: {  	vm0 =	vmand vm0, vm1;
	v6 =	vsub.s32 v4, v0;
	vm2 =	vmand vm2, vm3  }
0x5f: {  	vm1 =	vge.s32 v4, v0;
	vm3 =	vlt.s32 v4, v1;
	v3 =	vnsel vm2, $0x30D4, v3  }
0x60: {  	v2 =	vnsel vm0, $0x30D4, v2;
	vm1 =	vmand vm1, vm3;
	vm2 =	vlt.s32 v5, v1;
	[tilespmem:$0x120] =	vst v3  }
0x61: {  	vm0 =	vge.s32 v5, v0;
	v3 =	vnsel vm1, $0x30D4, v6;
	[tilespmem:$0x130] =	vst v2  }
0x62: {  	vm0 =	vmand vm0, vm2;
	v2 =	vsub.s32 v5, v0;
	[tilespmem:$0x100] =	vst v3  }
0x63: {  	v2 =	vnsel vm0, $0x30D4, v2  }
0x64: {  	[tilespmem:$0x110] =	vst v2  }
0x65: {  	[spmem:s2] =	stream.indirect.scatter.add.f32 [tilespmem:s12], [sflag:$0x3], $0x80, s17, s16, $0xb8;
	[tilespmem:$0x1CA00] =	vst v63  }
0x66: {  	_ =	swait.ge [sflag:s11], $0x2000  }
0x67: {  	[sflag:s11] =	ssyncset.done $0x0  }
0x68: {  	[sflag:s11] =	ssyncadd.s32 $0xFFFFE000  }
0x69: {  	_ =	swait.ge [sflag:s18], $0x40  }
0x6a: {  	[sflag:s18] =	ssyncset.done $0x0  }
0x6b: {  	[sflag:s18] =	ssyncadd.s32 $0xFFFFFFC0  }
0x6c: {  	_ =	swait.ge [sflag:s18], $0x2000  }
0x6d: {  	[sflag:s18] =	ssyncset.done $0x0  }
0x6e: {  	[sflag:s18] =	ssyncadd.s32 $0xFFFFE000  }
0x6f: {  	v2 =	vld [tilespmem:$0x80]  }
0x70: {  	v5 =	vld [tilespmem:$0x90]  }
.Ltmp0:
0x71: {  	v4 =	vld [tilespmem:$0xA0];
	(pc) =	sbr.rel @p0 .LBB2_2-.Ltmp0, $3  }
0x72: {  	v3 =	vld [tilespmem:$0xB0];
	_ =	sdelay $0x1  }
0x73: {  	vm0 =	vge.s32 v2, v0;
	vm1 =	vlt.s32 v2, v1  }
0x74: {  	vm0 =	vmand vm0, vm1;
	vm1 =	vge.s32 v5, v0;
	vm2 =	vlt.s32 v5, v1  }
0x75: {  	v5 =	vsub.s32 v5, v0;
	vm3 =	vge.s32 v4, v0  }
0x76: {  	vm4 =	vlt.s32 v4, v1;
	vm1 =	vmand vm1, vm2;
	v63 =	vsub.s32 v4, v0  }
0x77: {  	v2 =	vsub.s32 v2, v0;
	v5 =	vnsel vm1, $0x30D4, v5;
	vm12 =	vmand vm3, vm4  }
0x78: {  	vm13 =	vlt.s32 v3, v1;
	vm14 =	vge.s32 v3, v0;
	v2 =	vnsel vm0, $0x30D4, v2;
	[tilespmem:$0x190] =	vst v5  }
0x79: {  	v3 =	vsub.s32 v3, v0;
	v4 =	vnsel vm12, $0x30D4, v63;
	vm15 =	vmand vm14, vm13;
	[tilespmem:$0x180] =	vst v2  }
0x7a: {  	[tilespmem:$0x1A0] =	vst v4;
	v2 =	vnsel vm15, $0x30D4, v3  }
0x7b: {  	[tilespmem:$0x1B0] =	vst v2  }
0x7c: {  	[spmem:s2] =	stream.indirect.scatter.add.f32 [tilespmem:s14], [sflag:$0x3], $0x80, s19, s16, $0xb8;
	[tilespmem:$0x1CA00] =	vst v63  }
0x7d: {  	_ =	swait.ge [sflag:s11], $0x2000  }
0x7e: {  	s20 =	sadd.s32 $0x1, s20;
	[sflag:s11] =	ssyncset.done $0x0  }
0x7f: {  	p0 =	sne.s32 s20, s7;
	[sflag:s11] =	ssyncadd.s32 $0xFFFFE000  }
.Ltmp1:
0x80: {  	[bflag:$0x0] =	sbarrier.arrive $0xFFFF;
	(pc) =	sbr.rel @p0 .LBB2_1-.Ltmp1, $4  }
0x81: {  	[hbm:s6], [sflag:s5] =	dma.local [spmem:s10], $0x3100  }
0x82: {  	_ =	swait.ge [sflag:s11], $0x3100  }
0x83: {  	[sflag:s11] =	ssyncset.done $0x0  }
0x84: {  	[sflag:s11] =	ssyncadd.s32 $0xFFFFCF00  }
0x85: {  	_ =	sfence.sel $0x180000  }
0x86: {  	[bflag:$0x0] =	sbarrier.arrive $0xFFFF  }
0x87: {  	p0 =	sne.s32 s1, $0x0;
	_ =	strace $0x90000053  }
0x88: {  	s0 =	sadd.s32 @!p0 $0x100000, s0;
	[bflag:$0x2] =	sbarrier.arrive $0xFFFF  }
0x89: {  	[sflag:s0] =	ssyncadd.tile.s32 @!p0 $0x1;
	_ =	shalt  }
.Lfunc_end2:
_tile_overlayer_lowered:
.L_overlay_start_2:
0x8a: {  	(tag) =	ssettag $0x2  }
0x8b: {  	s0 =	rddreg [dreg:$0x0];
	s2 =	stileid.u32  }
0x8c: {  	s1 =	rddreg [dreg:$0x1];
	p0 =	sne.s32 s2, $0x0  }
0x8d: {  	s3 =	rddreg [dreg:$0x2];
	[bflag:$0x3] =	sbarrier.arrive $0xFFFF;
	s2 =	simm.s32 @!p0 $0x1C03  }
0x8e: {  	[timem:s3], [sflag:s2] =	dma.local @!p0 [hbm:s0], s1  }
0x8f: {  	s0 =	simm.s32 @!p0 $0x3  }
0x90: {  	_ =	swait.ge @!p0 [sflag:s0], s1  }
0x91: {  	s1 =	ssub.s32 @!p0 $0x0, s1;
	[sflag:s0] =	ssyncset.done @!p0 $0x0  }
0x92: {  	[sflag:s0] =	ssyncadd.s32 @!p0 s1  }
0x93: {  	[bflag:$0x3] =	sbarrier.arrive $0xFFFF  }
0x94: {  	_ =	shalt  }

// kernel: kernel.29.cloned.1.call-start
scs
__scs_entry_jumppad:
0x0: {  	(pc) =	sbr.rel $0x88, $3  }
0x1: {  	(tag) =	ssettag $0x0;
	lr =	simm.s32 $0x1  }
0x2: {  	[smem:$0x3F83] =	sst lr;
	_ =	strace $0xD0000000  }
0x3: {  	_ = 	snop  }
0x4: {  	_ = 	snop  }
0x5: {  	_ = 	snop  }
0x6: {  	_ = 	snop  }
0x7: {  	_ = 	snop  }
__scs_overlays_trampoline_lowered:
0x8: {  	[smem:$0x3F92] =	sst s0  }
0x9: {  	[smem:$0x3F93] =	sst s1  }
0xa: {  	[smem:$0x3F94] =	sst s2  }
0xb: {  	[smem:$0x3F95] =	sst s3  }
0xc: {  	[smem:$0x3F96] =	sst s4  }
0xd: {  	[smem:$0x3F97] =	sst s5  }
0xe: {  	[smem:$0x3F98] =	sst s6  }
0xf: {  	[smem:$0x3F99] =	sst s7  }
0x10: {  	[smem:$0x3F9A] =	sst s8  }
0x11: {  	[smem:$0x3F9B] =	sst s9;
	s0 =	simm.s32 @!p0 $0x0  }
0x12: {  	s1 =	sld [smem:$0x3F81];
	s0 =	simm.s32 @p0 $0x1  }
0x13: {  	[smem:$0x3F9C] =	sst s0;
	s0 =	simm.s32 @!p1 $0x0  }
0x14: {  	s2 =	sld [smem:$0x3F80];
	s0 =	simm.s32 @p1 $0x1  }
0x15: {  	[smem:$0x3F9D] =	sst s0;
	s0 =	simm.s32 @!p2 $0x0  }
0x16: {  	s3 =	sld [smem:$0x3FDB];
	s0 =	simm.s32 @p2 $0x1  }
0x17: {  	s4 =	simm.s32 $0x1BF5;
	[smem:$0x3F9F] =	sst s0  }
0x18: {  	s0 =	sld [smem:$0x3F82];
	_ =	swait.ge [sflag:s4], $0x0  }
0x19: {  	s7 =	sld [smem:$0x3F83]  }
0x1a: {  	s8 =	sadd.s32 $0xFFFFE003, lr  }
0x1b: {  	s9 =	sadd.s32 $0xFFFFFEF7, lr;
	s5 =	simm.s32 $0xFFFFFFFF;
	p2 =	slt.u32 s8, $0xFFFFF086  }
0x1c: {  	p1 =	slt.u32 s9, $0xF7A;
	s5 =	simm.s32 @!p2 $0x0  }
0x1d: {  	s5 =	simm.s32 @p1 $0x1;
	p0 =	seq.s32 s7, s2  }
0x1e: {  	s7 =	smul.u32 @!p0 $0xF7A, s2;
	p2 =	seq.s32 @!p0 s5, $0x0  }
0x1f: {  	s9 =	smul.u32 $0xF7A, s1;
	s8 =	simm.s32 @!p0 $0x1BF5;
	p2 =	por !p2, p0  }
0x20: {  	[sflag:s8] =	ssyncset.s32 @!p0 $0xFFFFF086;
	s6 =	sadd.s32 @!p0 s3, s7;
	s7 =	simm.s32 @!p0 $0x108  }
0x21: {  	s3 =	sadd.s32 s3, s9;
	s6 =	sadd.s32 @!p0 $0x88, s6;
	s7 =	simm.s32 @p2 $0x1082  }
0x22: {  	[simem:s7], [sflag:s8] =	dma.local @!p0 [hbm:s6], $0xF7A  }
0x23: {  	s9 =	sor.u32 $0xD0000000, s2;
	s6 =	simm.s32 $0x108;
	_ =	swait.ge @!p0 [sflag:s8], $0x0  }
0x24: {  	s3 =	sadd.s32 $0x88, s3;
	s6 =	simm.s32 @!p1 $0x1082;
	[sflag:s4] =	ssyncset.s32 $0xFFFFF086  }
0x25: {  	[simem:s6], [sflag:s4] =	dma.local [hbm:s3], $0xF7A  }
0x26: {  	[smem:$0x3F83] =	sst s1;
	(tag) =	ssettag s2;
	_ =	strace s9  }
0x27: {  	s1 =	sld [smem:$0x3F93]  }
0x28: {  	s2 =	sld [smem:$0x3F94]  }
0x29: {  	s4 =	sld [smem:$0x3F96]  }
0x2a: {  	p0 =	seq.s32 s5, $0x0;
	s5 =	sld [smem:$0x3F97]  }
0x2b: {  	s6 =	sld [smem:$0x3F98]  }
0x2c: {  	s7 =	sld [smem:$0x3F99]  }
0x2d: {  	s3 =	simm.s32 $0x108;
	s8 =	sld [smem:$0x3F9A]  }
0x2e: {  	s3 =	simm.s32 @!p0 $0x1082;
	s9 =	sld [smem:$0x3F9B]  }
0x2f: {  	lr =	sadd.s32 s0, s3;
	s0 =	sld [smem:$0x3F92]  }
0x30: {  	s3 =	sld [smem:$0x3F95]  }
0x31: {  	[smem:$0x3F9E] =	sst s10  }
0x32: {  	s10 =	sld [smem:$0x3F9C];
	_ =	sdelay $0x3  }
0x33: {  	p0 =	seq.s32 s10, $0x1;
	s10 =	sld [smem:$0x3F9E];
	_ =	sdelay $0x3  }
0x34: {  	[smem:$0x3F9E] =	sst s10  }
0x35: {  	s10 =	sld [smem:$0x3F9D];
	_ =	sdelay $0x3  }
0x36: {  	p1 =	seq.s32 s10, $0x1;
	s10 =	sld [smem:$0x3F9E];
	_ =	sdelay $0x3  }
0x37: {  	[smem:$0x3F9E] =	sst s10  }
0x38: {  	s10 =	sld [smem:$0x3F9F]  }
0x39: {  	_ = 	snop;
	(pc) =	sbr.ind lr, $3  }
0x3a: {  	_ = 	snop  }
0x3b: {  	_ = 	snop  }
0x3c: {  	p2 =	seq.s32 s10, $0x1;
	s10 =	sld [smem:$0x3F9E]  }
0x3d: {  	_ =	shalt  }
0x3e: {  	_ =	shalt  }
0x3f: {  	_ =	shalt  }
0x40: {  	_ =	shalt  }
0x41: {  	_ =	shalt  }
0x42: {  	_ =	shalt  }
0x43: {  	_ =	shalt  }
0x44: {  	_ =	shalt  }
0x45: {  	_ =	shalt  }
0x46: {  	_ =	shalt  }
0x47: {  	_ =	shalt  }
0x48: {  	_ =	shalt  }
0x49: {  	_ =	shalt  }
0x4a: {  	_ =	shalt  }
0x4b: {  	_ =	shalt  }
0x4c: {  	_ =	shalt  }
0x4d: {  	_ =	shalt  }
0x4e: {  	_ =	shalt  }
0x4f: {  	_ =	shalt  }
0x50: {  	_ =	shalt  }
0x51: {  	_ =	shalt  }
0x52: {  	_ =	shalt  }
0x53: {  	_ =	shalt  }
0x54: {  	_ =	shalt  }
0x55: {  	_ =	shalt  }
0x56: {  	_ =	shalt  }
0x57: {  	_ =	shalt  }
0x58: {  	_ =	shalt  }
0x59: {  	_ =	shalt  }
0x5a: {  	_ =	shalt  }
0x5b: {  	_ =	shalt  }
0x5c: {  	_ =	shalt  }
0x5d: {  	_ =	shalt  }
0x5e: {  	_ =	shalt  }
0x5f: {  	_ =	shalt  }
0x60: {  	_ =	shalt  }
0x61: {  	_ =	shalt  }
0x62: {  	_ =	shalt  }
0x63: {  	_ =	shalt  }
0x64: {  	_ =	shalt  }
0x65: {  	_ =	shalt  }
0x66: {  	_ =	shalt  }
0x67: {  	_ =	shalt  }
0x68: {  	_ =	shalt  }
0x69: {  	_ =	shalt  }
0x6a: {  	_ =	shalt  }
0x6b: {  	_ =	shalt  }
0x6c: {  	_ =	shalt  }
0x6d: {  	_ =	shalt  }
0x6e: {  	_ =	shalt  }
0x6f: {  	_ =	shalt  }
0x70: {  	_ =	shalt  }
0x71: {  	_ =	shalt  }
0x72: {  	_ =	shalt  }
0x73: {  	_ =	shalt  }
0x74: {  	_ =	shalt  }
0x75: {  	_ =	shalt  }
0x76: {  	_ =	shalt  }
0x77: {  	_ =	shalt  }
0x78: {  	_ =	shalt  }
0x79: {  	_ =	shalt  }
0x7a: {  	_ =	shalt  }
0x7b: {  	_ =	shalt  }
0x7c: {  	_ =	shalt  }
0x7d: {  	_ =	shalt  }
0x7e: {  	_ =	shalt  }
0x7f: {  	_ =	shalt  }
0x80: {  	_ =	shalt  }
0x81: {  	_ =	shalt  }
0x82: {  	_ =	shalt  }
0x83: {  	_ =	shalt  }
0x84: {  	_ =	shalt  }
0x85: {  	_ =	shalt  }
0x86: {  	_ =	shalt  }
0x87: {  	_ =	shalt  }
.Lfunc_end0:
.L_simem_size_0:
called_computation.5_lowered:
.L_overlay_start_0:
0x88: {  	s2 =	sld [smem:$0x3FD9]  }
0x89: {  	s3 =	sld [smem:$0x3FFE];
	_ =	sdelay $0x1  }
0x8a: {  	s1 =	srdreg.scid  }
0x8b: {  	s0 =	sand.u32 $0x1, s1  }
0x8c: {  	s17 =	sshll.u32 s0, $0xA;
	s2 =	sadd.s32 s3, s2  }
0x8d: {  	s2 =	sadd.s32 s2, s17  }
0x8e: {  	[smem:$0x3FAA] =	sst s2  }
0x8f: {  	_ = 	snop  }
0x90: {  	(tm) =	ssettm $0x1  }
0x91: {  	s18 =	sld [smem:$0x3FFB];
	_ =	sdelay $0x3  }
0x92: {  	_ =	strace s18  }
0x93: {  	s2 =	sld [smem:$0x3FFC];
	_ =	sdelay $0x3  }
0x94: {  	_ =	strace s2  }
0x95: {  	s2 =	sld [smem:$0x3FFD];
	_ =	sdelay $0x3  }
0x96: {  	_ =	strace s2  }
0x97: {  	_ =	strace $0x8FFFFFFF  }
0x98: {  	s19 =	sld [smem:$0x3FDB];
	_ =	sdelay $0x1  }
0x99: {  	s20 =	simm.s32 $_scs_section_size  }
0x9a: {  	s4 =	simm.s32 $_size__tile_overlayer_lowered;
	s5 =	simm.s32 $_tile_overlayer_lowered  }
0x9b: {  	s6 =	simm.s32 $0x1BFF;
	s21 =	sshll.u32 s5, $0x1;
	s3 =	sadd.s32 s20, s19  }
0x9c: {  	s22 =	simm.s32 $0x0;
	s4 =	sshll.u32 s4, $0x1;
	s5 =	sadd.s32 s21, s3  }
0x9d: {  	[timem:s22], [sflag:s6] =	dma.local [hbm:s5], s4  }
0x9e: {  	_ =	swait.ge [sflag:s6], s4  }
0x9f: {  	s4 =	ssub.s32 $0x0, s4;
	[sflag:s6] =	ssyncset.done $0x0  }
0xa0: {  	[sflag:s6] =	ssyncadd.s32 s4;
	_ =	sdelay $0x1  }
0xa1: {  	s23 =	simm.s32 $0x1B8B  }
0xa2: {  	_ =	swait.ge [sflag:s23], $0x1  }
0xa3: {  	[sflag:s23] =	ssyncset.done $0x0  }
0xa4: {  	[sflag:s23] =	ssyncadd.s32 $0xFFFFFFFF  }
0xa5: {  	s4 =	sld [smem:$0x0]  }
0xa6: {  	s5 =	sand.u32 $0xFFFFFFFE, s1  }
0xa7: {  	p0 =	sne.s32 s1, s5  }
0xa8: {  	s5 =	sshll.u32 @p0 s5, $0xE  }
0xa9: {  	s5 =	sadd.s32 @p0 $0x11B8D, s5;
	s6 =	sshll.u32 @p0 s4, $0x11  }
0xaa: {  	s5 =	sor.u32 @p0 s6, s5  }
0xab: {  	[sflag:s5] =	ssyncadd.remote.s32 @p0 $0x1;
	_ =	sdelay $0x1  }
0xac: {  	s5 =	simm.s32 @p0 $0x1B8D  }
0xad: {  	_ =	swait.eq @p0 [sflag:s5], $0x1  }
0xae: {  	[sflag:s5] =	ssyncadd.s32 @p0 $0xFFFFFFFF  }
0xaf: {  	s6 =	sshll.u32 @!p0 s1, $0xE  }
0xb0: {  	s6 =	sor.u32 @!p0 $0x4000, s6;
	s5 =	simm.s32 @!p0 $0x1B8D  }
0xb1: {  	s4 =	sshll.u32 @!p0 s4, $0x11;
	s6 =	sadd.s32 @!p0 $0x11B8D, s6;
	_ =	swait.eq @!p0 [sflag:s5], $0x1  }
0xb2: {  	s4 =	sor.u32 @!p0 s4, s6;
	[sflag:s5] =	ssyncadd.s32 @!p0 $0xFFFFFFFF  }
0xb3: {  	s25 =	simm.s32 $0x1B8E;
	s24 =	sld [smem:$0x3FFE];
	[sflag:s4] =	ssyncadd.remote.s32 @!p0 $0x1  }
0xb4: {  	s26 =	simm.s32 $execute0_lowered;
	[smem:$0x3FD2] =	sst s25  }
0xb5: {  	s5 =	sshll.u32 s26, $0x1;
	_ =	strace $0x80000055;
	[dreg:$0x1] =	wrdreg $0xFFFFFFFF  }
0xb6: {  	s28 =	simm.s32 $_size_execute0_lowered;
	s3 =	sadd.s32 s3, s5;
	[dreg:$0x0] =	wrdreg $0x0  }
0xb7: {  	s5 =	sshll.u32 s28, $0x1;
	[dreg:$0x2] =	wrdreg s3  }
0xb8: {  	[dreg:$0x3] =	wrdreg s5  }
0xb9: {  	[dreg:$0x4] =	wrdreg $0xC0  }
0xba: {  	_ =	task [dreg:s22], $0x5FFFF  }
0xbb: {  	[dreg:$0x1] =	wrdreg $0xFFFFFFFF  }
0xbc: {  	[dreg:$0x0] =	wrdreg $0x60  }
0xbd: {  	[dreg:$0x2] =	wrdreg s24  }
0xbe: {  	[dreg:$0x3] =	wrdreg $0x42000  }
0xbf: {  	[dreg:$0x4] =	wrdreg $0xA  }
0xc0: {  	_ =	task.clear_ibuf [dreg:s22], $0x5FFFF;
	_ =	strace $0x90000055  }
0xc1: {  	s29 =	simm.s32 $0xA;
	_ =	strace $0x80000057  }
0xc2: {  	_ =	swait.ge [sflag:s29], $0x1  }
0xc3: {  	[sflag:s29] =	ssyncadd.s32 $0xFFFFFFFF  }
0xc4: {  	_ =	strace $0x90000057  }
0xc5: {  	_ =	sfence  }
0xc6: {  	s30 =	sld [smem:$0x0];
	_ =	sdelay $0x2  }
0xc7: {  	s31 =	sshll.u32 s1, $0xD;
	s1 =	sshrl.u32 s1, $0x2  }
0xc8: {  	s4 =	sand.u32 $0x4000, s31;
	s1 =	sadd.s32 s1, s30  }
0xc9: {  	s0 =	sor.u32 s4, s0;
	s1 =	sshll.u32 s1, $0x11  }
0xca: {  	s0 =	sor.u32 s1, s0  }
0xcb: {  	s0 =	sadd.s32 $0x8F2B, s0  }
0xcc: {  	[sflag:s0] =	ssyncadd.remote.s32 $0x1  }
0xcd: {  	_ =	sfence.sel $0xFFFF  }
0xce: {  	[dreg:$0x0] =	wrdreg $0xFFFFFFFF;
	(pc) =	sbr.abs _section_cstart, $3  }
0xcf: {  	[dreg:$0x1] =	wrdreg $0xFFFFFFFF  }
0xd0: {  	_ =	task.clear_ibuf [dreg:s22], $0x2FFFF;
	_ =	strace $0x9FFFFFFF  }
0xd1: {  	(tm) =	ssettm $0x7FFFFFFF  }
tec
execute0_lowered:
.L_overlay_start_1:
0x0: {  	(tag) =	ssettag $0x1  }
0x1: {  	s5 =	rddreg [dreg:$0x0]  }
0x2: {  	s2 =	rddreg [dreg:$0x1]  }
0x3: {  	s1 =	stileid.u32;
	s0 =	rddreg [dreg:$0x2];
	s3 =	simm.s32 $0x0  }
0x4: {  	s7 =	srdreg.scid;
	s13 =	simm.s32 $0x80;
	s4 =	smul.u32 $0x1880, s1  }
0x5: {  	s14 =	simm.s32 $0x2200;
	s15 =	simm.s32 $0x1;
	s6 =	smul.u32 $0xC4000, s1  }
0x6: {  	s16 =	simm.s32 $0x40;
	s17 =	simm.s32 $0x100;
	s8 =	smul.u32 $0x3100, s1  }
0x7: {  	s20 =	simm.s32 $0x0;
	s7 =	sand.u32 $0x1, s7;
	s12 =	smul.u32 $0x62000, s1  }
0x8: {  	[smem:$0x7FF] =	sst s3;
	s31 =	sshll.u32 s1, $0x6;
	s28 =	smul.u32 $0x31000, s7  }
0x9: {  	_ =	strace $0x80000056;
	s29 =	ssub.s32 $0x2, s7;
	s7 =	smul.u32 $0x30D4, s7  }
0xa: {  	s9 =	sadd.s32 s4, s5;
	s10 =	sadd.s32 s6, s5;
	s11 =	sshrl.u32 s29, $0x1  }
0xb: {  	s4 =	sadd.s32 $0x3A600, s5;
	s30 =	sshrl.u32 s12, $0x2;
	s8 =	sadd.s32 s8, s28  }
0xc: {  	s11 =	ssub.s32 s29, s11;
	s18 =	sadd.s32 $0x61A8, s7;
	s19 =	sadd.s32 $0x927C, s7  }
0xd: {  	s12 =	sadd.s32 s30, s2;
	s9 =	sadd.s32 $0x52E00, s9;
	s8 =	sadd.s32 s8, s5  }
0xe: {  	s5 =	sor.u32 $0x1C03, s31;
	s7 =	smax.u32 s11, $0x1;
	s11 =	simm.s32 $0x3  }
0xf: {  	v0 =	vmov s18;
	v1 =	vmov s19;
	s18 =	simm.s32 $0x2;
	s19 =	simm.s32 $0x180;
	s6 =	sadd.s32 $0xCD600, s8  }
0x10: {  	s8 =	sadd.s32 $0x2521600, s10;
	s10 =	sshrl.u32 s12, $0x3;
	s12 =	simm.s32 $0x200  }
.LBB2_1:
0x11: {  	[spmem:s10], [sflag:s5] =	dma.local [hbm:s4], $0x3100  }
0x12: {  	_ =	swait.ge [sflag:s11], $0x3100  }
0x13: {  	[sflag:s11] =	ssyncset.done $0x0  }
0x14: {  	[sflag:s11] =	ssyncadd.s32 $0xFFFFCF00  }
0x15: {  	s21 =	sadd.s32 $0x0, s9;
	[bflag:$0x0] =	sbarrier.arrive $0xFFFF  }
0x16: {  	[tilespmem:s3], [sflag:$0x1] =	stream.linear.gather [hbm4b:s21+s3], $0x40, $0x38;
	[tilespmem:$0x1CA00] =	vst v63  }
0x17: {  	_ = 	snop  }
0x18: {  	[tilespmem:s12], [sflag:$0x1] =	stream.linear.gather [hbm4b:s8+s3], $0x2000, $0x38;
	[tilespmem:$0x1CA00] =	vst v63  }
0x19: {  	s21 =	sadd.s32 $0x8, s21  }
0x1a: {  	[tilespmem:s13], [sflag:$0x2] =	stream.linear.gather [hbm4b:s21+s3], $0x40, $0x38;
	[tilespmem:$0x1CA00] =	vst v63  }
0x1b: {  	s31 =	sadd.s32 $0x400, s8  }
0x1c: {  	[tilespmem:s14], [sflag:$0x2] =	stream.linear.gather [hbm4b:s31+s3], $0x2000, $0x38;
	[tilespmem:$0x1CA00] =	vst v63  }
0x1d: {  	_ =	swait.ge [sflag:s15], $0x40  }
0x1e: {  	[sflag:s15] =	ssyncset.done $0x0  }
0x1f: {  	[sflag:s15] =	ssyncadd.s32 $0xFFFFFFC0  }
0x20: {  	_ =	swait.ge [sflag:s15], $0x2000  }
0x21: {  	[sflag:s15] =	ssyncset.done $0x0  }
0x22: {  	[sflag:s15] =	ssyncadd.s32 $0xFFFFE000  }
0x23: {  	v2 =	vld [tilespmem:$0x30]  }
0x24: {  	v3 =	vld [tilespmem:$0x20];
	_ =	sdelay $0x1  }
0x25: {  	v4 =	vld [tilespmem:$0x0];
	_ =	sdelay $0x1  }
0x26: {  	v5 =	vld [tilespmem:$0x10];
	vm0 =	vge.s32 v2, v0  }
0x27: {  	vm1 =	vlt.s32 v2, v1;
	vm2 =	vge.s32 v3, v0;
	vm3 =	vlt.s32 v3, v1  }
0x28: {  	v2 =	vsub.s32 v2, v0;
	v3 =	vsub.s32 v3, v0;
	vm2 =	vmand vm2, vm3  }
0x29: {  	vm0 =	vmand vm0, vm1;
	vm1 =	vge.s32 v4, v0;
	vm3 =	vlt.s32 v4, v1  }
0x2a: {  	v4 =	vsub.s32 v4, v0;
	v3 =	vnsel vm2, $0x30D4, v3;
	vm1 =	vmand vm1, vm3  }
0x2b: {  	vm2 =	vlt.s32 v5, v1;
	v2 =	vnsel vm0, $0x30D4, v2;
	vm0 =	vge.s32 v5, v0;
	[tilespmem:$0x120] =	vst v3  }
0x2c: {  	v3 =	vnsel vm1, $0x30D4, v4;
	[tilespmem:$0x130] =	vst v2;
	vm0 =	vmand vm0, vm2;
	v2 =	vsub.s32 v5, v0  }
0x2d: {  	[tilespmem:$0x100] =	vst v3;
	v2 =	vnsel vm0, $0x30D4, v2  }
0x2e: {  	[tilespmem:$0x110] =	vst v2  }
0x2f: {  	[spmem:s2] =	stream.indirect.scatter.add.f32 [tilespmem:s12], [sflag:$0x3], $0x80, s17, s16, $0xb8;
	[tilespmem:$0x1CA00] =	vst v63  }
0x30: {  	_ =	swait.ge [sflag:s11], $0x2000  }
0x31: {  	[sflag:s11] =	ssyncset.done $0x0  }
0x32: {  	[sflag:s11] =	ssyncadd.s32 $0xFFFFE000  }
0x33: {  	_ =	swait.ge [sflag:s18], $0x40  }
0x34: {  	[sflag:s18] =	ssyncset.done $0x0  }
0x35: {  	[sflag:s18] =	ssyncadd.s32 $0xFFFFFFC0  }
0x36: {  	_ =	swait.ge [sflag:s18], $0x2000  }
0x37: {  	[sflag:s18] =	ssyncset.done $0x0  }
0x38: {  	[sflag:s18] =	ssyncadd.s32 $0xFFFFE000  }
0x39: {  	v2 =	vld [tilespmem:$0x80]  }
0x3a: {  	v5 =	vld [tilespmem:$0x90];
	_ =	sdelay $0x1  }
0x3b: {  	v4 =	vld [tilespmem:$0xA0]  }
0x3c: {  	v3 =	vld [tilespmem:$0xB0]  }
0x3d: {  	vm0 =	vge.s32 v2, v0;
	vm1 =	vlt.s32 v2, v1  }
0x3e: {  	s22 =	smov.u32 s8;
	s21 =	simm.s32 $0x10;
	vm2 =	vlt.s32 v5, v1;
	vm0 =	vmand vm0, vm1;
	vm1 =	vge.s32 v5, v0  }
.LBB2_2:
0x3f: {  	p0 =	sne.s32 s21, $0x1870  }
0x40: {  	v5 =	vsub.s32 v5, v0;
	vm3 =	vge.s32 v4, v0;
	vm4 =	vlt.s32 v4, v1;
	s22 =	sadd.s32 $0x800, s22;
	s23 =	smov.u32 s21;
	s21 =	sadd.s32 $0x10, s21  }
0x41: {  	vm1 =	vmand vm1, vm2;
	v4 =	vsub.s32 v4, v0;
	v6 =	vsub.s32 v3, v0  }
0x42: {  	v5 =	vnsel vm1, $0x30D4, v5;
	vm1 =	vmand vm3, vm4;
	vm2 =	vlt.s32 v3, v1  }
0x43: {  	v2 =	vsub.s32 v2, v0;
	v4 =	vnsel vm1, $0x30D4, v4;
	vm1 =	vge.s32 v3, v0;
	[tilespmem:$0x190] =	vst v5  }
0x44: {  	v2 =	vnsel vm0, $0x30D4, v2;
	vm0 =	vmand vm1, vm2;
	[tilespmem:$0x1A0] =	vst v4  }
0x45: {  	[tilespmem:$0x180] =	vst v2;
	v2 =	vnsel vm0, $0x30D4, v6  }
0x46: {  	[tilespmem:$0x1B0] =	vst v2  }
0x47: {  	[spmem:s2] =	stream.indirect.scatter.add.f32 [tilespmem:s14], [sflag:$0x3], $0x80, s19, s16, $0xb8;
	[tilespmem:$0x1CA00] =	vst v63  }
0x48: {  	_ =	swait.ge [sflag:s11], $0x2000  }
0x49: {  	[sflag:s11] =	ssyncset.done $0x0  }
0x4a: {  	s23 =	sadd.s32 s23, s9;
	[sflag:s11] =	ssyncadd.s32 $0xFFFFE000  }
0x4b: {  	[tilespmem:s3], [sflag:$0x1] =	stream.linear.gather [hbm4b:s23+s3], $0x40, $0x38;
	[tilespmem:$0x1CA00] =	vst v63  }
0x4c: {  	_ = 	snop  }
0x4d: {  	[tilespmem:s12], [sflag:$0x1] =	stream.linear.gather [hbm4b:s22+s3], $0x2000, $0x38;
	[tilespmem:$0x1CA00] =	vst v63  }
0x4e: {  	s23 =	sadd.s32 $0x8, s23  }
0x4f: {  	[tilespmem:s13], [sflag:$0x2] =	stream.linear.gather [hbm4b:s23+s3], $0x40, $0x38;
	[tilespmem:$0x1CA00] =	vst v63  }
0x50: {  	s23 =	sadd.s32 $0x400, s22  }
0x51: {  	[tilespmem:s14], [sflag:$0x2] =	stream.linear.gather [hbm4b:s23+s3], $0x2000, $0x38;
	[tilespmem:$0x1CA00] =	vst v63  }
0x52: {  	_ =	swait.ge [sflag:s15], $0x40  }
0x53: {  	[sflag:s15] =	ssyncset.done $0x0  }
0x54: {  	[sflag:s15] =	ssyncadd.s32 $0xFFFFFFC0  }
0x55: {  	_ =	swait.ge [sflag:s15], $0x2000  }
0x56: {  	[sflag:s15] =	ssyncset.done $0x0  }
0x57: {  	[sflag:s15] =	ssyncadd.s32 $0xFFFFE000  }
0x58: {  	v2 =	vld [tilespmem:$0x30]  }
0x59: {  	v3 =	vld [tilespmem:$0x20]  }
0x5a: {  	v4 =	vld [tilespmem:$0x0]  }
0x5b: {  	v5 =	vld [tilespmem:$0x10];
	_ =	sdelay $0x1  }
0x5c: {  	vm0 =	vge.s32 v2, v0;
	vm1 =	vlt.s32 v2, v1;
	v2 =	vsub.s32 v2, v0  }
0x5d: {  	vm2 =	vge.s32 v3, v0;
	vm3 =	vlt.s32 v3, v1;
	v3 =	vsub.s32 v3, v0  }
0x5e: {  	vm0 =	vmand vm0, vm1;
	v6 =	vsub.s32 v4, v0;
	vm2 =	vmand vm2, vm3  }
0x5f: {  	vm1 =	vge.s32 v4, v0;
	vm3 =	vlt.s32 v4, v1;
	v3 =	vnsel vm2, $0x30D4, v3  }
0x60: {  	v2 =	vnsel vm0, $0x30D4, v2;
	vm1 =	vmand vm1, vm3;
	vm2 =	vlt.s32 v5, v1;
	[tilespmem:$0x120] =	vst v3  }
0x61: {  	vm0 =	vge.s32 v5, v0;
	v3 =	vnsel vm1, $0x30D4, v6;
	[tilespmem:$0x130] =	vst v2  }
0x62: {  	vm0 =	vmand vm0, vm2;
	v2 =	vsub.s32 v5, v0;
	[tilespmem:$0x100] =	vst v3  }
0x63: {  	v2 =	vnsel vm0, $0x30D4, v2  }
0x64: {  	[tilespmem:$0x110] =	vst v2  }
0x65: {  	[spmem:s2] =	stream.indirect.scatter.add.f32 [tilespmem:s12], [sflag:$0x3], $0x80, s17, s16, $0xb8;
	[tilespmem:$0x1CA00] =	vst v63  }
0x66: {  	_ =	swait.ge [sflag:s11], $0x2000  }
0x67: {  	[sflag:s11] =	ssyncset.done $0x0  }
0x68: {  	[sflag:s11] =	ssyncadd.s32 $0xFFFFE000  }
0x69: {  	_ =	swait.ge [sflag:s18], $0x40  }
0x6a: {  	[sflag:s18] =	ssyncset.done $0x0  }
0x6b: {  	[sflag:s18] =	ssyncadd.s32 $0xFFFFFFC0  }
0x6c: {  	_ =	swait.ge [sflag:s18], $0x2000  }
0x6d: {  	[sflag:s18] =	ssyncset.done $0x0  }
0x6e: {  	[sflag:s18] =	ssyncadd.s32 $0xFFFFE000  }
0x6f: {  	v2 =	vld [tilespmem:$0x80]  }
0x70: {  	v5 =	vld [tilespmem:$0x90]  }
.Ltmp0:
0x71: {  	v4 =	vld [tilespmem:$0xA0];
	(pc) =	sbr.rel @p0 .LBB2_2-.Ltmp0, $3  }
0x72: {  	v3 =	vld [tilespmem:$0xB0];
	_ =	sdelay $0x1  }
0x73: {  	vm0 =	vge.s32 v2, v0;
	vm1 =	vlt.s32 v2, v1  }
0x74: {  	vm0 =	vmand vm0, vm1;
	vm1 =	vge.s32 v5, v0;
	vm2 =	vlt.s32 v5, v1  }
0x75: {  	v5 =	vsub.s32 v5, v0;
	vm3 =	vge.s32 v4, v0  }
0x76: {  	vm4 =	vlt.s32 v4, v1;
	vm1 =	vmand vm1, vm2;
	v63 =	vsub.s32 v4, v0  }
0x77: {  	v2 =	vsub.s32 v2, v0;
	v5 =	vnsel vm1, $0x30D4, v5;
	vm12 =	vmand vm3, vm4  }
0x78: {  	vm13 =	vlt.s32 v3, v1;
	vm14 =	vge.s32 v3, v0;
	v2 =	vnsel vm0, $0x30D4, v2;
	[tilespmem:$0x190] =	vst v5  }
0x79: {  	v3 =	vsub.s32 v3, v0;
	v4 =	vnsel vm12, $0x30D4, v63;
	vm15 =	vmand vm14, vm13;
	[tilespmem:$0x180] =	vst v2  }
0x7a: {  	[tilespmem:$0x1A0] =	vst v4;
	v2 =	vnsel vm15, $0x30D4, v3  }
0x7b: {  	[tilespmem:$0x1B0] =	vst v2  }
0x7c: {  	[spmem:s2] =	stream.indirect.scatter.add.f32 [tilespmem:s14], [sflag:$0x3], $0x80, s19, s16, $0xb8;
	[tilespmem:$0x1CA00] =	vst v63  }
0x7d: {  	_ =	swait.ge [sflag:s11], $0x2000  }
0x7e: {  	s20 =	sadd.s32 $0x1, s20;
	[sflag:s11] =	ssyncset.done $0x0  }
0x7f: {  	p0 =	sne.s32 s20, s7;
	[sflag:s11] =	ssyncadd.s32 $0xFFFFE000  }
.Ltmp1:
0x80: {  	[bflag:$0x0] =	sbarrier.arrive $0xFFFF;
	(pc) =	sbr.rel @p0 .LBB2_1-.Ltmp1, $4  }
0x81: {  	[hbm:s6], [sflag:s5] =	dma.local [spmem:s10], $0x3100  }
0x82: {  	_ =	swait.ge [sflag:s11], $0x3100  }
0x83: {  	[sflag:s11] =	ssyncset.done $0x0  }
0x84: {  	[sflag:s11] =	ssyncadd.s32 $0xFFFFCF00  }
0x85: {  	_ =	sfence.sel $0x180000  }
0x86: {  	[bflag:$0x0] =	sbarrier.arrive $0xFFFF  }
0x87: {  	p0 =	sne.s32 s1, $0x0;
	_ =	strace $0x90000056  }
0x88: {  	s0 =	sadd.s32 @!p0 $0x100000, s0;
	[bflag:$0x2] =	sbarrier.arrive $0xFFFF  }
0x89: {  	[sflag:s0] =	ssyncadd.tile.s32 @!p0 $0x1;
	_ =	shalt  }
.Lfunc_end2:
_tile_overlayer_lowered:
.L_overlay_start_2:
0x8a: {  	(tag) =	ssettag $0x2  }
0x8b: {  	s0 =	rddreg [dreg:$0x0];
	s2 =	stileid.u32  }
0x8c: {  	s1 =	rddreg [dreg:$0x1];
	p0 =	sne.s32 s2, $0x0  }
0x8d: {  	s3 =	rddreg [dreg:$0x2];
	[bflag:$0x3] =	sbarrier.arrive $0xFFFF;
	s2 =	simm.s32 @!p0 $0x1C03  }
0x8e: {  	[timem:s3], [sflag:s2] =	dma.local @!p0 [hbm:s0], s1  }
0x8f: {  	s0 =	simm.s32 @!p0 $0x3  }
0x90: {  	_ =	swait.ge @!p0 [sflag:s0], s1  }
0x91: {  	s1 =	ssub.s32 @!p0 $0x0, s1;
	[sflag:s0] =	ssyncset.done @!p0 $0x0  }
0x92: {  	[sflag:s0] =	ssyncadd.s32 @!p0 s1  }
0x93: {  	[bflag:$0x3] =	sbarrier.arrive $0xFFFF  }
0x94: {  	_ =	shalt  }

// kernel: kernel.32.cloned.1.call-start
scs
__scs_entry_jumppad:
0x0: {  	(pc) =	sbr.rel $0x88, $3  }
0x1: {  	(tag) =	ssettag $0x0;
	lr =	simm.s32 $0x1  }
0x2: {  	[smem:$0x3F83] =	sst lr;
	_ =	strace $0xD0000000  }
0x3: {  	_ = 	snop  }
0x4: {  	_ = 	snop  }
0x5: {  	_ = 	snop  }
0x6: {  	_ = 	snop  }
0x7: {  	_ = 	snop  }
__scs_overlays_trampoline_lowered:
0x8: {  	[smem:$0x3F92] =	sst s0  }
0x9: {  	[smem:$0x3F93] =	sst s1  }
0xa: {  	[smem:$0x3F94] =	sst s2  }
0xb: {  	[smem:$0x3F95] =	sst s3  }
0xc: {  	[smem:$0x3F96] =	sst s4  }
0xd: {  	[smem:$0x3F97] =	sst s5  }
0xe: {  	[smem:$0x3F98] =	sst s6  }
0xf: {  	[smem:$0x3F99] =	sst s7  }
0x10: {  	[smem:$0x3F9A] =	sst s8  }
0x11: {  	[smem:$0x3F9B] =	sst s9;
	s0 =	simm.s32 @!p0 $0x0  }
0x12: {  	s1 =	sld [smem:$0x3F81];
	s0 =	simm.s32 @p0 $0x1  }
0x13: {  	[smem:$0x3F9C] =	sst s0;
	s0 =	simm.s32 @!p1 $0x0  }
0x14: {  	s2 =	sld [smem:$0x3F80];
	s0 =	simm.s32 @p1 $0x1  }
0x15: {  	[smem:$0x3F9D] =	sst s0;
	s0 =	simm.s32 @!p2 $0x0  }
0x16: {  	s3 =	sld [smem:$0x3FDB];
	s0 =	simm.s32 @p2 $0x1  }
0x17: {  	s4 =	simm.s32 $0x1BF5;
	[smem:$0x3F9F] =	sst s0  }
0x18: {  	s0 =	sld [smem:$0x3F82];
	_ =	swait.ge [sflag:s4], $0x0  }
0x19: {  	s7 =	sld [smem:$0x3F83]  }
0x1a: {  	s8 =	sadd.s32 $0xFFFFE003, lr  }
0x1b: {  	s9 =	sadd.s32 $0xFFFFFEF7, lr;
	s5 =	simm.s32 $0xFFFFFFFF;
	p2 =	slt.u32 s8, $0xFFFFF086  }
0x1c: {  	p1 =	slt.u32 s9, $0xF7A;
	s5 =	simm.s32 @!p2 $0x0  }
0x1d: {  	s5 =	simm.s32 @p1 $0x1;
	p0 =	seq.s32 s7, s2  }
0x1e: {  	s7 =	smul.u32 @!p0 $0xF7A, s2;
	p2 =	seq.s32 @!p0 s5, $0x0  }
0x1f: {  	s9 =	smul.u32 $0xF7A, s1;
	s8 =	simm.s32 @!p0 $0x1BF5;
	p2 =	por !p2, p0  }
0x20: {  	[sflag:s8] =	ssyncset.s32 @!p0 $0xFFFFF086;
	s6 =	sadd.s32 @!p0 s3, s7;
	s7 =	simm.s32 @!p0 $0x108  }
0x21: {  	s3 =	sadd.s32 s3, s9;
	s6 =	sadd.s32 @!p0 $0x88, s6;
	s7 =	simm.s32 @p2 $0x1082  }
0x22: {  	[simem:s7], [sflag:s8] =	dma.local @!p0 [hbm:s6], $0xF7A  }
0x23: {  	s9 =	sor.u32 $0xD0000000, s2;
	s6 =	simm.s32 $0x108;
	_ =	swait.ge @!p0 [sflag:s8], $0x0  }
0x24: {  	s3 =	sadd.s32 $0x88, s3;
	s6 =	simm.s32 @!p1 $0x1082;
	[sflag:s4] =	ssyncset.s32 $0xFFFFF086  }
0x25: {  	[simem:s6], [sflag:s4] =	dma.local [hbm:s3], $0xF7A  }
0x26: {  	[smem:$0x3F83] =	sst s1;
	(tag) =	ssettag s2;
	_ =	strace s9  }
0x27: {  	s1 =	sld [smem:$0x3F93]  }
0x28: {  	s2 =	sld [smem:$0x3F94]  }
0x29: {  	s4 =	sld [smem:$0x3F96]  }
0x2a: {  	p0 =	seq.s32 s5, $0x0;
	s5 =	sld [smem:$0x3F97]  }
0x2b: {  	s6 =	sld [smem:$0x3F98]  }
0x2c: {  	s7 =	sld [smem:$0x3F99]  }
0x2d: {  	s3 =	simm.s32 $0x108;
	s8 =	sld [smem:$0x3F9A]  }
0x2e: {  	s3 =	simm.s32 @!p0 $0x1082;
	s9 =	sld [smem:$0x3F9B]  }
0x2f: {  	lr =	sadd.s32 s0, s3;
	s0 =	sld [smem:$0x3F92]  }
0x30: {  	s3 =	sld [smem:$0x3F95]  }
0x31: {  	[smem:$0x3F9E] =	sst s10  }
0x32: {  	s10 =	sld [smem:$0x3F9C];
	_ =	sdelay $0x3  }
0x33: {  	p0 =	seq.s32 s10, $0x1;
	s10 =	sld [smem:$0x3F9E];
	_ =	sdelay $0x3  }
0x34: {  	[smem:$0x3F9E] =	sst s10  }
0x35: {  	s10 =	sld [smem:$0x3F9D];
	_ =	sdelay $0x3  }
0x36: {  	p1 =	seq.s32 s10, $0x1;
	s10 =	sld [smem:$0x3F9E];
	_ =	sdelay $0x3  }
0x37: {  	[smem:$0x3F9E] =	sst s10  }
0x38: {  	s10 =	sld [smem:$0x3F9F]  }
0x39: {  	_ = 	snop;
	(pc) =	sbr.ind lr, $3  }
0x3a: {  	_ = 	snop  }
0x3b: {  	_ = 	snop  }
0x3c: {  	p2 =	seq.s32 s10, $0x1;
	s10 =	sld [smem:$0x3F9E]  }
0x3d: {  	_ =	shalt  }
0x3e: {  	_ =	shalt  }
0x3f: {  	_ =	shalt  }
0x40: {  	_ =	shalt  }
0x41: {  	_ =	shalt  }
0x42: {  	_ =	shalt  }
0x43: {  	_ =	shalt  }
0x44: {  	_ =	shalt  }
0x45: {  	_ =	shalt  }
0x46: {  	_ =	shalt  }
0x47: {  	_ =	shalt  }
0x48: {  	_ =	shalt  }
0x49: {  	_ =	shalt  }
0x4a: {  	_ =	shalt  }
0x4b: {  	_ =	shalt  }
0x4c: {  	_ =	shalt  }
0x4d: {  	_ =	shalt  }
0x4e: {  	_ =	shalt  }
0x4f: {  	_ =	shalt  }
0x50: {  	_ =	shalt  }
0x51: {  	_ =	shalt  }
0x52: {  	_ =	shalt  }
0x53: {  	_ =	shalt  }
0x54: {  	_ =	shalt  }
0x55: {  	_ =	shalt  }
0x56: {  	_ =	shalt  }
0x57: {  	_ =	shalt  }
0x58: {  	_ =	shalt  }
0x59: {  	_ =	shalt  }
0x5a: {  	_ =	shalt  }
0x5b: {  	_ =	shalt  }
0x5c: {  	_ =	shalt  }
0x5d: {  	_ =	shalt  }
0x5e: {  	_ =	shalt  }
0x5f: {  	_ =	shalt  }
0x60: {  	_ =	shalt  }
0x61: {  	_ =	shalt  }
0x62: {  	_ =	shalt  }
0x63: {  	_ =	shalt  }
0x64: {  	_ =	shalt  }
0x65: {  	_ =	shalt  }
0x66: {  	_ =	shalt  }
0x67: {  	_ =	shalt  }
0x68: {  	_ =	shalt  }
0x69: {  	_ =	shalt  }
0x6a: {  	_ =	shalt  }
0x6b: {  	_ =	shalt  }
0x6c: {  	_ =	shalt  }
0x6d: {  	_ =	shalt  }
0x6e: {  	_ =	shalt  }
0x6f: {  	_ =	shalt  }
0x70: {  	_ =	shalt  }
0x71: {  	_ =	shalt  }
0x72: {  	_ =	shalt  }
0x73: {  	_ =	shalt  }
0x74: {  	_ =	shalt  }
0x75: {  	_ =	shalt  }
0x76: {  	_ =	shalt  }
0x77: {  	_ =	shalt  }
0x78: {  	_ =	shalt  }
0x79: {  	_ =	shalt  }
0x7a: {  	_ =	shalt  }
0x7b: {  	_ =	shalt  }
0x7c: {  	_ =	shalt  }
0x7d: {  	_ =	shalt  }
0x7e: {  	_ =	shalt  }
0x7f: {  	_ =	shalt  }
0x80: {  	_ =	shalt  }
0x81: {  	_ =	shalt  }
0x82: {  	_ =	shalt  }
0x83: {  	_ =	shalt  }
0x84: {  	_ =	shalt  }
0x85: {  	_ =	shalt  }
0x86: {  	_ =	shalt  }
0x87: {  	_ =	shalt  }
.Lfunc_end0:
.L_simem_size_0:
called_computation.6_lowered:
.L_overlay_start_0:
0x88: {  	s2 =	sld [smem:$0x3FD9]  }
0x89: {  	s3 =	sld [smem:$0x3FFE];
	_ =	sdelay $0x1  }
0x8a: {  	s1 =	srdreg.scid  }
0x8b: {  	s0 =	sand.u32 $0x1, s1  }
0x8c: {  	s17 =	sshll.u32 s0, $0xA;
	s2 =	sadd.s32 s3, s2  }
0x8d: {  	s2 =	sadd.s32 s2, s17  }
0x8e: {  	[smem:$0x3FAA] =	sst s2  }
0x8f: {  	_ = 	snop  }
0x90: {  	s2 =	sld [smem:$0x3FD0];
	(tm) =	ssettm $0x1  }
0x91: {  	s18 =	sld [smem:$0x3FFB];
	_ =	sdelay $0x3  }
0x92: {  	_ =	strace s18  }
0x93: {  	s3 =	sld [smem:$0x3FFC];
	_ =	sdelay $0x3  }
0x94: {  	_ =	strace s3  }
0x95: {  	s3 =	sld [smem:$0x3FFD];
	_ =	sdelay $0x3  }
0x96: {  	_ =	strace s3  }
0x97: {  	_ =	strace $0x8FFFFFFF  }
0x98: {  	s19 =	sld [smem:$0x3FDB];
	_ =	sdelay $0x1  }
0x99: {  	s4 =	simm.s32 $_scs_section_size  }
0x9a: {  	s5 =	simm.s32 $_size__tile_overlayer_lowered;
	s6 =	simm.s32 $_tile_overlayer_lowered  }
0x9b: {  	s22 =	simm.s32 $0x1BFF;
	s21 =	sshll.u32 s6, $0x1;
	s3 =	sadd.s32 s4, s19  }
0x9c: {  	s7 =	simm.s32 $0x0;
	s20 =	sshll.u32 s5, $0x1;
	s5 =	sadd.s32 s21, s3  }
0x9d: {  	[timem:s7], [sflag:s22] =	dma.local [hbm:s5], s20  }
0x9e: {  	_ =	swait.ge [sflag:s22], s20  }
0x9f: {  	s4 =	ssub.s32 $0x0, s20;
	[sflag:s22] =	ssyncset.done $0x0  }
0xa0: {  	[sflag:s22] =	ssyncadd.s32 s4;
	_ =	sdelay $0x1  }
0xa1: {  	s23 =	simm.s32 $0x1B8B  }
0xa2: {  	_ =	swait.ge [sflag:s23], $0x1  }
0xa3: {  	[sflag:s23] =	ssyncset.done $0x0  }
0xa4: {  	s25 =	simm.s32 $0x1B8E;
	s24 =	sld [smem:$0x3FFE];
	[sflag:s23] =	ssyncadd.s32 $0xFFFFFFFF  }
0xa5: {  	s26 =	simm.s32 $execute0_lowered;
	[smem:$0x3FD2] =	sst s25  }
0xa6: {  	s5 =	sshll.u32 s26, $0x1;
	_ =	strace $0x80000058;
	[dreg:$0x1] =	wrdreg $0xFFFFFFFF  }
0xa7: {  	s28 =	simm.s32 $_size_execute0_lowered;
	s3 =	sadd.s32 s3, s5;
	[dreg:$0x0] =	wrdreg $0x0  }
0xa8: {  	s5 =	sshll.u32 s28, $0x1;
	[dreg:$0x2] =	wrdreg s3  }
0xa9: {  	[dreg:$0x3] =	wrdreg s5  }
0xaa: {  	[dreg:$0x4] =	wrdreg $0xC0  }
0xab: {  	_ =	task [dreg:s7], $0x5FFFF  }
0xac: {  	[dreg:$0x1] =	wrdreg $0xFFFFFFFF  }
0xad: {  	[dreg:$0x0] =	wrdreg $0x60  }
0xae: {  	[dreg:$0x2] =	wrdreg s2  }
0xaf: {  	[dreg:$0x3] =	wrdreg s24  }
0xb0: {  	[dreg:$0x4] =	wrdreg $0x9  }
0xb1: {  	_ =	task.clear_ibuf [dreg:s7], $0x5FFFF;
	_ =	strace $0x90000058  }
0xb2: {  	s29 =	simm.s32 $0x9;
	_ =	strace $0x8000005A  }
0xb3: {  	_ =	swait.ge [sflag:s29], $0x1  }
0xb4: {  	[sflag:s29] =	ssyncadd.s32 $0xFFFFFFFF  }
0xb5: {  	_ =	strace $0x9000005A  }
0xb6: {  	_ =	sfence  }
0xb7: {  	s30 =	sld [smem:$0x0];
	_ =	sdelay $0x2  }
0xb8: {  	s31 =	sshll.u32 s1, $0xD;
	s1 =	sshrl.u32 s1, $0x2  }
0xb9: {  	s3 =	sand.u32 $0x4000, s31;
	s1 =	sadd.s32 s1, s30  }
0xba: {  	s0 =	sor.u32 s3, s0;
	s1 =	sshll.u32 s1, $0x11  }
0xbb: {  	s0 =	sor.u32 s1, s0  }
0xbc: {  	s0 =	sadd.s32 $0x8F2B, s0  }
0xbd: {  	[sflag:s0] =	ssyncadd.remote.s32 $0x1  }
0xbe: {  	_ =	sfence.sel $0xFFFF  }
0xbf: {  	[dreg:$0x0] =	wrdreg $0xFFFFFFFF;
	(pc) =	sbr.abs _section_cstart, $3  }
0xc0: {  	[dreg:$0x1] =	wrdreg $0xFFFFFFFF  }
0xc1: {  	_ =	task.clear_ibuf [dreg:s7], $0x2FFFF;
	_ =	strace $0x9FFFFFFF  }
0xc2: {  	(tm) =	ssettm $0x7FFFFFFF  }
0xc3: {  	_ =	shalt  }
tec
execute0_lowered:
.L_overlay_start_1:
0x0: {  	(tag) =	ssettag $0x1  }
0x1: {  	s1 =	srdreg.scid;
	s3 =	rddreg [dreg:$0x0]  }
0x2: {  	s0 =	stileid.u32;
	s9 =	rddreg [dreg:$0x1]  }
0x3: {  	s2 =	simm.s32 $0x0;
	s7 =	simm.s32 $0x80;
	s6 =	sand.u32 $0x1, s1  }
0x4: {  	s4 =	sshll.u32 s0, $0x5;
	s1 =	rddreg [dreg:$0x2];
	s5 =	sshll.u32 s6, $0x4  }
0x5: {  	s8 =	simm.s32 $0x1;
	[smem:$0x7FF] =	sst s2;
	s10 =	sor.u32 s5, s4  }
0x6: {  	_ =	strace $0x80000059;
	s11 =	ssub.s32 $0x2, s6;
	s4 =	sshrl.u32 s10, $0x3  }
0x7: {  	s6 =	simm.s32 $0x10;
	s4 =	sadd.s32 s3, s4;
	s3 =	simm.s32 $0x2  }
0x8: {  	[tilespmem:s2], [sflag:$0x2] =	stream.linear.gather [hbm4b:s4+s2], $0x10, $0x38;
	[tilespmem:$0x880] =	vst v63  }
0x9: {  	s5 =	sadd.s32 $0x9600, s9;
	s12 =	sshrl.u32 s11, $0x1;
	_ =	swait.ge [sflag:s3], $0x10  }
0xa: {  	s10 =	sshll.u32 s10, $0x4;
	s31 =	ssub.s32 s11, s12;
	[sflag:s3] =	ssyncset.done $0x0  }
0xb: {  	s9 =	sadd.s32 s10, s9;
	s10 =	smax.u32 s31, $0x1;
	[sflag:s3] =	ssyncadd.s32 $0xFFFFFFF0  }
0xc: {  	[tilespmem:s7], [sflag:$0x1] =	stream.indirect.gather [hbm4b:s5+s6], $0x80, s2, s6, $0xb8;
	[tilespmem:$0x880] =	vst v63  }
0xd: {  	p0 =	sne.s32 s10, $0x1;
	_ =	swait.ge [sflag:s8], $0x800  }
.Ltmp0:
0xe: {  	[sflag:s8] =	ssyncset.done $0x0;
	(pc) =	sbr.rel @!p0 .LBB2_2-.Ltmp0, $4  }
0xf: {  	s9 =	sadd.s32 $0xCD600, s9;
	[sflag:s8] =	ssyncadd.s32 $0xFFFFF800  }
0x10: {  	[hbm4b:s9+s2] =	stream.linear.scatter [tilespmem:s7], [sflag:$0x2], $0x800, $0x38;
	[tilespmem:$0x880] =	vst v63  }
0x11: {  	_ =	swait.ge [sflag:s3], $0x800  }
0x12: {  	s10 =	sadd.s32 $0xFFFFFFFF, s10;
	[sflag:s3] =	ssyncset.done $0x0  }
.LBB2_1:
0x13: {  	p0 =	sne.s32 s10, $0x1;
	s10 =	sadd.s32 $0xFFFFFFFF, s10;
	[sflag:s3] =	ssyncadd.s32 $0xFFFFF800  }
0x14: {  	[tilespmem:s2], [sflag:$0x2] =	stream.linear.gather [hbm4b:s4+s2], $0x10, $0x38;
	[tilespmem:$0x880] =	vst v63  }
0x15: {  	_ =	swait.ge [sflag:s3], $0x10  }
0x16: {  	[sflag:s3] =	ssyncset.done $0x0  }
0x17: {  	[sflag:s3] =	ssyncadd.s32 $0xFFFFFFF0  }
0x18: {  	[tilespmem:s7], [sflag:$0x1] =	stream.indirect.gather [hbm4b:s5+s6], $0x80, s2, s6, $0xb8;
	[tilespmem:$0x880] =	vst v63  }
0x19: {  	_ =	swait.ge [sflag:s8], $0x800  }
.Ltmp1:
0x1a: {  	[sflag:s8] =	ssyncset.done $0x0;
	(pc) =	sbr.rel @p0 .LBB2_1-.Ltmp1, $4  }
0x1b: {  	[sflag:s8] =	ssyncadd.s32 $0xFFFFF800  }
0x1c: {  	[hbm4b:s9+s2] =	stream.linear.scatter [tilespmem:s7], [sflag:$0x2], $0x800, $0x38;
	[tilespmem:$0x880] =	vst v63  }
0x1d: {  	_ =	swait.ge [sflag:s3], $0x800  }
0x1e: {  	[sflag:s3] =	ssyncset.done $0x0  }
.LBB2_2:
0x1f: {  	[sflag:s3] =	ssyncadd.s32 $0xFFFFF800  }
0x20: {  	_ =	sfence.sel $0x180000  }
0x21: {  	[bflag:$0x0] =	sbarrier.arrive $0xFFFF  }
0x22: {  	p0 =	sne.s32 s0, $0x0;
	_ =	strace $0x90000059  }
0x23: {  	s0 =	sadd.s32 @!p0 $0x100000, s1;
	[bflag:$0x2] =	sbarrier.arrive $0xFFFF  }
0x24: {  	[sflag:s0] =	ssyncadd.tile.s32 @!p0 $0x1;
	_ =	shalt  }
.Lfunc_end2:
_tile_overlayer_lowered:
.L_overlay_start_2:
0x25: {  	(tag) =	ssettag $0x2  }
0x26: {  	s0 =	rddreg [dreg:$0x0];
	s2 =	stileid.u32  }
0x27: {  	s1 =	rddreg [dreg:$0x1];
	p0 =	sne.s32 s2, $0x0  }
0x28: {  	s3 =	rddreg [dreg:$0x2];
	[bflag:$0x3] =	sbarrier.arrive $0xFFFF;
	s2 =	simm.s32 @!p0 $0x1C02  }
0x29: {  	[timem:s3], [sflag:s2] =	dma.local @!p0 [hbm:s0], s1  }
0x2a: {  	s0 =	simm.s32 @!p0 $0x2  }
0x2b: {  	_ =	swait.ge @!p0 [sflag:s0], s1  }
0x2c: {  	s1 =	ssub.s32 @!p0 $0x0, s1;
	[sflag:s0] =	ssyncset.done @!p0 $0x0  }
0x2d: {  	[sflag:s0] =	ssyncadd.s32 @!p0 s1  }
0x2e: {  	[bflag:$0x3] =	sbarrier.arrive $0xFFFF  }
0x2f: {  	_ =	shalt  }

</sc_bundles>
